<compile_context>
chip_gen: v7x
topology: tpu7x:2x2x1
jax: 0.10.2.dev20260603
libtpu: 0.0.44.dev20260713+nightly
codegen_flags: <defaults>
</compile_context>

<pallas_src>
import functools
import jax
import jax.numpy as jnp
from jax import lax
from jax.experimental import pallas as pl
from jax.experimental.pallas import tpu as pltpu
from jax.experimental.pallas import tpu_sc as plsc

_FRAGMENT_LENGTH = 2097152
_WINDOW_SIZE = 4096
_BATCH_SIZE = 1024
_MAXVAL = float(_FRAGMENT_LENGTH - _WINDOW_SIZE)
_NUM_CORES = 2
_NUM_SUBCORES = 16
_NUM_WORKERS = _NUM_CORES * _NUM_SUBCORES
_B_PER_W = _BATCH_SIZE // _NUM_WORKERS
_LANES = 16
_CHUNKS = _WINDOW_SIZE // _LANES
_INV_LEN = 1.0 / _FRAGMENT_LENGTH
_K = 4
_G = _B_PER_W // _K
_BUF_W = _WINDOW_SIZE + 8
_SHIFT_GRP = 16


def _threefry(k0, k1, x0, x1):
    ks2 = k0 ^ k1 ^ jnp.uint32(0x1BD11BDA)
    ks = (k0, k1, ks2)
    x0 = x0 + k0
    x1 = x1 + k1
    rotations = ((13, 15, 26, 6), (17, 29, 16, 24))
    for i in range(5):
        for r in rotations[i % 2]:
            x0 = x0 + x1
            x1 = (x1 << jnp.uint32(r)) | (x1 >> jnp.uint32(32 - r))
            x1 = x1 ^ x0
        x0 = x0 + ks[(i + 1) % 3]
        x1 = x1 + ks[(i + 2) % 3] + jnp.uint32(i + 1)
    return x0, x1


def _bits_to_start_f(bits):
    fb = (bits >> jnp.uint32(9)) | jnp.uint32(0x3F800000)
    u = lax.bitcast_convert_type(fb, jnp.float32) - jnp.float32(1.0)
    return jnp.maximum(jnp.float32(0.0), u * jnp.float32(_MAXVAL))


def _press_body(frag_hbm, key_hbm, press_hbm, key_v, starts_v, *scratch):
    bufs = scratch[:2 * _K]
    rows = scratch[2 * _K:4 * _K]
    sems_in = scratch[4 * _K:4 * _K + 2]
    sems_out = scratch[4 * _K + 2:4 * _K + 4]
    wid = lax.axis_index("c") * _NUM_SUBCORES + lax.axis_index("s")
    base = wid * _B_PER_W

    pltpu.sync_copy(key_hbm, key_v.at[pl.ds(0, 2)])
    k0 = key_v[pl.ds(0, _LANES)][0]
    k1 = key_v[pl.ds(1, _LANES)][0]
    zero = jnp.zeros((_LANES,), jnp.uint32)
    for c in range(_B_PER_W // _LANES):
        cnt = (lax.iota(jnp.int32, _LANES)
               + (base + c * _LANES)).astype(jnp.uint32)
        o0, o1 = _threefry(k0, k1, zero, cnt)
        sf = _bits_to_start_f(o0 ^ o1)
        starts_v[pl.ds(c * _LANES, _LANES)] = sf.astype(jnp.int32)

    def start_of(w):
        s = starts_v[pl.ds(w, _LANES)][0]
        q = pl.multiple_of((s // 8) * 8, 8)
        return s, q, s - q

    def fire_in(g, slot):
        for k in range(_K):
            _, q, _ = start_of(g * _K + k)
            pltpu.async_copy(frag_hbm.at[pl.ds(q, _BUF_W)],
                             bufs[slot * _K + k], sems_in[slot])

    def drain_in(slot):
        for k in range(_K):
            pltpu.make_async_copy(frag_hbm.at[pl.ds(0, _BUF_W)],
                                  bufs[slot * _K + k], sems_in[slot]).wait()

    def drain_out(slot):
        for k in range(_K):
            pltpu.make_async_copy(rows[slot * _K + k], press_hbm.at[0],
                                  sems_out[slot]).wait()

    fire_in(0, 0)
    fire_in(1, 1)

    def body(i, c):
        for goff in range(2):
            slot = goff
            g = 2 * i + goff

            @pl.when(i > 0)
            def _():
                drain_out(slot)

            drain_in(slot)
            for k in range(_K):
                _, _, r = start_of(g * _K + k)
                buf = bufs[slot * _K + k]
                row = rows[slot * _K + k]

                def inner(j, c2, _buf=buf, _row=row, _r=r):
                    gbase = j * (_LANES * _SHIFT_GRP)
                    offs = [gbase + t * _LANES for t in range(_SHIFT_GRP)]
                    vals = [_buf[pl.ds(_r + o, _LANES)] for o in offs]
                    for o, v in zip(offs, vals):
                        _row[pl.ds(o, _LANES)] = v
                    return c2

                lax.fori_loop(0, _CHUNKS // _SHIFT_GRP, inner, 0)
                pltpu.async_copy(row, press_hbm.at[base + g * _K + k],
                                 sems_out[slot])

            @pl.when(g + 2 < _G)
            def _():
                fire_in(g + 2, slot)

        return c

    lax.fori_loop(0, _G // 2, body, 0)
    drain_out(0)
    drain_out(1)


_TIME_BLK = 128


def _time_body(key_ref, out_ref):
    g = pl.program_id(0)
    k0 = key_ref[0]
    k1 = key_ref[1]
    nrow = _BATCH_SIZE // _TIME_BLK
    rows = (lax.broadcasted_iota(jnp.uint32, (nrow, _TIME_BLK), 0)
            * jnp.uint32(_TIME_BLK)
            + lax.broadcasted_iota(jnp.uint32, (nrow, _TIME_BLK), 1))
    o0, o1 = _threefry(k0, k1, jnp.zeros((nrow, _TIME_BLK), jnp.uint32),
                       rows)
    sf = jnp.floor(_bits_to_start_f(o0 ^ o1))
    st = jnp.transpose(sf)
    onehot = (lax.broadcasted_iota(jnp.int32, (_TIME_BLK, nrow), 1)
              == g)
    col = jnp.sum(jnp.where(onehot, st, jnp.float32(0.0)), axis=1,
                  keepdims=True)
    iota = lax.broadcasted_iota(jnp.int32, (_TIME_BLK, _WINDOW_SIZE),
                                1).astype(jnp.float32)
    out_ref[...] = (col + iota) * _INV_LEN


@jax.jit
def _sampler_call(sound_fragment, key_bits):
    mesh = plsc.VectorSubcoreMesh(core_axis_name="c", subcore_axis_name="s")
    press_fn = pl.kernel(
        _press_body,
        mesh=mesh,
        out_type=jax.ShapeDtypeStruct((_BATCH_SIZE, _WINDOW_SIZE),
                                      jnp.float32),
        scratch_types=[
            pltpu.VMEM((2 * _LANES,), jnp.uint32),
            pltpu.VMEM((_B_PER_W + _LANES,), jnp.int32),
        ] + [pltpu.VMEM((_BUF_W,), jnp.float32) for _ in range(2 * _K)]
        + [pltpu.VMEM((_WINDOW_SIZE,), jnp.float32) for _ in range(2 * _K)]
        + [
            pltpu.SemaphoreType.DMA,
            pltpu.SemaphoreType.DMA,
            pltpu.SemaphoreType.DMA,
            pltpu.SemaphoreType.DMA,
        ],
    )
    pressure = press_fn(sound_fragment, key_bits)

    time_points = pl.pallas_call(
        _time_body,
        grid=(_BATCH_SIZE // _TIME_BLK,),
        in_specs=[pl.BlockSpec(memory_space=pltpu.SMEM)],
        out_specs=pl.BlockSpec((_TIME_BLK, _WINDOW_SIZE), lambda i: (i, 0)),
        out_shape=jax.ShapeDtypeStruct((_BATCH_SIZE, _WINDOW_SIZE),
                                       jnp.float32),
    )(key_bits)
    return time_points, pressure


def kernel(sound_fragment, key):
    key_bits = jax.random.key_data(key)
    time_points, pressure_values = _sampler_call(sound_fragment, key_bits)
    return (time_points, pressure_values)

# --- scband reference (transcript-rebuilt; emitter-appended) ---
"""Pipeline reference for scband-sound-sampler-7576322310304 (READ-ONLY COPY).

The authoritative reference and input builder live on the scoring server;
editing this copy changes nothing except your own understanding.
"""

import jax, jax.numpy as jnp
import numpy as np

FRAGMENT_LENGTH = 2097152
WINDOW_SIZE = 4096
BATCH_SIZE = 1024


def setup_inputs(seed: int = 0) -> dict:
    key = jax.random.key(seed)
    k1, _ = jax.random.split(key)
    sound_fragment = jax.random.normal(k1, (FRAGMENT_LENGTH,), dtype=jnp.float32)
    # 'key' is the forward argument: a PRNG key consumed by the sampler
    call_key = jax.random.key(42)
    return {"sound_fragment": sound_fragment, "key": call_key}


def reference(sound_fragment, key):
    # Faithful translation of SoundSampler.__call__
    start_points = jax.random.uniform(
        key, shape=(BATCH_SIZE,), minval=0, maxval=FRAGMENT_LENGTH - WINDOW_SIZE
    )
    start_points = jnp.floor(start_points).astype(jnp.int32)
    time_points = jnp.arange(WINDOW_SIZE)[None, :] + start_points[:, None]
    time_points = time_points / FRAGMENT_LENGTH
    # sound_fragment[t:t+window_size] under vmap with traced t lowers to dynamic_slice
    pressure_values = jax.vmap(
        lambda t: jax.lax.dynamic_slice(sound_fragment, (t,), (WINDOW_SIZE,))
    )(start_points)
    return (time_points, pressure_values)

if __name__ == "__main__":
    import jax
    _d = setup_inputs()
    print(jax.jit(kernel)(*tuple(_d.values())))

</pallas_src>

<mosaic_0001>
#map = affine_map<(d0, d1) -> (0)>
#map1 = affine_map<(d0, d1) -> (0, 0)>
module attributes {stable_mosaic.version = 14 : i64} {
  func.func @_press_body(%arg0: i32, %arg1: i32, %arg2: memref<2097152xf32, #tpu.memory_space<hbm>>, %arg3: memref<2xi32, #tpu.memory_space<hbm>>, %arg4: memref<1024x4096xf32, #tpu.memory_space<hbm>>, %arg5: memref<32xi32, #tpu.memory_space<vmem>>, %arg6: memref<48xi32, #tpu.memory_space<vmem>>, %arg7: memref<4104xf32, #tpu.memory_space<vmem>>, %arg8: memref<4104xf32, #tpu.memory_space<vmem>>, %arg9: memref<4104xf32, #tpu.memory_space<vmem>>, %arg10: memref<4104xf32, #tpu.memory_space<vmem>>, %arg11: memref<4104xf32, #tpu.memory_space<vmem>>, %arg12: memref<4104xf32, #tpu.memory_space<vmem>>, %arg13: memref<4104xf32, #tpu.memory_space<vmem>>, %arg14: memref<4104xf32, #tpu.memory_space<vmem>>, %arg15: memref<4096xf32, #tpu.memory_space<vmem>>, %arg16: memref<4096xf32, #tpu.memory_space<vmem>>, %arg17: memref<4096xf32, #tpu.memory_space<vmem>>, %arg18: memref<4096xf32, #tpu.memory_space<vmem>>, %arg19: memref<4096xf32, #tpu.memory_space<vmem>>, %arg20: memref<4096xf32, #tpu.memory_space<vmem>>, %arg21: memref<4096xf32, #tpu.memory_space<vmem>>, %arg22: memref<4096xf32, #tpu.memory_space<vmem>>, %arg23: memref<!tpu.dma_semaphore, #tpu.memory_space<semaphore_mem>>, %arg24: memref<!tpu.dma_semaphore, #tpu.memory_space<semaphore_mem>>, %arg25: memref<!tpu.dma_semaphore, #tpu.memory_space<semaphore_mem>>, %arg26: memref<!tpu.dma_semaphore, #tpu.memory_space<semaphore_mem>>) attributes {dimension_semantics = [#tpu.dimension_semantics<core_parallel>, #tpu.dimension_semantics<subcore_parallel>], iteration_bounds = array<i64: 2, 16>, scalar_prefetch = 0 : i64, scratch_operands = 22 : i64, tpu.core_type = #tpu.core_type<sc_vector_subcore>, window_params = [{transform_indices = #map}, {transform_indices = #map}, {transform_indices = #map1}]} {
    %mul3A = arith.constant 16 : i32
    %mul3A_0 = arith.muli %arg0, %mul3A : i32
    %add3A = arith.addi %mul3A_0, %arg1 : i32
    %mul3A_1 = arith.constant 32 : i32
    %mul3A_2 = arith.muli %add3A, %mul3A_1 : i32
    "tpu.region"() ({
      %run_scoped3A = tpu.sem_alloc : memref<!tpu.dma_semaphore, #tpu.memory_space<semaphore_mem>>
      %dma_start3A_830 = arith.constant 0 : i32
      %dma_start3A_831 = tpu.memref_slice %arg5[%dma_start3A_830] : memref<32xi32, #tpu.memory_space<vmem>> -> memref<2xi32, #tpu.memory_space<vmem>>
      %dma_start3A_832 = arith.constant 0 : i32
      %dma_start3A_833 = tpu.memref_slice %arg5[%dma_start3A_832] : memref<32xi32, #tpu.memory_space<vmem>> -> memref<2xi32, #tpu.memory_space<vmem>>
      tpu.enqueue_dma source(%arg3 : memref<2xi32, #tpu.memory_space<hbm>>) target(%dma_start3A_833 : memref<2xi32, #tpu.memory_space<vmem>>) target_semaphore(%run_scoped3A : memref<!tpu.dma_semaphore, #tpu.memory_space<semaphore_mem>>)
      %dma_wait3A_834 = arith.constant 0 : i32
      %dma_wait3A_835 = tpu.memref_slice %arg5[%dma_wait3A_834] : memref<32xi32, #tpu.memory_space<vmem>> -> memref<2xi32, #tpu.memory_space<vmem>>
      %dma_wait3A_836 = arith.constant 0 : i32
      %dma_wait3A_837 = tpu.memref_slice %arg5[%dma_wait3A_836] : memref<32xi32, #tpu.memory_space<vmem>> -> memref<2xi32, #tpu.memory_space<vmem>>
      tpu.wait_dma2 semaphore(%run_scoped3A : memref<!tpu.dma_semaphore, #tpu.memory_space<semaphore_mem>>) src(%arg3 : memref<2xi32, #tpu.memory_space<hbm>>) dst(%dma_wait3A_837 : memref<2xi32, #tpu.memory_space<vmem>>)
      tpu.yield
    }) : () -> ()
    %get3A = arith.constant 0 : index
    %get3A_3 = tpu.vector_load %arg5[%get3A] {strides = array<i32>} : memref<32xi32, #tpu.memory_space<vmem>>, vector<16xi32>,
    %get3A_4 = vector.shape_cast %get3A_3 : vector<16xi32> to vector<16xi32>
    %slice3A = vector.extract_strided_slice %get3A_4 {offsets = [0], sizes = [1], strides = [1]} : vector<16xi32> to vector<1xi32>
    %squeeze3A = vector.extract %slice3A[0] : i32 from vector<1xi32>
    %get3A_5 = arith.constant 1 : index
    %get3A_6 = tpu.vector_load %arg5[%get3A_5] {strides = array<i32>} : memref<32xi32, #tpu.memory_space<vmem>>, vector<16xi32>,
    %get3A_7 = vector.shape_cast %get3A_6 : vector<16xi32> to vector<16xi32>
    %slice3A_8 = vector.extract_strided_slice %get3A_7 {offsets = [0], sizes = [1], strides = [1]} : vector<16xi32> to vector<1xi32>
    %squeeze3A_9 = vector.extract %slice3A_8[0] : i32 from vector<1xi32>
    %broadcast_in_dim3A = arith.constant 0 : i32
    %broadcast_in_dim3A_10 = vector.broadcast %broadcast_in_dim3A : i32 to vector<16xi32>
    %iota3A = tpu.iota {dimensions = array<i32: 0>} : vector<16xi32>
    %add3A_11 = arith.constant 0 : i32
    %add3A_12 = arith.addi %mul3A_2, %add3A_11 : i32
    %add3A_13 = vector.broadcast %add3A_12 : i32 to vector<16xi32>
    %add3A_14 = arith.addi %iota3A, %add3A_13 : vector<16xi32>
    %xor3A = arith.xori %squeeze3A, %squeeze3A_9 : i32
    %xor3A_15 = arith.constant 466688986 : i32
    %xor3A_16 = arith.xori %xor3A, %xor3A_15 : i32
    %add3A_17 = vector.broadcast %squeeze3A : i32 to vector<16xi32>
    %add3A_18 = arith.addi %broadcast_in_dim3A_10, %add3A_17 : vector<16xi32>
    %add3A_19 = vector.broadcast %squeeze3A_9 : i32 to vector<16xi32>
    %add3A_20 = arith.addi %add3A_14, %add3A_19 : vector<16xi32>
    %add3A_21 = arith.addi %add3A_18, %add3A_20 : vector<16xi32>
    %shift_left3A = arith.constant 13 : i32
    %shift_left3A_22 = vector.broadcast %shift_left3A : i32 to vector<16xi32>
    %shift_left3A_23 = arith.shli %add3A_20, %shift_left3A_22 : vector<16xi32>
    %shift_right_logical3A = arith.constant 19 : i32
    %shift_right_logical3A_24 = vector.broadcast %shift_right_logical3A : i32 to vector<16xi32>
    %shift_right_logical3A_25 = arith.shrui %add3A_20, %shift_right_logical3A_24 : vector<16xi32>
    %or3A = arith.ori %shift_left3A_23, %shift_right_logical3A_25 : vector<16xi32>
    %xor3A_26 = arith.xori %or3A, %add3A_21 : vector<16xi32>
    %add3A_27 = arith.addi %add3A_21, %xor3A_26 : vector<16xi32>
    %shift_left3A_28 = arith.constant 15 : i32
    %shift_left3A_29 = vector.broadcast %shift_left3A_28 : i32 to vector<16xi32>
    %shift_left3A_30 = arith.shli %xor3A_26, %shift_left3A_29 : vector<16xi32>
    %shift_right_logical3A_31 = arith.constant 17 : i32
    %shift_right_logical3A_32 = vector.broadcast %shift_right_logical3A_31 : i32 to vector<16xi32>
    %shift_right_logical3A_33 = arith.shrui %xor3A_26, %shift_right_logical3A_32 : vector<16xi32>
    %or3A_34 = arith.ori %shift_left3A_30, %shift_right_logical3A_33 : vector<16xi32>
    %xor3A_35 = arith.xori %or3A_34, %add3A_27 : vector<16xi32>
    %add3A_36 = arith.addi %add3A_27, %xor3A_35 : vector<16xi32>
    %shift_left3A_37 = arith.constant 26 : i32
    %shift_left3A_38 = vector.broadcast %shift_left3A_37 : i32 to vector<16xi32>
    %shift_left3A_39 = arith.shli %xor3A_35, %shift_left3A_38 : vector<16xi32>
    %shift_right_logical3A_40 = arith.constant 6 : i32
    %shift_right_logical3A_41 = vector.broadcast %shift_right_logical3A_40 : i32 to vector<16xi32>
    %shift_right_logical3A_42 = arith.shrui %xor3A_35, %shift_right_logical3A_41 : vector<16xi32>
    %or3A_43 = arith.ori %shift_left3A_39, %shift_right_logical3A_42 : vector<16xi32>
    %xor3A_44 = arith.xori %or3A_43, %add3A_36 : vector<16xi32>
    %add3A_45 = arith.addi %add3A_36, %xor3A_44 : vector<16xi32>
    %shift_left3A_46 = arith.constant 6 : i32
    %shift_left3A_47 = vector.broadcast %shift_left3A_46 : i32 to vector<16xi32>
    %shift_left3A_48 = arith.shli %xor3A_44, %shift_left3A_47 : vector<16xi32>
    %shift_right_logical3A_49 = arith.constant 26 : i32
    %shift_right_logical3A_50 = vector.broadcast %shift_right_logical3A_49 : i32 to vector<16xi32>
    %shift_right_logical3A_51 = arith.shrui %xor3A_44, %shift_right_logical3A_50 : vector<16xi32>
    %or3A_52 = arith.ori %shift_left3A_48, %shift_right_logical3A_51 : vector<16xi32>
    %xor3A_53 = arith.xori %or3A_52, %add3A_45 : vector<16xi32>
    %add3A_54 = vector.broadcast %squeeze3A_9 : i32 to vector<16xi32>
    %add3A_55 = arith.addi %add3A_45, %add3A_54 : vector<16xi32>
    %add3A_56 = vector.broadcast %xor3A_16 : i32 to vector<16xi32>
    %add3A_57 = arith.addi %xor3A_53, %add3A_56 : vector<16xi32>
    %add3A_58 = arith.constant 1 : i32
    %add3A_59 = vector.broadcast %add3A_58 : i32 to vector<16xi32>
    %add3A_60 = arith.addi %add3A_57, %add3A_59 : vector<16xi32>
    %add3A_61 = arith.addi %add3A_55, %add3A_60 : vector<16xi32>
    %shift_left3A_62 = arith.constant 17 : i32
    %shift_left3A_63 = vector.broadcast %shift_left3A_62 : i32 to vector<16xi32>
    %shift_left3A_64 = arith.shli %add3A_60, %shift_left3A_63 : vector<16xi32>
    %shift_right_logical3A_65 = arith.constant 15 : i32
    %shift_right_logical3A_66 = vector.broadcast %shift_right_logical3A_65 : i32 to vector<16xi32>
    %shift_right_logical3A_67 = arith.shrui %add3A_60, %shift_right_logical3A_66 : vector<16xi32>
    %or3A_68 = arith.ori %shift_left3A_64, %shift_right_logical3A_67 : vector<16xi32>
    %xor3A_69 = arith.xori %or3A_68, %add3A_61 : vector<16xi32>
    %add3A_70 = arith.addi %add3A_61, %xor3A_69 : vector<16xi32>
    %shift_left3A_71 = arith.constant 29 : i32
    %shift_left3A_72 = vector.broadcast %shift_left3A_71 : i32 to vector<16xi32>
    %shift_left3A_73 = arith.shli %xor3A_69, %shift_left3A_72 : vector<16xi32>
    %shift_right_logical3A_74 = arith.constant 3 : i32
    %shift_right_logical3A_75 = vector.broadcast %shift_right_logical3A_74 : i32 to vector<16xi32>
    %shift_right_logical3A_76 = arith.shrui %xor3A_69, %shift_right_logical3A_75 : vector<16xi32>
    %or3A_77 = arith.ori %shift_left3A_73, %shift_right_logical3A_76 : vector<16xi32>
    %xor3A_78 = arith.xori %or3A_77, %add3A_70 : vector<16xi32>
    %add3A_79 = arith.addi %add3A_70, %xor3A_78 : vector<16xi32>
    %shift_left3A_80 = arith.constant 16 : i32
    %shift_left3A_81 = vector.broadcast %shift_left3A_80 : i32 to vector<16xi32>
    %shift_left3A_82 = arith.shli %xor3A_78, %shift_left3A_81 : vector<16xi32>
    %shift_right_logical3A_83 = arith.constant 16 : i32
    %shift_right_logical3A_84 = vector.broadcast %shift_right_logical3A_83 : i32 to vector<16xi32>
    %shift_right_logical3A_85 = arith.shrui %xor3A_78, %shift_right_logical3A_84 : vector<16xi32>
    %or3A_86 = arith.ori %shift_left3A_82, %shift_right_logical3A_85 : vector<16xi32>
    %xor3A_87 = arith.xori %or3A_86, %add3A_79 : vector<16xi32>
    %add3A_88 = arith.addi %add3A_79, %xor3A_87 : vector<16xi32>
    %shift_left3A_89 = arith.constant 24 : i32
    %shift_left3A_90 = vector.broadcast %shift_left3A_89 : i32 to vector<16xi32>
    %shift_left3A_91 = arith.shli %xor3A_87, %shift_left3A_90 : vector<16xi32>
    %shift_right_logical3A_92 = arith.constant 8 : i32
    %shift_right_logical3A_93 = vector.broadcast %shift_right_logical3A_92 : i32 to vector<16xi32>
    %shift_right_logical3A_94 = arith.shrui %xor3A_87, %shift_right_logical3A_93 : vector<16xi32>
    %or3A_95 = arith.ori %shift_left3A_91, %shift_right_logical3A_94 : vector<16xi32>
    %xor3A_96 = arith.xori %or3A_95, %add3A_88 : vector<16xi32>
    %add3A_97 = vector.broadcast %xor3A_16 : i32 to vector<16xi32>
    %add3A_98 = arith.addi %add3A_88, %add3A_97 : vector<16xi32>
    %add3A_99 = vector.broadcast %squeeze3A : i32 to vector<16xi32>
    %add3A_100 = arith.addi %xor3A_96, %add3A_99 : vector<16xi32>
    %add3A_101 = arith.constant 2 : i32
    %add3A_102 = vector.broadcast %add3A_101 : i32 to vector<16xi32>
    %add3A_103 = arith.addi %add3A_100, %add3A_102 : vector<16xi32>
    %add3A_104 = arith.addi %add3A_98, %add3A_103 : vector<16xi32>
    %shift_left3A_105 = arith.constant 13 : i32
    %shift_left3A_106 = vector.broadcast %shift_left3A_105 : i32 to vector<16xi32>
    %shift_left3A_107 = arith.shli %add3A_103, %shift_left3A_106 : vector<16xi32>
    %shift_right_logical3A_108 = arith.constant 19 : i32
    %shift_right_logical3A_109 = vector.broadcast %shift_right_logical3A_108 : i32 to vector<16xi32>
    %shift_right_logical3A_110 = arith.shrui %add3A_103, %shift_right_logical3A_109 : vector<16xi32>
    %or3A_111 = arith.ori %shift_left3A_107, %shift_right_logical3A_110 : vector<16xi32>
    %xor3A_112 = arith.xori %or3A_111, %add3A_104 : vector<16xi32>
    %add3A_113 = arith.addi %add3A_104, %xor3A_112 : vector<16xi32>
    %shift_left3A_114 = arith.constant 15 : i32
    %shift_left3A_115 = vector.broadcast %shift_left3A_114 : i32 to vector<16xi32>
    %shift_left3A_116 = arith.shli %xor3A_112, %shift_left3A_115 : vector<16xi32>
    %shift_right_logical3A_117 = arith.constant 17 : i32
    %shift_right_logical3A_118 = vector.broadcast %shift_right_logical3A_117 : i32 to vector<16xi32>
    %shift_right_logical3A_119 = arith.shrui %xor3A_112, %shift_right_logical3A_118 : vector<16xi32>
    %or3A_120 = arith.ori %shift_left3A_116, %shift_right_logical3A_119 : vector<16xi32>
    %xor3A_121 = arith.xori %or3A_120, %add3A_113 : vector<16xi32>
    %add3A_122 = arith.addi %add3A_113, %xor3A_121 : vector<16xi32>
    %shift_left3A_123 = arith.constant 26 : i32
    %shift_left3A_124 = vector.broadcast %shift_left3A_123 : i32 to vector<16xi32>
    %shift_left3A_125 = arith.shli %xor3A_121, %shift_left3A_124 : vector<16xi32>
    %shift_right_logical3A_126 = arith.constant 6 : i32
    %shift_right_logical3A_127 = vector.broadcast %shift_right_logical3A_126 : i32 to vector<16xi32>
    %shift_right_logical3A_128 = arith.shrui %xor3A_121, %shift_right_logical3A_127 : vector<16xi32>
    %or3A_129 = arith.ori %shift_left3A_125, %shift_right_logical3A_128 : vector<16xi32>
    %xor3A_130 = arith.xori %or3A_129, %add3A_122 : vector<16xi32>
    %add3A_131 = arith.addi %add3A_122, %xor3A_130 : vector<16xi32>
    %shift_left3A_132 = arith.constant 6 : i32
    %shift_left3A_133 = vector.broadcast %shift_left3A_132 : i32 to vector<16xi32>
    %shift_left3A_134 = arith.shli %xor3A_130, %shift_left3A_133 : vector<16xi32>
    %shift_right_logical3A_135 = arith.constant 26 : i32
    %shift_right_logical3A_136 = vector.broadcast %shift_right_logical3A_135 : i32 to vector<16xi32>
    %shift_right_logical3A_137 = arith.shrui %xor3A_130, %shift_right_logical3A_136 : vector<16xi32>
    %or3A_138 = arith.ori %shift_left3A_134, %shift_right_logical3A_137 : vector<16xi32>
    %xor3A_139 = arith.xori %or3A_138, %add3A_131 : vector<16xi32>
    %add3A_140 = vector.broadcast %squeeze3A : i32 to vector<16xi32>
    %add3A_141 = arith.addi %add3A_131, %add3A_140 : vector<16xi32>
    %add3A_142 = vector.broadcast %squeeze3A_9 : i32 to vector<16xi32>
    %add3A_143 = arith.addi %xor3A_139, %add3A_142 : vector<16xi32>
    %add3A_144 = arith.constant 3 : i32
    %add3A_145 = vector.broadcast %add3A_144 : i32 to vector<16xi32>
    %add3A_146 = arith.addi %add3A_143, %add3A_145 : vector<16xi32>
    %add3A_147 = arith.addi %add3A_141, %add3A_146 : vector<16xi32>
    %shift_left3A_148 = arith.constant 17 : i32
    %shift_left3A_149 = vector.broadcast %shift_left3A_148 : i32 to vector<16xi32>
    %shift_left3A_150 = arith.shli %add3A_146, %shift_left3A_149 : vector<16xi32>
    %shift_right_logical3A_151 = arith.constant 15 : i32
    %shift_right_logical3A_152 = vector.broadcast %shift_right_logical3A_151 : i32 to vector<16xi32>
    %shift_right_logical3A_153 = arith.shrui %add3A_146, %shift_right_logical3A_152 : vector<16xi32>
    %or3A_154 = arith.ori %shift_left3A_150, %shift_right_logical3A_153 : vector<16xi32>
    %xor3A_155 = arith.xori %or3A_154, %add3A_147 : vector<16xi32>
    %add3A_156 = arith.addi %add3A_147, %xor3A_155 : vector<16xi32>
    %shift_left3A_157 = arith.constant 29 : i32
    %shift_left3A_158 = vector.broadcast %shift_left3A_157 : i32 to vector<16xi32>
    %shift_left3A_159 = arith.shli %xor3A_155, %shift_left3A_158 : vector<16xi32>
    %shift_right_logical3A_160 = arith.constant 3 : i32
    %shift_right_logical3A_161 = vector.broadcast %shift_right_logical3A_160 : i32 to vector<16xi32>
    %shift_right_logical3A_162 = arith.shrui %xor3A_155, %shift_right_logical3A_161 : vector<16xi32>
    %or3A_163 = arith.ori %shift_left3A_159, %shift_right_logical3A_162 : vector<16xi32>
    %xor3A_164 = arith.xori %or3A_163, %add3A_156 : vector<16xi32>
    %add3A_165 = arith.addi %add3A_156, %xor3A_164 : vector<16xi32>
    %shift_left3A_166 = arith.constant 16 : i32
    %shift_left3A_167 = vector.broadcast %shift_left3A_166 : i32 to vector<16xi32>
    %shift_left3A_168 = arith.shli %xor3A_164, %shift_left3A_167 : vector<16xi32>
    %shift_right_logical3A_169 = arith.constant 16 : i32
    %shift_right_logical3A_170 = vector.broadcast %shift_right_logical3A_169 : i32 to vector<16xi32>
    %shift_right_logical3A_171 = arith.shrui %xor3A_164, %shift_right_logical3A_170 : vector<16xi32>
    %or3A_172 = arith.ori %shift_left3A_168, %shift_right_logical3A_171 : vector<16xi32>
    %xor3A_173 = arith.xori %or3A_172, %add3A_165 : vector<16xi32>
    %add3A_174 = arith.addi %add3A_165, %xor3A_173 : vector<16xi32>
    %shift_left3A_175 = arith.constant 24 : i32
    %shift_left3A_176 = vector.broadcast %shift_left3A_175 : i32 to vector<16xi32>
    %shift_left3A_177 = arith.shli %xor3A_173, %shift_left3A_176 : vector<16xi32>
    %shift_right_logical3A_178 = arith.constant 8 : i32
    %shift_right_logical3A_179 = vector.broadcast %shift_right_logical3A_178 : i32 to vector<16xi32>
    %shift_right_logical3A_180 = arith.shrui %xor3A_173, %shift_right_logical3A_179 : vector<16xi32>
    %or3A_181 = arith.ori %shift_left3A_177, %shift_right_logical3A_180 : vector<16xi32>
    %xor3A_182 = arith.xori %or3A_181, %add3A_174 : vector<16xi32>
    %add3A_183 = vector.broadcast %squeeze3A_9 : i32 to vector<16xi32>
    %add3A_184 = arith.addi %add3A_174, %add3A_183 : vector<16xi32>
    %add3A_185 = vector.broadcast %xor3A_16 : i32 to vector<16xi32>
    %add3A_186 = arith.addi %xor3A_182, %add3A_185 : vector<16xi32>
    %add3A_187 = arith.constant 4 : i32
    %add3A_188 = vector.broadcast %add3A_187 : i32 to vector<16xi32>
    %add3A_189 = arith.addi %add3A_186, %add3A_188 : vector<16xi32>
    %add3A_190 = arith.addi %add3A_184, %add3A_189 : vector<16xi32>
    %shift_left3A_191 = arith.constant 13 : i32
    %shift_left3A_192 = vector.broadcast %shift_left3A_191 : i32 to vector<16xi32>
    %shift_left3A_193 = arith.shli %add3A_189, %shift_left3A_192 : vector<16xi32>
    %shift_right_logical3A_194 = arith.constant 19 : i32
    %shift_right_logical3A_195 = vector.broadcast %shift_right_logical3A_194 : i32 to vector<16xi32>
    %shift_right_logical3A_196 = arith.shrui %add3A_189, %shift_right_logical3A_195 : vector<16xi32>
    %or3A_197 = arith.ori %shift_left3A_193, %shift_right_logical3A_196 : vector<16xi32>
    %xor3A_198 = arith.xori %or3A_197, %add3A_190 : vector<16xi32>
    %add3A_199 = arith.addi %add3A_190, %xor3A_198 : vector<16xi32>
    %shift_left3A_200 = arith.constant 15 : i32
    %shift_left3A_201 = vector.broadcast %shift_left3A_200 : i32 to vector<16xi32>
    %shift_left3A_202 = arith.shli %xor3A_198, %shift_left3A_201 : vector<16xi32>
    %shift_right_logical3A_203 = arith.constant 17 : i32
    %shift_right_logical3A_204 = vector.broadcast %shift_right_logical3A_203 : i32 to vector<16xi32>
    %shift_right_logical3A_205 = arith.shrui %xor3A_198, %shift_right_logical3A_204 : vector<16xi32>
    %or3A_206 = arith.ori %shift_left3A_202, %shift_right_logical3A_205 : vector<16xi32>
    %xor3A_207 = arith.xori %or3A_206, %add3A_199 : vector<16xi32>
    %add3A_208 = arith.addi %add3A_199, %xor3A_207 : vector<16xi32>
    %shift_left3A_209 = arith.constant 26 : i32
    %shift_left3A_210 = vector.broadcast %shift_left3A_209 : i32 to vector<16xi32>
    %shift_left3A_211 = arith.shli %xor3A_207, %shift_left3A_210 : vector<16xi32>
    %shift_right_logical3A_212 = arith.constant 6 : i32
    %shift_right_logical3A_213 = vector.broadcast %shift_right_logical3A_212 : i32 to vector<16xi32>
    %shift_right_logical3A_214 = arith.shrui %xor3A_207, %shift_right_logical3A_213 : vector<16xi32>
    %or3A_215 = arith.ori %shift_left3A_211, %shift_right_logical3A_214 : vector<16xi32>
    %xor3A_216 = arith.xori %or3A_215, %add3A_208 : vector<16xi32>
    %add3A_217 = arith.addi %add3A_208, %xor3A_216 : vector<16xi32>
    %shift_left3A_218 = arith.constant 6 : i32
    %shift_left3A_219 = vector.broadcast %shift_left3A_218 : i32 to vector<16xi32>
    %shift_left3A_220 = arith.shli %xor3A_216, %shift_left3A_219 : vector<16xi32>
    %shift_right_logical3A_221 = arith.constant 26 : i32
    %shift_right_logical3A_222 = vector.broadcast %shift_right_logical3A_221 : i32 to vector<16xi32>
    %shift_right_logical3A_223 = arith.shrui %xor3A_216, %shift_right_logical3A_222 : vector<16xi32>
    %or3A_224 = arith.ori %shift_left3A_220, %shift_right_logical3A_223 : vector<16xi32>
    %xor3A_225 = arith.xori %or3A_224, %add3A_217 : vector<16xi32>
    %add3A_226 = vector.broadcast %xor3A_16 : i32 to vector<16xi32>
    %add3A_227 = arith.addi %add3A_217, %add3A_226 : vector<16xi32>
    %add3A_228 = vector.broadcast %squeeze3A : i32 to vector<16xi32>
    %add3A_229 = arith.addi %xor3A_225, %add3A_228 : vector<16xi32>
    %add3A_230 = arith.constant 5 : i32
    %add3A_231 = vector.broadcast %add3A_230 : i32 to vector<16xi32>
    %add3A_232 = arith.addi %add3A_229, %add3A_231 : vector<16xi32>
    %xor3A_233 = arith.xori %add3A_227, %add3A_232 : vector<16xi32>
    %shift_right_logical3A_234 = arith.constant 9 : i32
    %shift_right_logical3A_235 = vector.broadcast %shift_right_logical3A_234 : i32 to vector<16xi32>
    %shift_right_logical3A_236 = arith.shrui %xor3A_233, %shift_right_logical3A_235 : vector<16xi32>
    %or3A_237 = arith.constant 1065353216 : i32
    %or3A_238 = vector.broadcast %or3A_237 : i32 to vector<16xi32>
    %or3A_239 = arith.ori %shift_right_logical3A_236, %or3A_238 : vector<16xi32>
    %bitcast_convert_type3A = tpu.bitcast %or3A_239 : vector<16xi32> -> vector<16xf32>
    %sub3A = arith.constant 1.000000e+00 : f32
    %sub3A_240 = vector.broadcast %sub3A : f32 to vector<16xf32>
    %sub3A_241 = arith.subf %bitcast_convert_type3A, %sub3A_240 : vector<16xf32>
    %mul3A_242 = arith.constant 0x49FF8000 : f32
    %mul3A_243 = vector.broadcast %mul3A_242 : f32 to vector<16xf32>
    %mul3A_244 = arith.mulf %sub3A_241, %mul3A_243 : vector<16xf32>
    %max3A = arith.constant 0.000000e+00 : f32
    %max3A_245 = vector.broadcast %max3A : f32 to vector<16xf32>
    %max3A_246 = arith.maximumf %max3A_245, %mul3A_244 : vector<16xf32>
    %convert_element_type3A = arith.fptosi %max3A_246 : vector<16xf32> to vector<16xi32>
    %swap3A = arith.constant 0 : index
    %swap3A_247 = tpu.vector_load %arg6[%swap3A] {strides = array<i32>} : memref<48xi32, #tpu.memory_space<vmem>>, vector<16xi32>,
    %swap3A_248 = vector.shape_cast %swap3A_247 : vector<16xi32> to vector<16xi32>
    %swap3A_249 = vector.shape_cast %convert_element_type3A : vector<16xi32> to vector<16xi32>
    tpu.vector_store %arg6[%swap3A], %swap3A_249 {strides = array<i32>} : memref<48xi32, #tpu.memory_space<vmem>>, vector<16xi32>,
    %iota3A_250 = tpu.iota {dimensions = array<i32: 0>} : vector<16xi32>
    %add3A_251 = arith.constant 16 : i32
    %add3A_252 = arith.addi %mul3A_2, %add3A_251 : i32
    %add3A_253 = vector.broadcast %add3A_252 : i32 to vector<16xi32>
    %add3A_254 = arith.addi %iota3A_250, %add3A_253 : vector<16xi32>
    %xor3A_255 = arith.xori %squeeze3A, %squeeze3A_9 : i32
    %xor3A_256 = arith.constant 466688986 : i32
    %xor3A_257 = arith.xori %xor3A_255, %xor3A_256 : i32
    %add3A_258 = vector.broadcast %squeeze3A : i32 to vector<16xi32>
    %add3A_259 = arith.addi %broadcast_in_dim3A_10, %add3A_258 : vector<16xi32>
    %add3A_260 = vector.broadcast %squeeze3A_9 : i32 to vector<16xi32>
    %add3A_261 = arith.addi %add3A_254, %add3A_260 : vector<16xi32>
    %add3A_262 = arith.addi %add3A_259, %add3A_261 : vector<16xi32>
    %shift_left3A_263 = arith.constant 13 : i32
    %shift_left3A_264 = vector.broadcast %shift_left3A_263 : i32 to vector<16xi32>
    %shift_left3A_265 = arith.shli %add3A_261, %shift_left3A_264 : vector<16xi32>
    %shift_right_logical3A_266 = arith.constant 19 : i32
    %shift_right_logical3A_267 = vector.broadcast %shift_right_logical3A_266 : i32 to vector<16xi32>
    %shift_right_logical3A_268 = arith.shrui %add3A_261, %shift_right_logical3A_267 : vector<16xi32>
    %or3A_269 = arith.ori %shift_left3A_265, %shift_right_logical3A_268 : vector<16xi32>
    %xor3A_270 = arith.xori %or3A_269, %add3A_262 : vector<16xi32>
    %add3A_271 = arith.addi %add3A_262, %xor3A_270 : vector<16xi32>
    %shift_left3A_272 = arith.constant 15 : i32
    %shift_left3A_273 = vector.broadcast %shift_left3A_272 : i32 to vector<16xi32>
    %shift_left3A_274 = arith.shli %xor3A_270, %shift_left3A_273 : vector<16xi32>
    %shift_right_logical3A_275 = arith.constant 17 : i32
    %shift_right_logical3A_276 = vector.broadcast %shift_right_logical3A_275 : i32 to vector<16xi32>
    %shift_right_logical3A_277 = arith.shrui %xor3A_270, %shift_right_logical3A_276 : vector<16xi32>
    %or3A_278 = arith.ori %shift_left3A_274, %shift_right_logical3A_277 : vector<16xi32>
    %xor3A_279 = arith.xori %or3A_278, %add3A_271 : vector<16xi32>
    %add3A_280 = arith.addi %add3A_271, %xor3A_279 : vector<16xi32>
    %shift_left3A_281 = arith.constant 26 : i32
    %shift_left3A_282 = vector.broadcast %shift_left3A_281 : i32 to vector<16xi32>
    %shift_left3A_283 = arith.shli %xor3A_279, %shift_left3A_282 : vector<16xi32>
    %shift_right_logical3A_284 = arith.constant 6 : i32
    %shift_right_logical3A_285 = vector.broadcast %shift_right_logical3A_284 : i32 to vector<16xi32>
    %shift_right_logical3A_286 = arith.shrui %xor3A_279, %shift_right_logical3A_285 : vector<16xi32>
    %or3A_287 = arith.ori %shift_left3A_283, %shift_right_logical3A_286 : vector<16xi32>
    %xor3A_288 = arith.xori %or3A_287, %add3A_280 : vector<16xi32>
    %add3A_289 = arith.addi %add3A_280, %xor3A_288 : vector<16xi32>
    %shift_left3A_290 = arith.constant 6 : i32
    %shift_left3A_291 = vector.broadcast %shift_left3A_290 : i32 to vector<16xi32>
    %shift_left3A_292 = arith.shli %xor3A_288, %shift_left3A_291 : vector<16xi32>
    %shift_right_logical3A_293 = arith.constant 26 : i32
    %shift_right_logical3A_294 = vector.broadcast %shift_right_logical3A_293 : i32 to vector<16xi32>
    %shift_right_logical3A_295 = arith.shrui %xor3A_288, %shift_right_logical3A_294 : vector<16xi32>
    %or3A_296 = arith.ori %shift_left3A_292, %shift_right_logical3A_295 : vector<16xi32>
    %xor3A_297 = arith.xori %or3A_296, %add3A_289 : vector<16xi32>
    %add3A_298 = vector.broadcast %squeeze3A_9 : i32 to vector<16xi32>
    %add3A_299 = arith.addi %add3A_289, %add3A_298 : vector<16xi32>
    %add3A_300 = vector.broadcast %xor3A_257 : i32 to vector<16xi32>
    %add3A_301 = arith.addi %xor3A_297, %add3A_300 : vector<16xi32>
    %add3A_302 = arith.constant 1 : i32
    %add3A_303 = vector.broadcast %add3A_302 : i32 to vector<16xi32>
    %add3A_304 = arith.addi %add3A_301, %add3A_303 : vector<16xi32>
    %add3A_305 = arith.addi %add3A_299, %add3A_304 : vector<16xi32>
    %shift_left3A_306 = arith.constant 17 : i32
    %shift_left3A_307 = vector.broadcast %shift_left3A_306 : i32 to vector<16xi32>
    %shift_left3A_308 = arith.shli %add3A_304, %shift_left3A_307 : vector<16xi32>
    %shift_right_logical3A_309 = arith.constant 15 : i32
    %shift_right_logical3A_310 = vector.broadcast %shift_right_logical3A_309 : i32 to vector<16xi32>
    %shift_right_logical3A_311 = arith.shrui %add3A_304, %shift_right_logical3A_310 : vector<16xi32>
    %or3A_312 = arith.ori %shift_left3A_308, %shift_right_logical3A_311 : vector<16xi32>
    %xor3A_313 = arith.xori %or3A_312, %add3A_305 : vector<16xi32>
    %add3A_314 = arith.addi %add3A_305, %xor3A_313 : vector<16xi32>
    %shift_left3A_315 = arith.constant 29 : i32
    %shift_left3A_316 = vector.broadcast %shift_left3A_315 : i32 to vector<16xi32>
    %shift_left3A_317 = arith.shli %xor3A_313, %shift_left3A_316 : vector<16xi32>
    %shift_right_logical3A_318 = arith.constant 3 : i32
    %shift_right_logical3A_319 = vector.broadcast %shift_right_logical3A_318 : i32 to vector<16xi32>
    %shift_right_logical3A_320 = arith.shrui %xor3A_313, %shift_right_logical3A_319 : vector<16xi32>
    %or3A_321 = arith.ori %shift_left3A_317, %shift_right_logical3A_320 : vector<16xi32>
    %xor3A_322 = arith.xori %or3A_321, %add3A_314 : vector<16xi32>
    %add3A_323 = arith.addi %add3A_314, %xor3A_322 : vector<16xi32>
    %shift_left3A_324 = arith.constant 16 : i32
    %shift_left3A_325 = vector.broadcast %shift_left3A_324 : i32 to vector<16xi32>
    %shift_left3A_326 = arith.shli %xor3A_322, %shift_left3A_325 : vector<16xi32>
    %shift_right_logical3A_327 = arith.constant 16 : i32
    %shift_right_logical3A_328 = vector.broadcast %shift_right_logical3A_327 : i32 to vector<16xi32>
    %shift_right_logical3A_329 = arith.shrui %xor3A_322, %shift_right_logical3A_328 : vector<16xi32>
    %or3A_330 = arith.ori %shift_left3A_326, %shift_right_logical3A_329 : vector<16xi32>
    %xor3A_331 = arith.xori %or3A_330, %add3A_323 : vector<16xi32>
    %add3A_332 = arith.addi %add3A_323, %xor3A_331 : vector<16xi32>
    %shift_left3A_333 = arith.constant 24 : i32
    %shift_left3A_334 = vector.broadcast %shift_left3A_333 : i32 to vector<16xi32>
    %shift_left3A_335 = arith.shli %xor3A_331, %shift_left3A_334 : vector<16xi32>
    %shift_right_logical3A_336 = arith.constant 8 : i32
    %shift_right_logical3A_337 = vector.broadcast %shift_right_logical3A_336 : i32 to vector<16xi32>
    %shift_right_logical3A_338 = arith.shrui %xor3A_331, %shift_right_logical3A_337 : vector<16xi32>
    %or3A_339 = arith.ori %shift_left3A_335, %shift_right_logical3A_338 : vector<16xi32>
    %xor3A_340 = arith.xori %or3A_339, %add3A_332 : vector<16xi32>
    %add3A_341 = vector.broadcast %xor3A_257 : i32 to vector<16xi32>
    %add3A_342 = arith.addi %add3A_332, %add3A_341 : vector<16xi32>
    %add3A_343 = vector.broadcast %squeeze3A : i32 to vector<16xi32>
    %add3A_344 = arith.addi %xor3A_340, %add3A_343 : vector<16xi32>
    %add3A_345 = arith.constant 2 : i32
    %add3A_346 = vector.broadcast %add3A_345 : i32 to vector<16xi32>
    %add3A_347 = arith.addi %add3A_344, %add3A_346 : vector<16xi32>
    %add3A_348 = arith.addi %add3A_342, %add3A_347 : vector<16xi32>
    %shift_left3A_349 = arith.constant 13 : i32
    %shift_left3A_350 = vector.broadcast %shift_left3A_349 : i32 to vector<16xi32>
    %shift_left3A_351 = arith.shli %add3A_347, %shift_left3A_350 : vector<16xi32>
    %shift_right_logical3A_352 = arith.constant 19 : i32
    %shift_right_logical3A_353 = vector.broadcast %shift_right_logical3A_352 : i32 to vector<16xi32>
    %shift_right_logical3A_354 = arith.shrui %add3A_347, %shift_right_logical3A_353 : vector<16xi32>
    %or3A_355 = arith.ori %shift_left3A_351, %shift_right_logical3A_354 : vector<16xi32>
    %xor3A_356 = arith.xori %or3A_355, %add3A_348 : vector<16xi32>
    %add3A_357 = arith.addi %add3A_348, %xor3A_356 : vector<16xi32>
    %shift_left3A_358 = arith.constant 15 : i32
    %shift_left3A_359 = vector.broadcast %shift_left3A_358 : i32 to vector<16xi32>
    %shift_left3A_360 = arith.shli %xor3A_356, %shift_left3A_359 : vector<16xi32>
    %shift_right_logical3A_361 = arith.constant 17 : i32
    %shift_right_logical3A_362 = vector.broadcast %shift_right_logical3A_361 : i32 to vector<16xi32>
    %shift_right_logical3A_363 = arith.shrui %xor3A_356, %shift_right_logical3A_362 : vector<16xi32>
    %or3A_364 = arith.ori %shift_left3A_360, %shift_right_logical3A_363 : vector<16xi32>
    %xor3A_365 = arith.xori %or3A_364, %add3A_357 : vector<16xi32>
    %add3A_366 = arith.addi %add3A_357, %xor3A_365 : vector<16xi32>
    %shift_left3A_367 = arith.constant 26 : i32
    %shift_left3A_368 = vector.broadcast %shift_left3A_367 : i32 to vector<16xi32>
    %shift_left3A_369 = arith.shli %xor3A_365, %shift_left3A_368 : vector<16xi32>
    %shift_right_logical3A_370 = arith.constant 6 : i32
    %shift_right_logical3A_371 = vector.broadcast %shift_right_logical3A_370 : i32 to vector<16xi32>
    %shift_right_logical3A_372 = arith.shrui %xor3A_365, %shift_right_logical3A_371 : vector<16xi32>
    %or3A_373 = arith.ori %shift_left3A_369, %shift_right_logical3A_372 : vector<16xi32>
    %xor3A_374 = arith.xori %or3A_373, %add3A_366 : vector<16xi32>
    %add3A_375 = arith.addi %add3A_366, %xor3A_374 : vector<16xi32>
    %shift_left3A_376 = arith.constant 6 : i32
    %shift_left3A_377 = vector.broadcast %shift_left3A_376 : i32 to vector<16xi32>
    %shift_left3A_378 = arith.shli %xor3A_374, %shift_left3A_377 : vector<16xi32>
    %shift_right_logical3A_379 = arith.constant 26 : i32
    %shift_right_logical3A_380 = vector.broadcast %shift_right_logical3A_379 : i32 to vector<16xi32>
    %shift_right_logical3A_381 = arith.shrui %xor3A_374, %shift_right_logical3A_380 : vector<16xi32>
    %or3A_382 = arith.ori %shift_left3A_378, %shift_right_logical3A_381 : vector<16xi32>
    %xor3A_383 = arith.xori %or3A_382, %add3A_375 : vector<16xi32>
    %add3A_384 = vector.broadcast %squeeze3A : i32 to vector<16xi32>
    %add3A_385 = arith.addi %add3A_375, %add3A_384 : vector<16xi32>
    %add3A_386 = vector.broadcast %squeeze3A_9 : i32 to vector<16xi32>
    %add3A_387 = arith.addi %xor3A_383, %add3A_386 : vector<16xi32>
    %add3A_388 = arith.constant 3 : i32
    %add3A_389 = vector.broadcast %add3A_388 : i32 to vector<16xi32>
    %add3A_390 = arith.addi %add3A_387, %add3A_389 : vector<16xi32>
    %add3A_391 = arith.addi %add3A_385, %add3A_390 : vector<16xi32>
    %shift_left3A_392 = arith.constant 17 : i32
    %shift_left3A_393 = vector.broadcast %shift_left3A_392 : i32 to vector<16xi32>
    %shift_left3A_394 = arith.shli %add3A_390, %shift_left3A_393 : vector<16xi32>
    %shift_right_logical3A_395 = arith.constant 15 : i32
    %shift_right_logical3A_396 = vector.broadcast %shift_right_logical3A_395 : i32 to vector<16xi32>
    %shift_right_logical3A_397 = arith.shrui %add3A_390, %shift_right_logical3A_396 : vector<16xi32>
    %or3A_398 = arith.ori %shift_left3A_394, %shift_right_logical3A_397 : vector<16xi32>
    %xor3A_399 = arith.xori %or3A_398, %add3A_391 : vector<16xi32>
    %add3A_400 = arith.addi %add3A_391, %xor3A_399 : vector<16xi32>
    %shift_left3A_401 = arith.constant 29 : i32
    %shift_left3A_402 = vector.broadcast %shift_left3A_401 : i32 to vector<16xi32>
    %shift_left3A_403 = arith.shli %xor3A_399, %shift_left3A_402 : vector<16xi32>
    %shift_right_logical3A_404 = arith.constant 3 : i32
    %shift_right_logical3A_405 = vector.broadcast %shift_right_logical3A_404 : i32 to vector<16xi32>
    %shift_right_logical3A_406 = arith.shrui %xor3A_399, %shift_right_logical3A_405 : vector<16xi32>
    %or3A_407 = arith.ori %shift_left3A_403, %shift_right_logical3A_406 : vector<16xi32>
    %xor3A_408 = arith.xori %or3A_407, %add3A_400 : vector<16xi32>
    %add3A_409 = arith.addi %add3A_400, %xor3A_408 : vector<16xi32>
    %shift_left3A_410 = arith.constant 16 : i32
    %shift_left3A_411 = vector.broadcast %shift_left3A_410 : i32 to vector<16xi32>
    %shift_left3A_412 = arith.shli %xor3A_408, %shift_left3A_411 : vector<16xi32>
    %shift_right_logical3A_413 = arith.constant 16 : i32
    %shift_right_logical3A_414 = vector.broadcast %shift_right_logical3A_413 : i32 to vector<16xi32>
    %shift_right_logical3A_415 = arith.shrui %xor3A_408, %shift_right_logical3A_414 : vector<16xi32>
    %or3A_416 = arith.ori %shift_left3A_412, %shift_right_logical3A_415 : vector<16xi32>
    %xor3A_417 = arith.xori %or3A_416, %add3A_409 : vector<16xi32>
    %add3A_418 = arith.addi %add3A_409, %xor3A_417 : vector<16xi32>
    %shift_left3A_419 = arith.constant 24 : i32
    %shift_left3A_420 = vector.broadcast %shift_left3A_419 : i32 to vector<16xi32>
    %shift_left3A_421 = arith.shli %xor3A_417, %shift_left3A_420 : vector<16xi32>
    %shift_right_logical3A_422 = arith.constant 8 : i32
    %shift_right_logical3A_423 = vector.broadcast %shift_right_logical3A_422 : i32 to vector<16xi32>
    %shift_right_logical3A_424 = arith.shrui %xor3A_417, %shift_right_logical3A_423 : vector<16xi32>
    %or3A_425 = arith.ori %shift_left3A_421, %shift_right_logical3A_424 : vector<16xi32>
    %xor3A_426 = arith.xori %or3A_425, %add3A_418 : vector<16xi32>
    %add3A_427 = vector.broadcast %squeeze3A_9 : i32 to vector<16xi32>
    %add3A_428 = arith.addi %add3A_418, %add3A_427 : vector<16xi32>
    %add3A_429 = vector.broadcast %xor3A_257 : i32 to vector<16xi32>
    %add3A_430 = arith.addi %xor3A_426, %add3A_429 : vector<16xi32>
    %add3A_431 = arith.constant 4 : i32
    %add3A_432 = vector.broadcast %add3A_431 : i32 to vector<16xi32>
    %add3A_433 = arith.addi %add3A_430, %add3A_432 : vector<16xi32>
    %add3A_434 = arith.addi %add3A_428, %add3A_433 : vector<16xi32>
    %shift_left3A_435 = arith.constant 13 : i32
    %shift_left3A_436 = vector.broadcast %shift_left3A_435 : i32 to vector<16xi32>
    %shift_left3A_437 = arith.shli %add3A_433, %shift_left3A_436 : vector<16xi32>
    %shift_right_logical3A_438 = arith.constant 19 : i32
    %shift_right_logical3A_439 = vector.broadcast %shift_right_logical3A_438 : i32 to vector<16xi32>
    %shift_right_logical3A_440 = arith.shrui %add3A_433, %shift_right_logical3A_439 : vector<16xi32>
    %or3A_441 = arith.ori %shift_left3A_437, %shift_right_logical3A_440 : vector<16xi32>
    %xor3A_442 = arith.xori %or3A_441, %add3A_434 : vector<16xi32>
    %add3A_443 = arith.addi %add3A_434, %xor3A_442 : vector<16xi32>
    %shift_left3A_444 = arith.constant 15 : i32
    %shift_left3A_445 = vector.broadcast %shift_left3A_444 : i32 to vector<16xi32>
    %shift_left3A_446 = arith.shli %xor3A_442, %shift_left3A_445 : vector<16xi32>
    %shift_right_logical3A_447 = arith.constant 17 : i32
    %shift_right_logical3A_448 = vector.broadcast %shift_right_logical3A_447 : i32 to vector<16xi32>
    %shift_right_logical3A_449 = arith.shrui %xor3A_442, %shift_right_logical3A_448 : vector<16xi32>
    %or3A_450 = arith.ori %shift_left3A_446, %shift_right_logical3A_449 : vector<16xi32>
    %xor3A_451 = arith.xori %or3A_450, %add3A_443 : vector<16xi32>
    %add3A_452 = arith.addi %add3A_443, %xor3A_451 : vector<16xi32>
    %shift_left3A_453 = arith.constant 26 : i32
    %shift_left3A_454 = vector.broadcast %shift_left3A_453 : i32 to vector<16xi32>
    %shift_left3A_455 = arith.shli %xor3A_451, %shift_left3A_454 : vector<16xi32>
    %shift_right_logical3A_456 = arith.constant 6 : i32
    %shift_right_logical3A_457 = vector.broadcast %shift_right_logical3A_456 : i32 to vector<16xi32>
    %shift_right_logical3A_458 = arith.shrui %xor3A_451, %shift_right_logical3A_457 : vector<16xi32>
    %or3A_459 = arith.ori %shift_left3A_455, %shift_right_logical3A_458 : vector<16xi32>
    %xor3A_460 = arith.xori %or3A_459, %add3A_452 : vector<16xi32>
    %add3A_461 = arith.addi %add3A_452, %xor3A_460 : vector<16xi32>
    %shift_left3A_462 = arith.constant 6 : i32
    %shift_left3A_463 = vector.broadcast %shift_left3A_462 : i32 to vector<16xi32>
    %shift_left3A_464 = arith.shli %xor3A_460, %shift_left3A_463 : vector<16xi32>
    %shift_right_logical3A_465 = arith.constant 26 : i32
    %shift_right_logical3A_466 = vector.broadcast %shift_right_logical3A_465 : i32 to vector<16xi32>
    %shift_right_logical3A_467 = arith.shrui %xor3A_460, %shift_right_logical3A_466 : vector<16xi32>
    %or3A_468 = arith.ori %shift_left3A_464, %shift_right_logical3A_467 : vector<16xi32>
    %xor3A_469 = arith.xori %or3A_468, %add3A_461 : vector<16xi32>
    %add3A_470 = vector.broadcast %xor3A_257 : i32 to vector<16xi32>
    %add3A_471 = arith.addi %add3A_461, %add3A_470 : vector<16xi32>
    %add3A_472 = vector.broadcast %squeeze3A : i32 to vector<16xi32>
    %add3A_473 = arith.addi %xor3A_469, %add3A_472 : vector<16xi32>
    %add3A_474 = arith.constant 5 : i32
    %add3A_475 = vector.broadcast %add3A_474 : i32 to vector<16xi32>
    %add3A_476 = arith.addi %add3A_473, %add3A_475 : vector<16xi32>
    %xor3A_477 = arith.xori %add3A_471, %add3A_476 : vector<16xi32>
    %shift_right_logical3A_478 = arith.constant 9 : i32
    %shift_right_logical3A_479 = vector.broadcast %shift_right_logical3A_478 : i32 to vector<16xi32>
    %shift_right_logical3A_480 = arith.shrui %xor3A_477, %shift_right_logical3A_479 : vector<16xi32>
    %or3A_481 = arith.constant 1065353216 : i32
    %or3A_482 = vector.broadcast %or3A_481 : i32 to vector<16xi32>
    %or3A_483 = arith.ori %shift_right_logical3A_480, %or3A_482 : vector<16xi32>
    %bitcast_convert_type3A_484 = tpu.bitcast %or3A_483 : vector<16xi32> -> vector<16xf32>
    %sub3A_485 = arith.constant 1.000000e+00 : f32
    %sub3A_486 = vector.broadcast %sub3A_485 : f32 to vector<16xf32>
    %sub3A_487 = arith.subf %bitcast_convert_type3A_484, %sub3A_486 : vector<16xf32>
    %mul3A_488 = arith.constant 0x49FF8000 : f32
    %mul3A_489 = vector.broadcast %mul3A_488 : f32 to vector<16xf32>
    %mul3A_490 = arith.mulf %sub3A_487, %mul3A_489 : vector<16xf32>
    %max3A_491 = arith.constant 0.000000e+00 : f32
    %max3A_492 = vector.broadcast %max3A_491 : f32 to vector<16xf32>
    %max3A_493 = arith.maximumf %max3A_492, %mul3A_490 : vector<16xf32>
    %convert_element_type3A_494 = arith.fptosi %max3A_493 : vector<16xf32> to vector<16xi32>
    %swap3A_495 = arith.constant 16 : index
    %swap3A_496 = tpu.vector_load %arg6[%swap3A_495] {strides = array<i32>} : memref<48xi32, #tpu.memory_space<vmem>>, vector<16xi32>,
    %swap3A_497 = vector.shape_cast %swap3A_496 : vector<16xi32> to vector<16xi32>
    %swap3A_498 = vector.shape_cast %convert_element_type3A_494 : vector<16xi32> to vector<16xi32>
    tpu.vector_store %arg6[%swap3A_495], %swap3A_498 {strides = array<i32>} : memref<48xi32, #tpu.memory_space<vmem>>, vector<16xi32>,
    %get3A_499 = arith.constant 0 : index
    %get3A_500 = tpu.vector_load %arg6[%get3A_499] {strides = array<i32>} : memref<48xi32, #tpu.memory_space<vmem>>, vector<16xi32>,
    %get3A_501 = vector.shape_cast %get3A_500 : vector<16xi32> to vector<16xi32>
    %slice3A_502 = vector.extract_strided_slice %get3A_501 {offsets = [0], sizes = [1], strides = [1]} : vector<16xi32> to vector<1xi32>
    %squeeze3A_503 = vector.extract %slice3A_502[0] : i32 from vector<1xi32>
    %jit3A = arith.constant 8 : i32
    %div3A = arith.divsi %squeeze3A_503, %jit3A : i32
    %sign3A = arith.constant 0 : i32
    %sign3A_504 = arith.cmpi sgt, %squeeze3A_503, %sign3A : i32
    %sign3A_505 = arith.extui %sign3A_504 : i1 to i32
    %sign3A_506 = arith.constant 0 : i32
    %sign3A_507 = arith.cmpi slt, %squeeze3A_503, %sign3A_506 : i32
    %sign3A_508 = arith.extui %sign3A_507 : i1 to i32
    %sign3A_509 = arith.subi %sign3A_505, %sign3A_508 : i32
    %sign3A_510 = arith.constant 0 : i32
    %sign3A_511 = arith.cmpi sgt, %jit3A, %sign3A_510 : i32
    %sign3A_512 = arith.extui %sign3A_511 : i1 to i32
    %sign3A_513 = arith.constant 0 : i32
    %sign3A_514 = arith.cmpi slt, %jit3A, %sign3A_513 : i32
    %sign3A_515 = arith.extui %sign3A_514 : i1 to i32
    %sign3A_516 = arith.subi %sign3A_512, %sign3A_515 : i32
    %ne3A = arith.cmpi ne, %sign3A_509, %sign3A_516 : i32
    %rem3A = arith.remsi %squeeze3A_503, %jit3A : i32
    %ne3A_517 = arith.constant 0 : i32
    %ne3A_518 = arith.cmpi ne, %rem3A, %ne3A_517 : i32
    %and3A = arith.andi %ne3A, %ne3A_518 : i1
    %sub3A_519 = arith.constant 1 : i32
    %sub3A_520 = arith.subi %div3A, %sub3A_519 : i32
    %select_n3A = arith.select %and3A, %sub3A_520, %div3A : i32
    %mul3A_521 = arith.constant 8 : i32
    %mul3A_522 = arith.muli %select_n3A, %mul3A_521 : i32
    %multiple_of3A = tpu.assume_multiple %mul3A_522, 8 : i32
    %sub3A_523 = arith.subi %squeeze3A_503, %multiple_of3A : i32
    %dma_start3A = tpu.memref_slice %arg2[%multiple_of3A] : memref<2097152xf32, #tpu.memory_space<hbm>> -> memref<4104xf32, #tpu.memory_space<hbm>>
    %dma_start3A_524 = tpu.memref_slice %arg2[%multiple_of3A] : memref<2097152xf32, #tpu.memory_space<hbm>> -> memref<4104xf32, #tpu.memory_space<hbm>>
    tpu.enqueue_dma source(%dma_start3A_524 : memref<4104xf32, #tpu.memory_space<hbm>>) target(%arg7 : memref<4104xf32, #tpu.memory_space<vmem>>) target_semaphore(%arg23 : memref<!tpu.dma_semaphore, #tpu.memory_space<semaphore_mem>>)
    %get3A_525 = arith.constant 1 : index
    %get3A_526 = tpu.vector_load %arg6[%get3A_525] {strides = array<i32>} : memref<48xi32, #tpu.memory_space<vmem>>, vector<16xi32>,
    %get3A_527 = vector.shape_cast %get3A_526 : vector<16xi32> to vector<16xi32>
    %slice3A_528 = vector.extract_strided_slice %get3A_527 {offsets = [0], sizes = [1], strides = [1]} : vector<16xi32> to vector<1xi32>
    %squeeze3A_529 = vector.extract %slice3A_528[0] : i32 from vector<1xi32>
    %jit3A_530 = arith.constant 8 : i32
    %div3A_531 = arith.divsi %squeeze3A_529, %jit3A_530 : i32
    %sign3A_532 = arith.constant 0 : i32
    %sign3A_533 = arith.cmpi sgt, %squeeze3A_529, %sign3A_532 : i32
    %sign3A_534 = arith.extui %sign3A_533 : i1 to i32
    %sign3A_535 = arith.constant 0 : i32
    %sign3A_536 = arith.cmpi slt, %squeeze3A_529, %sign3A_535 : i32
    %sign3A_537 = arith.extui %sign3A_536 : i1 to i32
    %sign3A_538 = arith.subi %sign3A_534, %sign3A_537 : i32
    %sign3A_539 = arith.constant 0 : i32
    %sign3A_540 = arith.cmpi sgt, %jit3A_530, %sign3A_539 : i32
    %sign3A_541 = arith.extui %sign3A_540 : i1 to i32
    %sign3A_542 = arith.constant 0 : i32
    %sign3A_543 = arith.cmpi slt, %jit3A_530, %sign3A_542 : i32
    %sign3A_544 = arith.extui %sign3A_543 : i1 to i32
    %sign3A_545 = arith.subi %sign3A_541, %sign3A_544 : i32
    %ne3A_546 = arith.cmpi ne, %sign3A_538, %sign3A_545 : i32
    %rem3A_547 = arith.remsi %squeeze3A_529, %jit3A_530 : i32
    %ne3A_548 = arith.constant 0 : i32
    %ne3A_549 = arith.cmpi ne, %rem3A_547, %ne3A_548 : i32
    %and3A_550 = arith.andi %ne3A_546, %ne3A_549 : i1
    %sub3A_551 = arith.constant 1 : i32
    %sub3A_552 = arith.subi %div3A_531, %sub3A_551 : i32
    %select_n3A_553 = arith.select %and3A_550, %sub3A_552, %div3A_531 : i32
    %mul3A_554 = arith.constant 8 : i32
    %mul3A_555 = arith.muli %select_n3A_553, %mul3A_554 : i32
    %multiple_of3A_556 = tpu.assume_multiple %mul3A_555, 8 : i32
    %sub3A_557 = arith.subi %squeeze3A_529, %multiple_of3A_556 : i32
    %dma_start3A_558 = tpu.memref_slice %arg2[%multiple_of3A_556] : memref<2097152xf32, #tpu.memory_space<hbm>> -> memref<4104xf32, #tpu.memory_space<hbm>>
    %dma_start3A_559 = tpu.memref_slice %arg2[%multiple_of3A_556] : memref<2097152xf32, #tpu.memory_space<hbm>> -> memref<4104xf32, #tpu.memory_space<hbm>>
    tpu.enqueue_dma source(%dma_start3A_559 : memref<4104xf32, #tpu.memory_space<hbm>>) target(%arg8 : memref<4104xf32, #tpu.memory_space<vmem>>) target_semaphore(%arg23 : memref<!tpu.dma_semaphore, #tpu.memory_space<semaphore_mem>>)
    %get3A_560 = arith.constant 2 : index
    %get3A_561 = tpu.vector_load %arg6[%get3A_560] {strides = array<i32>} : memref<48xi32, #tpu.memory_space<vmem>>, vector<16xi32>,
    %get3A_562 = vector.shape_cast %get3A_561 : vector<16xi32> to vector<16xi32>
    %slice3A_563 = vector.extract_strided_slice %get3A_562 {offsets = [0], sizes = [1], strides = [1]} : vector<16xi32> to vector<1xi32>
    %squeeze3A_564 = vector.extract %slice3A_563[0] : i32 from vector<1xi32>
    %jit3A_565 = arith.constant 8 : i32
    %div3A_566 = arith.divsi %squeeze3A_564, %jit3A_565 : i32
    %sign3A_567 = arith.constant 0 : i32
    %sign3A_568 = arith.cmpi sgt, %squeeze3A_564, %sign3A_567 : i32
    %sign3A_569 = arith.extui %sign3A_568 : i1 to i32
    %sign3A_570 = arith.constant 0 : i32
    %sign3A_571 = arith.cmpi slt, %squeeze3A_564, %sign3A_570 : i32
    %sign3A_572 = arith.extui %sign3A_571 : i1 to i32
    %sign3A_573 = arith.subi %sign3A_569, %sign3A_572 : i32
    %sign3A_574 = arith.constant 0 : i32
    %sign3A_575 = arith.cmpi sgt, %jit3A_565, %sign3A_574 : i32
    %sign3A_576 = arith.extui %sign3A_575 : i1 to i32
    %sign3A_577 = arith.constant 0 : i32
    %sign3A_578 = arith.cmpi slt, %jit3A_565, %sign3A_577 : i32
    %sign3A_579 = arith.extui %sign3A_578 : i1 to i32
    %sign3A_580 = arith.subi %sign3A_576, %sign3A_579 : i32
    %ne3A_581 = arith.cmpi ne, %sign3A_573, %sign3A_580 : i32
    %rem3A_582 = arith.remsi %squeeze3A_564, %jit3A_565 : i32
    %ne3A_583 = arith.constant 0 : i32
    %ne3A_584 = arith.cmpi ne, %rem3A_582, %ne3A_583 : i32
    %and3A_585 = arith.andi %ne3A_581, %ne3A_584 : i1
    %sub3A_586 = arith.constant 1 : i32
    %sub3A_587 = arith.subi %div3A_566, %sub3A_586 : i32
    %select_n3A_588 = arith.select %and3A_585, %sub3A_587, %div3A_566 : i32
    %mul3A_589 = arith.constant 8 : i32
    %mul3A_590 = arith.muli %select_n3A_588, %mul3A_589 : i32
    %multiple_of3A_591 = tpu.assume_multiple %mul3A_590, 8 : i32
    %sub3A_592 = arith.subi %squeeze3A_564, %multiple_of3A_591 : i32
    %dma_start3A_593 = tpu.memref_slice %arg2[%multiple_of3A_591] : memref<2097152xf32, #tpu.memory_space<hbm>> -> memref<4104xf32, #tpu.memory_space<hbm>>
    %dma_start3A_594 = tpu.memref_slice %arg2[%multiple_of3A_591] : memref<2097152xf32, #tpu.memory_space<hbm>> -> memref<4104xf32, #tpu.memory_space<hbm>>
    tpu.enqueue_dma source(%dma_start3A_594 : memref<4104xf32, #tpu.memory_space<hbm>>) target(%arg9 : memref<4104xf32, #tpu.memory_space<vmem>>) target_semaphore(%arg23 : memref<!tpu.dma_semaphore, #tpu.memory_space<semaphore_mem>>)
    %get3A_595 = arith.constant 3 : index
    %get3A_596 = tpu.vector_load %arg6[%get3A_595] {strides = array<i32>} : memref<48xi32, #tpu.memory_space<vmem>>, vector<16xi32>,
    %get3A_597 = vector.shape_cast %get3A_596 : vector<16xi32> to vector<16xi32>
    %slice3A_598 = vector.extract_strided_slice %get3A_597 {offsets = [0], sizes = [1], strides = [1]} : vector<16xi32> to vector<1xi32>
    %squeeze3A_599 = vector.extract %slice3A_598[0] : i32 from vector<1xi32>
    %jit3A_600 = arith.constant 8 : i32
    %div3A_601 = arith.divsi %squeeze3A_599, %jit3A_600 : i32
    %sign3A_602 = arith.constant 0 : i32
    %sign3A_603 = arith.cmpi sgt, %squeeze3A_599, %sign3A_602 : i32
    %sign3A_604 = arith.extui %sign3A_603 : i1 to i32
    %sign3A_605 = arith.constant 0 : i32
    %sign3A_606 = arith.cmpi slt, %squeeze3A_599, %sign3A_605 : i32
    %sign3A_607 = arith.extui %sign3A_606 : i1 to i32
    %sign3A_608 = arith.subi %sign3A_604, %sign3A_607 : i32
    %sign3A_609 = arith.constant 0 : i32
    %sign3A_610 = arith.cmpi sgt, %jit3A_600, %sign3A_609 : i32
    %sign3A_611 = arith.extui %sign3A_610 : i1 to i32
    %sign3A_612 = arith.constant 0 : i32
    %sign3A_613 = arith.cmpi slt, %jit3A_600, %sign3A_612 : i32
    %sign3A_614 = arith.extui %sign3A_613 : i1 to i32
    %sign3A_615 = arith.subi %sign3A_611, %sign3A_614 : i32
    %ne3A_616 = arith.cmpi ne, %sign3A_608, %sign3A_615 : i32
    %rem3A_617 = arith.remsi %squeeze3A_599, %jit3A_600 : i32
    %ne3A_618 = arith.constant 0 : i32
    %ne3A_619 = arith.cmpi ne, %rem3A_617, %ne3A_618 : i32
    %and3A_620 = arith.andi %ne3A_616, %ne3A_619 : i1
    %sub3A_621 = arith.constant 1 : i32
    %sub3A_622 = arith.subi %div3A_601, %sub3A_621 : i32
    %select_n3A_623 = arith.select %and3A_620, %sub3A_622, %div3A_601 : i32
    %mul3A_624 = arith.constant 8 : i32
    %mul3A_625 = arith.muli %select_n3A_623, %mul3A_624 : i32
    %multiple_of3A_626 = tpu.assume_multiple %mul3A_625, 8 : i32
    %sub3A_627 = arith.subi %squeeze3A_599, %multiple_of3A_626 : i32
    %dma_start3A_628 = tpu.memref_slice %arg2[%multiple_of3A_626] : memref<2097152xf32, #tpu.memory_space<hbm>> -> memref<4104xf32, #tpu.memory_space<hbm>>
    %dma_start3A_629 = tpu.memref_slice %arg2[%multiple_of3A_626] : memref<2097152xf32, #tpu.memory_space<hbm>> -> memref<4104xf32, #tpu.memory_space<hbm>>
    tpu.enqueue_dma source(%dma_start3A_629 : memref<4104xf32, #tpu.memory_space<hbm>>) target(%arg10 : memref<4104xf32, #tpu.memory_space<vmem>>) target_semaphore(%arg23 : memref<!tpu.dma_semaphore, #tpu.memory_space<semaphore_mem>>)
    %get3A_630 = arith.constant 4 : index
    %get3A_631 = tpu.vector_load %arg6[%get3A_630] {strides = array<i32>} : memref<48xi32, #tpu.memory_space<vmem>>, vector<16xi32>,
    %get3A_632 = vector.shape_cast %get3A_631 : vector<16xi32> to vector<16xi32>
    %slice3A_633 = vector.extract_strided_slice %get3A_632 {offsets = [0], sizes = [1], strides = [1]} : vector<16xi32> to vector<1xi32>
    %squeeze3A_634 = vector.extract %slice3A_633[0] : i32 from vector<1xi32>
    %jit3A_635 = arith.constant 8 : i32
    %div3A_636 = arith.divsi %squeeze3A_634, %jit3A_635 : i32
    %sign3A_637 = arith.constant 0 : i32
    %sign3A_638 = arith.cmpi sgt, %squeeze3A_634, %sign3A_637 : i32
    %sign3A_639 = arith.extui %sign3A_638 : i1 to i32
    %sign3A_640 = arith.constant 0 : i32
    %sign3A_641 = arith.cmpi slt, %squeeze3A_634, %sign3A_640 : i32
    %sign3A_642 = arith.extui %sign3A_641 : i1 to i32
    %sign3A_643 = arith.subi %sign3A_639, %sign3A_642 : i32
    %sign3A_644 = arith.constant 0 : i32
    %sign3A_645 = arith.cmpi sgt, %jit3A_635, %sign3A_644 : i32
    %sign3A_646 = arith.extui %sign3A_645 : i1 to i32
    %sign3A_647 = arith.constant 0 : i32
    %sign3A_648 = arith.cmpi slt, %jit3A_635, %sign3A_647 : i32
    %sign3A_649 = arith.extui %sign3A_648 : i1 to i32
    %sign3A_650 = arith.subi %sign3A_646, %sign3A_649 : i32
    %ne3A_651 = arith.cmpi ne, %sign3A_643, %sign3A_650 : i32
    %rem3A_652 = arith.remsi %squeeze3A_634, %jit3A_635 : i32
    %ne3A_653 = arith.constant 0 : i32
    %ne3A_654 = arith.cmpi ne, %rem3A_652, %ne3A_653 : i32
    %and3A_655 = arith.andi %ne3A_651, %ne3A_654 : i1
    %sub3A_656 = arith.constant 1 : i32
    %sub3A_657 = arith.subi %div3A_636, %sub3A_656 : i32
    %select_n3A_658 = arith.select %and3A_655, %sub3A_657, %div3A_636 : i32
    %mul3A_659 = arith.constant 8 : i32
    %mul3A_660 = arith.muli %select_n3A_658, %mul3A_659 : i32
    %multiple_of3A_661 = tpu.assume_multiple %mul3A_660, 8 : i32
    %sub3A_662 = arith.subi %squeeze3A_634, %multiple_of3A_661 : i32
    %dma_start3A_663 = tpu.memref_slice %arg2[%multiple_of3A_661] : memref<2097152xf32, #tpu.memory_space<hbm>> -> memref<4104xf32, #tpu.memory_space<hbm>>
    %dma_start3A_664 = tpu.memref_slice %arg2[%multiple_of3A_661] : memref<2097152xf32, #tpu.memory_space<hbm>> -> memref<4104xf32, #tpu.memory_space<hbm>>
    tpu.enqueue_dma source(%dma_start3A_664 : memref<4104xf32, #tpu.memory_space<hbm>>) target(%arg11 : memref<4104xf32, #tpu.memory_space<vmem>>) target_semaphore(%arg24 : memref<!tpu.dma_semaphore, #tpu.memory_space<semaphore_mem>>)
    %get3A_665 = arith.constant 5 : index
    %get3A_666 = tpu.vector_load %arg6[%get3A_665] {strides = array<i32>} : memref<48xi32, #tpu.memory_space<vmem>>, vector<16xi32>,
    %get3A_667 = vector.shape_cast %get3A_666 : vector<16xi32> to vector<16xi32>
    %slice3A_668 = vector.extract_strided_slice %get3A_667 {offsets = [0], sizes = [1], strides = [1]} : vector<16xi32> to vector<1xi32>
    %squeeze3A_669 = vector.extract %slice3A_668[0] : i32 from vector<1xi32>
    %jit3A_670 = arith.constant 8 : i32
    %div3A_671 = arith.divsi %squeeze3A_669, %jit3A_670 : i32
    %sign3A_672 = arith.constant 0 : i32
    %sign3A_673 = arith.cmpi sgt, %squeeze3A_669, %sign3A_672 : i32
    %sign3A_674 = arith.extui %sign3A_673 : i1 to i32
    %sign3A_675 = arith.constant 0 : i32
    %sign3A_676 = arith.cmpi slt, %squeeze3A_669, %sign3A_675 : i32
    %sign3A_677 = arith.extui %sign3A_676 : i1 to i32
    %sign3A_678 = arith.subi %sign3A_674, %sign3A_677 : i32
    %sign3A_679 = arith.constant 0 : i32
    %sign3A_680 = arith.cmpi sgt, %jit3A_670, %sign3A_679 : i32
    %sign3A_681 = arith.extui %sign3A_680 : i1 to i32
    %sign3A_682 = arith.constant 0 : i32
    %sign3A_683 = arith.cmpi slt, %jit3A_670, %sign3A_682 : i32
    %sign3A_684 = arith.extui %sign3A_683 : i1 to i32
    %sign3A_685 = arith.subi %sign3A_681, %sign3A_684 : i32
    %ne3A_686 = arith.cmpi ne, %sign3A_678, %sign3A_685 : i32
    %rem3A_687 = arith.remsi %squeeze3A_669, %jit3A_670 : i32
    %ne3A_688 = arith.constant 0 : i32
    %ne3A_689 = arith.cmpi ne, %rem3A_687, %ne3A_688 : i32
    %and3A_690 = arith.andi %ne3A_686, %ne3A_689 : i1
    %sub3A_691 = arith.constant 1 : i32
    %sub3A_692 = arith.subi %div3A_671, %sub3A_691 : i32
    %select_n3A_693 = arith.select %and3A_690, %sub3A_692, %div3A_671 : i32
    %mul3A_694 = arith.constant 8 : i32
    %mul3A_695 = arith.muli %select_n3A_693, %mul3A_694 : i32
    %multiple_of3A_696 = tpu.assume_multiple %mul3A_695, 8 : i32
    %sub3A_697 = arith.subi %squeeze3A_669, %multiple_of3A_696 : i32
    %dma_start3A_698 = tpu.memref_slice %arg2[%multiple_of3A_696] : memref<2097152xf32, #tpu.memory_space<hbm>> -> memref<4104xf32, #tpu.memory_space<hbm>>
    %dma_start3A_699 = tpu.memref_slice %arg2[%multiple_of3A_696] : memref<2097152xf32, #tpu.memory_space<hbm>> -> memref<4104xf32, #tpu.memory_space<hbm>>
    tpu.enqueue_dma source(%dma_start3A_699 : memref<4104xf32, #tpu.memory_space<hbm>>) target(%arg12 : memref<4104xf32, #tpu.memory_space<vmem>>) target_semaphore(%arg24 : memref<!tpu.dma_semaphore, #tpu.memory_space<semaphore_mem>>)
    %get3A_700 = arith.constant 6 : index
    %get3A_701 = tpu.vector_load %arg6[%get3A_700] {strides = array<i32>} : memref<48xi32, #tpu.memory_space<vmem>>, vector<16xi32>,
    %get3A_702 = vector.shape_cast %get3A_701 : vector<16xi32> to vector<16xi32>
    %slice3A_703 = vector.extract_strided_slice %get3A_702 {offsets = [0], sizes = [1], strides = [1]} : vector<16xi32> to vector<1xi32>
    %squeeze3A_704 = vector.extract %slice3A_703[0] : i32 from vector<1xi32>
    %jit3A_705 = arith.constant 8 : i32
    %div3A_706 = arith.divsi %squeeze3A_704, %jit3A_705 : i32
    %sign3A_707 = arith.constant 0 : i32
    %sign3A_708 = arith.cmpi sgt, %squeeze3A_704, %sign3A_707 : i32
    %sign3A_709 = arith.extui %sign3A_708 : i1 to i32
    %sign3A_710 = arith.constant 0 : i32
    %sign3A_711 = arith.cmpi slt, %squeeze3A_704, %sign3A_710 : i32
    %sign3A_712 = arith.extui %sign3A_711 : i1 to i32
    %sign3A_713 = arith.subi %sign3A_709, %sign3A_712 : i32
    %sign3A_714 = arith.constant 0 : i32
    %sign3A_715 = arith.cmpi sgt, %jit3A_705, %sign3A_714 : i32
    %sign3A_716 = arith.extui %sign3A_715 : i1 to i32
    %sign3A_717 = arith.constant 0 : i32
    %sign3A_718 = arith.cmpi slt, %jit3A_705, %sign3A_717 : i32
    %sign3A_719 = arith.extui %sign3A_718 : i1 to i32
    %sign3A_720 = arith.subi %sign3A_716, %sign3A_719 : i32
    %ne3A_721 = arith.cmpi ne, %sign3A_713, %sign3A_720 : i32
    %rem3A_722 = arith.remsi %squeeze3A_704, %jit3A_705 : i32
    %ne3A_723 = arith.constant 0 : i32
    %ne3A_724 = arith.cmpi ne, %rem3A_722, %ne3A_723 : i32
    %and3A_725 = arith.andi %ne3A_721, %ne3A_724 : i1
    %sub3A_726 = arith.constant 1 : i32
    %sub3A_727 = arith.subi %div3A_706, %sub3A_726 : i32
    %select_n3A_728 = arith.select %and3A_725, %sub3A_727, %div3A_706 : i32
    %mul3A_729 = arith.constant 8 : i32
    %mul3A_730 = arith.muli %select_n3A_728, %mul3A_729 : i32
    %multiple_of3A_731 = tpu.assume_multiple %mul3A_730, 8 : i32
    %sub3A_732 = arith.subi %squeeze3A_704, %multiple_of3A_731 : i32
    %dma_start3A_733 = tpu.memref_slice %arg2[%multiple_of3A_731] : memref<2097152xf32, #tpu.memory_space<hbm>> -> memref<4104xf32, #tpu.memory_space<hbm>>
    %dma_start3A_734 = tpu.memref_slice %arg2[%multiple_of3A_731] : memref<2097152xf32, #tpu.memory_space<hbm>> -> memref<4104xf32, #tpu.memory_space<hbm>>
    tpu.enqueue_dma source(%dma_start3A_734 : memref<4104xf32, #tpu.memory_space<hbm>>) target(%arg13 : memref<4104xf32, #tpu.memory_space<vmem>>) target_semaphore(%arg24 : memref<!tpu.dma_semaphore, #tpu.memory_space<semaphore_mem>>)
    %get3A_735 = arith.constant 7 : index
    %get3A_736 = tpu.vector_load %arg6[%get3A_735] {strides = array<i32>} : memref<48xi32, #tpu.memory_space<vmem>>, vector<16xi32>,
    %get3A_737 = vector.shape_cast %get3A_736 : vector<16xi32> to vector<16xi32>
    %slice3A_738 = vector.extract_strided_slice %get3A_737 {offsets = [0], sizes = [1], strides = [1]} : vector<16xi32> to vector<1xi32>
    %squeeze3A_739 = vector.extract %slice3A_738[0] : i32 from vector<1xi32>
    %jit3A_740 = arith.constant 8 : i32
    %div3A_741 = arith.divsi %squeeze3A_739, %jit3A_740 : i32
    %sign3A_742 = arith.constant 0 : i32
    %sign3A_743 = arith.cmpi sgt, %squeeze3A_739, %sign3A_742 : i32
    %sign3A_744 = arith.extui %sign3A_743 : i1 to i32
    %sign3A_745 = arith.constant 0 : i32
    %sign3A_746 = arith.cmpi slt, %squeeze3A_739, %sign3A_745 : i32
    %sign3A_747 = arith.extui %sign3A_746 : i1 to i32
    %sign3A_748 = arith.subi %sign3A_744, %sign3A_747 : i32
    %sign3A_749 = arith.constant 0 : i32
    %sign3A_750 = arith.cmpi sgt, %jit3A_740, %sign3A_749 : i32
    %sign3A_751 = arith.extui %sign3A_750 : i1 to i32
    %sign3A_752 = arith.constant 0 : i32
    %sign3A_753 = arith.cmpi slt, %jit3A_740, %sign3A_752 : i32
    %sign3A_754 = arith.extui %sign3A_753 : i1 to i32
    %sign3A_755 = arith.subi %sign3A_751, %sign3A_754 : i32
    %ne3A_756 = arith.cmpi ne, %sign3A_748, %sign3A_755 : i32
    %rem3A_757 = arith.remsi %squeeze3A_739, %jit3A_740 : i32
    %ne3A_758 = arith.constant 0 : i32
    %ne3A_759 = arith.cmpi ne, %rem3A_757, %ne3A_758 : i32
    %and3A_760 = arith.andi %ne3A_756, %ne3A_759 : i1
    %sub3A_761 = arith.constant 1 : i32
    %sub3A_762 = arith.subi %div3A_741, %sub3A_761 : i32
    %select_n3A_763 = arith.select %and3A_760, %sub3A_762, %div3A_741 : i32
    %mul3A_764 = arith.constant 8 : i32
    %mul3A_765 = arith.muli %select_n3A_763, %mul3A_764 : i32
    %multiple_of3A_766 = tpu.assume_multiple %mul3A_765, 8 : i32
    %sub3A_767 = arith.subi %squeeze3A_739, %multiple_of3A_766 : i32
    %dma_start3A_768 = tpu.memref_slice %arg2[%multiple_of3A_766] : memref<2097152xf32, #tpu.memory_space<hbm>> -> memref<4104xf32, #tpu.memory_space<hbm>>
    %dma_start3A_769 = tpu.memref_slice %arg2[%multiple_of3A_766] : memref<2097152xf32, #tpu.memory_space<hbm>> -> memref<4104xf32, #tpu.memory_space<hbm>>
    tpu.enqueue_dma source(%dma_start3A_769 : memref<4104xf32, #tpu.memory_space<hbm>>) target(%arg14 : memref<4104xf32, #tpu.memory_space<vmem>>) target_semaphore(%arg24 : memref<!tpu.dma_semaphore, #tpu.memory_space<semaphore_mem>>)
    %scan3A = arith.constant 0 : i32
    %scan3A_770 = arith.constant 0 : i32
    %scan3A_771 = arith.constant 4 : i32
    %scan3A_772 = arith.addi %scan3A_770, %scan3A_771 : i32
    %scan3A_773 = arith.constant 1 : i32
    scf.for %scan3A_830 = %scan3A_770 to %scan3A_772 step %scan3A_773  : i32 {
      %mul3A_831 = arith.constant 2 : i32
      %mul3A_832 = arith.muli %mul3A_831, %scan3A_830 : i32
      %add3A_833 = arith.constant 0 : i32
      %add3A_834 = arith.addi %mul3A_832, %add3A_833 : i32
      %gt3A = arith.constant 0 : i32
      %gt3A_835 = arith.cmpi sgt, %scan3A_830, %gt3A : i32
      %convert_element_type3A_836 = arith.extui %gt3A_835 : i1 to i32
      %cond3A = arith.constant 0 : i32
      %cond3A_837 = arith.cmpi ne, %convert_element_type3A_836, %cond3A : i32
      scf.if %cond3A_837 {
        %dma_wait3A_1324 = arith.constant 0 : i32
        %dma_wait3A_1325 = arith.constant 0 : i32
        %dma_wait3A_1326 = tpu.memref_slice %arg4[%dma_wait3A_1324, %dma_wait3A_1325] : memref<1024x4096xf32, #tpu.memory_space<hbm>> -> memref<1x4096xf32, #tpu.memory_space<hbm>>
        %dma_wait3A_1327 = tpu.memref_squeeze %dma_wait3A_1326 : memref<1x4096xf32, #tpu.memory_space<hbm>> -> memref<4096xf32, #tpu.memory_space<hbm>>
        %dma_wait3A_1328 = arith.constant 0 : i32
        %dma_wait3A_1329 = tpu.memref_slice %arg4[%dma_wait3A_1324, %dma_wait3A_1328] : memref<1024x4096xf32, #tpu.memory_space<hbm>> -> memref<1x4096xf32, #tpu.memory_space<hbm>>
        %dma_wait3A_1330 = tpu.memref_squeeze %dma_wait3A_1329 : memref<1x4096xf32, #tpu.memory_space<hbm>> -> memref<4096xf32, #tpu.memory_space<hbm>>
        tpu.wait_dma2 semaphore(%arg25 : memref<!tpu.dma_semaphore, #tpu.memory_space<semaphore_mem>>) src(%arg15 : memref<4096xf32, #tpu.memory_space<vmem>>) dst(%dma_wait3A_1330 : memref<4096xf32, #tpu.memory_space<hbm>>)
        %dma_wait3A_1331 = arith.constant 0 : i32
        %dma_wait3A_1332 = arith.constant 0 : i32
        %dma_wait3A_1333 = tpu.memref_slice %arg4[%dma_wait3A_1331, %dma_wait3A_1332] : memref<1024x4096xf32, #tpu.memory_space<hbm>> -> memref<1x4096xf32, #tpu.memory_space<hbm>>
        %dma_wait3A_1334 = tpu.memref_squeeze %dma_wait3A_1333 : memref<1x4096xf32, #tpu.memory_space<hbm>> -> memref<4096xf32, #tpu.memory_space<hbm>>
        %dma_wait3A_1335 = arith.constant 0 : i32
        %dma_wait3A_1336 = tpu.memref_slice %arg4[%dma_wait3A_1331, %dma_wait3A_1335] : memref<1024x4096xf32, #tpu.memory_space<hbm>> -> memref<1x4096xf32, #tpu.memory_space<hbm>>
        %dma_wait3A_1337 = tpu.memref_squeeze %dma_wait3A_1336 : memref<1x4096xf32, #tpu.memory_space<hbm>> -> memref<4096xf32, #tpu.memory_space<hbm>>
        tpu.wait_dma2 semaphore(%arg25 : memref<!tpu.dma_semaphore, #tpu.memory_space<semaphore_mem>>) src(%arg16 : memref<4096xf32, #tpu.memory_space<vmem>>) dst(%dma_wait3A_1337 : memref<4096xf32, #tpu.memory_space<hbm>>)
        %dma_wait3A_1338 = arith.constant 0 : i32
        %dma_wait3A_1339 = arith.constant 0 : i32
        %dma_wait3A_1340 = tpu.memref_slice %arg4[%dma_wait3A_1338, %dma_wait3A_1339] : memref<1024x4096xf32, #tpu.memory_space<hbm>> -> memref<1x4096xf32, #tpu.memory_space<hbm>>
        %dma_wait3A_1341 = tpu.memref_squeeze %dma_wait3A_1340 : memref<1x4096xf32, #tpu.memory_space<hbm>> -> memref<4096xf32, #tpu.memory_space<hbm>>
        %dma_wait3A_1342 = arith.constant 0 : i32
        %dma_wait3A_1343 = tpu.memref_slice %arg4[%dma_wait3A_1338, %dma_wait3A_1342] : memref<1024x4096xf32, #tpu.memory_space<hbm>> -> memref<1x4096xf32, #tpu.memory_space<hbm>>
        %dma_wait3A_1344 = tpu.memref_squeeze %dma_wait3A_1343 : memref<1x4096xf32, #tpu.memory_space<hbm>> -> memref<4096xf32, #tpu.memory_space<hbm>>
        tpu.wait_dma2 semaphore(%arg25 : memref<!tpu.dma_semaphore, #tpu.memory_space<semaphore_mem>>) src(%arg17 : memref<4096xf32, #tpu.memory_space<vmem>>) dst(%dma_wait3A_1344 : memref<4096xf32, #tpu.memory_space<hbm>>)
        %dma_wait3A_1345 = arith.constant 0 : i32
        %dma_wait3A_1346 = arith.constant 0 : i32
        %dma_wait3A_1347 = tpu.memref_slice %arg4[%dma_wait3A_1345, %dma_wait3A_1346] : memref<1024x4096xf32, #tpu.memory_space<hbm>> -> memref<1x4096xf32, #tpu.memory_space<hbm>>
        %dma_wait3A_1348 = tpu.memref_squeeze %dma_wait3A_1347 : memref<1x4096xf32, #tpu.memory_space<hbm>> -> memref<4096xf32, #tpu.memory_space<hbm>>
        %dma_wait3A_1349 = arith.constant 0 : i32
        %dma_wait3A_1350 = tpu.memref_slice %arg4[%dma_wait3A_1345, %dma_wait3A_1349] : memref<1024x4096xf32, #tpu.memory_space<hbm>> -> memref<1x4096xf32, #tpu.memory_space<hbm>>
        %dma_wait3A_1351 = tpu.memref_squeeze %dma_wait3A_1350 : memref<1x4096xf32, #tpu.memory_space<hbm>> -> memref<4096xf32, #tpu.memory_space<hbm>>
        tpu.wait_dma2 semaphore(%arg25 : memref<!tpu.dma_semaphore, #tpu.memory_space<semaphore_mem>>) src(%arg18 : memref<4096xf32, #tpu.memory_space<vmem>>) dst(%dma_wait3A_1351 : memref<4096xf32, #tpu.memory_space<hbm>>)
      } else {
      }
      %dma_wait3A_838 = arith.constant 0 : i32
      %dma_wait3A_839 = tpu.memref_slice %arg2[%dma_wait3A_838] : memref<2097152xf32, #tpu.memory_space<hbm>> -> memref<4104xf32, #tpu.memory_space<hbm>>
      %dma_wait3A_840 = arith.constant 0 : i32
      %dma_wait3A_841 = tpu.memref_slice %arg2[%dma_wait3A_840] : memref<2097152xf32, #tpu.memory_space<hbm>> -> memref<4104xf32, #tpu.memory_space<hbm>>
      tpu.wait_dma2 semaphore(%arg23 : memref<!tpu.dma_semaphore, #tpu.memory_space<semaphore_mem>>) src(%dma_wait3A_841 : memref<4104xf32, #tpu.memory_space<hbm>>) dst(%arg7 : memref<4104xf32, #tpu.memory_space<vmem>>)
      %dma_wait3A_842 = arith.constant 0 : i32
      %dma_wait3A_843 = tpu.memref_slice %arg2[%dma_wait3A_842] : memref<2097152xf32, #tpu.memory_space<hbm>> -> memref<4104xf32, #tpu.memory_space<hbm>>
      %dma_wait3A_844 = arith.constant 0 : i32
      %dma_wait3A_845 = tpu.memref_slice %arg2[%dma_wait3A_844] : memref<2097152xf32, #tpu.memory_space<hbm>> -> memref<4104xf32, #tpu.memory_space<hbm>>
      tpu.wait_dma2 semaphore(%arg23 : memref<!tpu.dma_semaphore, #tpu.memory_space<semaphore_mem>>) src(%dma_wait3A_845 : memref<4104xf32, #tpu.memory_space<hbm>>) dst(%arg8 : memref<4104xf32, #tpu.memory_space<vmem>>)
      %dma_wait3A_846 = arith.constant 0 : i32
      %dma_wait3A_847 = tpu.memref_slice %arg2[%dma_wait3A_846] : memref<2097152xf32, #tpu.memory_space<hbm>> -> memref<4104xf32, #tpu.memory_space<hbm>>
      %dma_wait3A_848 = arith.constant 0 : i32
      %dma_wait3A_849 = tpu.memref_slice %arg2[%dma_wait3A_848] : memref<2097152xf32, #tpu.memory_space<hbm>> -> memref<4104xf32, #tpu.memory_space<hbm>>
      tpu.wait_dma2 semaphore(%arg23 : memref<!tpu.dma_semaphore, #tpu.memory_space<semaphore_mem>>) src(%dma_wait3A_849 : memref<4104xf32, #tpu.memory_space<hbm>>) dst(%arg9 : memref<4104xf32, #tpu.memory_space<vmem>>)
      %dma_wait3A_850 = arith.constant 0 : i32
      %dma_wait3A_851 = tpu.memref_slice %arg2[%dma_wait3A_850] : memref<2097152xf32, #tpu.memory_space<hbm>> -> memref<4104xf32, #tpu.memory_space<hbm>>
      %dma_wait3A_852 = arith.constant 0 : i32
      %dma_wait3A_853 = tpu.memref_slice %arg2[%dma_wait3A_852] : memref<2097152xf32, #tpu.memory_space<hbm>> -> memref<4104xf32, #tpu.memory_space<hbm>>
      tpu.wait_dma2 semaphore(%arg23 : memref<!tpu.dma_semaphore, #tpu.memory_space<semaphore_mem>>) src(%dma_wait3A_853 : memref<4104xf32, #tpu.memory_space<hbm>>) dst(%arg10 : memref<4104xf32, #tpu.memory_space<vmem>>)
      %mul3A_854 = arith.constant 4 : i32
      %mul3A_855 = arith.muli %add3A_834, %mul3A_854 : i32
      %add3A_856 = arith.constant 0 : i32
      %add3A_857 = arith.addi %mul3A_855, %add3A_856 : i32
      %get3A_858 = arith.index_cast %add3A_857 : i32 to index
      %get3A_859 = tpu.vector_load %arg6[%get3A_858] {strides = array<i32>} : memref<48xi32, #tpu.memory_space<vmem>>, vector<16xi32>,
      %get3A_860 = vector.shape_cast %get3A_859 : vector<16xi32> to vector<16xi32>
      %slice3A_861 = vector.extract_strided_slice %get3A_860 {offsets = [0], sizes = [1], strides = [1]} : vector<16xi32> to vector<1xi32>
      %squeeze3A_862 = vector.extract %slice3A_861[0] : i32 from vector<1xi32>
      %jit3A_863 = arith.constant 8 : i32
      %div3A_864 = arith.divsi %squeeze3A_862, %jit3A_863 : i32
      %sign3A_865 = arith.constant 0 : i32
      %sign3A_866 = arith.cmpi sgt, %squeeze3A_862, %sign3A_865 : i32
      %sign3A_867 = arith.extui %sign3A_866 : i1 to i32
      %sign3A_868 = arith.constant 0 : i32
      %sign3A_869 = arith.cmpi slt, %squeeze3A_862, %sign3A_868 : i32
      %sign3A_870 = arith.extui %sign3A_869 : i1 to i32
      %sign3A_871 = arith.subi %sign3A_867, %sign3A_870 : i32
      %sign3A_872 = arith.constant 0 : i32
      %sign3A_873 = arith.cmpi sgt, %jit3A_863, %sign3A_872 : i32
      %sign3A_874 = arith.extui %sign3A_873 : i1 to i32
      %sign3A_875 = arith.constant 0 : i32
      %sign3A_876 = arith.cmpi slt, %jit3A_863, %sign3A_875 : i32
      %sign3A_877 = arith.extui %sign3A_876 : i1 to i32
      %sign3A_878 = arith.subi %sign3A_874, %sign3A_877 : i32
      %ne3A_879 = arith.cmpi ne, %sign3A_871, %sign3A_878 : i32
      %rem3A_880 = arith.remsi %squeeze3A_862, %jit3A_863 : i32
      %ne3A_881 = arith.constant 0 : i32
      %ne3A_882 = arith.cmpi ne, %rem3A_880, %ne3A_881 : i32
      %and3A_883 = arith.andi %ne3A_879, %ne3A_882 : i1
      %sub3A_884 = arith.constant 1 : i32
      %sub3A_885 = arith.subi %div3A_864, %sub3A_884 : i32
      %select_n3A_886 = arith.select %and3A_883, %sub3A_885, %div3A_864 : i32
      %mul3A_887 = arith.constant 8 : i32
      %mul3A_888 = arith.muli %select_n3A_886, %mul3A_887 : i32
      %multiple_of3A_889 = tpu.assume_multiple %mul3A_888, 8 : i32
      %sub3A_890 = arith.subi %squeeze3A_862, %multiple_of3A_889 : i32
      %scan3A_891 = arith.constant 0 : i32
      %scan3A_892 = arith.constant 0 : i32
      %scan3A_893 = arith.constant 16 : i32
      %scan3A_894 = arith.addi %scan3A_892, %scan3A_893 : i32
      %scan3A_895 = arith.constant 1 : i32
      scf.for %scan3A_1324 = %scan3A_892 to %scan3A_894 step %scan3A_895  : i32 {
        %mul3A_1325 = arith.constant 256 : i32
        %mul3A_1326 = arith.muli %scan3A_1324, %mul3A_1325 : i32
        %add3A_1327 = arith.constant 0 : i32
        %add3A_1328 = arith.addi %mul3A_1326, %add3A_1327 : i32
        %add3A_1329 = arith.constant 16 : i32
        %add3A_1330 = arith.addi %mul3A_1326, %add3A_1329 : i32
        %add3A_1331 = arith.constant 32 : i32
        %add3A_1332 = arith.addi %mul3A_1326, %add3A_1331 : i32
        %add3A_1333 = arith.constant 48 : i32
        %add3A_1334 = arith.addi %mul3A_1326, %add3A_1333 : i32
        %add3A_1335 = arith.constant 64 : i32
        %add3A_1336 = arith.addi %mul3A_1326, %add3A_1335 : i32
        %add3A_1337 = arith.constant 80 : i32
        %add3A_1338 = arith.addi %mul3A_1326, %add3A_1337 : i32
        %add3A_1339 = arith.constant 96 : i32
        %add3A_1340 = arith.addi %mul3A_1326, %add3A_1339 : i32
        %add3A_1341 = arith.constant 112 : i32
        %add3A_1342 = arith.addi %mul3A_1326, %add3A_1341 : i32
        %add3A_1343 = arith.constant 128 : i32
        %add3A_1344 = arith.addi %mul3A_1326, %add3A_1343 : i32
        %add3A_1345 = arith.constant 144 : i32
        %add3A_1346 = arith.addi %mul3A_1326, %add3A_1345 : i32
        %add3A_1347 = arith.constant 160 : i32
        %add3A_1348 = arith.addi %mul3A_1326, %add3A_1347 : i32
        %add3A_1349 = arith.constant 176 : i32
        %add3A_1350 = arith.addi %mul3A_1326, %add3A_1349 : i32
        %add3A_1351 = arith.constant 192 : i32
        %add3A_1352 = arith.addi %mul3A_1326, %add3A_1351 : i32
        %add3A_1353 = arith.constant 208 : i32
        %add3A_1354 = arith.addi %mul3A_1326, %add3A_1353 : i32
        %add3A_1355 = arith.constant 224 : i32
        %add3A_1356 = arith.addi %mul3A_1326, %add3A_1355 : i32
        %add3A_1357 = arith.constant 240 : i32
        %add3A_1358 = arith.addi %mul3A_1326, %add3A_1357 : i32
        %add3A_1359 = arith.addi %sub3A_890, %add3A_1328 : i32
        %get3A_1360 = arith.index_cast %add3A_1359 : i32 to index
        %get3A_1361 = tpu.vector_load %arg7[%get3A_1360] {strides = array<i32>} : memref<4104xf32, #tpu.memory_space<vmem>>, vector<16xf32>,
        %get3A_1362 = vector.shape_cast %get3A_1361 : vector<16xf32> to vector<16xf32>
        %add3A_1363 = arith.addi %sub3A_890, %add3A_1330 : i32
        %get3A_1364 = arith.index_cast %add3A_1363 : i32 to index
        %get3A_1365 = tpu.vector_load %arg7[%get3A_1364] {strides = array<i32>} : memref<4104xf32, #tpu.memory_space<vmem>>, vector<16xf32>,
        %get3A_1366 = vector.shape_cast %get3A_1365 : vector<16xf32> to vector<16xf32>
        %add3A_1367 = arith.addi %sub3A_890, %add3A_1332 : i32
        %get3A_1368 = arith.index_cast %add3A_1367 : i32 to index
        %get3A_1369 = tpu.vector_load %arg7[%get3A_1368] {strides = array<i32>} : memref<4104xf32, #tpu.memory_space<vmem>>, vector<16xf32>,
        %get3A_1370 = vector.shape_cast %get3A_1369 : vector<16xf32> to vector<16xf32>
        %add3A_1371 = arith.addi %sub3A_890, %add3A_1334 : i32
        %get3A_1372 = arith.index_cast %add3A_1371 : i32 to index
        %get3A_1373 = tpu.vector_load %arg7[%get3A_1372] {strides = array<i32>} : memref<4104xf32, #tpu.memory_space<vmem>>, vector<16xf32>,
        %get3A_1374 = vector.shape_cast %get3A_1373 : vector<16xf32> to vector<16xf32>
        %add3A_1375 = arith.addi %sub3A_890, %add3A_1336 : i32
        %get3A_1376 = arith.index_cast %add3A_1375 : i32 to index
        %get3A_1377 = tpu.vector_load %arg7[%get3A_1376] {strides = array<i32>} : memref<4104xf32, #tpu.memory_space<vmem>>, vector<16xf32>,
        %get3A_1378 = vector.shape_cast %get3A_1377 : vector<16xf32> to vector<16xf32>
        %add3A_1379 = arith.addi %sub3A_890, %add3A_1338 : i32
        %get3A_1380 = arith.index_cast %add3A_1379 : i32 to index
        %get3A_1381 = tpu.vector_load %arg7[%get3A_1380] {strides = array<i32>} : memref<4104xf32, #tpu.memory_space<vmem>>, vector<16xf32>,
        %get3A_1382 = vector.shape_cast %get3A_1381 : vector<16xf32> to vector<16xf32>
        %add3A_1383 = arith.addi %sub3A_890, %add3A_1340 : i32
        %get3A_1384 = arith.index_cast %add3A_1383 : i32 to index
        %get3A_1385 = tpu.vector_load %arg7[%get3A_1384] {strides = array<i32>} : memref<4104xf32, #tpu.memory_space<vmem>>, vector<16xf32>,
        %get3A_1386 = vector.shape_cast %get3A_1385 : vector<16xf32> to vector<16xf32>
        %add3A_1387 = arith.addi %sub3A_890, %add3A_1342 : i32
        %get3A_1388 = arith.index_cast %add3A_1387 : i32 to index
        %get3A_1389 = tpu.vector_load %arg7[%get3A_1388] {strides = array<i32>} : memref<4104xf32, #tpu.memory_space<vmem>>, vector<16xf32>,
        %get3A_1390 = vector.shape_cast %get3A_1389 : vector<16xf32> to vector<16xf32>
        %add3A_1391 = arith.addi %sub3A_890, %add3A_1344 : i32
        %get3A_1392 = arith.index_cast %add3A_1391 : i32 to index
        %get3A_1393 = tpu.vector_load %arg7[%get3A_1392] {strides = array<i32>} : memref<4104xf32, #tpu.memory_space<vmem>>, vector<16xf32>,
        %get3A_1394 = vector.shape_cast %get3A_1393 : vector<16xf32> to vector<16xf32>
        %add3A_1395 = arith.addi %sub3A_890, %add3A_1346 : i32
        %get3A_1396 = arith.index_cast %add3A_1395 : i32 to index
        %get3A_1397 = tpu.vector_load %arg7[%get3A_1396] {strides = array<i32>} : memref<4104xf32, #tpu.memory_space<vmem>>, vector<16xf32>,
        %get3A_1398 = vector.shape_cast %get3A_1397 : vector<16xf32> to vector<16xf32>
        %add3A_1399 = arith.addi %sub3A_890, %add3A_1348 : i32
        %get3A_1400 = arith.index_cast %add3A_1399 : i32 to index
        %get3A_1401 = tpu.vector_load %arg7[%get3A_1400] {strides = array<i32>} : memref<4104xf32, #tpu.memory_space<vmem>>, vector<16xf32>,
        %get3A_1402 = vector.shape_cast %get3A_1401 : vector<16xf32> to vector<16xf32>
        %add3A_1403 = arith.addi %sub3A_890, %add3A_1350 : i32
        %get3A_1404 = arith.index_cast %add3A_1403 : i32 to index
        %get3A_1405 = tpu.vector_load %arg7[%get3A_1404] {strides = array<i32>} : memref<4104xf32, #tpu.memory_space<vmem>>, vector<16xf32>,
        %get3A_1406 = vector.shape_cast %get3A_1405 : vector<16xf32> to vector<16xf32>
        %add3A_1407 = arith.addi %sub3A_890, %add3A_1352 : i32
        %get3A_1408 = arith.index_cast %add3A_1407 : i32 to index
        %get3A_1409 = tpu.vector_load %arg7[%get3A_1408] {strides = array<i32>} : memref<4104xf32, #tpu.memory_space<vmem>>, vector<16xf32>,
        %get3A_1410 = vector.shape_cast %get3A_1409 : vector<16xf32> to vector<16xf32>
        %add3A_1411 = arith.addi %sub3A_890, %add3A_1354 : i32
        %get3A_1412 = arith.index_cast %add3A_1411 : i32 to index
        %get3A_1413 = tpu.vector_load %arg7[%get3A_1412] {strides = array<i32>} : memref<4104xf32, #tpu.memory_space<vmem>>, vector<16xf32>,
        %get3A_1414 = vector.shape_cast %get3A_1413 : vector<16xf32> to vector<16xf32>
        %add3A_1415 = arith.addi %sub3A_890, %add3A_1356 : i32
        %get3A_1416 = arith.index_cast %add3A_1415 : i32 to index
        %get3A_1417 = tpu.vector_load %arg7[%get3A_1416] {strides = array<i32>} : memref<4104xf32, #tpu.memory_space<vmem>>, vector<16xf32>,
        %get3A_1418 = vector.shape_cast %get3A_1417 : vector<16xf32> to vector<16xf32>
        %add3A_1419 = arith.addi %sub3A_890, %add3A_1358 : i32
        %get3A_1420 = arith.index_cast %add3A_1419 : i32 to index
        %get3A_1421 = tpu.vector_load %arg7[%get3A_1420] {strides = array<i32>} : memref<4104xf32, #tpu.memory_space<vmem>>, vector<16xf32>,
        %get3A_1422 = vector.shape_cast %get3A_1421 : vector<16xf32> to vector<16xf32>
        %swap3A_1423 = arith.index_cast %add3A_1328 : i32 to index
        %swap3A_1424 = tpu.vector_load %arg15[%swap3A_1423] {strides = array<i32>} : memref<4096xf32, #tpu.memory_space<vmem>>, vector<16xf32>,
        %swap3A_1425 = vector.shape_cast %swap3A_1424 : vector<16xf32> to vector<16xf32>
        %swap3A_1426 = vector.shape_cast %get3A_1362 : vector<16xf32> to vector<16xf32>
        tpu.vector_store %arg15[%swap3A_1423], %swap3A_1426 {strides = array<i32>} : memref<4096xf32, #tpu.memory_space<vmem>>, vector<16xf32>,
        %swap3A_1427 = arith.index_cast %add3A_1330 : i32 to index
        %swap3A_1428 = tpu.vector_load %arg15[%swap3A_1427] {strides = array<i32>} : memref<4096xf32, #tpu.memory_space<vmem>>, vector<16xf32>,
        %swap3A_1429 = vector.shape_cast %swap3A_1428 : vector<16xf32> to vector<16xf32>
        %swap3A_1430 = vector.shape_cast %get3A_1366 : vector<16xf32> to vector<16xf32>
        tpu.vector_store %arg15[%swap3A_1427], %swap3A_1430 {strides = array<i32>} : memref<4096xf32, #tpu.memory_space<vmem>>, vector<16xf32>,
        %swap3A_1431 = arith.index_cast %add3A_1332 : i32 to index
        %swap3A_1432 = tpu.vector_load %arg15[%swap3A_1431] {strides = array<i32>} : memref<4096xf32, #tpu.memory_space<vmem>>, vector<16xf32>,
        %swap3A_1433 = vector.shape_cast %swap3A_1432 : vector<16xf32> to vector<16xf32>
        %swap3A_1434 = vector.shape_cast %get3A_1370 : vector<16xf32> to vector<16xf32>
        tpu.vector_store %arg15[%swap3A_1431], %swap3A_1434 {strides = array<i32>} : memref<4096xf32, #tpu.memory_space<vmem>>, vector<16xf32>,
        %swap3A_1435 = arith.index_cast %add3A_1334 : i32 to index
        %swap3A_1436 = tpu.vector_load %arg15[%swap3A_1435] {strides = array<i32>} : memref<4096xf32, #tpu.memory_space<vmem>>, vector<16xf32>,
        %swap3A_1437 = vector.shape_cast %swap3A_1436 : vector<16xf32> to vector<16xf32>
        %swap3A_1438 = vector.shape_cast %get3A_1374 : vector<16xf32> to vector<16xf32>
        tpu.vector_store %arg15[%swap3A_1435], %swap3A_1438 {strides = array<i32>} : memref<4096xf32, #tpu.memory_space<vmem>>, vector<16xf32>,
        %swap3A_1439 = arith.index_cast %add3A_1336 : i32 to index
        %swap3A_1440 = tpu.vector_load %arg15[%swap3A_1439] {strides = array<i32>} : memref<4096xf32, #tpu.memory_space<vmem>>, vector<16xf32>,
        %swap3A_1441 = vector.shape_cast %swap3A_1440 : vector<16xf32> to vector<16xf32>
        %swap3A_1442 = vector.shape_cast %get3A_1378 : vector<16xf32> to vector<16xf32>
        tpu.vector_store %arg15[%swap3A_1439], %swap3A_1442 {strides = array<i32>} : memref<4096xf32, #tpu.memory_space<vmem>>, vector<16xf32>,
        %swap3A_1443 = arith.index_cast %add3A_1338 : i32 to index
        %swap3A_1444 = tpu.vector_load %arg15[%swap3A_1443] {strides = array<i32>} : memref<4096xf32, #tpu.memory_space<vmem>>, vector<16xf32>,
        %swap3A_1445 = vector.shape_cast %swap3A_1444 : vector<16xf32> to vector<16xf32>
        %swap3A_1446 = vector.shape_cast %get3A_1382 : vector<16xf32> to vector<16xf32>
        tpu.vector_store %arg15[%swap3A_1443], %swap3A_1446 {strides = array<i32>} : memref<4096xf32, #tpu.memory_space<vmem>>, vector<16xf32>,
        %swap3A_1447 = arith.index_cast %add3A_1340 : i32 to index
        %swap3A_1448 = tpu.vector_load %arg15[%swap3A_1447] {strides = array<i32>} : memref<4096xf32, #tpu.memory_space<vmem>>, vector<16xf32>,
        %swap3A_1449 = vector.shape_cast %swap3A_1448 : vector<16xf32> to vector<16xf32>
        %swap3A_1450 = vector.shape_cast %get3A_1386 : vector<16xf32> to vector<16xf32>
        tpu.vector_store %arg15[%swap3A_1447], %swap3A_1450 {strides = array<i32>} : memref<4096xf32, #tpu.memory_space<vmem>>, vector<16xf32>,
        %swap3A_1451 = arith.index_cast %add3A_1342 : i32 to index
        %swap3A_1452 = tpu.vector_load %arg15[%swap3A_1451] {strides = array<i32>} : memref<4096xf32, #tpu.memory_space<vmem>>, vector<16xf32>,
        %swap3A_1453 = vector.shape_cast %swap3A_1452 : vector<16xf32> to vector<16xf32>
        %swap3A_1454 = vector.shape_cast %get3A_1390 : vector<16xf32> to vector<16xf32>
        tpu.vector_store %arg15[%swap3A_1451], %swap3A_1454 {strides = array<i32>} : memref<4096xf32, #tpu.memory_space<vmem>>, vector<16xf32>,
        %swap3A_1455 = arith.index_cast %add3A_1344 : i32 to index
        %swap3A_1456 = tpu.vector_load %arg15[%swap3A_1455] {strides = array<i32>} : memref<4096xf32, #tpu.memory_space<vmem>>, vector<16xf32>,
        %swap3A_1457 = vector.shape_cast %swap3A_1456 : vector<16xf32> to vector<16xf32>
        %swap3A_1458 = vector.shape_cast %get3A_1394 : vector<16xf32> to vector<16xf32>
        tpu.vector_store %arg15[%swap3A_1455], %swap3A_1458 {strides = array<i32>} : memref<4096xf32, #tpu.memory_space<vmem>>, vector<16xf32>,
        %swap3A_1459 = arith.index_cast %add3A_1346 : i32 to index
        %swap3A_1460 = tpu.vector_load %arg15[%swap3A_1459] {strides = array<i32>} : memref<4096xf32, #tpu.memory_space<vmem>>, vector<16xf32>,
        %swap3A_1461 = vector.shape_cast %swap3A_1460 : vector<16xf32> to vector<16xf32>
        %swap3A_1462 = vector.shape_cast %get3A_1398 : vector<16xf32> to vector<16xf32>
        tpu.vector_store %arg15[%swap3A_1459], %swap3A_1462 {strides = array<i32>} : memref<4096xf32, #tpu.memory_space<vmem>>, vector<16xf32>,
        %swap3A_1463 = arith.index_cast %add3A_1348 : i32 to index
        %swap3A_1464 = tpu.vector_load %arg15[%swap3A_1463] {strides = array<i32>} : memref<4096xf32, #tpu.memory_space<vmem>>, vector<16xf32>,
        %swap3A_1465 = vector.shape_cast %swap3A_1464 : vector<16xf32> to vector<16xf32>
        %swap3A_1466 = vector.shape_cast %get3A_1402 : vector<16xf32> to vector<16xf32>
        tpu.vector_store %arg15[%swap3A_1463], %swap3A_1466 {strides = array<i32>} : memref<4096xf32, #tpu.memory_space<vmem>>, vector<16xf32>,
        %swap3A_1467 = arith.index_cast %add3A_1350 : i32 to index
        %swap3A_1468 = tpu.vector_load %arg15[%swap3A_1467] {strides = array<i32>} : memref<4096xf32, #tpu.memory_space<vmem>>, vector<16xf32>,
        %swap3A_1469 = vector.shape_cast %swap3A_1468 : vector<16xf32> to vector<16xf32>
        %swap3A_1470 = vector.shape_cast %get3A_1406 : vector<16xf32> to vector<16xf32>
        tpu.vector_store %arg15[%swap3A_1467], %swap3A_1470 {strides = array<i32>} : memref<4096xf32, #tpu.memory_space<vmem>>, vector<16xf32>,
        %swap3A_1471 = arith.index_cast %add3A_1352 : i32 to index
        %swap3A_1472 = tpu.vector_load %arg15[%swap3A_1471] {strides = array<i32>} : memref<4096xf32, #tpu.memory_space<vmem>>, vector<16xf32>,
        %swap3A_1473 = vector.shape_cast %swap3A_1472 : vector<16xf32> to vector<16xf32>
        %swap3A_1474 = vector.shape_cast %get3A_1410 : vector<16xf32> to vector<16xf32>
        tpu.vector_store %arg15[%swap3A_1471], %swap3A_1474 {strides = array<i32>} : memref<4096xf32, #tpu.memory_space<vmem>>, vector<16xf32>,
        %swap3A_1475 = arith.index_cast %add3A_1354 : i32 to index
        %swap3A_1476 = tpu.vector_load %arg15[%swap3A_1475] {strides = array<i32>} : memref<4096xf32, #tpu.memory_space<vmem>>, vector<16xf32>,
        %swap3A_1477 = vector.shape_cast %swap3A_1476 : vector<16xf32> to vector<16xf32>
        %swap3A_1478 = vector.shape_cast %get3A_1414 : vector<16xf32> to vector<16xf32>
        tpu.vector_store %arg15[%swap3A_1475], %swap3A_1478 {strides = array<i32>} : memref<4096xf32, #tpu.memory_space<vmem>>, vector<16xf32>,
        %swap3A_1479 = arith.index_cast %add3A_1356 : i32 to index
        %swap3A_1480 = tpu.vector_load %arg15[%swap3A_1479] {strides = array<i32>} : memref<4096xf32, #tpu.memory_space<vmem>>, vector<16xf32>,
        %swap3A_1481 = vector.shape_cast %swap3A_1480 : vector<16xf32> to vector<16xf32>
        %swap3A_1482 = vector.shape_cast %get3A_1418 : vector<16xf32> to vector<16xf32>
        tpu.vector_store %arg15[%swap3A_1479], %swap3A_1482 {strides = array<i32>} : memref<4096xf32, #tpu.memory_space<vmem>>, vector<16xf32>,
        %swap3A_1483 = arith.index_cast %add3A_1358 : i32 to index
        %swap3A_1484 = tpu.vector_load %arg15[%swap3A_1483] {strides = array<i32>} : memref<4096xf32, #tpu.memory_space<vmem>>, vector<16xf32>,
        %swap3A_1485 = vector.shape_cast %swap3A_1484 : vector<16xf32> to vector<16xf32>
        %swap3A_1486 = vector.shape_cast %get3A_1422 : vector<16xf32> to vector<16xf32>
        tpu.vector_store %arg15[%swap3A_1483], %swap3A_1486 {strides = array<i32>} : memref<4096xf32, #tpu.memory_space<vmem>>, vector<16xf32>,
      }
      %scan3A_896 = arith.constant 16 : i32
      %mul3A_897 = arith.constant 4 : i32
      %mul3A_898 = arith.muli %add3A_834, %mul3A_897 : i32
      %add3A_899 = arith.addi %mul3A_2, %mul3A_898 : i32
      %add3A_900 = arith.constant 0 : i32
      %add3A_901 = arith.addi %add3A_899, %add3A_900 : i32
      %dma_start3A_902 = arith.constant 0 : i32
      %dma_start3A_903 = tpu.memref_slice %arg4[%add3A_901, %dma_start3A_902] : memref<1024x4096xf32, #tpu.memory_space<hbm>> -> memref<1x4096xf32, #tpu.memory_space<hbm>>
      %dma_start3A_904 = tpu.memref_squeeze %dma_start3A_903 : memref<1x4096xf32, #tpu.memory_space<hbm>> -> memref<4096xf32, #tpu.memory_space<hbm>>
      %dma_start3A_905 = arith.constant 0 : i32
      %dma_start3A_906 = tpu.memref_slice %arg4[%add3A_901, %dma_start3A_905] : memref<1024x4096xf32, #tpu.memory_space<hbm>> -> memref<1x4096xf32, #tpu.memory_space<hbm>>
      %dma_start3A_907 = tpu.memref_squeeze %dma_start3A_906 : memref<1x4096xf32, #tpu.memory_space<hbm>> -> memref<4096xf32, #tpu.memory_space<hbm>>
      tpu.enqueue_dma source(%arg15 : memref<4096xf32, #tpu.memory_space<vmem>>) target(%dma_start3A_907 : memref<4096xf32, #tpu.memory_space<hbm>>) target_semaphore(%arg25 : memref<!tpu.dma_semaphore, #tpu.memory_space<semaphore_mem>>)
      %mul3A_908 = arith.constant 4 : i32
      %mul3A_909 = arith.muli %add3A_834, %mul3A_908 : i32
      %add3A_910 = arith.constant 1 : i32
      %add3A_911 = arith.addi %mul3A_909, %add3A_910 : i32
      %get3A_912 = arith.index_cast %add3A_911 : i32 to index
      %get3A_913 = tpu.vector_load %arg6[%get3A_912] {strides = array<i32>} : memref<48xi32, #tpu.memory_space<vmem>>, vector<16xi32>,
      %get3A_914 = vector.shape_cast %get3A_913 : vector<16xi32> to vector<16xi32>
      %slice3A_915 = vector.extract_strided_slice %get3A_914 {offsets = [0], sizes = [1], strides = [1]} : vector<16xi32> to vector<1xi32>
      %squeeze3A_916 = vector.extract %slice3A_915[0] : i32 from vector<1xi32>
      %jit3A_917 = arith.constant 8 : i32
      %div3A_918 = arith.divsi %squeeze3A_916, %jit3A_917 : i32
      %sign3A_919 = arith.constant 0 : i32
      %sign3A_920 = arith.cmpi sgt, %squeeze3A_916, %sign3A_919 : i32
      %sign3A_921 = arith.extui %sign3A_920 : i1 to i32
      %sign3A_922 = arith.constant 0 : i32
      %sign3A_923 = arith.cmpi slt, %squeeze3A_916, %sign3A_922 : i32
      %sign3A_924 = arith.extui %sign3A_923 : i1 to i32
      %sign3A_925 = arith.subi %sign3A_921, %sign3A_924 : i32
      %sign3A_926 = arith.constant 0 : i32
      %sign3A_927 = arith.cmpi sgt, %jit3A_917, %sign3A_926 : i32
      %sign3A_928 = arith.extui %sign3A_927 : i1 to i32
      %sign3A_929 = arith.constant 0 : i32
      %sign3A_930 = arith.cmpi slt, %jit3A_917, %sign3A_929 : i32
      %sign3A_931 = arith.extui %sign3A_930 : i1 to i32
      %sign3A_932 = arith.subi %sign3A_928, %sign3A_931 : i32
      %ne3A_933 = arith.cmpi ne, %sign3A_925, %sign3A_932 : i32
      %rem3A_934 = arith.remsi %squeeze3A_916, %jit3A_917 : i32
      %ne3A_935 = arith.constant 0 : i32
      %ne3A_936 = arith.cmpi ne, %rem3A_934, %ne3A_935 : i32
      %and3A_937 = arith.andi %ne3A_933, %ne3A_936 : i1
      %sub3A_938 = arith.constant 1 : i32
      %sub3A_939 = arith.subi %div3A_918, %sub3A_938 : i32
      %select_n3A_940 = arith.select %and3A_937, %sub3A_939, %div3A_918 : i32
      %mul3A_941 = arith.constant 8 : i32
      %mul3A_942 = arith.muli %select_n3A_940, %mul3A_941 : i32
      %multiple_of3A_943 = tpu.assume_multiple %mul3A_942, 8 : i32
      %sub3A_944 = arith.subi %squeeze3A_916, %multiple_of3A_943 : i32
      %scan3A_945 = arith.constant 0 : i32
      %scan3A_946 = arith.constant 0 : i32
      %scan3A_947 = arith.constant 16 : i32
      %scan3A_948 = arith.addi %scan3A_946, %scan3A_947 : i32
      %scan3A_949 = arith.constant 1 : i32
      scf.for %scan3A_1324 = %scan3A_946 to %scan3A_948 step %scan3A_949  : i32 {
        %mul3A_1325 = arith.constant 256 : i32
        %mul3A_1326 = arith.muli %scan3A_1324, %mul3A_1325 : i32
        %add3A_1327 = arith.constant 0 : i32
        %add3A_1328 = arith.addi %mul3A_1326, %add3A_1327 : i32
        %add3A_1329 = arith.constant 16 : i32
        %add3A_1330 = arith.addi %mul3A_1326, %add3A_1329 : i32
        %add3A_1331 = arith.constant 32 : i32
        %add3A_1332 = arith.addi %mul3A_1326, %add3A_1331 : i32
        %add3A_1333 = arith.constant 48 : i32
        %add3A_1334 = arith.addi %mul3A_1326, %add3A_1333 : i32
        %add3A_1335 = arith.constant 64 : i32
        %add3A_1336 = arith.addi %mul3A_1326, %add3A_1335 : i32
        %add3A_1337 = arith.constant 80 : i32
        %add3A_1338 = arith.addi %mul3A_1326, %add3A_1337 : i32
        %add3A_1339 = arith.constant 96 : i32
        %add3A_1340 = arith.addi %mul3A_1326, %add3A_1339 : i32
        %add3A_1341 = arith.constant 112 : i32
        %add3A_1342 = arith.addi %mul3A_1326, %add3A_1341 : i32
        %add3A_1343 = arith.constant 128 : i32
        %add3A_1344 = arith.addi %mul3A_1326, %add3A_1343 : i32
        %add3A_1345 = arith.constant 144 : i32
        %add3A_1346 = arith.addi %mul3A_1326, %add3A_1345 : i32
        %add3A_1347 = arith.constant 160 : i32
        %add3A_1348 = arith.addi %mul3A_1326, %add3A_1347 : i32
        %add3A_1349 = arith.constant 176 : i32
        %add3A_1350 = arith.addi %mul3A_1326, %add3A_1349 : i32
        %add3A_1351 = arith.constant 192 : i32
        %add3A_1352 = arith.addi %mul3A_1326, %add3A_1351 : i32
        %add3A_1353 = arith.constant 208 : i32
        %add3A_1354 = arith.addi %mul3A_1326, %add3A_1353 : i32
        %add3A_1355 = arith.constant 224 : i32
        %add3A_1356 = arith.addi %mul3A_1326, %add3A_1355 : i32
        %add3A_1357 = arith.constant 240 : i32
        %add3A_1358 = arith.addi %mul3A_1326, %add3A_1357 : i32
        %add3A_1359 = arith.addi %sub3A_944, %add3A_1328 : i32
        %get3A_1360 = arith.index_cast %add3A_1359 : i32 to index
        %get3A_1361 = tpu.vector_load %arg8[%get3A_1360] {strides = array<i32>} : memref<4104xf32, #tpu.memory_space<vmem>>, vector<16xf32>,
        %get3A_1362 = vector.shape_cast %get3A_1361 : vector<16xf32> to vector<16xf32>
        %add3A_1363 = arith.addi %sub3A_944, %add3A_1330 : i32
        %get3A_1364 = arith.index_cast %add3A_1363 : i32 to index
        %get3A_1365 = tpu.vector_load %arg8[%get3A_1364] {strides = array<i32>} : memref<4104xf32, #tpu.memory_space<vmem>>, vector<16xf32>,
        %get3A_1366 = vector.shape_cast %get3A_1365 : vector<16xf32> to vector<16xf32>
        %add3A_1367 = arith.addi %sub3A_944, %add3A_1332 : i32
        %get3A_1368 = arith.index_cast %add3A_1367 : i32 to index
        %get3A_1369 = tpu.vector_load %arg8[%get3A_1368] {strides = array<i32>} : memref<4104xf32, #tpu.memory_space<vmem>>, vector<16xf32>,
        %get3A_1370 = vector.shape_cast %get3A_1369 : vector<16xf32> to vector<16xf32>
        %add3A_1371 = arith.addi %sub3A_944, %add3A_1334 : i32
        %get3A_1372 = arith.index_cast %add3A_1371 : i32 to index
        %get3A_1373 = tpu.vector_load %arg8[%get3A_1372] {strides = array<i32>} : memref<4104xf32, #tpu.memory_space<vmem>>, vector<16xf32>,
        %get3A_1374 = vector.shape_cast %get3A_1373 : vector<16xf32> to vector<16xf32>
        %add3A_1375 = arith.addi %sub3A_944, %add3A_1336 : i32
        %get3A_1376 = arith.index_cast %add3A_1375 : i32 to index
        %get3A_1377 = tpu.vector_load %arg8[%get3A_1376] {strides = array<i32>} : memref<4104xf32, #tpu.memory_space<vmem>>, vector<16xf32>,
        %get3A_1378 = vector.shape_cast %get3A_1377 : vector<16xf32> to vector<16xf32>
        %add3A_1379 = arith.addi %sub3A_944, %add3A_1338 : i32
        %get3A_1380 = arith.index_cast %add3A_1379 : i32 to index
        %get3A_1381 = tpu.vector_load %arg8[%get3A_1380] {strides = array<i32>} : memref<4104xf32, #tpu.memory_space<vmem>>, vector<16xf32>,
        %get3A_1382 = vector.shape_cast %get3A_1381 : vector<16xf32> to vector<16xf32>
        %add3A_1383 = arith.addi %sub3A_944, %add3A_1340 : i32
        %get3A_1384 = arith.index_cast %add3A_1383 : i32 to index
        %get3A_1385 = tpu.vector_load %arg8[%get3A_1384] {strides = array<i32>} : memref<4104xf32, #tpu.memory_space<vmem>>, vector<16xf32>,
        %get3A_1386 = vector.shape_cast %get3A_1385 : vector<16xf32> to vector<16xf32>
        %add3A_1387 = arith.addi %sub3A_944, %add3A_1342 : i32
        %get3A_1388 = arith.index_cast %add3A_1387 : i32 to index
        %get3A_1389 = tpu.vector_load %arg8[%get3A_1388] {strides = array<i32>} : memref<4104xf32, #tpu.memory_space<vmem>>, vector<16xf32>,
        %get3A_1390 = vector.shape_cast %get3A_1389 : vector<16xf32> to vector<16xf32>
        %add3A_1391 = arith.addi %sub3A_944, %add3A_1344 : i32
        %get3A_1392 = arith.index_cast %add3A_1391 : i32 to index
        %get3A_1393 = tpu.vector_load %arg8[%get3A_1392] {strides = array<i32>} : memref<4104xf32, #tpu.memory_space<vmem>>, vector<16xf32>,
        %get3A_1394 = vector.shape_cast %get3A_1393 : vector<16xf32> to vector<16xf32>
        %add3A_1395 = arith.addi %sub3A_944, %add3A_1346 : i32
        %get3A_1396 = arith.index_cast %add3A_1395 : i32 to index
        %get3A_1397 = tpu.vector_load %arg8[%get3A_1396] {strides = array<i32>} : memref<4104xf32, #tpu.memory_space<vmem>>, vector<16xf32>,
        %get3A_1398 = vector.shape_cast %get3A_1397 : vector<16xf32> to vector<16xf32>
        %add3A_1399 = arith.addi %sub3A_944, %add3A_1348 : i32
        %get3A_1400 = arith.index_cast %add3A_1399 : i32 to index
        %get3A_1401 = tpu.vector_load %arg8[%get3A_1400] {strides = array<i32>} : memref<4104xf32, #tpu.memory_space<vmem>>, vector<16xf32>,
        %get3A_1402 = vector.shape_cast %get3A_1401 : vector<16xf32> to vector<16xf32>
        %add3A_1403 = arith.addi %sub3A_944, %add3A_1350 : i32
        %get3A_1404 = arith.index_cast %add3A_1403 : i32 to index
        %get3A_1405 = tpu.vector_load %arg8[%get3A_1404] {strides = array<i32>} : memref<4104xf32, #tpu.memory_space<vmem>>, vector<16xf32>,
        %get3A_1406 = vector.shape_cast %get3A_1405 : vector<16xf32> to vector<16xf32>
        %add3A_1407 = arith.addi %sub3A_944, %add3A_1352 : i32
        %get3A_1408 = arith.index_cast %add3A_1407 : i32 to index
        %get3A_1409 = tpu.vector_load %arg8[%get3A_1408] {strides = array<i32>} : memref<4104xf32, #tpu.memory_space<vmem>>, vector<16xf32>,
        %get3A_1410 = vector.shape_cast %get3A_1409 : vector<16xf32> to vector<16xf32>
        %add3A_1411 = arith.addi %sub3A_944, %add3A_1354 : i32
        %get3A_1412 = arith.index_cast %add3A_1411 : i32 to index
        %get3A_1413 = tpu.vector_load %arg8[%get3A_1412] {strides = array<i32>} : memref<4104xf32, #tpu.memory_space<vmem>>, vector<16xf32>,
        %get3A_1414 = vector.shape_cast %get3A_1413 : vector<16xf32> to vector<16xf32>
        %add3A_1415 = arith.addi %sub3A_944, %add3A_1356 : i32
        %get3A_1416 = arith.index_cast %add3A_1415 : i32 to index
        %get3A_1417 = tpu.vector_load %arg8[%get3A_1416] {strides = array<i32>} : memref<4104xf32, #tpu.memory_space<vmem>>, vector<16xf32>,
        %get3A_1418 = vector.shape_cast %get3A_1417 : vector<16xf32> to vector<16xf32>
        %add3A_1419 = arith.addi %sub3A_944, %add3A_1358 : i32
        %get3A_1420 = arith.index_cast %add3A_1419 : i32 to index
        %get3A_1421 = tpu.vector_load %arg8[%get3A_1420] {strides = array<i32>} : memref<4104xf32, #tpu.memory_space<vmem>>, vector<16xf32>,
        %get3A_1422 = vector.shape_cast %get3A_1421 : vector<16xf32> to vector<16xf32>
        %swap3A_1423 = arith.index_cast %add3A_1328 : i32 to index
        %swap3A_1424 = tpu.vector_load %arg16[%swap3A_1423] {strides = array<i32>} : memref<4096xf32, #tpu.memory_space<vmem>>, vector<16xf32>,
        %swap3A_1425 = vector.shape_cast %swap3A_1424 : vector<16xf32> to vector<16xf32>
        %swap3A_1426 = vector.shape_cast %get3A_1362 : vector<16xf32> to vector<16xf32>
        tpu.vector_store %arg16[%swap3A_1423], %swap3A_1426 {strides = array<i32>} : memref<4096xf32, #tpu.memory_space<vmem>>, vector<16xf32>,
        %swap3A_1427 = arith.index_cast %add3A_1330 : i32 to index
        %swap3A_1428 = tpu.vector_load %arg16[%swap3A_1427] {strides = array<i32>} : memref<4096xf32, #tpu.memory_space<vmem>>, vector<16xf32>,
        %swap3A_1429 = vector.shape_cast %swap3A_1428 : vector<16xf32> to vector<16xf32>
        %swap3A_1430 = vector.shape_cast %get3A_1366 : vector<16xf32> to vector<16xf32>
        tpu.vector_store %arg16[%swap3A_1427], %swap3A_1430 {strides = array<i32>} : memref<4096xf32, #tpu.memory_space<vmem>>, vector<16xf32>,
        %swap3A_1431 = arith.index_cast %add3A_1332 : i32 to index
        %swap3A_1432 = tpu.vector_load %arg16[%swap3A_1431] {strides = array<i32>} : memref<4096xf32, #tpu.memory_space<vmem>>, vector<16xf32>,
        %swap3A_1433 = vector.shape_cast %swap3A_1432 : vector<16xf32> to vector<16xf32>
        %swap3A_1434 = vector.shape_cast %get3A_1370 : vector<16xf32> to vector<16xf32>
        tpu.vector_store %arg16[%swap3A_1431], %swap3A_1434 {strides = array<i32>} : memref<4096xf32, #tpu.memory_space<vmem>>, vector<16xf32>,
        %swap3A_1435 = arith.index_cast %add3A_1334 : i32 to index
        %swap3A_1436 = tpu.vector_load %arg16[%swap3A_1435] {strides = array<i32>} : memref<4096xf32, #tpu.memory_space<vmem>>, vector<16xf32>,
        %swap3A_1437 = vector.shape_cast %swap3A_1436 : vector<16xf32> to vector<16xf32>
        %swap3A_1438 = vector.shape_cast %get3A_1374 : vector<16xf32> to vector<16xf32>
        tpu.vector_store %arg16[%swap3A_1435], %swap3A_1438 {strides = array<i32>} : memref<4096xf32, #tpu.memory_space<vmem>>, vector<16xf32>,
        %swap3A_1439 = arith.index_cast %add3A_1336 : i32 to index
        %swap3A_1440 = tpu.vector_load %arg16[%swap3A_1439] {strides = array<i32>} : memref<4096xf32, #tpu.memory_space<vmem>>, vector<16xf32>,
        %swap3A_1441 = vector.shape_cast %swap3A_1440 : vector<16xf32> to vector<16xf32>
        %swap3A_1442 = vector.shape_cast %get3A_1378 : vector<16xf32> to vector<16xf32>
        tpu.vector_store %arg16[%swap3A_1439], %swap3A_1442 {strides = array<i32>} : memref<4096xf32, #tpu.memory_space<vmem>>, vector<16xf32>,
        %swap3A_1443 = arith.index_cast %add3A_1338 : i32 to index
        %swap3A_1444 = tpu.vector_load %arg16[%swap3A_1443] {strides = array<i32>} : memref<4096xf32, #tpu.memory_space<vmem>>, vector<16xf32>,
        %swap3A_1445 = vector.shape_cast %swap3A_1444 : vector<16xf32> to vector<16xf32>
        %swap3A_1446 = vector.shape_cast %get3A_1382 : vector<16xf32> to vector<16xf32>
        tpu.vector_store %arg16[%swap3A_1443], %swap3A_1446 {strides = array<i32>} : memref<4096xf32, #tpu.memory_space<vmem>>, vector<16xf32>,
        %swap3A_1447 = arith.index_cast %add3A_1340 : i32 to index
        %swap3A_1448 = tpu.vector_load %arg16[%swap3A_1447] {strides = array<i32>} : memref<4096xf32, #tpu.memory_space<vmem>>, vector<16xf32>,
        %swap3A_1449 = vector.shape_cast %swap3A_1448 : vector<16xf32> to vector<16xf32>
        %swap3A_1450 = vector.shape_cast %get3A_1386 : vector<16xf32> to vector<16xf32>
        tpu.vector_store %arg16[%swap3A_1447], %swap3A_1450 {strides = array<i32>} : memref<4096xf32, #tpu.memory_space<vmem>>, vector<16xf32>,
        %swap3A_1451 = arith.index_cast %add3A_1342 : i32 to index
        %swap3A_1452 = tpu.vector_load %arg16[%swap3A_1451] {strides = array<i32>} : memref<4096xf32, #tpu.memory_space<vmem>>, vector<16xf32>,
        %swap3A_1453 = vector.shape_cast %swap3A_1452 : vector<16xf32> to vector<16xf32>
        %swap3A_1454 = vector.shape_cast %get3A_1390 : vector<16xf32> to vector<16xf32>
        tpu.vector_store %arg16[%swap3A_1451], %swap3A_1454 {strides = array<i32>} : memref<4096xf32, #tpu.memory_space<vmem>>, vector<16xf32>,
        %swap3A_1455 = arith.index_cast %add3A_1344 : i32 to index
        %swap3A_1456 = tpu.vector_load %arg16[%swap3A_1455] {strides = array<i32>} : memref<4096xf32, #tpu.memory_space<vmem>>, vector<16xf32>,
        %swap3A_1457 = vector.shape_cast %swap3A_1456 : vector<16xf32> to vector<16xf32>
        %swap3A_1458 = vector.shape_cast %get3A_1394 : vector<16xf32> to vector<16xf32>
        tpu.vector_store %arg16[%swap3A_1455], %swap3A_1458 {strides = array<i32>} : memref<4096xf32, #tpu.memory_space<vmem>>, vector<16xf32>,
        %swap3A_1459 = arith.index_cast %add3A_1346 : i32 to index
        %swap3A_1460 = tpu.vector_load %arg16[%swap3A_1459] {strides = array<i32>} : memref<4096xf32, #tpu.memory_space<vmem>>, vector<16xf32>,
        %swap3A_1461 = vector.shape_cast %swap3A_1460 : vector<16xf32> to vector<16xf32>
        %swap3A_1462 = vector.shape_cast %get3A_1398 : vector<16xf32> to vector<16xf32>
        tpu.vector_store %arg16[%swap3A_1459], %swap3A_1462 {strides = array<i32>} : memref<4096xf32, #tpu.memory_space<vmem>>, vector<16xf32>,
        %swap3A_1463 = arith.index_cast %add3A_1348 : i32 to index
        %swap3A_1464 = tpu.vector_load %arg16[%swap3A_1463] {strides = array<i32>} : memref<4096xf32, #tpu.memory_space<vmem>>, vector<16xf32>,
        %swap3A_1465 = vector.shape_cast %swap3A_1464 : vector<16xf32> to vector<16xf32>
        %swap3A_1466 = vector.shape_cast %get3A_1402 : vector<16xf32> to vector<16xf32>
        tpu.vector_store %arg16[%swap3A_1463], %swap3A_1466 {strides = array<i32>} : memref<4096xf32, #tpu.memory_space<vmem>>, vector<16xf32>,
        %swap3A_1467 = arith.index_cast %add3A_1350 : i32 to index
        %swap3A_1468 = tpu.vector_load %arg16[%swap3A_1467] {strides = array<i32>} : memref<4096xf32, #tpu.memory_space<vmem>>, vector<16xf32>,
        %swap3A_1469 = vector.shape_cast %swap3A_1468 : vector<16xf32> to vector<16xf32>
        %swap3A_1470 = vector.shape_cast %get3A_1406 : vector<16xf32> to vector<16xf32>
        tpu.vector_store %arg16[%swap3A_1467], %swap3A_1470 {strides = array<i32>} : memref<4096xf32, #tpu.memory_space<vmem>>, vector<16xf32>,
        %swap3A_1471 = arith.index_cast %add3A_1352 : i32 to index
        %swap3A_1472 = tpu.vector_load %arg16[%swap3A_1471] {strides = array<i32>} : memref<4096xf32, #tpu.memory_space<vmem>>, vector<16xf32>,
        %swap3A_1473 = vector.shape_cast %swap3A_1472 : vector<16xf32> to vector<16xf32>
        %swap3A_1474 = vector.shape_cast %get3A_1410 : vector<16xf32> to vector<16xf32>
        tpu.vector_store %arg16[%swap3A_1471], %swap3A_1474 {strides = array<i32>} : memref<4096xf32, #tpu.memory_space<vmem>>, vector<16xf32>,
        %swap3A_1475 = arith.index_cast %add3A_1354 : i32 to index
        %swap3A_1476 = tpu.vector_load %arg16[%swap3A_1475] {strides = array<i32>} : memref<4096xf32, #tpu.memory_space<vmem>>, vector<16xf32>,
        %swap3A_1477 = vector.shape_cast %swap3A_1476 : vector<16xf32> to vector<16xf32>
        %swap3A_1478 = vector.shape_cast %get3A_1414 : vector<16xf32> to vector<16xf32>
        tpu.vector_store %arg16[%swap3A_1475], %swap3A_1478 {strides = array<i32>} : memref<4096xf32, #tpu.memory_space<vmem>>, vector<16xf32>,
        %swap3A_1479 = arith.index_cast %add3A_1356 : i32 to index
        %swap3A_1480 = tpu.vector_load %arg16[%swap3A_1479] {strides = array<i32>} : memref<4096xf32, #tpu.memory_space<vmem>>, vector<16xf32>,
        %swap3A_1481 = vector.shape_cast %swap3A_1480 : vector<16xf32> to vector<16xf32>
        %swap3A_1482 = vector.shape_cast %get3A_1418 : vector<16xf32> to vector<16xf32>
        tpu.vector_store %arg16[%swap3A_1479], %swap3A_1482 {strides = array<i32>} : memref<4096xf32, #tpu.memory_space<vmem>>, vector<16xf32>,
        %swap3A_1483 = arith.index_cast %add3A_1358 : i32 to index
        %swap3A_1484 = tpu.vector_load %arg16[%swap3A_1483] {strides = array<i32>} : memref<4096xf32, #tpu.memory_space<vmem>>, vector<16xf32>,
        %swap3A_1485 = vector.shape_cast %swap3A_1484 : vector<16xf32> to vector<16xf32>
        %swap3A_1486 = vector.shape_cast %get3A_1422 : vector<16xf32> to vector<16xf32>
        tpu.vector_store %arg16[%swap3A_1483], %swap3A_1486 {strides = array<i32>} : memref<4096xf32, #tpu.memory_space<vmem>>, vector<16xf32>,
      }
      %scan3A_950 = arith.constant 16 : i32
      %mul3A_951 = arith.constant 4 : i32
      %mul3A_952 = arith.muli %add3A_834, %mul3A_951 : i32
      %add3A_953 = arith.addi %mul3A_2, %mul3A_952 : i32
      %add3A_954 = arith.constant 1 : i32
      %add3A_955 = arith.addi %add3A_953, %add3A_954 : i32
      %dma_start3A_956 = arith.constant 0 : i32
      %dma_start3A_957 = tpu.memref_slice %arg4[%add3A_955, %dma_start3A_956] : memref<1024x4096xf32, #tpu.memory_space<hbm>> -> memref<1x4096xf32, #tpu.memory_space<hbm>>
      %dma_start3A_958 = tpu.memref_squeeze %dma_start3A_957 : memref<1x4096xf32, #tpu.memory_space<hbm>> -> memref<4096xf32, #tpu.memory_space<hbm>>
      %dma_start3A_959 = arith.constant 0 : i32
      %dma_start3A_960 = tpu.memref_slice %arg4[%add3A_955, %dma_start3A_959] : memref<1024x4096xf32, #tpu.memory_space<hbm>> -> memref<1x4096xf32, #tpu.memory_space<hbm>>
      %dma_start3A_961 = tpu.memref_squeeze %dma_start3A_960 : memref<1x4096xf32, #tpu.memory_space<hbm>> -> memref<4096xf32, #tpu.memory_space<hbm>>
      tpu.enqueue_dma source(%arg16 : memref<4096xf32, #tpu.memory_space<vmem>>) target(%dma_start3A_961 : memref<4096xf32, #tpu.memory_space<hbm>>) target_semaphore(%arg25 : memref<!tpu.dma_semaphore, #tpu.memory_space<semaphore_mem>>)
      %mul3A_962 = arith.constant 4 : i32
      %mul3A_963 = arith.muli %add3A_834, %mul3A_962 : i32
      %add3A_964 = arith.constant 2 : i32
      %add3A_965 = arith.addi %mul3A_963, %add3A_964 : i32
      %get3A_966 = arith.index_cast %add3A_965 : i32 to index
      %get3A_967 = tpu.vector_load %arg6[%get3A_966] {strides = array<i32>} : memref<48xi32, #tpu.memory_space<vmem>>, vector<16xi32>,
      %get3A_968 = vector.shape_cast %get3A_967 : vector<16xi32> to vector<16xi32>
      %slice3A_969 = vector.extract_strided_slice %get3A_968 {offsets = [0], sizes = [1], strides = [1]} : vector<16xi32> to vector<1xi32>
      %squeeze3A_970 = vector.extract %slice3A_969[0] : i32 from vector<1xi32>
      %jit3A_971 = arith.constant 8 : i32
      %div3A_972 = arith.divsi %squeeze3A_970, %jit3A_971 : i32
      %sign3A_973 = arith.constant 0 : i32
      %sign3A_974 = arith.cmpi sgt, %squeeze3A_970, %sign3A_973 : i32
      %sign3A_975 = arith.extui %sign3A_974 : i1 to i32
      %sign3A_976 = arith.constant 0 : i32
      %sign3A_977 = arith.cmpi slt, %squeeze3A_970, %sign3A_976 : i32
      %sign3A_978 = arith.extui %sign3A_977 : i1 to i32
      %sign3A_979 = arith.subi %sign3A_975, %sign3A_978 : i32
      %sign3A_980 = arith.constant 0 : i32
      %sign3A_981 = arith.cmpi sgt, %jit3A_971, %sign3A_980 : i32
      %sign3A_982 = arith.extui %sign3A_981 : i1 to i32
      %sign3A_983 = arith.constant 0 : i32
      %sign3A_984 = arith.cmpi slt, %jit3A_971, %sign3A_983 : i32
      %sign3A_985 = arith.extui %sign3A_984 : i1 to i32
      %sign3A_986 = arith.subi %sign3A_982, %sign3A_985 : i32
      %ne3A_987 = arith.cmpi ne, %sign3A_979, %sign3A_986 : i32
      %rem3A_988 = arith.remsi %squeeze3A_970, %jit3A_971 : i32
      %ne3A_989 = arith.constant 0 : i32
      %ne3A_990 = arith.cmpi ne, %rem3A_988, %ne3A_989 : i32
      %and3A_991 = arith.andi %ne3A_987, %ne3A_990 : i1
      %sub3A_992 = arith.constant 1 : i32
      %sub3A_993 = arith.subi %div3A_972, %sub3A_992 : i32
      %select_n3A_994 = arith.select %and3A_991, %sub3A_993, %div3A_972 : i32
      %mul3A_995 = arith.constant 8 : i32
      %mul3A_996 = arith.muli %select_n3A_994, %mul3A_995 : i32
      %multiple_of3A_997 = tpu.assume_multiple %mul3A_996, 8 : i32
      %sub3A_998 = arith.subi %squeeze3A_970, %multiple_of3A_997 : i32
      %scan3A_999 = arith.constant 0 : i32
      %scan3A_1000 = arith.constant 0 : i32
      %scan3A_1001 = arith.constant 16 : i32
      %scan3A_1002 = arith.addi %scan3A_1000, %scan3A_1001 : i32
      %scan3A_1003 = arith.constant 1 : i32
      scf.for %scan3A_1324 = %scan3A_1000 to %scan3A_1002 step %scan3A_1003  : i32 {
        %mul3A_1325 = arith.constant 256 : i32
        %mul3A_1326 = arith.muli %scan3A_1324, %mul3A_1325 : i32
        %add3A_1327 = arith.constant 0 : i32
        %add3A_1328 = arith.addi %mul3A_1326, %add3A_1327 : i32
        %add3A_1329 = arith.constant 16 : i32
        %add3A_1330 = arith.addi %mul3A_1326, %add3A_1329 : i32
        %add3A_1331 = arith.constant 32 : i32
        %add3A_1332 = arith.addi %mul3A_1326, %add3A_1331 : i32
        %add3A_1333 = arith.constant 48 : i32
        %add3A_1334 = arith.addi %mul3A_1326, %add3A_1333 : i32
        %add3A_1335 = arith.constant 64 : i32
        %add3A_1336 = arith.addi %mul3A_1326, %add3A_1335 : i32
        %add3A_1337 = arith.constant 80 : i32
        %add3A_1338 = arith.addi %mul3A_1326, %add3A_1337 : i32
        %add3A_1339 = arith.constant 96 : i32
        %add3A_1340 = arith.addi %mul3A_1326, %add3A_1339 : i32
        %add3A_1341 = arith.constant 112 : i32
        %add3A_1342 = arith.addi %mul3A_1326, %add3A_1341 : i32
        %add3A_1343 = arith.constant 128 : i32
        %add3A_1344 = arith.addi %mul3A_1326, %add3A_1343 : i32
        %add3A_1345 = arith.constant 144 : i32
        %add3A_1346 = arith.addi %mul3A_1326, %add3A_1345 : i32
        %add3A_1347 = arith.constant 160 : i32
        %add3A_1348 = arith.addi %mul3A_1326, %add3A_1347 : i32
        %add3A_1349 = arith.constant 176 : i32
        %add3A_1350 = arith.addi %mul3A_1326, %add3A_1349 : i32
        %add3A_1351 = arith.constant 192 : i32
        %add3A_1352 = arith.addi %mul3A_1326, %add3A_1351 : i32
        %add3A_1353 = arith.constant 208 : i32
        %add3A_1354 = arith.addi %mul3A_1326, %add3A_1353 : i32
        %add3A_1355 = arith.constant 224 : i32
        %add3A_1356 = arith.addi %mul3A_1326, %add3A_1355 : i32
        %add3A_1357 = arith.constant 240 : i32
        %add3A_1358 = arith.addi %mul3A_1326, %add3A_1357 : i32
        %add3A_1359 = arith.addi %sub3A_998, %add3A_1328 : i32
        %get3A_1360 = arith.index_cast %add3A_1359 : i32 to index
        %get3A_1361 = tpu.vector_load %arg9[%get3A_1360] {strides = array<i32>} : memref<4104xf32, #tpu.memory_space<vmem>>, vector<16xf32>,
        %get3A_1362 = vector.shape_cast %get3A_1361 : vector<16xf32> to vector<16xf32>
        %add3A_1363 = arith.addi %sub3A_998, %add3A_1330 : i32
        %get3A_1364 = arith.index_cast %add3A_1363 : i32 to index
        %get3A_1365 = tpu.vector_load %arg9[%get3A_1364] {strides = array<i32>} : memref<4104xf32, #tpu.memory_space<vmem>>, vector<16xf32>,
        %get3A_1366 = vector.shape_cast %get3A_1365 : vector<16xf32> to vector<16xf32>
        %add3A_1367 = arith.addi %sub3A_998, %add3A_1332 : i32
        %get3A_1368 = arith.index_cast %add3A_1367 : i32 to index
        %get3A_1369 = tpu.vector_load %arg9[%get3A_1368] {strides = array<i32>} : memref<4104xf32, #tpu.memory_space<vmem>>, vector<16xf32>,
        %get3A_1370 = vector.shape_cast %get3A_1369 : vector<16xf32> to vector<16xf32>
        %add3A_1371 = arith.addi %sub3A_998, %add3A_1334 : i32
        %get3A_1372 = arith.index_cast %add3A_1371 : i32 to index
        %get3A_1373 = tpu.vector_load %arg9[%get3A_1372] {strides = array<i32>} : memref<4104xf32, #tpu.memory_space<vmem>>, vector<16xf32>,
        %get3A_1374 = vector.shape_cast %get3A_1373 : vector<16xf32> to vector<16xf32>
        %add3A_1375 = arith.addi %sub3A_998, %add3A_1336 : i32
        %get3A_1376 = arith.index_cast %add3A_1375 : i32 to index
        %get3A_1377 = tpu.vector_load %arg9[%get3A_1376] {strides = array<i32>} : memref<4104xf32, #tpu.memory_space<vmem>>, vector<16xf32>,
        %get3A_1378 = vector.shape_cast %get3A_1377 : vector<16xf32> to vector<16xf32>
        %add3A_1379 = arith.addi %sub3A_998, %add3A_1338 : i32
        %get3A_1380 = arith.index_cast %add3A_1379 : i32 to index
        %get3A_1381 = tpu.vector_load %arg9[%get3A_1380] {strides = array<i32>} : memref<4104xf32, #tpu.memory_space<vmem>>, vector<16xf32>,
        %get3A_1382 = vector.shape_cast %get3A_1381 : vector<16xf32> to vector<16xf32>
        %add3A_1383 = arith.addi %sub3A_998, %add3A_1340 : i32
        %get3A_1384 = arith.index_cast %add3A_1383 : i32 to index
        %get3A_1385 = tpu.vector_load %arg9[%get3A_1384] {strides = array<i32>} : memref<4104xf32, #tpu.memory_space<vmem>>, vector<16xf32>,
        %get3A_1386 = vector.shape_cast %get3A_1385 : vector<16xf32> to vector<16xf32>
        %add3A_1387 = arith.addi %sub3A_998, %add3A_1342 : i32
        %get3A_1388 = arith.index_cast %add3A_1387 : i32 to index
        %get3A_1389 = tpu.vector_load %arg9[%get3A_1388] {strides = array<i32>} : memref<4104xf32, #tpu.memory_space<vmem>>, vector<16xf32>,
        %get3A_1390 = vector.shape_cast %get3A_1389 : vector<16xf32> to vector<16xf32>
        %add3A_1391 = arith.addi %sub3A_998, %add3A_1344 : i32
        %get3A_1392 = arith.index_cast %add3A_1391 : i32 to index
        %get3A_1393 = tpu.vector_load %arg9[%get3A_1392] {strides = array<i32>} : memref<4104xf32, #tpu.memory_space<vmem>>, vector<16xf32>,
        %get3A_1394 = vector.shape_cast %get3A_1393 : vector<16xf32> to vector<16xf32>
        %add3A_1395 = arith.addi %sub3A_998, %add3A_1346 : i32
        %get3A_1396 = arith.index_cast %add3A_1395 : i32 to index
        %get3A_1397 = tpu.vector_load %arg9[%get3A_1396] {strides = array<i32>} : memref<4104xf32, #tpu.memory_space<vmem>>, vector<16xf32>,
        %get3A_1398 = vector.shape_cast %get3A_1397 : vector<16xf32> to vector<16xf32>
        %add3A_1399 = arith.addi %sub3A_998, %add3A_1348 : i32
        %get3A_1400 = arith.index_cast %add3A_1399 : i32 to index
        %get3A_1401 = tpu.vector_load %arg9[%get3A_1400] {strides = array<i32>} : memref<4104xf32, #tpu.memory_space<vmem>>, vector<16xf32>,
        %get3A_1402 = vector.shape_cast %get3A_1401 : vector<16xf32> to vector<16xf32>
        %add3A_1403 = arith.addi %sub3A_998, %add3A_1350 : i32
        %get3A_1404 = arith.index_cast %add3A_1403 : i32 to index
        %get3A_1405 = tpu.vector_load %arg9[%get3A_1404] {strides = array<i32>} : memref<4104xf32, #tpu.memory_space<vmem>>, vector<16xf32>,
        %get3A_1406 = vector.shape_cast %get3A_1405 : vector<16xf32> to vector<16xf32>
        %add3A_1407 = arith.addi %sub3A_998, %add3A_1352 : i32
        %get3A_1408 = arith.index_cast %add3A_1407 : i32 to index
        %get3A_1409 = tpu.vector_load %arg9[%get3A_1408] {strides = array<i32>} : memref<4104xf32, #tpu.memory_space<vmem>>, vector<16xf32>,
        %get3A_1410 = vector.shape_cast %get3A_1409 : vector<16xf32> to vector<16xf32>
        %add3A_1411 = arith.addi %sub3A_998, %add3A_1354 : i32
        %get3A_1412 = arith.index_cast %add3A_1411 : i32 to index
        %get3A_1413 = tpu.vector_load %arg9[%get3A_1412] {strides = array<i32>} : memref<4104xf32, #tpu.memory_space<vmem>>, vector<16xf32>,
        %get3A_1414 = vector.shape_cast %get3A_1413 : vector<16xf32> to vector<16xf32>
        %add3A_1415 = arith.addi %sub3A_998, %add3A_1356 : i32
        %get3A_1416 = arith.index_cast %add3A_1415 : i32 to index
        %get3A_1417 = tpu.vector_load %arg9[%get3A_1416] {strides = array<i32>} : memref<4104xf32, #tpu.memory_space<vmem>>, vector<16xf32>,
        %get3A_1418 = vector.shape_cast %get3A_1417 : vector<16xf32> to vector<16xf32>
        %add3A_1419 = arith.addi %sub3A_998, %add3A_1358 : i32
        %get3A_1420 = arith.index_cast %add3A_1419 : i32 to index
        %get3A_1421 = tpu.vector_load %arg9[%get3A_1420] {strides = array<i32>} : memref<4104xf32, #tpu.memory_space<vmem>>, vector<16xf32>,
        %get3A_1422 = vector.shape_cast %get3A_1421 : vector<16xf32> to vector<16xf32>
        %swap3A_1423 = arith.index_cast %add3A_1328 : i32 to index
        %swap3A_1424 = tpu.vector_load %arg17[%swap3A_1423] {strides = array<i32>} : memref<4096xf32, #tpu.memory_space<vmem>>, vector<16xf32>,
        %swap3A_1425 = vector.shape_cast %swap3A_1424 : vector<16xf32> to vector<16xf32>
        %swap3A_1426 = vector.shape_cast %get3A_1362 : vector<16xf32> to vector<16xf32>
        tpu.vector_store %arg17[%swap3A_1423], %swap3A_1426 {strides = array<i32>} : memref<4096xf32, #tpu.memory_space<vmem>>, vector<16xf32>,
        %swap3A_1427 = arith.index_cast %add3A_1330 : i32 to index
        %swap3A_1428 = tpu.vector_load %arg17[%swap3A_1427] {strides = array<i32>} : memref<4096xf32, #tpu.memory_space<vmem>>, vector<16xf32>,
        %swap3A_1429 = vector.shape_cast %swap3A_1428 : vector<16xf32> to vector<16xf32>
        %swap3A_1430 = vector.shape_cast %get3A_1366 : vector<16xf32> to vector<16xf32>
        tpu.vector_store %arg17[%swap3A_1427], %swap3A_1430 {strides = array<i32>} : memref<4096xf32, #tpu.memory_space<vmem>>, vector<16xf32>,
        %swap3A_1431 = arith.index_cast %add3A_1332 : i32 to index
        %swap3A_1432 = tpu.vector_load %arg17[%swap3A_1431] {strides = array<i32>} : memref<4096xf32, #tpu.memory_space<vmem>>, vector<16xf32>,
        %swap3A_1433 = vector.shape_cast %swap3A_1432 : vector<16xf32> to vector<16xf32>
        %swap3A_1434 = vector.shape_cast %get3A_1370 : vector<16xf32> to vector<16xf32>
        tpu.vector_store %arg17[%swap3A_1431], %swap3A_1434 {strides = array<i32>} : memref<4096xf32, #tpu.memory_space<vmem>>, vector<16xf32>,
        %swap3A_1435 = arith.index_cast %add3A_1334 : i32 to index
        %swap3A_1436 = tpu.vector_load %arg17[%swap3A_1435] {strides = array<i32>} : memref<4096xf32, #tpu.memory_space<vmem>>, vector<16xf32>,
        %swap3A_1437 = vector.shape_cast %swap3A_1436 : vector<16xf32> to vector<16xf32>
        %swap3A_1438 = vector.shape_cast %get3A_1374 : vector<16xf32> to vector<16xf32>
        tpu.vector_store %arg17[%swap3A_1435], %swap3A_1438 {strides = array<i32>} : memref<4096xf32, #tpu.memory_space<vmem>>, vector<16xf32>,
        %swap3A_1439 = arith.index_cast %add3A_1336 : i32 to index
        %swap3A_1440 = tpu.vector_load %arg17[%swap3A_1439] {strides = array<i32>} : memref<4096xf32, #tpu.memory_space<vmem>>, vector<16xf32>,
        %swap3A_1441 = vector.shape_cast %swap3A_1440 : vector<16xf32> to vector<16xf32>
        %swap3A_1442 = vector.shape_cast %get3A_1378 : vector<16xf32> to vector<16xf32>
        tpu.vector_store %arg17[%swap3A_1439], %swap3A_1442 {strides = array<i32>} : memref<4096xf32, #tpu.memory_space<vmem>>, vector<16xf32>,
        %swap3A_1443 = arith.index_cast %add3A_1338 : i32 to index
        %swap3A_1444 = tpu.vector_load %arg17[%swap3A_1443] {strides = array<i32>} : memref<4096xf32, #tpu.memory_space<vmem>>, vector<16xf32>,
        %swap3A_1445 = vector.shape_cast %swap3A_1444 : vector<16xf32> to vector<16xf32>
        %swap3A_1446 = vector.shape_cast %get3A_1382 : vector<16xf32> to vector<16xf32>
        tpu.vector_store %arg17[%swap3A_1443], %swap3A_1446 {strides = array<i32>} : memref<4096xf32, #tpu.memory_space<vmem>>, vector<16xf32>,
        %swap3A_1447 = arith.index_cast %add3A_1340 : i32 to index
        %swap3A_1448 = tpu.vector_load %arg17[%swap3A_1447] {strides = array<i32>} : memref<4096xf32, #tpu.memory_space<vmem>>, vector<16xf32>,
        %swap3A_1449 = vector.shape_cast %swap3A_1448 : vector<16xf32> to vector<16xf32>
        %swap3A_1450 = vector.shape_cast %get3A_1386 : vector<16xf32> to vector<16xf32>
        tpu.vector_store %arg17[%swap3A_1447], %swap3A_1450 {strides = array<i32>} : memref<4096xf32, #tpu.memory_space<vmem>>, vector<16xf32>,
        %swap3A_1451 = arith.index_cast %add3A_1342 : i32 to index
        %swap3A_1452 = tpu.vector_load %arg17[%swap3A_1451] {strides = array<i32>} : memref<4096xf32, #tpu.memory_space<vmem>>, vector<16xf32>,
        %swap3A_1453 = vector.shape_cast %swap3A_1452 : vector<16xf32> to vector<16xf32>
        %swap3A_1454 = vector.shape_cast %get3A_1390 : vector<16xf32> to vector<16xf32>
        tpu.vector_store %arg17[%swap3A_1451], %swap3A_1454 {strides = array<i32>} : memref<4096xf32, #tpu.memory_space<vmem>>, vector<16xf32>,
        %swap3A_1455 = arith.index_cast %add3A_1344 : i32 to index
        %swap3A_1456 = tpu.vector_load %arg17[%swap3A_1455] {strides = array<i32>} : memref<4096xf32, #tpu.memory_space<vmem>>, vector<16xf32>,
        %swap3A_1457 = vector.shape_cast %swap3A_1456 : vector<16xf32> to vector<16xf32>
        %swap3A_1458 = vector.shape_cast %get3A_1394 : vector<16xf32> to vector<16xf32>
        tpu.vector_store %arg17[%swap3A_1455], %swap3A_1458 {strides = array<i32>} : memref<4096xf32, #tpu.memory_space<vmem>>, vector<16xf32>,
        %swap3A_1459 = arith.index_cast %add3A_1346 : i32 to index
        %swap3A_1460 = tpu.vector_load %arg17[%swap3A_1459] {strides = array<i32>} : memref<4096xf32, #tpu.memory_space<vmem>>, vector<16xf32>,
        %swap3A_1461 = vector.shape_cast %swap3A_1460 : vector<16xf32> to vector<16xf32>
        %swap3A_1462 = vector.shape_cast %get3A_1398 : vector<16xf32> to vector<16xf32>
        tpu.vector_store %arg17[%swap3A_1459], %swap3A_1462 {strides = array<i32>} : memref<4096xf32, #tpu.memory_space<vmem>>, vector<16xf32>,
        %swap3A_1463 = arith.index_cast %add3A_1348 : i32 to index
        %swap3A_1464 = tpu.vector_load %arg17[%swap3A_1463] {strides = array<i32>} : memref<4096xf32, #tpu.memory_space<vmem>>, vector<16xf32>,
        %swap3A_1465 = vector.shape_cast %swap3A_1464 : vector<16xf32> to vector<16xf32>
        %swap3A_1466 = vector.shape_cast %get3A_1402 : vector<16xf32> to vector<16xf32>
        tpu.vector_store %arg17[%swap3A_1463], %swap3A_1466 {strides = array<i32>} : memref<4096xf32, #tpu.memory_space<vmem>>, vector<16xf32>,
        %swap3A_1467 = arith.index_cast %add3A_1350 : i32 to index
        %swap3A_1468 = tpu.vector_load %arg17[%swap3A_1467] {strides = array<i32>} : memref<4096xf32, #tpu.memory_space<vmem>>, vector<16xf32>,
        %swap3A_1469 = vector.shape_cast %swap3A_1468 : vector<16xf32> to vector<16xf32>
        %swap3A_1470 = vector.shape_cast %get3A_1406 : vector<16xf32> to vector<16xf32>
        tpu.vector_store %arg17[%swap3A_1467], %swap3A_1470 {strides = array<i32>} : memref<4096xf32, #tpu.memory_space<vmem>>, vector<16xf32>,
        %swap3A_1471 = arith.index_cast %add3A_1352 : i32 to index
        %swap3A_1472 = tpu.vector_load %arg17[%swap3A_1471] {strides = array<i32>} : memref<4096xf32, #tpu.memory_space<vmem>>, vector<16xf32>,
        %swap3A_1473 = vector.shape_cast %swap3A_1472 : vector<16xf32> to vector<16xf32>
        %swap3A_1474 = vector.shape_cast %get3A_1410 : vector<16xf32> to vector<16xf32>
        tpu.vector_store %arg17[%swap3A_1471], %swap3A_1474 {strides = array<i32>} : memref<4096xf32, #tpu.memory_space<vmem>>, vector<16xf32>,
        %swap3A_1475 = arith.index_cast %add3A_1354 : i32 to index
        %swap3A_1476 = tpu.vector_load %arg17[%swap3A_1475] {strides = array<i32>} : memref<4096xf32, #tpu.memory_space<vmem>>, vector<16xf32>,
        %swap3A_1477 = vector.shape_cast %swap3A_1476 : vector<16xf32> to vector<16xf32>
        %swap3A_1478 = vector.shape_cast %get3A_1414 : vector<16xf32> to vector<16xf32>
        tpu.vector_store %arg17[%swap3A_1475], %swap3A_1478 {strides = array<i32>} : memref<4096xf32, #tpu.memory_space<vmem>>, vector<16xf32>,
        %swap3A_1479 = arith.index_cast %add3A_1356 : i32 to index
        %swap3A_1480 = tpu.vector_load %arg17[%swap3A_1479] {strides = array<i32>} : memref<4096xf32, #tpu.memory_space<vmem>>, vector<16xf32>,
        %swap3A_1481 = vector.shape_cast %swap3A_1480 : vector<16xf32> to vector<16xf32>
        %swap3A_1482 = vector.shape_cast %get3A_1418 : vector<16xf32> to vector<16xf32>
        tpu.vector_store %arg17[%swap3A_1479], %swap3A_1482 {strides = array<i32>} : memref<4096xf32, #tpu.memory_space<vmem>>, vector<16xf32>,
        %swap3A_1483 = arith.index_cast %add3A_1358 : i32 to index
        %swap3A_1484 = tpu.vector_load %arg17[%swap3A_1483] {strides = array<i32>} : memref<4096xf32, #tpu.memory_space<vmem>>, vector<16xf32>,
        %swap3A_1485 = vector.shape_cast %swap3A_1484 : vector<16xf32> to vector<16xf32>
        %swap3A_1486 = vector.shape_cast %get3A_1422 : vector<16xf32> to vector<16xf32>
        tpu.vector_store %arg17[%swap3A_1483], %swap3A_1486 {strides = array<i32>} : memref<4096xf32, #tpu.memory_space<vmem>>, vector<16xf32>,
      }
      %scan3A_1004 = arith.constant 16 : i32
      %mul3A_1005 = arith.constant 4 : i32
      %mul3A_1006 = arith.muli %add3A_834, %mul3A_1005 : i32
      %add3A_1007 = arith.addi %mul3A_2, %mul3A_1006 : i32
      %add3A_1008 = arith.constant 2 : i32
      %add3A_1009 = arith.addi %add3A_1007, %add3A_1008 : i32
      %dma_start3A_1010 = arith.constant 0 : i32
      %dma_start3A_1011 = tpu.memref_slice %arg4[%add3A_1009, %dma_start3A_1010] : memref<1024x4096xf32, #tpu.memory_space<hbm>> -> memref<1x4096xf32, #tpu.memory_space<hbm>>
      %dma_start3A_1012 = tpu.memref_squeeze %dma_start3A_1011 : memref<1x4096xf32, #tpu.memory_space<hbm>> -> memref<4096xf32, #tpu.memory_space<hbm>>
      %dma_start3A_1013 = arith.constant 0 : i32
      %dma_start3A_1014 = tpu.memref_slice %arg4[%add3A_1009, %dma_start3A_1013] : memref<1024x4096xf32, #tpu.memory_space<hbm>> -> memref<1x4096xf32, #tpu.memory_space<hbm>>
      %dma_start3A_1015 = tpu.memref_squeeze %dma_start3A_1014 : memref<1x4096xf32, #tpu.memory_space<hbm>> -> memref<4096xf32, #tpu.memory_space<hbm>>
      tpu.enqueue_dma source(%arg17 : memref<4096xf32, #tpu.memory_space<vmem>>) target(%dma_start3A_1015 : memref<4096xf32, #tpu.memory_space<hbm>>) target_semaphore(%arg25 : memref<!tpu.dma_semaphore, #tpu.memory_space<semaphore_mem>>)
      %mul3A_1016 = arith.constant 4 : i32
      %mul3A_1017 = arith.muli %add3A_834, %mul3A_1016 : i32
      %add3A_1018 = arith.constant 3 : i32
      %add3A_1019 = arith.addi %mul3A_1017, %add3A_1018 : i32
      %get3A_1020 = arith.index_cast %add3A_1019 : i32 to index
      %get3A_1021 = tpu.vector_load %arg6[%get3A_1020] {strides = array<i32>} : memref<48xi32, #tpu.memory_space<vmem>>, vector<16xi32>,
      %get3A_1022 = vector.shape_cast %get3A_1021 : vector<16xi32> to vector<16xi32>
      %slice3A_1023 = vector.extract_strided_slice %get3A_1022 {offsets = [0], sizes = [1], strides = [1]} : vector<16xi32> to vector<1xi32>
      %squeeze3A_1024 = vector.extract %slice3A_1023[0] : i32 from vector<1xi32>
      %jit3A_1025 = arith.constant 8 : i32
      %div3A_1026 = arith.divsi %squeeze3A_1024, %jit3A_1025 : i32
      %sign3A_1027 = arith.constant 0 : i32
      %sign3A_1028 = arith.cmpi sgt, %squeeze3A_1024, %sign3A_1027 : i32
      %sign3A_1029 = arith.extui %sign3A_1028 : i1 to i32
      %sign3A_1030 = arith.constant 0 : i32
      %sign3A_1031 = arith.cmpi slt, %squeeze3A_1024, %sign3A_1030 : i32
      %sign3A_1032 = arith.extui %sign3A_1031 : i1 to i32
      %sign3A_1033 = arith.subi %sign3A_1029, %sign3A_1032 : i32
      %sign3A_1034 = arith.constant 0 : i32
      %sign3A_1035 = arith.cmpi sgt, %jit3A_1025, %sign3A_1034 : i32
      %sign3A_1036 = arith.extui %sign3A_1035 : i1 to i32
      %sign3A_1037 = arith.constant 0 : i32
      %sign3A_1038 = arith.cmpi slt, %jit3A_1025, %sign3A_1037 : i32
      %sign3A_1039 = arith.extui %sign3A_1038 : i1 to i32
      %sign3A_1040 = arith.subi %sign3A_1036, %sign3A_1039 : i32
      %ne3A_1041 = arith.cmpi ne, %sign3A_1033, %sign3A_1040 : i32
      %rem3A_1042 = arith.remsi %squeeze3A_1024, %jit3A_1025 : i32
      %ne3A_1043 = arith.constant 0 : i32
      %ne3A_1044 = arith.cmpi ne, %rem3A_1042, %ne3A_1043 : i32
      %and3A_1045 = arith.andi %ne3A_1041, %ne3A_1044 : i1
      %sub3A_1046 = arith.constant 1 : i32
      %sub3A_1047 = arith.subi %div3A_1026, %sub3A_1046 : i32
      %select_n3A_1048 = arith.select %and3A_1045, %sub3A_1047, %div3A_1026 : i32
      %mul3A_1049 = arith.constant 8 : i32
      %mul3A_1050 = arith.muli %select_n3A_1048, %mul3A_1049 : i32
      %multiple_of3A_1051 = tpu.assume_multiple %mul3A_1050, 8 : i32
      %sub3A_1052 = arith.subi %squeeze3A_1024, %multiple_of3A_1051 : i32
      %scan3A_1053 = arith.constant 0 : i32
      %scan3A_1054 = arith.constant 0 : i32
      %scan3A_1055 = arith.constant 16 : i32
      %scan3A_1056 = arith.addi %scan3A_1054, %scan3A_1055 : i32
      %scan3A_1057 = arith.constant 1 : i32
      scf.for %scan3A_1324 = %scan3A_1054 to %scan3A_1056 step %scan3A_1057  : i32 {
        %mul3A_1325 = arith.constant 256 : i32
        %mul3A_1326 = arith.muli %scan3A_1324, %mul3A_1325 : i32
        %add3A_1327 = arith.constant 0 : i32
        %add3A_1328 = arith.addi %mul3A_1326, %add3A_1327 : i32
        %add3A_1329 = arith.constant 16 : i32
        %add3A_1330 = arith.addi %mul3A_1326, %add3A_1329 : i32
        %add3A_1331 = arith.constant 32 : i32
        %add3A_1332 = arith.addi %mul3A_1326, %add3A_1331 : i32
        %add3A_1333 = arith.constant 48 : i32
        %add3A_1334 = arith.addi %mul3A_1326, %add3A_1333 : i32
        %add3A_1335 = arith.constant 64 : i32
        %add3A_1336 = arith.addi %mul3A_1326, %add3A_1335 : i32
        %add3A_1337 = arith.constant 80 : i32
        %add3A_1338 = arith.addi %mul3A_1326, %add3A_1337 : i32
        %add3A_1339 = arith.constant 96 : i32
        %add3A_1340 = arith.addi %mul3A_1326, %add3A_1339 : i32
        %add3A_1341 = arith.constant 112 : i32
        %add3A_1342 = arith.addi %mul3A_1326, %add3A_1341 : i32
        %add3A_1343 = arith.constant 128 : i32
        %add3A_1344 = arith.addi %mul3A_1326, %add3A_1343 : i32
        %add3A_1345 = arith.constant 144 : i32
        %add3A_1346 = arith.addi %mul3A_1326, %add3A_1345 : i32
        %add3A_1347 = arith.constant 160 : i32
        %add3A_1348 = arith.addi %mul3A_1326, %add3A_1347 : i32
        %add3A_1349 = arith.constant 176 : i32
        %add3A_1350 = arith.addi %mul3A_1326, %add3A_1349 : i32
        %add3A_1351 = arith.constant 192 : i32
        %add3A_1352 = arith.addi %mul3A_1326, %add3A_1351 : i32
        %add3A_1353 = arith.constant 208 : i32
        %add3A_1354 = arith.addi %mul3A_1326, %add3A_1353 : i32
        %add3A_1355 = arith.constant 224 : i32
        %add3A_1356 = arith.addi %mul3A_1326, %add3A_1355 : i32
        %add3A_1357 = arith.constant 240 : i32
        %add3A_1358 = arith.addi %mul3A_1326, %add3A_1357 : i32
        %add3A_1359 = arith.addi %sub3A_1052, %add3A_1328 : i32
        %get3A_1360 = arith.index_cast %add3A_1359 : i32 to index
        %get3A_1361 = tpu.vector_load %arg10[%get3A_1360] {strides = array<i32>} : memref<4104xf32, #tpu.memory_space<vmem>>, vector<16xf32>,
        %get3A_1362 = vector.shape_cast %get3A_1361 : vector<16xf32> to vector<16xf32>
        %add3A_1363 = arith.addi %sub3A_1052, %add3A_1330 : i32
        %get3A_1364 = arith.index_cast %add3A_1363 : i32 to index
        %get3A_1365 = tpu.vector_load %arg10[%get3A_1364] {strides = array<i32>} : memref<4104xf32, #tpu.memory_space<vmem>>, vector<16xf32>,
        %get3A_1366 = vector.shape_cast %get3A_1365 : vector<16xf32> to vector<16xf32>
        %add3A_1367 = arith.addi %sub3A_1052, %add3A_1332 : i32
        %get3A_1368 = arith.index_cast %add3A_1367 : i32 to index
        %get3A_1369 = tpu.vector_load %arg10[%get3A_1368] {strides = array<i32>} : memref<4104xf32, #tpu.memory_space<vmem>>, vector<16xf32>,
        %get3A_1370 = vector.shape_cast %get3A_1369 : vector<16xf32> to vector<16xf32>
        %add3A_1371 = arith.addi %sub3A_1052, %add3A_1334 : i32
        %get3A_1372 = arith.index_cast %add3A_1371 : i32 to index
        %get3A_1373 = tpu.vector_load %arg10[%get3A_1372] {strides = array<i32>} : memref<4104xf32, #tpu.memory_space<vmem>>, vector<16xf32>,
        %get3A_1374 = vector.shape_cast %get3A_1373 : vector<16xf32> to vector<16xf32>
        %add3A_1375 = arith.addi %sub3A_1052, %add3A_1336 : i32
        %get3A_1376 = arith.index_cast %add3A_1375 : i32 to index
        %get3A_1377 = tpu.vector_load %arg10[%get3A_1376] {strides = array<i32>} : memref<4104xf32, #tpu.memory_space<vmem>>, vector<16xf32>,
        %get3A_1378 = vector.shape_cast %get3A_1377 : vector<16xf32> to vector<16xf32>
        %add3A_1379 = arith.addi %sub3A_1052, %add3A_1338 : i32
        %get3A_1380 = arith.index_cast %add3A_1379 : i32 to index
        %get3A_1381 = tpu.vector_load %arg10[%get3A_1380] {strides = array<i32>} : memref<4104xf32, #tpu.memory_space<vmem>>, vector<16xf32>,
        %get3A_1382 = vector.shape_cast %get3A_1381 : vector<16xf32> to vector<16xf32>
        %add3A_1383 = arith.addi %sub3A_1052, %add3A_1340 : i32
        %get3A_1384 = arith.index_cast %add3A_1383 : i32 to index
        %get3A_1385 = tpu.vector_load %arg10[%get3A_1384] {strides = array<i32>} : memref<4104xf32, #tpu.memory_space<vmem>>, vector<16xf32>,
        %get3A_1386 = vector.shape_cast %get3A_1385 : vector<16xf32> to vector<16xf32>
        %add3A_1387 = arith.addi %sub3A_1052, %add3A_1342 : i32
        %get3A_1388 = arith.index_cast %add3A_1387 : i32 to index
        %get3A_1389 = tpu.vector_load %arg10[%get3A_1388] {strides = array<i32>} : memref<4104xf32, #tpu.memory_space<vmem>>, vector<16xf32>,
        %get3A_1390 = vector.shape_cast %get3A_1389 : vector<16xf32> to vector<16xf32>
        %add3A_1391 = arith.addi %sub3A_1052, %add3A_1344 : i32
        %get3A_1392 = arith.index_cast %add3A_1391 : i32 to index
        %get3A_1393 = tpu.vector_load %arg10[%get3A_1392] {strides = array<i32>} : memref<4104xf32, #tpu.memory_space<vmem>>, vector<16xf32>,
        %get3A_1394 = vector.shape_cast %get3A_1393 : vector<16xf32> to vector<16xf32>
        %add3A_1395 = arith.addi %sub3A_1052, %add3A_1346 : i32
        %get3A_1396 = arith.index_cast %add3A_1395 : i32 to index
        %get3A_1397 = tpu.vector_load %arg10[%get3A_1396] {strides = array<i32>} : memref<4104xf32, #tpu.memory_space<vmem>>, vector<16xf32>,
        %get3A_1398 = vector.shape_cast %get3A_1397 : vector<16xf32> to vector<16xf32>
        %add3A_1399 = arith.addi %sub3A_1052, %add3A_1348 : i32
        %get3A_1400 = arith.index_cast %add3A_1399 : i32 to index
        %get3A_1401 = tpu.vector_load %arg10[%get3A_1400] {strides = array<i32>} : memref<4104xf32, #tpu.memory_space<vmem>>, vector<16xf32>,
        %get3A_1402 = vector.shape_cast %get3A_1401 : vector<16xf32> to vector<16xf32>
        %add3A_1403 = arith.addi %sub3A_1052, %add3A_1350 : i32
        %get3A_1404 = arith.index_cast %add3A_1403 : i32 to index
        %get3A_1405 = tpu.vector_load %arg10[%get3A_1404] {strides = array<i32>} : memref<4104xf32, #tpu.memory_space<vmem>>, vector<16xf32>,
        %get3A_1406 = vector.shape_cast %get3A_1405 : vector<16xf32> to vector<16xf32>
        %add3A_1407 = arith.addi %sub3A_1052, %add3A_1352 : i32
        %get3A_1408 = arith.index_cast %add3A_1407 : i32 to index
        %get3A_1409 = tpu.vector_load %arg10[%get3A_1408] {strides = array<i32>} : memref<4104xf32, #tpu.memory_space<vmem>>, vector<16xf32>,
        %get3A_1410 = vector.shape_cast %get3A_1409 : vector<16xf32> to vector<16xf32>
        %add3A_1411 = arith.addi %sub3A_1052, %add3A_1354 : i32
        %get3A_1412 = arith.index_cast %add3A_1411 : i32 to index
        %get3A_1413 = tpu.vector_load %arg10[%get3A_1412] {strides = array<i32>} : memref<4104xf32, #tpu.memory_space<vmem>>, vector<16xf32>,
        %get3A_1414 = vector.shape_cast %get3A_1413 : vector<16xf32> to vector<16xf32>
        %add3A_1415 = arith.addi %sub3A_1052, %add3A_1356 : i32
        %get3A_1416 = arith.index_cast %add3A_1415 : i32 to index
        %get3A_1417 = tpu.vector_load %arg10[%get3A_1416] {strides = array<i32>} : memref<4104xf32, #tpu.memory_space<vmem>>, vector<16xf32>,
        %get3A_1418 = vector.shape_cast %get3A_1417 : vector<16xf32> to vector<16xf32>
        %add3A_1419 = arith.addi %sub3A_1052, %add3A_1358 : i32
        %get3A_1420 = arith.index_cast %add3A_1419 : i32 to index
        %get3A_1421 = tpu.vector_load %arg10[%get3A_1420] {strides = array<i32>} : memref<4104xf32, #tpu.memory_space<vmem>>, vector<16xf32>,
        %get3A_1422 = vector.shape_cast %get3A_1421 : vector<16xf32> to vector<16xf32>
        %swap3A_1423 = arith.index_cast %add3A_1328 : i32 to index
        %swap3A_1424 = tpu.vector_load %arg18[%swap3A_1423] {strides = array<i32>} : memref<4096xf32, #tpu.memory_space<vmem>>, vector<16xf32>,
        %swap3A_1425 = vector.shape_cast %swap3A_1424 : vector<16xf32> to vector<16xf32>
        %swap3A_1426 = vector.shape_cast %get3A_1362 : vector<16xf32> to vector<16xf32>
        tpu.vector_store %arg18[%swap3A_1423], %swap3A_1426 {strides = array<i32>} : memref<4096xf32, #tpu.memory_space<vmem>>, vector<16xf32>,
        %swap3A_1427 = arith.index_cast %add3A_1330 : i32 to index
        %swap3A_1428 = tpu.vector_load %arg18[%swap3A_1427] {strides = array<i32>} : memref<4096xf32, #tpu.memory_space<vmem>>, vector<16xf32>,
        %swap3A_1429 = vector.shape_cast %swap3A_1428 : vector<16xf32> to vector<16xf32>
        %swap3A_1430 = vector.shape_cast %get3A_1366 : vector<16xf32> to vector<16xf32>
        tpu.vector_store %arg18[%swap3A_1427], %swap3A_1430 {strides = array<i32>} : memref<4096xf32, #tpu.memory_space<vmem>>, vector<16xf32>,
        %swap3A_1431 = arith.index_cast %add3A_1332 : i32 to index
        %swap3A_1432 = tpu.vector_load %arg18[%swap3A_1431] {strides = array<i32>} : memref<4096xf32, #tpu.memory_space<vmem>>, vector<16xf32>,
        %swap3A_1433 = vector.shape_cast %swap3A_1432 : vector<16xf32> to vector<16xf32>
        %swap3A_1434 = vector.shape_cast %get3A_1370 : vector<16xf32> to vector<16xf32>
        tpu.vector_store %arg18[%swap3A_1431], %swap3A_1434 {strides = array<i32>} : memref<4096xf32, #tpu.memory_space<vmem>>, vector<16xf32>,
        %swap3A_1435 = arith.index_cast %add3A_1334 : i32 to index
        %swap3A_1436 = tpu.vector_load %arg18[%swap3A_1435] {strides = array<i32>} : memref<4096xf32, #tpu.memory_space<vmem>>, vector<16xf32>,
        %swap3A_1437 = vector.shape_cast %swap3A_1436 : vector<16xf32> to vector<16xf32>
        %swap3A_1438 = vector.shape_cast %get3A_1374 : vector<16xf32> to vector<16xf32>
        tpu.vector_store %arg18[%swap3A_1435], %swap3A_1438 {strides = array<i32>} : memref<4096xf32, #tpu.memory_space<vmem>>, vector<16xf32>,
        %swap3A_1439 = arith.index_cast %add3A_1336 : i32 to index
        %swap3A_1440 = tpu.vector_load %arg18[%swap3A_1439] {strides = array<i32>} : memref<4096xf32, #tpu.memory_space<vmem>>, vector<16xf32>,
        %swap3A_1441 = vector.shape_cast %swap3A_1440 : vector<16xf32> to vector<16xf32>
        %swap3A_1442 = vector.shape_cast %get3A_1378 : vector<16xf32> to vector<16xf32>
        tpu.vector_store %arg18[%swap3A_1439], %swap3A_1442 {strides = array<i32>} : memref<4096xf32, #tpu.memory_space<vmem>>, vector<16xf32>,
        %swap3A_1443 = arith.index_cast %add3A_1338 : i32 to index
        %swap3A_1444 = tpu.vector_load %arg18[%swap3A_1443] {strides = array<i32>} : memref<4096xf32, #tpu.memory_space<vmem>>, vector<16xf32>,
        %swap3A_1445 = vector.shape_cast %swap3A_1444 : vector<16xf32> to vector<16xf32>
        %swap3A_1446 = vector.shape_cast %get3A_1382 : vector<16xf32> to vector<16xf32>
        tpu.vector_store %arg18[%swap3A_1443], %swap3A_1446 {strides = array<i32>} : memref<4096xf32, #tpu.memory_space<vmem>>, vector<16xf32>,
        %swap3A_1447 = arith.index_cast %add3A_1340 : i32 to index
        %swap3A_1448 = tpu.vector_load %arg18[%swap3A_1447] {strides = array<i32>} : memref<4096xf32, #tpu.memory_space<vmem>>, vector<16xf32>,
        %swap3A_1449 = vector.shape_cast %swap3A_1448 : vector<16xf32> to vector<16xf32>
        %swap3A_1450 = vector.shape_cast %get3A_1386 : vector<16xf32> to vector<16xf32>
        tpu.vector_store %arg18[%swap3A_1447], %swap3A_1450 {strides = array<i32>} : memref<4096xf32, #tpu.memory_space<vmem>>, vector<16xf32>,
        %swap3A_1451 = arith.index_cast %add3A_1342 : i32 to index
        %swap3A_1452 = tpu.vector_load %arg18[%swap3A_1451] {strides = array<i32>} : memref<4096xf32, #tpu.memory_space<vmem>>, vector<16xf32>,
        %swap3A_1453 = vector.shape_cast %swap3A_1452 : vector<16xf32> to vector<16xf32>
        %swap3A_1454 = vector.shape_cast %get3A_1390 : vector<16xf32> to vector<16xf32>
        tpu.vector_store %arg18[%swap3A_1451], %swap3A_1454 {strides = array<i32>} : memref<4096xf32, #tpu.memory_space<vmem>>, vector<16xf32>,
        %swap3A_1455 = arith.index_cast %add3A_1344 : i32 to index
        %swap3A_1456 = tpu.vector_load %arg18[%swap3A_1455] {strides = array<i32>} : memref<4096xf32, #tpu.memory_space<vmem>>, vector<16xf32>,
        %swap3A_1457 = vector.shape_cast %swap3A_1456 : vector<16xf32> to vector<16xf32>
        %swap3A_1458 = vector.shape_cast %get3A_1394 : vector<16xf32> to vector<16xf32>
        tpu.vector_store %arg18[%swap3A_1455], %swap3A_1458 {strides = array<i32>} : memref<4096xf32, #tpu.memory_space<vmem>>, vector<16xf32>,
        %swap3A_1459 = arith.index_cast %add3A_1346 : i32 to index
        %swap3A_1460 = tpu.vector_load %arg18[%swap3A_1459] {strides = array<i32>} : memref<4096xf32, #tpu.memory_space<vmem>>, vector<16xf32>,
        %swap3A_1461 = vector.shape_cast %swap3A_1460 : vector<16xf32> to vector<16xf32>
        %swap3A_1462 = vector.shape_cast %get3A_1398 : vector<16xf32> to vector<16xf32>
        tpu.vector_store %arg18[%swap3A_1459], %swap3A_1462 {strides = array<i32>} : memref<4096xf32, #tpu.memory_space<vmem>>, vector<16xf32>,
        %swap3A_1463 = arith.index_cast %add3A_1348 : i32 to index
        %swap3A_1464 = tpu.vector_load %arg18[%swap3A_1463] {strides = array<i32>} : memref<4096xf32, #tpu.memory_space<vmem>>, vector<16xf32>,
        %swap3A_1465 = vector.shape_cast %swap3A_1464 : vector<16xf32> to vector<16xf32>
        %swap3A_1466 = vector.shape_cast %get3A_1402 : vector<16xf32> to vector<16xf32>
        tpu.vector_store %arg18[%swap3A_1463], %swap3A_1466 {strides = array<i32>} : memref<4096xf32, #tpu.memory_space<vmem>>, vector<16xf32>,
        %swap3A_1467 = arith.index_cast %add3A_1350 : i32 to index
        %swap3A_1468 = tpu.vector_load %arg18[%swap3A_1467] {strides = array<i32>} : memref<4096xf32, #tpu.memory_space<vmem>>, vector<16xf32>,
        %swap3A_1469 = vector.shape_cast %swap3A_1468 : vector<16xf32> to vector<16xf32>
        %swap3A_1470 = vector.shape_cast %get3A_1406 : vector<16xf32> to vector<16xf32>
        tpu.vector_store %arg18[%swap3A_1467], %swap3A_1470 {strides = array<i32>} : memref<4096xf32, #tpu.memory_space<vmem>>, vector<16xf32>,
        %swap3A_1471 = arith.index_cast %add3A_1352 : i32 to index
        %swap3A_1472 = tpu.vector_load %arg18[%swap3A_1471] {strides = array<i32>} : memref<4096xf32, #tpu.memory_space<vmem>>, vector<16xf32>,
        %swap3A_1473 = vector.shape_cast %swap3A_1472 : vector<16xf32> to vector<16xf32>
        %swap3A_1474 = vector.shape_cast %get3A_1410 : vector<16xf32> to vector<16xf32>
        tpu.vector_store %arg18[%swap3A_1471], %swap3A_1474 {strides = array<i32>} : memref<4096xf32, #tpu.memory_space<vmem>>, vector<16xf32>,
        %swap3A_1475 = arith.index_cast %add3A_1354 : i32 to index
        %swap3A_1476 = tpu.vector_load %arg18[%swap3A_1475] {strides = array<i32>} : memref<4096xf32, #tpu.memory_space<vmem>>, vector<16xf32>,
        %swap3A_1477 = vector.shape_cast %swap3A_1476 : vector<16xf32> to vector<16xf32>
        %swap3A_1478 = vector.shape_cast %get3A_1414 : vector<16xf32> to vector<16xf32>
        tpu.vector_store %arg18[%swap3A_1475], %swap3A_1478 {strides = array<i32>} : memref<4096xf32, #tpu.memory_space<vmem>>, vector<16xf32>,
        %swap3A_1479 = arith.index_cast %add3A_1356 : i32 to index
        %swap3A_1480 = tpu.vector_load %arg18[%swap3A_1479] {strides = array<i32>} : memref<4096xf32, #tpu.memory_space<vmem>>, vector<16xf32>,
        %swap3A_1481 = vector.shape_cast %swap3A_1480 : vector<16xf32> to vector<16xf32>
        %swap3A_1482 = vector.shape_cast %get3A_1418 : vector<16xf32> to vector<16xf32>
        tpu.vector_store %arg18[%swap3A_1479], %swap3A_1482 {strides = array<i32>} : memref<4096xf32, #tpu.memory_space<vmem>>, vector<16xf32>,
        %swap3A_1483 = arith.index_cast %add3A_1358 : i32 to index
        %swap3A_1484 = tpu.vector_load %arg18[%swap3A_1483] {strides = array<i32>} : memref<4096xf32, #tpu.memory_space<vmem>>, vector<16xf32>,
        %swap3A_1485 = vector.shape_cast %swap3A_1484 : vector<16xf32> to vector<16xf32>
        %swap3A_1486 = vector.shape_cast %get3A_1422 : vector<16xf32> to vector<16xf32>
        tpu.vector_store %arg18[%swap3A_1483], %swap3A_1486 {strides = array<i32>} : memref<4096xf32, #tpu.memory_space<vmem>>, vector<16xf32>,
      }
      %scan3A_1058 = arith.constant 16 : i32
      %mul3A_1059 = arith.constant 4 : i32
      %mul3A_1060 = arith.muli %add3A_834, %mul3A_1059 : i32
      %add3A_1061 = arith.addi %mul3A_2, %mul3A_1060 : i32
      %add3A_1062 = arith.constant 3 : i32
      %add3A_1063 = arith.addi %add3A_1061, %add3A_1062 : i32
      %dma_start3A_1064 = arith.constant 0 : i32
      %dma_start3A_1065 = tpu.memref_slice %arg4[%add3A_1063, %dma_start3A_1064] : memref<1024x4096xf32, #tpu.memory_space<hbm>> -> memref<1x4096xf32, #tpu.memory_space<hbm>>
      %dma_start3A_1066 = tpu.memref_squeeze %dma_start3A_1065 : memref<1x4096xf32, #tpu.memory_space<hbm>> -> memref<4096xf32, #tpu.memory_space<hbm>>
      %dma_start3A_1067 = arith.constant 0 : i32
      %dma_start3A_1068 = tpu.memref_slice %arg4[%add3A_1063, %dma_start3A_1067] : memref<1024x4096xf32, #tpu.memory_space<hbm>> -> memref<1x4096xf32, #tpu.memory_space<hbm>>
      %dma_start3A_1069 = tpu.memref_squeeze %dma_start3A_1068 : memref<1x4096xf32, #tpu.memory_space<hbm>> -> memref<4096xf32, #tpu.memory_space<hbm>>
      tpu.enqueue_dma source(%arg18 : memref<4096xf32, #tpu.memory_space<vmem>>) target(%dma_start3A_1069 : memref<4096xf32, #tpu.memory_space<hbm>>) target_semaphore(%arg25 : memref<!tpu.dma_semaphore, #tpu.memory_space<semaphore_mem>>)
      %add3A_1070 = arith.constant 2 : i32
      %add3A_1071 = arith.addi %add3A_834, %add3A_1070 : i32
      %lt3A = arith.constant 8 : i32
      %lt3A_1072 = arith.cmpi slt, %add3A_1071, %lt3A : i32
      %convert_element_type3A_1073 = arith.extui %lt3A_1072 : i1 to i32
      %cond3A_1074 = arith.constant 0 : i32
      %cond3A_1075 = arith.cmpi ne, %convert_element_type3A_1073, %cond3A_1074 : i32
      scf.if %cond3A_1075 {
        %add3A_1324 = arith.constant 2 : i32
        %add3A_1325 = arith.addi %add3A_834, %add3A_1324 : i32
        %mul3A_1326 = arith.constant 4 : i32
        %mul3A_1327 = arith.muli %add3A_1325, %mul3A_1326 : i32
        %add3A_1328 = arith.constant 0 : i32
        %add3A_1329 = arith.addi %mul3A_1327, %add3A_1328 : i32
        %get3A_1330 = arith.index_cast %add3A_1329 : i32 to index
        %get3A_1331 = tpu.vector_load %arg6[%get3A_1330] {strides = array<i32>} : memref<48xi32, #tpu.memory_space<vmem>>, vector<16xi32>,
        %get3A_1332 = vector.shape_cast %get3A_1331 : vector<16xi32> to vector<16xi32>
        %slice3A_1333 = vector.extract_strided_slice %get3A_1332 {offsets = [0], sizes = [1], strides = [1]} : vector<16xi32> to vector<1xi32>
        %squeeze3A_1334 = vector.extract %slice3A_1333[0] : i32 from vector<1xi32>
        %jit3A_1335 = arith.constant 8 : i32
        %div3A_1336 = arith.divsi %squeeze3A_1334, %jit3A_1335 : i32
        %sign3A_1337 = arith.constant 0 : i32
        %sign3A_1338 = arith.cmpi sgt, %squeeze3A_1334, %sign3A_1337 : i32
        %sign3A_1339 = arith.extui %sign3A_1338 : i1 to i32
        %sign3A_1340 = arith.constant 0 : i32
        %sign3A_1341 = arith.cmpi slt, %squeeze3A_1334, %sign3A_1340 : i32
        %sign3A_1342 = arith.extui %sign3A_1341 : i1 to i32
        %sign3A_1343 = arith.subi %sign3A_1339, %sign3A_1342 : i32
        %sign3A_1344 = arith.constant 0 : i32
        %sign3A_1345 = arith.cmpi sgt, %jit3A_1335, %sign3A_1344 : i32
        %sign3A_1346 = arith.extui %sign3A_1345 : i1 to i32
        %sign3A_1347 = arith.constant 0 : i32
        %sign3A_1348 = arith.cmpi slt, %jit3A_1335, %sign3A_1347 : i32
        %sign3A_1349 = arith.extui %sign3A_1348 : i1 to i32
        %sign3A_1350 = arith.subi %sign3A_1346, %sign3A_1349 : i32
        %ne3A_1351 = arith.cmpi ne, %sign3A_1343, %sign3A_1350 : i32
        %rem3A_1352 = arith.remsi %squeeze3A_1334, %jit3A_1335 : i32
        %ne3A_1353 = arith.constant 0 : i32
        %ne3A_1354 = arith.cmpi ne, %rem3A_1352, %ne3A_1353 : i32
        %and3A_1355 = arith.andi %ne3A_1351, %ne3A_1354 : i1
        %sub3A_1356 = arith.constant 1 : i32
        %sub3A_1357 = arith.subi %div3A_1336, %sub3A_1356 : i32
        %select_n3A_1358 = arith.select %and3A_1355, %sub3A_1357, %div3A_1336 : i32
        %mul3A_1359 = arith.constant 8 : i32
        %mul3A_1360 = arith.muli %select_n3A_1358, %mul3A_1359 : i32
        %multiple_of3A_1361 = tpu.assume_multiple %mul3A_1360, 8 : i32
        %sub3A_1362 = arith.subi %squeeze3A_1334, %multiple_of3A_1361 : i32
        %dma_start3A_1363 = tpu.memref_slice %arg2[%multiple_of3A_1361] : memref<2097152xf32, #tpu.memory_space<hbm>> -> memref<4104xf32, #tpu.memory_space<hbm>>
        %dma_start3A_1364 = tpu.memref_slice %arg2[%multiple_of3A_1361] : memref<2097152xf32, #tpu.memory_space<hbm>> -> memref<4104xf32, #tpu.memory_space<hbm>>
        tpu.enqueue_dma source(%dma_start3A_1364 : memref<4104xf32, #tpu.memory_space<hbm>>) target(%arg7 : memref<4104xf32, #tpu.memory_space<vmem>>) target_semaphore(%arg23 : memref<!tpu.dma_semaphore, #tpu.memory_space<semaphore_mem>>)
        %mul3A_1365 = arith.constant 4 : i32
        %mul3A_1366 = arith.muli %add3A_1325, %mul3A_1365 : i32
        %add3A_1367 = arith.constant 1 : i32
        %add3A_1368 = arith.addi %mul3A_1366, %add3A_1367 : i32
        %get3A_1369 = arith.index_cast %add3A_1368 : i32 to index
        %get3A_1370 = tpu.vector_load %arg6[%get3A_1369] {strides = array<i32>} : memref<48xi32, #tpu.memory_space<vmem>>, vector<16xi32>,
        %get3A_1371 = vector.shape_cast %get3A_1370 : vector<16xi32> to vector<16xi32>
        %slice3A_1372 = vector.extract_strided_slice %get3A_1371 {offsets = [0], sizes = [1], strides = [1]} : vector<16xi32> to vector<1xi32>
        %squeeze3A_1373 = vector.extract %slice3A_1372[0] : i32 from vector<1xi32>
        %jit3A_1374 = arith.constant 8 : i32
        %div3A_1375 = arith.divsi %squeeze3A_1373, %jit3A_1374 : i32
        %sign3A_1376 = arith.constant 0 : i32
        %sign3A_1377 = arith.cmpi sgt, %squeeze3A_1373, %sign3A_1376 : i32
        %sign3A_1378 = arith.extui %sign3A_1377 : i1 to i32
        %sign3A_1379 = arith.constant 0 : i32
        %sign3A_1380 = arith.cmpi slt, %squeeze3A_1373, %sign3A_1379 : i32
        %sign3A_1381 = arith.extui %sign3A_1380 : i1 to i32
        %sign3A_1382 = arith.subi %sign3A_1378, %sign3A_1381 : i32
        %sign3A_1383 = arith.constant 0 : i32
        %sign3A_1384 = arith.cmpi sgt, %jit3A_1374, %sign3A_1383 : i32
        %sign3A_1385 = arith.extui %sign3A_1384 : i1 to i32
        %sign3A_1386 = arith.constant 0 : i32
        %sign3A_1387 = arith.cmpi slt, %jit3A_1374, %sign3A_1386 : i32
        %sign3A_1388 = arith.extui %sign3A_1387 : i1 to i32
        %sign3A_1389 = arith.subi %sign3A_1385, %sign3A_1388 : i32
        %ne3A_1390 = arith.cmpi ne, %sign3A_1382, %sign3A_1389 : i32
        %rem3A_1391 = arith.remsi %squeeze3A_1373, %jit3A_1374 : i32
        %ne3A_1392 = arith.constant 0 : i32
        %ne3A_1393 = arith.cmpi ne, %rem3A_1391, %ne3A_1392 : i32
        %and3A_1394 = arith.andi %ne3A_1390, %ne3A_1393 : i1
        %sub3A_1395 = arith.constant 1 : i32
        %sub3A_1396 = arith.subi %div3A_1375, %sub3A_1395 : i32
        %select_n3A_1397 = arith.select %and3A_1394, %sub3A_1396, %div3A_1375 : i32
        %mul3A_1398 = arith.constant 8 : i32
        %mul3A_1399 = arith.muli %select_n3A_1397, %mul3A_1398 : i32
        %multiple_of3A_1400 = tpu.assume_multiple %mul3A_1399, 8 : i32
        %sub3A_1401 = arith.subi %squeeze3A_1373, %multiple_of3A_1400 : i32
        %dma_start3A_1402 = tpu.memref_slice %arg2[%multiple_of3A_1400] : memref<2097152xf32, #tpu.memory_space<hbm>> -> memref<4104xf32, #tpu.memory_space<hbm>>
        %dma_start3A_1403 = tpu.memref_slice %arg2[%multiple_of3A_1400] : memref<2097152xf32, #tpu.memory_space<hbm>> -> memref<4104xf32, #tpu.memory_space<hbm>>
        tpu.enqueue_dma source(%dma_start3A_1403 : memref<4104xf32, #tpu.memory_space<hbm>>) target(%arg8 : memref<4104xf32, #tpu.memory_space<vmem>>) target_semaphore(%arg23 : memref<!tpu.dma_semaphore, #tpu.memory_space<semaphore_mem>>)
        %mul3A_1404 = arith.constant 4 : i32
        %mul3A_1405 = arith.muli %add3A_1325, %mul3A_1404 : i32
        %add3A_1406 = arith.constant 2 : i32
        %add3A_1407 = arith.addi %mul3A_1405, %add3A_1406 : i32
        %get3A_1408 = arith.index_cast %add3A_1407 : i32 to index
        %get3A_1409 = tpu.vector_load %arg6[%get3A_1408] {strides = array<i32>} : memref<48xi32, #tpu.memory_space<vmem>>, vector<16xi32>,
        %get3A_1410 = vector.shape_cast %get3A_1409 : vector<16xi32> to vector<16xi32>
        %slice3A_1411 = vector.extract_strided_slice %get3A_1410 {offsets = [0], sizes = [1], strides = [1]} : vector<16xi32> to vector<1xi32>
        %squeeze3A_1412 = vector.extract %slice3A_1411[0] : i32 from vector<1xi32>
        %jit3A_1413 = arith.constant 8 : i32
        %div3A_1414 = arith.divsi %squeeze3A_1412, %jit3A_1413 : i32
        %sign3A_1415 = arith.constant 0 : i32
        %sign3A_1416 = arith.cmpi sgt, %squeeze3A_1412, %sign3A_1415 : i32
        %sign3A_1417 = arith.extui %sign3A_1416 : i1 to i32
        %sign3A_1418 = arith.constant 0 : i32
        %sign3A_1419 = arith.cmpi slt, %squeeze3A_1412, %sign3A_1418 : i32
        %sign3A_1420 = arith.extui %sign3A_1419 : i1 to i32
        %sign3A_1421 = arith.subi %sign3A_1417, %sign3A_1420 : i32
        %sign3A_1422 = arith.constant 0 : i32
        %sign3A_1423 = arith.cmpi sgt, %jit3A_1413, %sign3A_1422 : i32
        %sign3A_1424 = arith.extui %sign3A_1423 : i1 to i32
        %sign3A_1425 = arith.constant 0 : i32
        %sign3A_1426 = arith.cmpi slt, %jit3A_1413, %sign3A_1425 : i32
        %sign3A_1427 = arith.extui %sign3A_1426 : i1 to i32
        %sign3A_1428 = arith.subi %sign3A_1424, %sign3A_1427 : i32
        %ne3A_1429 = arith.cmpi ne, %sign3A_1421, %sign3A_1428 : i32
        %rem3A_1430 = arith.remsi %squeeze3A_1412, %jit3A_1413 : i32
        %ne3A_1431 = arith.constant 0 : i32
        %ne3A_1432 = arith.cmpi ne, %rem3A_1430, %ne3A_1431 : i32
        %and3A_1433 = arith.andi %ne3A_1429, %ne3A_1432 : i1
        %sub3A_1434 = arith.constant 1 : i32
        %sub3A_1435 = arith.subi %div3A_1414, %sub3A_1434 : i32
        %select_n3A_1436 = arith.select %and3A_1433, %sub3A_1435, %div3A_1414 : i32
        %mul3A_1437 = arith.constant 8 : i32
        %mul3A_1438 = arith.muli %select_n3A_1436, %mul3A_1437 : i32
        %multiple_of3A_1439 = tpu.assume_multiple %mul3A_1438, 8 : i32
        %sub3A_1440 = arith.subi %squeeze3A_1412, %multiple_of3A_1439 : i32
        %dma_start3A_1441 = tpu.memref_slice %arg2[%multiple_of3A_1439] : memref<2097152xf32, #tpu.memory_space<hbm>> -> memref<4104xf32, #tpu.memory_space<hbm>>
        %dma_start3A_1442 = tpu.memref_slice %arg2[%multiple_of3A_1439] : memref<2097152xf32, #tpu.memory_space<hbm>> -> memref<4104xf32, #tpu.memory_space<hbm>>
        tpu.enqueue_dma source(%dma_start3A_1442 : memref<4104xf32, #tpu.memory_space<hbm>>) target(%arg9 : memref<4104xf32, #tpu.memory_space<vmem>>) target_semaphore(%arg23 : memref<!tpu.dma_semaphore, #tpu.memory_space<semaphore_mem>>)
        %mul3A_1443 = arith.constant 4 : i32
        %mul3A_1444 = arith.muli %add3A_1325, %mul3A_1443 : i32
        %add3A_1445 = arith.constant 3 : i32
        %add3A_1446 = arith.addi %mul3A_1444, %add3A_1445 : i32
        %get3A_1447 = arith.index_cast %add3A_1446 : i32 to index
        %get3A_1448 = tpu.vector_load %arg6[%get3A_1447] {strides = array<i32>} : memref<48xi32, #tpu.memory_space<vmem>>, vector<16xi32>,
        %get3A_1449 = vector.shape_cast %get3A_1448 : vector<16xi32> to vector<16xi32>
        %slice3A_1450 = vector.extract_strided_slice %get3A_1449 {offsets = [0], sizes = [1], strides = [1]} : vector<16xi32> to vector<1xi32>
        %squeeze3A_1451 = vector.extract %slice3A_1450[0] : i32 from vector<1xi32>
        %jit3A_1452 = arith.constant 8 : i32
        %div3A_1453 = arith.divsi %squeeze3A_1451, %jit3A_1452 : i32
        %sign3A_1454 = arith.constant 0 : i32
        %sign3A_1455 = arith.cmpi sgt, %squeeze3A_1451, %sign3A_1454 : i32
        %sign3A_1456 = arith.extui %sign3A_1455 : i1 to i32
        %sign3A_1457 = arith.constant 0 : i32
        %sign3A_1458 = arith.cmpi slt, %squeeze3A_1451, %sign3A_1457 : i32
        %sign3A_1459 = arith.extui %sign3A_1458 : i1 to i32
        %sign3A_1460 = arith.subi %sign3A_1456, %sign3A_1459 : i32
        %sign3A_1461 = arith.constant 0 : i32
        %sign3A_1462 = arith.cmpi sgt, %jit3A_1452, %sign3A_1461 : i32
        %sign3A_1463 = arith.extui %sign3A_1462 : i1 to i32
        %sign3A_1464 = arith.constant 0 : i32
        %sign3A_1465 = arith.cmpi slt, %jit3A_1452, %sign3A_1464 : i32
        %sign3A_1466 = arith.extui %sign3A_1465 : i1 to i32
        %sign3A_1467 = arith.subi %sign3A_1463, %sign3A_1466 : i32
        %ne3A_1468 = arith.cmpi ne, %sign3A_1460, %sign3A_1467 : i32
        %rem3A_1469 = arith.remsi %squeeze3A_1451, %jit3A_1452 : i32
        %ne3A_1470 = arith.constant 0 : i32
        %ne3A_1471 = arith.cmpi ne, %rem3A_1469, %ne3A_1470 : i32
        %and3A_1472 = arith.andi %ne3A_1468, %ne3A_1471 : i1
        %sub3A_1473 = arith.constant 1 : i32
        %sub3A_1474 = arith.subi %div3A_1453, %sub3A_1473 : i32
        %select_n3A_1475 = arith.select %and3A_1472, %sub3A_1474, %div3A_1453 : i32
        %mul3A_1476 = arith.constant 8 : i32
        %mul3A_1477 = arith.muli %select_n3A_1475, %mul3A_1476 : i32
        %multiple_of3A_1478 = tpu.assume_multiple %mul3A_1477, 8 : i32
        %sub3A_1479 = arith.subi %squeeze3A_1451, %multiple_of3A_1478 : i32
        %dma_start3A_1480 = tpu.memref_slice %arg2[%multiple_of3A_1478] : memref<2097152xf32, #tpu.memory_space<hbm>> -> memref<4104xf32, #tpu.memory_space<hbm>>
        %dma_start3A_1481 = tpu.memref_slice %arg2[%multiple_of3A_1478] : memref<2097152xf32, #tpu.memory_space<hbm>> -> memref<4104xf32, #tpu.memory_space<hbm>>
        tpu.enqueue_dma source(%dma_start3A_1481 : memref<4104xf32, #tpu.memory_space<hbm>>) target(%arg10 : memref<4104xf32, #tpu.memory_space<vmem>>) target_semaphore(%arg23 : memref<!tpu.dma_semaphore, #tpu.memory_space<semaphore_mem>>)
      } else {
      }
      %mul3A_1076 = arith.constant 2 : i32
      %mul3A_1077 = arith.muli %mul3A_1076, %scan3A_830 : i32
      %add3A_1078 = arith.constant 1 : i32
      %add3A_1079 = arith.addi %mul3A_1077, %add3A_1078 : i32
      %gt3A_1080 = arith.constant 0 : i32
      %gt3A_1081 = arith.cmpi sgt, %scan3A_830, %gt3A_1080 : i32
      %convert_element_type3A_1082 = arith.extui %gt3A_1081 : i1 to i32
      %cond3A_1083 = arith.constant 0 : i32
      %cond3A_1084 = arith.cmpi ne, %convert_element_type3A_1082, %cond3A_1083 : i32
      scf.if %cond3A_1084 {
        %dma_wait3A_1324 = arith.constant 0 : i32
        %dma_wait3A_1325 = arith.constant 0 : i32
        %dma_wait3A_1326 = tpu.memref_slice %arg4[%dma_wait3A_1324, %dma_wait3A_1325] : memref<1024x4096xf32, #tpu.memory_space<hbm>> -> memref<1x4096xf32, #tpu.memory_space<hbm>>
        %dma_wait3A_1327 = tpu.memref_squeeze %dma_wait3A_1326 : memref<1x4096xf32, #tpu.memory_space<hbm>> -> memref<4096xf32, #tpu.memory_space<hbm>>
        %dma_wait3A_1328 = arith.constant 0 : i32
        %dma_wait3A_1329 = tpu.memref_slice %arg4[%dma_wait3A_1324, %dma_wait3A_1328] : memref<1024x4096xf32, #tpu.memory_space<hbm>> -> memref<1x4096xf32, #tpu.memory_space<hbm>>
        %dma_wait3A_1330 = tpu.memref_squeeze %dma_wait3A_1329 : memref<1x4096xf32, #tpu.memory_space<hbm>> -> memref<4096xf32, #tpu.memory_space<hbm>>
        tpu.wait_dma2 semaphore(%arg26 : memref<!tpu.dma_semaphore, #tpu.memory_space<semaphore_mem>>) src(%arg19 : memref<4096xf32, #tpu.memory_space<vmem>>) dst(%dma_wait3A_1330 : memref<4096xf32, #tpu.memory_space<hbm>>)
        %dma_wait3A_1331 = arith.constant 0 : i32
        %dma_wait3A_1332 = arith.constant 0 : i32
        %dma_wait3A_1333 = tpu.memref_slice %arg4[%dma_wait3A_1331, %dma_wait3A_1332] : memref<1024x4096xf32, #tpu.memory_space<hbm>> -> memref<1x4096xf32, #tpu.memory_space<hbm>>
        %dma_wait3A_1334 = tpu.memref_squeeze %dma_wait3A_1333 : memref<1x4096xf32, #tpu.memory_space<hbm>> -> memref<4096xf32, #tpu.memory_space<hbm>>
        %dma_wait3A_1335 = arith.constant 0 : i32
        %dma_wait3A_1336 = tpu.memref_slice %arg4[%dma_wait3A_1331, %dma_wait3A_1335] : memref<1024x4096xf32, #tpu.memory_space<hbm>> -> memref<1x4096xf32, #tpu.memory_space<hbm>>
        %dma_wait3A_1337 = tpu.memref_squeeze %dma_wait3A_1336 : memref<1x4096xf32, #tpu.memory_space<hbm>> -> memref<4096xf32, #tpu.memory_space<hbm>>
        tpu.wait_dma2 semaphore(%arg26 : memref<!tpu.dma_semaphore, #tpu.memory_space<semaphore_mem>>) src(%arg20 : memref<4096xf32, #tpu.memory_space<vmem>>) dst(%dma_wait3A_1337 : memref<4096xf32, #tpu.memory_space<hbm>>)
        %dma_wait3A_1338 = arith.constant 0 : i32
        %dma_wait3A_1339 = arith.constant 0 : i32
        %dma_wait3A_1340 = tpu.memref_slice %arg4[%dma_wait3A_1338, %dma_wait3A_1339] : memref<1024x4096xf32, #tpu.memory_space<hbm>> -> memref<1x4096xf32, #tpu.memory_space<hbm>>
        %dma_wait3A_1341 = tpu.memref_squeeze %dma_wait3A_1340 : memref<1x4096xf32, #tpu.memory_space<hbm>> -> memref<4096xf32, #tpu.memory_space<hbm>>
        %dma_wait3A_1342 = arith.constant 0 : i32
        %dma_wait3A_1343 = tpu.memref_slice %arg4[%dma_wait3A_1338, %dma_wait3A_1342] : memref<1024x4096xf32, #tpu.memory_space<hbm>> -> memref<1x4096xf32, #tpu.memory_space<hbm>>
        %dma_wait3A_1344 = tpu.memref_squeeze %dma_wait3A_1343 : memref<1x4096xf32, #tpu.memory_space<hbm>> -> memref<4096xf32, #tpu.memory_space<hbm>>
        tpu.wait_dma2 semaphore(%arg26 : memref<!tpu.dma_semaphore, #tpu.memory_space<semaphore_mem>>) src(%arg21 : memref<4096xf32, #tpu.memory_space<vmem>>) dst(%dma_wait3A_1344 : memref<4096xf32, #tpu.memory_space<hbm>>)
        %dma_wait3A_1345 = arith.constant 0 : i32
        %dma_wait3A_1346 = arith.constant 0 : i32
        %dma_wait3A_1347 = tpu.memref_slice %arg4[%dma_wait3A_1345, %dma_wait3A_1346] : memref<1024x4096xf32, #tpu.memory_space<hbm>> -> memref<1x4096xf32, #tpu.memory_space<hbm>>
        %dma_wait3A_1348 = tpu.memref_squeeze %dma_wait3A_1347 : memref<1x4096xf32, #tpu.memory_space<hbm>> -> memref<4096xf32, #tpu.memory_space<hbm>>
        %dma_wait3A_1349 = arith.constant 0 : i32
        %dma_wait3A_1350 = tpu.memref_slice %arg4[%dma_wait3A_1345, %dma_wait3A_1349] : memref<1024x4096xf32, #tpu.memory_space<hbm>> -> memref<1x4096xf32, #tpu.memory_space<hbm>>
        %dma_wait3A_1351 = tpu.memref_squeeze %dma_wait3A_1350 : memref<1x4096xf32, #tpu.memory_space<hbm>> -> memref<4096xf32, #tpu.memory_space<hbm>>
        tpu.wait_dma2 semaphore(%arg26 : memref<!tpu.dma_semaphore, #tpu.memory_space<semaphore_mem>>) src(%arg22 : memref<4096xf32, #tpu.memory_space<vmem>>) dst(%dma_wait3A_1351 : memref<4096xf32, #tpu.memory_space<hbm>>)
      } else {
      }
      %dma_wait3A_1085 = arith.constant 0 : i32
      %dma_wait3A_1086 = tpu.memref_slice %arg2[%dma_wait3A_1085] : memref<2097152xf32, #tpu.memory_space<hbm>> -> memref<4104xf32, #tpu.memory_space<hbm>>
      %dma_wait3A_1087 = arith.constant 0 : i32
      %dma_wait3A_1088 = tpu.memref_slice %arg2[%dma_wait3A_1087] : memref<2097152xf32, #tpu.memory_space<hbm>> -> memref<4104xf32, #tpu.memory_space<hbm>>
      tpu.wait_dma2 semaphore(%arg24 : memref<!tpu.dma_semaphore, #tpu.memory_space<semaphore_mem>>) src(%dma_wait3A_1088 : memref<4104xf32, #tpu.memory_space<hbm>>) dst(%arg11 : memref<4104xf32, #tpu.memory_space<vmem>>)
      %dma_wait3A_1089 = arith.constant 0 : i32
      %dma_wait3A_1090 = tpu.memref_slice %arg2[%dma_wait3A_1089] : memref<2097152xf32, #tpu.memory_space<hbm>> -> memref<4104xf32, #tpu.memory_space<hbm>>
      %dma_wait3A_1091 = arith.constant 0 : i32
      %dma_wait3A_1092 = tpu.memref_slice %arg2[%dma_wait3A_1091] : memref<2097152xf32, #tpu.memory_space<hbm>> -> memref<4104xf32, #tpu.memory_space<hbm>>
      tpu.wait_dma2 semaphore(%arg24 : memref<!tpu.dma_semaphore, #tpu.memory_space<semaphore_mem>>) src(%dma_wait3A_1092 : memref<4104xf32, #tpu.memory_space<hbm>>) dst(%arg12 : memref<4104xf32, #tpu.memory_space<vmem>>)
      %dma_wait3A_1093 = arith.constant 0 : i32
      %dma_wait3A_1094 = tpu.memref_slice %arg2[%dma_wait3A_1093] : memref<2097152xf32, #tpu.memory_space<hbm>> -> memref<4104xf32, #tpu.memory_space<hbm>>
      %dma_wait3A_1095 = arith.constant 0 : i32
      %dma_wait3A_1096 = tpu.memref_slice %arg2[%dma_wait3A_1095] : memref<2097152xf32, #tpu.memory_space<hbm>> -> memref<4104xf32, #tpu.memory_space<hbm>>
      tpu.wait_dma2 semaphore(%arg24 : memref<!tpu.dma_semaphore, #tpu.memory_space<semaphore_mem>>) src(%dma_wait3A_1096 : memref<4104xf32, #tpu.memory_space<hbm>>) dst(%arg13 : memref<4104xf32, #tpu.memory_space<vmem>>)
      %dma_wait3A_1097 = arith.constant 0 : i32
      %dma_wait3A_1098 = tpu.memref_slice %arg2[%dma_wait3A_1097] : memref<2097152xf32, #tpu.memory_space<hbm>> -> memref<4104xf32, #tpu.memory_space<hbm>>
      %dma_wait3A_1099 = arith.constant 0 : i32
      %dma_wait3A_1100 = tpu.memref_slice %arg2[%dma_wait3A_1099] : memref<2097152xf32, #tpu.memory_space<hbm>> -> memref<4104xf32, #tpu.memory_space<hbm>>
      tpu.wait_dma2 semaphore(%arg24 : memref<!tpu.dma_semaphore, #tpu.memory_space<semaphore_mem>>) src(%dma_wait3A_1100 : memref<4104xf32, #tpu.memory_space<hbm>>) dst(%arg14 : memref<4104xf32, #tpu.memory_space<vmem>>)
      %mul3A_1101 = arith.constant 4 : i32
      %mul3A_1102 = arith.muli %add3A_1079, %mul3A_1101 : i32
      %add3A_1103 = arith.constant 0 : i32
      %add3A_1104 = arith.addi %mul3A_1102, %add3A_1103 : i32
      %get3A_1105 = arith.index_cast %add3A_1104 : i32 to index
      %get3A_1106 = tpu.vector_load %arg6[%get3A_1105] {strides = array<i32>} : memref<48xi32, #tpu.memory_space<vmem>>, vector<16xi32>,
      %get3A_1107 = vector.shape_cast %get3A_1106 : vector<16xi32> to vector<16xi32>
      %slice3A_1108 = vector.extract_strided_slice %get3A_1107 {offsets = [0], sizes = [1], strides = [1]} : vector<16xi32> to vector<1xi32>
      %squeeze3A_1109 = vector.extract %slice3A_1108[0] : i32 from vector<1xi32>
      %jit3A_1110 = arith.constant 8 : i32
      %div3A_1111 = arith.divsi %squeeze3A_1109, %jit3A_1110 : i32
      %sign3A_1112 = arith.constant 0 : i32
      %sign3A_1113 = arith.cmpi sgt, %squeeze3A_1109, %sign3A_1112 : i32
      %sign3A_1114 = arith.extui %sign3A_1113 : i1 to i32
      %sign3A_1115 = arith.constant 0 : i32
      %sign3A_1116 = arith.cmpi slt, %squeeze3A_1109, %sign3A_1115 : i32
      %sign3A_1117 = arith.extui %sign3A_1116 : i1 to i32
      %sign3A_1118 = arith.subi %sign3A_1114, %sign3A_1117 : i32
      %sign3A_1119 = arith.constant 0 : i32
      %sign3A_1120 = arith.cmpi sgt, %jit3A_1110, %sign3A_1119 : i32
      %sign3A_1121 = arith.extui %sign3A_1120 : i1 to i32
      %sign3A_1122 = arith.constant 0 : i32
      %sign3A_1123 = arith.cmpi slt, %jit3A_1110, %sign3A_1122 : i32
      %sign3A_1124 = arith.extui %sign3A_1123 : i1 to i32
      %sign3A_1125 = arith.subi %sign3A_1121, %sign3A_1124 : i32
      %ne3A_1126 = arith.cmpi ne, %sign3A_1118, %sign3A_1125 : i32
      %rem3A_1127 = arith.remsi %squeeze3A_1109, %jit3A_1110 : i32
      %ne3A_1128 = arith.constant 0 : i32
      %ne3A_1129 = arith.cmpi ne, %rem3A_1127, %ne3A_1128 : i32
      %and3A_1130 = arith.andi %ne3A_1126, %ne3A_1129 : i1
      %sub3A_1131 = arith.constant 1 : i32
      %sub3A_1132 = arith.subi %div3A_1111, %sub3A_1131 : i32
      %select_n3A_1133 = arith.select %and3A_1130, %sub3A_1132, %div3A_1111 : i32
      %mul3A_1134 = arith.constant 8 : i32
      %mul3A_1135 = arith.muli %select_n3A_1133, %mul3A_1134 : i32
      %multiple_of3A_1136 = tpu.assume_multiple %mul3A_1135, 8 : i32
      %sub3A_1137 = arith.subi %squeeze3A_1109, %multiple_of3A_1136 : i32
      %scan3A_1138 = arith.constant 0 : i32
      %scan3A_1139 = arith.constant 0 : i32
      %scan3A_1140 = arith.constant 16 : i32
      %scan3A_1141 = arith.addi %scan3A_1139, %scan3A_1140 : i32
      %scan3A_1142 = arith.constant 1 : i32
      scf.for %scan3A_1324 = %scan3A_1139 to %scan3A_1141 step %scan3A_1142  : i32 {
        %mul3A_1325 = arith.constant 256 : i32
        %mul3A_1326 = arith.muli %scan3A_1324, %mul3A_1325 : i32
        %add3A_1327 = arith.constant 0 : i32
        %add3A_1328 = arith.addi %mul3A_1326, %add3A_1327 : i32
        %add3A_1329 = arith.constant 16 : i32
        %add3A_1330 = arith.addi %mul3A_1326, %add3A_1329 : i32
        %add3A_1331 = arith.constant 32 : i32
        %add3A_1332 = arith.addi %mul3A_1326, %add3A_1331 : i32
        %add3A_1333 = arith.constant 48 : i32
        %add3A_1334 = arith.addi %mul3A_1326, %add3A_1333 : i32
        %add3A_1335 = arith.constant 64 : i32
        %add3A_1336 = arith.addi %mul3A_1326, %add3A_1335 : i32
        %add3A_1337 = arith.constant 80 : i32
        %add3A_1338 = arith.addi %mul3A_1326, %add3A_1337 : i32
        %add3A_1339 = arith.constant 96 : i32
        %add3A_1340 = arith.addi %mul3A_1326, %add3A_1339 : i32
        %add3A_1341 = arith.constant 112 : i32
        %add3A_1342 = arith.addi %mul3A_1326, %add3A_1341 : i32
        %add3A_1343 = arith.constant 128 : i32
        %add3A_1344 = arith.addi %mul3A_1326, %add3A_1343 : i32
        %add3A_1345 = arith.constant 144 : i32
        %add3A_1346 = arith.addi %mul3A_1326, %add3A_1345 : i32
        %add3A_1347 = arith.constant 160 : i32
        %add3A_1348 = arith.addi %mul3A_1326, %add3A_1347 : i32
        %add3A_1349 = arith.constant 176 : i32
        %add3A_1350 = arith.addi %mul3A_1326, %add3A_1349 : i32
        %add3A_1351 = arith.constant 192 : i32
        %add3A_1352 = arith.addi %mul3A_1326, %add3A_1351 : i32
        %add3A_1353 = arith.constant 208 : i32
        %add3A_1354 = arith.addi %mul3A_1326, %add3A_1353 : i32
        %add3A_1355 = arith.constant 224 : i32
        %add3A_1356 = arith.addi %mul3A_1326, %add3A_1355 : i32
        %add3A_1357 = arith.constant 240 : i32
        %add3A_1358 = arith.addi %mul3A_1326, %add3A_1357 : i32
        %add3A_1359 = arith.addi %sub3A_1137, %add3A_1328 : i32
        %get3A_1360 = arith.index_cast %add3A_1359 : i32 to index
        %get3A_1361 = tpu.vector_load %arg11[%get3A_1360] {strides = array<i32>} : memref<4104xf32, #tpu.memory_space<vmem>>, vector<16xf32>,
        %get3A_1362 = vector.shape_cast %get3A_1361 : vector<16xf32> to vector<16xf32>
        %add3A_1363 = arith.addi %sub3A_1137, %add3A_1330 : i32
        %get3A_1364 = arith.index_cast %add3A_1363 : i32 to index
        %get3A_1365 = tpu.vector_load %arg11[%get3A_1364] {strides = array<i32>} : memref<4104xf32, #tpu.memory_space<vmem>>, vector<16xf32>,
        %get3A_1366 = vector.shape_cast %get3A_1365 : vector<16xf32> to vector<16xf32>
        %add3A_1367 = arith.addi %sub3A_1137, %add3A_1332 : i32
        %get3A_1368 = arith.index_cast %add3A_1367 : i32 to index
        %get3A_1369 = tpu.vector_load %arg11[%get3A_1368] {strides = array<i32>} : memref<4104xf32, #tpu.memory_space<vmem>>, vector<16xf32>,
        %get3A_1370 = vector.shape_cast %get3A_1369 : vector<16xf32> to vector<16xf32>
        %add3A_1371 = arith.addi %sub3A_1137, %add3A_1334 : i32
        %get3A_1372 = arith.index_cast %add3A_1371 : i32 to index
        %get3A_1373 = tpu.vector_load %arg11[%get3A_1372] {strides = array<i32>} : memref<4104xf32, #tpu.memory_space<vmem>>, vector<16xf32>,
        %get3A_1374 = vector.shape_cast %get3A_1373 : vector<16xf32> to vector<16xf32>
        %add3A_1375 = arith.addi %sub3A_1137, %add3A_1336 : i32
        %get3A_1376 = arith.index_cast %add3A_1375 : i32 to index
        %get3A_1377 = tpu.vector_load %arg11[%get3A_1376] {strides = array<i32>} : memref<4104xf32, #tpu.memory_space<vmem>>, vector<16xf32>,
        %get3A_1378 = vector.shape_cast %get3A_1377 : vector<16xf32> to vector<16xf32>
        %add3A_1379 = arith.addi %sub3A_1137, %add3A_1338 : i32
        %get3A_1380 = arith.index_cast %add3A_1379 : i32 to index
        %get3A_1381 = tpu.vector_load %arg11[%get3A_1380] {strides = array<i32>} : memref<4104xf32, #tpu.memory_space<vmem>>, vector<16xf32>,
        %get3A_1382 = vector.shape_cast %get3A_1381 : vector<16xf32> to vector<16xf32>
        %add3A_1383 = arith.addi %sub3A_1137, %add3A_1340 : i32
        %get3A_1384 = arith.index_cast %add3A_1383 : i32 to index
        %get3A_1385 = tpu.vector_load %arg11[%get3A_1384] {strides = array<i32>} : memref<4104xf32, #tpu.memory_space<vmem>>, vector<16xf32>,
        %get3A_1386 = vector.shape_cast %get3A_1385 : vector<16xf32> to vector<16xf32>
        %add3A_1387 = arith.addi %sub3A_1137, %add3A_1342 : i32
        %get3A_1388 = arith.index_cast %add3A_1387 : i32 to index
        %get3A_1389 = tpu.vector_load %arg11[%get3A_1388] {strides = array<i32>} : memref<4104xf32, #tpu.memory_space<vmem>>, vector<16xf32>,
        %get3A_1390 = vector.shape_cast %get3A_1389 : vector<16xf32> to vector<16xf32>
        %add3A_1391 = arith.addi %sub3A_1137, %add3A_1344 : i32
        %get3A_1392 = arith.index_cast %add3A_1391 : i32 to index
        %get3A_1393 = tpu.vector_load %arg11[%get3A_1392] {strides = array<i32>} : memref<4104xf32, #tpu.memory_space<vmem>>, vector<16xf32>,
        %get3A_1394 = vector.shape_cast %get3A_1393 : vector<16xf32> to vector<16xf32>
        %add3A_1395 = arith.addi %sub3A_1137, %add3A_1346 : i32
        %get3A_1396 = arith.index_cast %add3A_1395 : i32 to index
        %get3A_1397 = tpu.vector_load %arg11[%get3A_1396] {strides = array<i32>} : memref<4104xf32, #tpu.memory_space<vmem>>, vector<16xf32>,
        %get3A_1398 = vector.shape_cast %get3A_1397 : vector<16xf32> to vector<16xf32>
        %add3A_1399 = arith.addi %sub3A_1137, %add3A_1348 : i32
        %get3A_1400 = arith.index_cast %add3A_1399 : i32 to index
        %get3A_1401 = tpu.vector_load %arg11[%get3A_1400] {strides = array<i32>} : memref<4104xf32, #tpu.memory_space<vmem>>, vector<16xf32>,
        %get3A_1402 = vector.shape_cast %get3A_1401 : vector<16xf32> to vector<16xf32>
        %add3A_1403 = arith.addi %sub3A_1137, %add3A_1350 : i32
        %get3A_1404 = arith.index_cast %add3A_1403 : i32 to index
        %get3A_1405 = tpu.vector_load %arg11[%get3A_1404] {strides = array<i32>} : memref<4104xf32, #tpu.memory_space<vmem>>, vector<16xf32>,
        %get3A_1406 = vector.shape_cast %get3A_1405 : vector<16xf32> to vector<16xf32>
        %add3A_1407 = arith.addi %sub3A_1137, %add3A_1352 : i32
        %get3A_1408 = arith.index_cast %add3A_1407 : i32 to index
        %get3A_1409 = tpu.vector_load %arg11[%get3A_1408] {strides = array<i32>} : memref<4104xf32, #tpu.memory_space<vmem>>, vector<16xf32>,
        %get3A_1410 = vector.shape_cast %get3A_1409 : vector<16xf32> to vector<16xf32>
        %add3A_1411 = arith.addi %sub3A_1137, %add3A_1354 : i32
        %get3A_1412 = arith.index_cast %add3A_1411 : i32 to index
        %get3A_1413 = tpu.vector_load %arg11[%get3A_1412] {strides = array<i32>} : memref<4104xf32, #tpu.memory_space<vmem>>, vector<16xf32>,
        %get3A_1414 = vector.shape_cast %get3A_1413 : vector<16xf32> to vector<16xf32>
        %add3A_1415 = arith.addi %sub3A_1137, %add3A_1356 : i32
        %get3A_1416 = arith.index_cast %add3A_1415 : i32 to index
        %get3A_1417 = tpu.vector_load %arg11[%get3A_1416] {strides = array<i32>} : memref<4104xf32, #tpu.memory_space<vmem>>, vector<16xf32>,
        %get3A_1418 = vector.shape_cast %get3A_1417 : vector<16xf32> to vector<16xf32>
        %add3A_1419 = arith.addi %sub3A_1137, %add3A_1358 : i32
        %get3A_1420 = arith.index_cast %add3A_1419 : i32 to index
        %get3A_1421 = tpu.vector_load %arg11[%get3A_1420] {strides = array<i32>} : memref<4104xf32, #tpu.memory_space<vmem>>, vector<16xf32>,
        %get3A_1422 = vector.shape_cast %get3A_1421 : vector<16xf32> to vector<16xf32>
        %swap3A_1423 = arith.index_cast %add3A_1328 : i32 to index
        %swap3A_1424 = tpu.vector_load %arg19[%swap3A_1423] {strides = array<i32>} : memref<4096xf32, #tpu.memory_space<vmem>>, vector<16xf32>,
        %swap3A_1425 = vector.shape_cast %swap3A_1424 : vector<16xf32> to vector<16xf32>
        %swap3A_1426 = vector.shape_cast %get3A_1362 : vector<16xf32> to vector<16xf32>
        tpu.vector_store %arg19[%swap3A_1423], %swap3A_1426 {strides = array<i32>} : memref<4096xf32, #tpu.memory_space<vmem>>, vector<16xf32>,
        %swap3A_1427 = arith.index_cast %add3A_1330 : i32 to index
        %swap3A_1428 = tpu.vector_load %arg19[%swap3A_1427] {strides = array<i32>} : memref<4096xf32, #tpu.memory_space<vmem>>, vector<16xf32>,
        %swap3A_1429 = vector.shape_cast %swap3A_1428 : vector<16xf32> to vector<16xf32>
        %swap3A_1430 = vector.shape_cast %get3A_1366 : vector<16xf32> to vector<16xf32>
        tpu.vector_store %arg19[%swap3A_1427], %swap3A_1430 {strides = array<i32>} : memref<4096xf32, #tpu.memory_space<vmem>>, vector<16xf32>,
        %swap3A_1431 = arith.index_cast %add3A_1332 : i32 to index
        %swap3A_1432 = tpu.vector_load %arg19[%swap3A_1431] {strides = array<i32>} : memref<4096xf32, #tpu.memory_space<vmem>>, vector<16xf32>,
        %swap3A_1433 = vector.shape_cast %swap3A_1432 : vector<16xf32> to vector<16xf32>
        %swap3A_1434 = vector.shape_cast %get3A_1370 : vector<16xf32> to vector<16xf32>
        tpu.vector_store %arg19[%swap3A_1431], %swap3A_1434 {strides = array<i32>} : memref<4096xf32, #tpu.memory_space<vmem>>, vector<16xf32>,
        %swap3A_1435 = arith.index_cast %add3A_1334 : i32 to index
        %swap3A_1436 = tpu.vector_load %arg19[%swap3A_1435] {strides = array<i32>} : memref<4096xf32, #tpu.memory_space<vmem>>, vector<16xf32>,
        %swap3A_1437 = vector.shape_cast %swap3A_1436 : vector<16xf32> to vector<16xf32>
        %swap3A_1438 = vector.shape_cast %get3A_1374 : vector<16xf32> to vector<16xf32>
        tpu.vector_store %arg19[%swap3A_1435], %swap3A_1438 {strides = array<i32>} : memref<4096xf32, #tpu.memory_space<vmem>>, vector<16xf32>,
        %swap3A_1439 = arith.index_cast %add3A_1336 : i32 to index
        %swap3A_1440 = tpu.vector_load %arg19[%swap3A_1439] {strides = array<i32>} : memref<4096xf32, #tpu.memory_space<vmem>>, vector<16xf32>,
        %swap3A_1441 = vector.shape_cast %swap3A_1440 : vector<16xf32> to vector<16xf32>
        %swap3A_1442 = vector.shape_cast %get3A_1378 : vector<16xf32> to vector<16xf32>
        tpu.vector_store %arg19[%swap3A_1439], %swap3A_1442 {strides = array<i32>} : memref<4096xf32, #tpu.memory_space<vmem>>, vector<16xf32>,
        %swap3A_1443 = arith.index_cast %add3A_1338 : i32 to index
        %swap3A_1444 = tpu.vector_load %arg19[%swap3A_1443] {strides = array<i32>} : memref<4096xf32, #tpu.memory_space<vmem>>, vector<16xf32>,
        %swap3A_1445 = vector.shape_cast %swap3A_1444 : vector<16xf32> to vector<16xf32>
        %swap3A_1446 = vector.shape_cast %get3A_1382 : vector<16xf32> to vector<16xf32>
        tpu.vector_store %arg19[%swap3A_1443], %swap3A_1446 {strides = array<i32>} : memref<4096xf32, #tpu.memory_space<vmem>>, vector<16xf32>,
        %swap3A_1447 = arith.index_cast %add3A_1340 : i32 to index
        %swap3A_1448 = tpu.vector_load %arg19[%swap3A_1447] {strides = array<i32>} : memref<4096xf32, #tpu.memory_space<vmem>>, vector<16xf32>,
        %swap3A_1449 = vector.shape_cast %swap3A_1448 : vector<16xf32> to vector<16xf32>
        %swap3A_1450 = vector.shape_cast %get3A_1386 : vector<16xf32> to vector<16xf32>
        tpu.vector_store %arg19[%swap3A_1447], %swap3A_1450 {strides = array<i32>} : memref<4096xf32, #tpu.memory_space<vmem>>, vector<16xf32>,
        %swap3A_1451 = arith.index_cast %add3A_1342 : i32 to index
        %swap3A_1452 = tpu.vector_load %arg19[%swap3A_1451] {strides = array<i32>} : memref<4096xf32, #tpu.memory_space<vmem>>, vector<16xf32>,
        %swap3A_1453 = vector.shape_cast %swap3A_1452 : vector<16xf32> to vector<16xf32>
        %swap3A_1454 = vector.shape_cast %get3A_1390 : vector<16xf32> to vector<16xf32>
        tpu.vector_store %arg19[%swap3A_1451], %swap3A_1454 {strides = array<i32>} : memref<4096xf32, #tpu.memory_space<vmem>>, vector<16xf32>,
        %swap3A_1455 = arith.index_cast %add3A_1344 : i32 to index
        %swap3A_1456 = tpu.vector_load %arg19[%swap3A_1455] {strides = array<i32>} : memref<4096xf32, #tpu.memory_space<vmem>>, vector<16xf32>,
        %swap3A_1457 = vector.shape_cast %swap3A_1456 : vector<16xf32> to vector<16xf32>
        %swap3A_1458 = vector.shape_cast %get3A_1394 : vector<16xf32> to vector<16xf32>
        tpu.vector_store %arg19[%swap3A_1455], %swap3A_1458 {strides = array<i32>} : memref<4096xf32, #tpu.memory_space<vmem>>, vector<16xf32>,
        %swap3A_1459 = arith.index_cast %add3A_1346 : i32 to index
        %swap3A_1460 = tpu.vector_load %arg19[%swap3A_1459] {strides = array<i32>} : memref<4096xf32, #tpu.memory_space<vmem>>, vector<16xf32>,
        %swap3A_1461 = vector.shape_cast %swap3A_1460 : vector<16xf32> to vector<16xf32>
        %swap3A_1462 = vector.shape_cast %get3A_1398 : vector<16xf32> to vector<16xf32>
        tpu.vector_store %arg19[%swap3A_1459], %swap3A_1462 {strides = array<i32>} : memref<4096xf32, #tpu.memory_space<vmem>>, vector<16xf32>,
        %swap3A_1463 = arith.index_cast %add3A_1348 : i32 to index
        %swap3A_1464 = tpu.vector_load %arg19[%swap3A_1463] {strides = array<i32>} : memref<4096xf32, #tpu.memory_space<vmem>>, vector<16xf32>,
        %swap3A_1465 = vector.shape_cast %swap3A_1464 : vector<16xf32> to vector<16xf32>
        %swap3A_1466 = vector.shape_cast %get3A_1402 : vector<16xf32> to vector<16xf32>
        tpu.vector_store %arg19[%swap3A_1463], %swap3A_1466 {strides = array<i32>} : memref<4096xf32, #tpu.memory_space<vmem>>, vector<16xf32>,
        %swap3A_1467 = arith.index_cast %add3A_1350 : i32 to index
        %swap3A_1468 = tpu.vector_load %arg19[%swap3A_1467] {strides = array<i32>} : memref<4096xf32, #tpu.memory_space<vmem>>, vector<16xf32>,
        %swap3A_1469 = vector.shape_cast %swap3A_1468 : vector<16xf32> to vector<16xf32>
        %swap3A_1470 = vector.shape_cast %get3A_1406 : vector<16xf32> to vector<16xf32>
        tpu.vector_store %arg19[%swap3A_1467], %swap3A_1470 {strides = array<i32>} : memref<4096xf32, #tpu.memory_space<vmem>>, vector<16xf32>,
        %swap3A_1471 = arith.index_cast %add3A_1352 : i32 to index
        %swap3A_1472 = tpu.vector_load %arg19[%swap3A_1471] {strides = array<i32>} : memref<4096xf32, #tpu.memory_space<vmem>>, vector<16xf32>,
        %swap3A_1473 = vector.shape_cast %swap3A_1472 : vector<16xf32> to vector<16xf32>
        %swap3A_1474 = vector.shape_cast %get3A_1410 : vector<16xf32> to vector<16xf32>
        tpu.vector_store %arg19[%swap3A_1471], %swap3A_1474 {strides = array<i32>} : memref<4096xf32, #tpu.memory_space<vmem>>, vector<16xf32>,
        %swap3A_1475 = arith.index_cast %add3A_1354 : i32 to index
        %swap3A_1476 = tpu.vector_load %arg19[%swap3A_1475] {strides = array<i32>} : memref<4096xf32, #tpu.memory_space<vmem>>, vector<16xf32>,
        %swap3A_1477 = vector.shape_cast %swap3A_1476 : vector<16xf32> to vector<16xf32>
        %swap3A_1478 = vector.shape_cast %get3A_1414 : vector<16xf32> to vector<16xf32>
        tpu.vector_store %arg19[%swap3A_1475], %swap3A_1478 {strides = array<i32>} : memref<4096xf32, #tpu.memory_space<vmem>>, vector<16xf32>,
        %swap3A_1479 = arith.index_cast %add3A_1356 : i32 to index
        %swap3A_1480 = tpu.vector_load %arg19[%swap3A_1479] {strides = array<i32>} : memref<4096xf32, #tpu.memory_space<vmem>>, vector<16xf32>,
        %swap3A_1481 = vector.shape_cast %swap3A_1480 : vector<16xf32> to vector<16xf32>
        %swap3A_1482 = vector.shape_cast %get3A_1418 : vector<16xf32> to vector<16xf32>
        tpu.vector_store %arg19[%swap3A_1479], %swap3A_1482 {strides = array<i32>} : memref<4096xf32, #tpu.memory_space<vmem>>, vector<16xf32>,
        %swap3A_1483 = arith.index_cast %add3A_1358 : i32 to index
        %swap3A_1484 = tpu.vector_load %arg19[%swap3A_1483] {strides = array<i32>} : memref<4096xf32, #tpu.memory_space<vmem>>, vector<16xf32>,
        %swap3A_1485 = vector.shape_cast %swap3A_1484 : vector<16xf32> to vector<16xf32>
        %swap3A_1486 = vector.shape_cast %get3A_1422 : vector<16xf32> to vector<16xf32>
        tpu.vector_store %arg19[%swap3A_1483], %swap3A_1486 {strides = array<i32>} : memref<4096xf32, #tpu.memory_space<vmem>>, vector<16xf32>,
      }
      %scan3A_1143 = arith.constant 16 : i32
      %mul3A_1144 = arith.constant 4 : i32
      %mul3A_1145 = arith.muli %add3A_1079, %mul3A_1144 : i32
      %add3A_1146 = arith.addi %mul3A_2, %mul3A_1145 : i32
      %add3A_1147 = arith.constant 0 : i32
      %add3A_1148 = arith.addi %add3A_1146, %add3A_1147 : i32
      %dma_start3A_1149 = arith.constant 0 : i32
      %dma_start3A_1150 = tpu.memref_slice %arg4[%add3A_1148, %dma_start3A_1149] : memref<1024x4096xf32, #tpu.memory_space<hbm>> -> memref<1x4096xf32, #tpu.memory_space<hbm>>
      %dma_start3A_1151 = tpu.memref_squeeze %dma_start3A_1150 : memref<1x4096xf32, #tpu.memory_space<hbm>> -> memref<4096xf32, #tpu.memory_space<hbm>>
      %dma_start3A_1152 = arith.constant 0 : i32
      %dma_start3A_1153 = tpu.memref_slice %arg4[%add3A_1148, %dma_start3A_1152] : memref<1024x4096xf32, #tpu.memory_space<hbm>> -> memref<1x4096xf32, #tpu.memory_space<hbm>>
      %dma_start3A_1154 = tpu.memref_squeeze %dma_start3A_1153 : memref<1x4096xf32, #tpu.memory_space<hbm>> -> memref<4096xf32, #tpu.memory_space<hbm>>
      tpu.enqueue_dma source(%arg19 : memref<4096xf32, #tpu.memory_space<vmem>>) target(%dma_start3A_1154 : memref<4096xf32, #tpu.memory_space<hbm>>) target_semaphore(%arg26 : memref<!tpu.dma_semaphore, #tpu.memory_space<semaphore_mem>>)
      %mul3A_1155 = arith.constant 4 : i32
      %mul3A_1156 = arith.muli %add3A_1079, %mul3A_1155 : i32
      %add3A_1157 = arith.constant 1 : i32
      %add3A_1158 = arith.addi %mul3A_1156, %add3A_1157 : i32
      %get3A_1159 = arith.index_cast %add3A_1158 : i32 to index
      %get3A_1160 = tpu.vector_load %arg6[%get3A_1159] {strides = array<i32>} : memref<48xi32, #tpu.memory_space<vmem>>, vector<16xi32>,
      %get3A_1161 = vector.shape_cast %get3A_1160 : vector<16xi32> to vector<16xi32>
      %slice3A_1162 = vector.extract_strided_slice %get3A_1161 {offsets = [0], sizes = [1], strides = [1]} : vector<16xi32> to vector<1xi32>
      %squeeze3A_1163 = vector.extract %slice3A_1162[0] : i32 from vector<1xi32>
      %jit3A_1164 = arith.constant 8 : i32
      %div3A_1165 = arith.divsi %squeeze3A_1163, %jit3A_1164 : i32
      %sign3A_1166 = arith.constant 0 : i32
      %sign3A_1167 = arith.cmpi sgt, %squeeze3A_1163, %sign3A_1166 : i32
      %sign3A_1168 = arith.extui %sign3A_1167 : i1 to i32
      %sign3A_1169 = arith.constant 0 : i32
      %sign3A_1170 = arith.cmpi slt, %squeeze3A_1163, %sign3A_1169 : i32
      %sign3A_1171 = arith.extui %sign3A_1170 : i1 to i32
      %sign3A_1172 = arith.subi %sign3A_1168, %sign3A_1171 : i32
      %sign3A_1173 = arith.constant 0 : i32
      %sign3A_1174 = arith.cmpi sgt, %jit3A_1164, %sign3A_1173 : i32
      %sign3A_1175 = arith.extui %sign3A_1174 : i1 to i32
      %sign3A_1176 = arith.constant 0 : i32
      %sign3A_1177 = arith.cmpi slt, %jit3A_1164, %sign3A_1176 : i32
      %sign3A_1178 = arith.extui %sign3A_1177 : i1 to i32
      %sign3A_1179 = arith.subi %sign3A_1175, %sign3A_1178 : i32
      %ne3A_1180 = arith.cmpi ne, %sign3A_1172, %sign3A_1179 : i32
      %rem3A_1181 = arith.remsi %squeeze3A_1163, %jit3A_1164 : i32
      %ne3A_1182 = arith.constant 0 : i32
      %ne3A_1183 = arith.cmpi ne, %rem3A_1181, %ne3A_1182 : i32
      %and3A_1184 = arith.andi %ne3A_1180, %ne3A_1183 : i1
      %sub3A_1185 = arith.constant 1 : i32
      %sub3A_1186 = arith.subi %div3A_1165, %sub3A_1185 : i32
      %select_n3A_1187 = arith.select %and3A_1184, %sub3A_1186, %div3A_1165 : i32
      %mul3A_1188 = arith.constant 8 : i32
      %mul3A_1189 = arith.muli %select_n3A_1187, %mul3A_1188 : i32
      %multiple_of3A_1190 = tpu.assume_multiple %mul3A_1189, 8 : i32
      %sub3A_1191 = arith.subi %squeeze3A_1163, %multiple_of3A_1190 : i32
      %scan3A_1192 = arith.constant 0 : i32
      %scan3A_1193 = arith.constant 0 : i32
      %scan3A_1194 = arith.constant 16 : i32
      %scan3A_1195 = arith.addi %scan3A_1193, %scan3A_1194 : i32
      %scan3A_1196 = arith.constant 1 : i32
      scf.for %scan3A_1324 = %scan3A_1193 to %scan3A_1195 step %scan3A_1196  : i32 {
        %mul3A_1325 = arith.constant 256 : i32
        %mul3A_1326 = arith.muli %scan3A_1324, %mul3A_1325 : i32
        %add3A_1327 = arith.constant 0 : i32
        %add3A_1328 = arith.addi %mul3A_1326, %add3A_1327 : i32
        %add3A_1329 = arith.constant 16 : i32
        %add3A_1330 = arith.addi %mul3A_1326, %add3A_1329 : i32
        %add3A_1331 = arith.constant 32 : i32
        %add3A_1332 = arith.addi %mul3A_1326, %add3A_1331 : i32
        %add3A_1333 = arith.constant 48 : i32
        %add3A_1334 = arith.addi %mul3A_1326, %add3A_1333 : i32
        %add3A_1335 = arith.constant 64 : i32
        %add3A_1336 = arith.addi %mul3A_1326, %add3A_1335 : i32
        %add3A_1337 = arith.constant 80 : i32
        %add3A_1338 = arith.addi %mul3A_1326, %add3A_1337 : i32
        %add3A_1339 = arith.constant 96 : i32
        %add3A_1340 = arith.addi %mul3A_1326, %add3A_1339 : i32
        %add3A_1341 = arith.constant 112 : i32
        %add3A_1342 = arith.addi %mul3A_1326, %add3A_1341 : i32
        %add3A_1343 = arith.constant 128 : i32
        %add3A_1344 = arith.addi %mul3A_1326, %add3A_1343 : i32
        %add3A_1345 = arith.constant 144 : i32
        %add3A_1346 = arith.addi %mul3A_1326, %add3A_1345 : i32
        %add3A_1347 = arith.constant 160 : i32
        %add3A_1348 = arith.addi %mul3A_1326, %add3A_1347 : i32
        %add3A_1349 = arith.constant 176 : i32
        %add3A_1350 = arith.addi %mul3A_1326, %add3A_1349 : i32
        %add3A_1351 = arith.constant 192 : i32
        %add3A_1352 = arith.addi %mul3A_1326, %add3A_1351 : i32
        %add3A_1353 = arith.constant 208 : i32
        %add3A_1354 = arith.addi %mul3A_1326, %add3A_1353 : i32
        %add3A_1355 = arith.constant 224 : i32
        %add3A_1356 = arith.addi %mul3A_1326, %add3A_1355 : i32
        %add3A_1357 = arith.constant 240 : i32
        %add3A_1358 = arith.addi %mul3A_1326, %add3A_1357 : i32
        %add3A_1359 = arith.addi %sub3A_1191, %add3A_1328 : i32
        %get3A_1360 = arith.index_cast %add3A_1359 : i32 to index
        %get3A_1361 = tpu.vector_load %arg12[%get3A_1360] {strides = array<i32>} : memref<4104xf32, #tpu.memory_space<vmem>>, vector<16xf32>,
        %get3A_1362 = vector.shape_cast %get3A_1361 : vector<16xf32> to vector<16xf32>
        %add3A_1363 = arith.addi %sub3A_1191, %add3A_1330 : i32
        %get3A_1364 = arith.index_cast %add3A_1363 : i32 to index
        %get3A_1365 = tpu.vector_load %arg12[%get3A_1364] {strides = array<i32>} : memref<4104xf32, #tpu.memory_space<vmem>>, vector<16xf32>,
        %get3A_1366 = vector.shape_cast %get3A_1365 : vector<16xf32> to vector<16xf32>
        %add3A_1367 = arith.addi %sub3A_1191, %add3A_1332 : i32
        %get3A_1368 = arith.index_cast %add3A_1367 : i32 to index
        %get3A_1369 = tpu.vector_load %arg12[%get3A_1368] {strides = array<i32>} : memref<4104xf32, #tpu.memory_space<vmem>>, vector<16xf32>,
        %get3A_1370 = vector.shape_cast %get3A_1369 : vector<16xf32> to vector<16xf32>
        %add3A_1371 = arith.addi %sub3A_1191, %add3A_1334 : i32
        %get3A_1372 = arith.index_cast %add3A_1371 : i32 to index
        %get3A_1373 = tpu.vector_load %arg12[%get3A_1372] {strides = array<i32>} : memref<4104xf32, #tpu.memory_space<vmem>>, vector<16xf32>,
        %get3A_1374 = vector.shape_cast %get3A_1373 : vector<16xf32> to vector<16xf32>
        %add3A_1375 = arith.addi %sub3A_1191, %add3A_1336 : i32
        %get3A_1376 = arith.index_cast %add3A_1375 : i32 to index
        %get3A_1377 = tpu.vector_load %arg12[%get3A_1376] {strides = array<i32>} : memref<4104xf32, #tpu.memory_space<vmem>>, vector<16xf32>,
        %get3A_1378 = vector.shape_cast %get3A_1377 : vector<16xf32> to vector<16xf32>
        %add3A_1379 = arith.addi %sub3A_1191, %add3A_1338 : i32
        %get3A_1380 = arith.index_cast %add3A_1379 : i32 to index
        %get3A_1381 = tpu.vector_load %arg12[%get3A_1380] {strides = array<i32>} : memref<4104xf32, #tpu.memory_space<vmem>>, vector<16xf32>,
        %get3A_1382 = vector.shape_cast %get3A_1381 : vector<16xf32> to vector<16xf32>
        %add3A_1383 = arith.addi %sub3A_1191, %add3A_1340 : i32
        %get3A_1384 = arith.index_cast %add3A_1383 : i32 to index
        %get3A_1385 = tpu.vector_load %arg12[%get3A_1384] {strides = array<i32>} : memref<4104xf32, #tpu.memory_space<vmem>>, vector<16xf32>,
        %get3A_1386 = vector.shape_cast %get3A_1385 : vector<16xf32> to vector<16xf32>
        %add3A_1387 = arith.addi %sub3A_1191, %add3A_1342 : i32
        %get3A_1388 = arith.index_cast %add3A_1387 : i32 to index
        %get3A_1389 = tpu.vector_load %arg12[%get3A_1388] {strides = array<i32>} : memref<4104xf32, #tpu.memory_space<vmem>>, vector<16xf32>,
        %get3A_1390 = vector.shape_cast %get3A_1389 : vector<16xf32> to vector<16xf32>
        %add3A_1391 = arith.addi %sub3A_1191, %add3A_1344 : i32
        %get3A_1392 = arith.index_cast %add3A_1391 : i32 to index
        %get3A_1393 = tpu.vector_load %arg12[%get3A_1392] {strides = array<i32>} : memref<4104xf32, #tpu.memory_space<vmem>>, vector<16xf32>,
        %get3A_1394 = vector.shape_cast %get3A_1393 : vector<16xf32> to vector<16xf32>
        %add3A_1395 = arith.addi %sub3A_1191, %add3A_1346 : i32
        %get3A_1396 = arith.index_cast %add3A_1395 : i32 to index
        %get3A_1397 = tpu.vector_load %arg12[%get3A_1396] {strides = array<i32>} : memref<4104xf32, #tpu.memory_space<vmem>>, vector<16xf32>,
        %get3A_1398 = vector.shape_cast %get3A_1397 : vector<16xf32> to vector<16xf32>
        %add3A_1399 = arith.addi %sub3A_1191, %add3A_1348 : i32
        %get3A_1400 = arith.index_cast %add3A_1399 : i32 to index
        %get3A_1401 = tpu.vector_load %arg12[%get3A_1400] {strides = array<i32>} : memref<4104xf32, #tpu.memory_space<vmem>>, vector<16xf32>,
        %get3A_1402 = vector.shape_cast %get3A_1401 : vector<16xf32> to vector<16xf32>
        %add3A_1403 = arith.addi %sub3A_1191, %add3A_1350 : i32
        %get3A_1404 = arith.index_cast %add3A_1403 : i32 to index
        %get3A_1405 = tpu.vector_load %arg12[%get3A_1404] {strides = array<i32>} : memref<4104xf32, #tpu.memory_space<vmem>>, vector<16xf32>,
        %get3A_1406 = vector.shape_cast %get3A_1405 : vector<16xf32> to vector<16xf32>
        %add3A_1407 = arith.addi %sub3A_1191, %add3A_1352 : i32
        %get3A_1408 = arith.index_cast %add3A_1407 : i32 to index
        %get3A_1409 = tpu.vector_load %arg12[%get3A_1408] {strides = array<i32>} : memref<4104xf32, #tpu.memory_space<vmem>>, vector<16xf32>,
        %get3A_1410 = vector.shape_cast %get3A_1409 : vector<16xf32> to vector<16xf32>
        %add3A_1411 = arith.addi %sub3A_1191, %add3A_1354 : i32
        %get3A_1412 = arith.index_cast %add3A_1411 : i32 to index
        %get3A_1413 = tpu.vector_load %arg12[%get3A_1412] {strides = array<i32>} : memref<4104xf32, #tpu.memory_space<vmem>>, vector<16xf32>,
        %get3A_1414 = vector.shape_cast %get3A_1413 : vector<16xf32> to vector<16xf32>
        %add3A_1415 = arith.addi %sub3A_1191, %add3A_1356 : i32
        %get3A_1416 = arith.index_cast %add3A_1415 : i32 to index
        %get3A_1417 = tpu.vector_load %arg12[%get3A_1416] {strides = array<i32>} : memref<4104xf32, #tpu.memory_space<vmem>>, vector<16xf32>,
        %get3A_1418 = vector.shape_cast %get3A_1417 : vector<16xf32> to vector<16xf32>
        %add3A_1419 = arith.addi %sub3A_1191, %add3A_1358 : i32
        %get3A_1420 = arith.index_cast %add3A_1419 : i32 to index
        %get3A_1421 = tpu.vector_load %arg12[%get3A_1420] {strides = array<i32>} : memref<4104xf32, #tpu.memory_space<vmem>>, vector<16xf32>,
        %get3A_1422 = vector.shape_cast %get3A_1421 : vector<16xf32> to vector<16xf32>
        %swap3A_1423 = arith.index_cast %add3A_1328 : i32 to index
        %swap3A_1424 = tpu.vector_load %arg20[%swap3A_1423] {strides = array<i32>} : memref<4096xf32, #tpu.memory_space<vmem>>, vector<16xf32>,
        %swap3A_1425 = vector.shape_cast %swap3A_1424 : vector<16xf32> to vector<16xf32>
        %swap3A_1426 = vector.shape_cast %get3A_1362 : vector<16xf32> to vector<16xf32>
        tpu.vector_store %arg20[%swap3A_1423], %swap3A_1426 {strides = array<i32>} : memref<4096xf32, #tpu.memory_space<vmem>>, vector<16xf32>,
        %swap3A_1427 = arith.index_cast %add3A_1330 : i32 to index
        %swap3A_1428 = tpu.vector_load %arg20[%swap3A_1427] {strides = array<i32>} : memref<4096xf32, #tpu.memory_space<vmem>>, vector<16xf32>,
        %swap3A_1429 = vector.shape_cast %swap3A_1428 : vector<16xf32> to vector<16xf32>
        %swap3A_1430 = vector.shape_cast %get3A_1366 : vector<16xf32> to vector<16xf32>
        tpu.vector_store %arg20[%swap3A_1427], %swap3A_1430 {strides = array<i32>} : memref<4096xf32, #tpu.memory_space<vmem>>, vector<16xf32>,
        %swap3A_1431 = arith.index_cast %add3A_1332 : i32 to index
        %swap3A_1432 = tpu.vector_load %arg20[%swap3A_1431] {strides = array<i32>} : memref<4096xf32, #tpu.memory_space<vmem>>, vector<16xf32>,
        %swap3A_1433 = vector.shape_cast %swap3A_1432 : vector<16xf32> to vector<16xf32>
        %swap3A_1434 = vector.shape_cast %get3A_1370 : vector<16xf32> to vector<16xf32>
        tpu.vector_store %arg20[%swap3A_1431], %swap3A_1434 {strides = array<i32>} : memref<4096xf32, #tpu.memory_space<vmem>>, vector<16xf32>,
        %swap3A_1435 = arith.index_cast %add3A_1334 : i32 to index
        %swap3A_1436 = tpu.vector_load %arg20[%swap3A_1435] {strides = array<i32>} : memref<4096xf32, #tpu.memory_space<vmem>>, vector<16xf32>,
        %swap3A_1437 = vector.shape_cast %swap3A_1436 : vector<16xf32> to vector<16xf32>
        %swap3A_1438 = vector.shape_cast %get3A_1374 : vector<16xf32> to vector<16xf32>
        tpu.vector_store %arg20[%swap3A_1435], %swap3A_1438 {strides = array<i32>} : memref<4096xf32, #tpu.memory_space<vmem>>, vector<16xf32>,
        %swap3A_1439 = arith.index_cast %add3A_1336 : i32 to index
        %swap3A_1440 = tpu.vector_load %arg20[%swap3A_1439] {strides = array<i32>} : memref<4096xf32, #tpu.memory_space<vmem>>, vector<16xf32>,
        %swap3A_1441 = vector.shape_cast %swap3A_1440 : vector<16xf32> to vector<16xf32>
        %swap3A_1442 = vector.shape_cast %get3A_1378 : vector<16xf32> to vector<16xf32>
        tpu.vector_store %arg20[%swap3A_1439], %swap3A_1442 {strides = array<i32>} : memref<4096xf32, #tpu.memory_space<vmem>>, vector<16xf32>,
        %swap3A_1443 = arith.index_cast %add3A_1338 : i32 to index
        %swap3A_1444 = tpu.vector_load %arg20[%swap3A_1443] {strides = array<i32>} : memref<4096xf32, #tpu.memory_space<vmem>>, vector<16xf32>,
        %swap3A_1445 = vector.shape_cast %swap3A_1444 : vector<16xf32> to vector<16xf32>
        %swap3A_1446 = vector.shape_cast %get3A_1382 : vector<16xf32> to vector<16xf32>
        tpu.vector_store %arg20[%swap3A_1443], %swap3A_1446 {strides = array<i32>} : memref<4096xf32, #tpu.memory_space<vmem>>, vector<16xf32>,
        %swap3A_1447 = arith.index_cast %add3A_1340 : i32 to index
        %swap3A_1448 = tpu.vector_load %arg20[%swap3A_1447] {strides = array<i32>} : memref<4096xf32, #tpu.memory_space<vmem>>, vector<16xf32>,
        %swap3A_1449 = vector.shape_cast %swap3A_1448 : vector<16xf32> to vector<16xf32>
        %swap3A_1450 = vector.shape_cast %get3A_1386 : vector<16xf32> to vector<16xf32>
        tpu.vector_store %arg20[%swap3A_1447], %swap3A_1450 {strides = array<i32>} : memref<4096xf32, #tpu.memory_space<vmem>>, vector<16xf32>,
        %swap3A_1451 = arith.index_cast %add3A_1342 : i32 to index
        %swap3A_1452 = tpu.vector_load %arg20[%swap3A_1451] {strides = array<i32>} : memref<4096xf32, #tpu.memory_space<vmem>>, vector<16xf32>,
        %swap3A_1453 = vector.shape_cast %swap3A_1452 : vector<16xf32> to vector<16xf32>
        %swap3A_1454 = vector.shape_cast %get3A_1390 : vector<16xf32> to vector<16xf32>
        tpu.vector_store %arg20[%swap3A_1451], %swap3A_1454 {strides = array<i32>} : memref<4096xf32, #tpu.memory_space<vmem>>, vector<16xf32>,
        %swap3A_1455 = arith.index_cast %add3A_1344 : i32 to index
        %swap3A_1456 = tpu.vector_load %arg20[%swap3A_1455] {strides = array<i32>} : memref<4096xf32, #tpu.memory_space<vmem>>, vector<16xf32>,
        %swap3A_1457 = vector.shape_cast %swap3A_1456 : vector<16xf32> to vector<16xf32>
        %swap3A_1458 = vector.shape_cast %get3A_1394 : vector<16xf32> to vector<16xf32>
        tpu.vector_store %arg20[%swap3A_1455], %swap3A_1458 {strides = array<i32>} : memref<4096xf32, #tpu.memory_space<vmem>>, vector<16xf32>,
        %swap3A_1459 = arith.index_cast %add3A_1346 : i32 to index
        %swap3A_1460 = tpu.vector_load %arg20[%swap3A_1459] {strides = array<i32>} : memref<4096xf32, #tpu.memory_space<vmem>>, vector<16xf32>,
        %swap3A_1461 = vector.shape_cast %swap3A_1460 : vector<16xf32> to vector<16xf32>
        %swap3A_1462 = vector.shape_cast %get3A_1398 : vector<16xf32> to vector<16xf32>
        tpu.vector_store %arg20[%swap3A_1459], %swap3A_1462 {strides = array<i32>} : memref<4096xf32, #tpu.memory_space<vmem>>, vector<16xf32>,
        %swap3A_1463 = arith.index_cast %add3A_1348 : i32 to index
        %swap3A_1464 = tpu.vector_load %arg20[%swap3A_1463] {strides = array<i32>} : memref<4096xf32, #tpu.memory_space<vmem>>, vector<16xf32>,
        %swap3A_1465 = vector.shape_cast %swap3A_1464 : vector<16xf32> to vector<16xf32>
        %swap3A_1466 = vector.shape_cast %get3A_1402 : vector<16xf32> to vector<16xf32>
        tpu.vector_store %arg20[%swap3A_1463], %swap3A_1466 {strides = array<i32>} : memref<4096xf32, #tpu.memory_space<vmem>>, vector<16xf32>,
        %swap3A_1467 = arith.index_cast %add3A_1350 : i32 to index
        %swap3A_1468 = tpu.vector_load %arg20[%swap3A_1467] {strides = array<i32>} : memref<4096xf32, #tpu.memory_space<vmem>>, vector<16xf32>,
        %swap3A_1469 = vector.shape_cast %swap3A_1468 : vector<16xf32> to vector<16xf32>
        %swap3A_1470 = vector.shape_cast %get3A_1406 : vector<16xf32> to vector<16xf32>
        tpu.vector_store %arg20[%swap3A_1467], %swap3A_1470 {strides = array<i32>} : memref<4096xf32, #tpu.memory_space<vmem>>, vector<16xf32>,
        %swap3A_1471 = arith.index_cast %add3A_1352 : i32 to index
        %swap3A_1472 = tpu.vector_load %arg20[%swap3A_1471] {strides = array<i32>} : memref<4096xf32, #tpu.memory_space<vmem>>, vector<16xf32>,
        %swap3A_1473 = vector.shape_cast %swap3A_1472 : vector<16xf32> to vector<16xf32>
        %swap3A_1474 = vector.shape_cast %get3A_1410 : vector<16xf32> to vector<16xf32>
        tpu.vector_store %arg20[%swap3A_1471], %swap3A_1474 {strides = array<i32>} : memref<4096xf32, #tpu.memory_space<vmem>>, vector<16xf32>,
        %swap3A_1475 = arith.index_cast %add3A_1354 : i32 to index
        %swap3A_1476 = tpu.vector_load %arg20[%swap3A_1475] {strides = array<i32>} : memref<4096xf32, #tpu.memory_space<vmem>>, vector<16xf32>,
        %swap3A_1477 = vector.shape_cast %swap3A_1476 : vector<16xf32> to vector<16xf32>
        %swap3A_1478 = vector.shape_cast %get3A_1414 : vector<16xf32> to vector<16xf32>
        tpu.vector_store %arg20[%swap3A_1475], %swap3A_1478 {strides = array<i32>} : memref<4096xf32, #tpu.memory_space<vmem>>, vector<16xf32>,
        %swap3A_1479 = arith.index_cast %add3A_1356 : i32 to index
        %swap3A_1480 = tpu.vector_load %arg20[%swap3A_1479] {strides = array<i32>} : memref<4096xf32, #tpu.memory_space<vmem>>, vector<16xf32>,
        %swap3A_1481 = vector.shape_cast %swap3A_1480 : vector<16xf32> to vector<16xf32>
        %swap3A_1482 = vector.shape_cast %get3A_1418 : vector<16xf32> to vector<16xf32>
        tpu.vector_store %arg20[%swap3A_1479], %swap3A_1482 {strides = array<i32>} : memref<4096xf32, #tpu.memory_space<vmem>>, vector<16xf32>,
        %swap3A_1483 = arith.index_cast %add3A_1358 : i32 to index
        %swap3A_1484 = tpu.vector_load %arg20[%swap3A_1483] {strides = array<i32>} : memref<4096xf32, #tpu.memory_space<vmem>>, vector<16xf32>,
        %swap3A_1485 = vector.shape_cast %swap3A_1484 : vector<16xf32> to vector<16xf32>
        %swap3A_1486 = vector.shape_cast %get3A_1422 : vector<16xf32> to vector<16xf32>
        tpu.vector_store %arg20[%swap3A_1483], %swap3A_1486 {strides = array<i32>} : memref<4096xf32, #tpu.memory_space<vmem>>, vector<16xf32>,
      }
      %scan3A_1197 = arith.constant 16 : i32
      %mul3A_1198 = arith.constant 4 : i32
      %mul3A_1199 = arith.muli %add3A_1079, %mul3A_1198 : i32
      %add3A_1200 = arith.addi %mul3A_2, %mul3A_1199 : i32
      %add3A_1201 = arith.constant 1 : i32
      %add3A_1202 = arith.addi %add3A_1200, %add3A_1201 : i32
      %dma_start3A_1203 = arith.constant 0 : i32
      %dma_start3A_1204 = tpu.memref_slice %arg4[%add3A_1202, %dma_start3A_1203] : memref<1024x4096xf32, #tpu.memory_space<hbm>> -> memref<1x4096xf32, #tpu.memory_space<hbm>>
      %dma_start3A_1205 = tpu.memref_squeeze %dma_start3A_1204 : memref<1x4096xf32, #tpu.memory_space<hbm>> -> memref<4096xf32, #tpu.memory_space<hbm>>
      %dma_start3A_1206 = arith.constant 0 : i32
      %dma_start3A_1207 = tpu.memref_slice %arg4[%add3A_1202, %dma_start3A_1206] : memref<1024x4096xf32, #tpu.memory_space<hbm>> -> memref<1x4096xf32, #tpu.memory_space<hbm>>
      %dma_start3A_1208 = tpu.memref_squeeze %dma_start3A_1207 : memref<1x4096xf32, #tpu.memory_space<hbm>> -> memref<4096xf32, #tpu.memory_space<hbm>>
      tpu.enqueue_dma source(%arg20 : memref<4096xf32, #tpu.memory_space<vmem>>) target(%dma_start3A_1208 : memref<4096xf32, #tpu.memory_space<hbm>>) target_semaphore(%arg26 : memref<!tpu.dma_semaphore, #tpu.memory_space<semaphore_mem>>)
      %mul3A_1209 = arith.constant 4 : i32
      %mul3A_1210 = arith.muli %add3A_1079, %mul3A_1209 : i32
      %add3A_1211 = arith.constant 2 : i32
      %add3A_1212 = arith.addi %mul3A_1210, %add3A_1211 : i32
      %get3A_1213 = arith.index_cast %add3A_1212 : i32 to index
      %get3A_1214 = tpu.vector_load %arg6[%get3A_1213] {strides = array<i32>} : memref<48xi32, #tpu.memory_space<vmem>>, vector<16xi32>,
      %get3A_1215 = vector.shape_cast %get3A_1214 : vector<16xi32> to vector<16xi32>
      %slice3A_1216 = vector.extract_strided_slice %get3A_1215 {offsets = [0], sizes = [1], strides = [1]} : vector<16xi32> to vector<1xi32>
      %squeeze3A_1217 = vector.extract %slice3A_1216[0] : i32 from vector<1xi32>
      %jit3A_1218 = arith.constant 8 : i32
      %div3A_1219 = arith.divsi %squeeze3A_1217, %jit3A_1218 : i32
      %sign3A_1220 = arith.constant 0 : i32
      %sign3A_1221 = arith.cmpi sgt, %squeeze3A_1217, %sign3A_1220 : i32
      %sign3A_1222 = arith.extui %sign3A_1221 : i1 to i32
      %sign3A_1223 = arith.constant 0 : i32
      %sign3A_1224 = arith.cmpi slt, %squeeze3A_1217, %sign3A_1223 : i32
      %sign3A_1225 = arith.extui %sign3A_1224 : i1 to i32
      %sign3A_1226 = arith.subi %sign3A_1222, %sign3A_1225 : i32
      %sign3A_1227 = arith.constant 0 : i32
      %sign3A_1228 = arith.cmpi sgt, %jit3A_1218, %sign3A_1227 : i32
      %sign3A_1229 = arith.extui %sign3A_1228 : i1 to i32
      %sign3A_1230 = arith.constant 0 : i32
      %sign3A_1231 = arith.cmpi slt, %jit3A_1218, %sign3A_1230 : i32
      %sign3A_1232 = arith.extui %sign3A_1231 : i1 to i32
      %sign3A_1233 = arith.subi %sign3A_1229, %sign3A_1232 : i32
      %ne3A_1234 = arith.cmpi ne, %sign3A_1226, %sign3A_1233 : i32
      %rem3A_1235 = arith.remsi %squeeze3A_1217, %jit3A_1218 : i32
      %ne3A_1236 = arith.constant 0 : i32
      %ne3A_1237 = arith.cmpi ne, %rem3A_1235, %ne3A_1236 : i32
      %and3A_1238 = arith.andi %ne3A_1234, %ne3A_1237 : i1
      %sub3A_1239 = arith.constant 1 : i32
      %sub3A_1240 = arith.subi %div3A_1219, %sub3A_1239 : i32
      %select_n3A_1241 = arith.select %and3A_1238, %sub3A_1240, %div3A_1219 : i32
      %mul3A_1242 = arith.constant 8 : i32
      %mul3A_1243 = arith.muli %select_n3A_1241, %mul3A_1242 : i32
      %multiple_of3A_1244 = tpu.assume_multiple %mul3A_1243, 8 : i32
      %sub3A_1245 = arith.subi %squeeze3A_1217, %multiple_of3A_1244 : i32
      %scan3A_1246 = arith.constant 0 : i32
      %scan3A_1247 = arith.constant 0 : i32
      %scan3A_1248 = arith.constant 16 : i32
      %scan3A_1249 = arith.addi %scan3A_1247, %scan3A_1248 : i32
      %scan3A_1250 = arith.constant 1 : i32
      scf.for %scan3A_1324 = %scan3A_1247 to %scan3A_1249 step %scan3A_1250  : i32 {
        %mul3A_1325 = arith.constant 256 : i32
        %mul3A_1326 = arith.muli %scan3A_1324, %mul3A_1325 : i32
        %add3A_1327 = arith.constant 0 : i32
        %add3A_1328 = arith.addi %mul3A_1326, %add3A_1327 : i32
        %add3A_1329 = arith.constant 16 : i32
        %add3A_1330 = arith.addi %mul3A_1326, %add3A_1329 : i32
        %add3A_1331 = arith.constant 32 : i32
        %add3A_1332 = arith.addi %mul3A_1326, %add3A_1331 : i32
        %add3A_1333 = arith.constant 48 : i32
        %add3A_1334 = arith.addi %mul3A_1326, %add3A_1333 : i32
        %add3A_1335 = arith.constant 64 : i32
        %add3A_1336 = arith.addi %mul3A_1326, %add3A_1335 : i32
        %add3A_1337 = arith.constant 80 : i32
        %add3A_1338 = arith.addi %mul3A_1326, %add3A_1337 : i32
        %add3A_1339 = arith.constant 96 : i32
        %add3A_1340 = arith.addi %mul3A_1326, %add3A_1339 : i32
        %add3A_1341 = arith.constant 112 : i32
        %add3A_1342 = arith.addi %mul3A_1326, %add3A_1341 : i32
        %add3A_1343 = arith.constant 128 : i32
        %add3A_1344 = arith.addi %mul3A_1326, %add3A_1343 : i32
        %add3A_1345 = arith.constant 144 : i32
        %add3A_1346 = arith.addi %mul3A_1326, %add3A_1345 : i32
        %add3A_1347 = arith.constant 160 : i32
        %add3A_1348 = arith.addi %mul3A_1326, %add3A_1347 : i32
        %add3A_1349 = arith.constant 176 : i32
        %add3A_1350 = arith.addi %mul3A_1326, %add3A_1349 : i32
        %add3A_1351 = arith.constant 192 : i32
        %add3A_1352 = arith.addi %mul3A_1326, %add3A_1351 : i32
        %add3A_1353 = arith.constant 208 : i32
        %add3A_1354 = arith.addi %mul3A_1326, %add3A_1353 : i32
        %add3A_1355 = arith.constant 224 : i32
        %add3A_1356 = arith.addi %mul3A_1326, %add3A_1355 : i32
        %add3A_1357 = arith.constant 240 : i32
        %add3A_1358 = arith.addi %mul3A_1326, %add3A_1357 : i32
        %add3A_1359 = arith.addi %sub3A_1245, %add3A_1328 : i32
        %get3A_1360 = arith.index_cast %add3A_1359 : i32 to index
        %get3A_1361 = tpu.vector_load %arg13[%get3A_1360] {strides = array<i32>} : memref<4104xf32, #tpu.memory_space<vmem>>, vector<16xf32>,
        %get3A_1362 = vector.shape_cast %get3A_1361 : vector<16xf32> to vector<16xf32>
        %add3A_1363 = arith.addi %sub3A_1245, %add3A_1330 : i32
        %get3A_1364 = arith.index_cast %add3A_1363 : i32 to index
        %get3A_1365 = tpu.vector_load %arg13[%get3A_1364] {strides = array<i32>} : memref<4104xf32, #tpu.memory_space<vmem>>, vector<16xf32>,
        %get3A_1366 = vector.shape_cast %get3A_1365 : vector<16xf32> to vector<16xf32>
        %add3A_1367 = arith.addi %sub3A_1245, %add3A_1332 : i32
        %get3A_1368 = arith.index_cast %add3A_1367 : i32 to index
        %get3A_1369 = tpu.vector_load %arg13[%get3A_1368] {strides = array<i32>} : memref<4104xf32, #tpu.memory_space<vmem>>, vector<16xf32>,
        %get3A_1370 = vector.shape_cast %get3A_1369 : vector<16xf32> to vector<16xf32>
        %add3A_1371 = arith.addi %sub3A_1245, %add3A_1334 : i32
        %get3A_1372 = arith.index_cast %add3A_1371 : i32 to index
        %get3A_1373 = tpu.vector_load %arg13[%get3A_1372] {strides = array<i32>} : memref<4104xf32, #tpu.memory_space<vmem>>, vector<16xf32>,
        %get3A_1374 = vector.shape_cast %get3A_1373 : vector<16xf32> to vector<16xf32>
        %add3A_1375 = arith.addi %sub3A_1245, %add3A_1336 : i32
        %get3A_1376 = arith.index_cast %add3A_1375 : i32 to index
        %get3A_1377 = tpu.vector_load %arg13[%get3A_1376] {strides = array<i32>} : memref<4104xf32, #tpu.memory_space<vmem>>, vector<16xf32>,
        %get3A_1378 = vector.shape_cast %get3A_1377 : vector<16xf32> to vector<16xf32>
        %add3A_1379 = arith.addi %sub3A_1245, %add3A_1338 : i32
        %get3A_1380 = arith.index_cast %add3A_1379 : i32 to index
        %get3A_1381 = tpu.vector_load %arg13[%get3A_1380] {strides = array<i32>} : memref<4104xf32, #tpu.memory_space<vmem>>, vector<16xf32>,
        %get3A_1382 = vector.shape_cast %get3A_1381 : vector<16xf32> to vector<16xf32>
        %add3A_1383 = arith.addi %sub3A_1245, %add3A_1340 : i32
        %get3A_1384 = arith.index_cast %add3A_1383 : i32 to index
        %get3A_1385 = tpu.vector_load %arg13[%get3A_1384] {strides = array<i32>} : memref<4104xf32, #tpu.memory_space<vmem>>, vector<16xf32>,
        %get3A_1386 = vector.shape_cast %get3A_1385 : vector<16xf32> to vector<16xf32>
        %add3A_1387 = arith.addi %sub3A_1245, %add3A_1342 : i32
        %get3A_1388 = arith.index_cast %add3A_1387 : i32 to index
        %get3A_1389 = tpu.vector_load %arg13[%get3A_1388] {strides = array<i32>} : memref<4104xf32, #tpu.memory_space<vmem>>, vector<16xf32>,
        %get3A_1390 = vector.shape_cast %get3A_1389 : vector<16xf32> to vector<16xf32>
        %add3A_1391 = arith.addi %sub3A_1245, %add3A_1344 : i32
        %get3A_1392 = arith.index_cast %add3A_1391 : i32 to index
        %get3A_1393 = tpu.vector_load %arg13[%get3A_1392] {strides = array<i32>} : memref<4104xf32, #tpu.memory_space<vmem>>, vector<16xf32>,
        %get3A_1394 = vector.shape_cast %get3A_1393 : vector<16xf32> to vector<16xf32>
        %add3A_1395 = arith.addi %sub3A_1245, %add3A_1346 : i32
        %get3A_1396 = arith.index_cast %add3A_1395 : i32 to index
        %get3A_1397 = tpu.vector_load %arg13[%get3A_1396] {strides = array<i32>} : memref<4104xf32, #tpu.memory_space<vmem>>, vector<16xf32>,
        %get3A_1398 = vector.shape_cast %get3A_1397 : vector<16xf32> to vector<16xf32>
        %add3A_1399 = arith.addi %sub3A_1245, %add3A_1348 : i32
        %get3A_1400 = arith.index_cast %add3A_1399 : i32 to index
        %get3A_1401 = tpu.vector_load %arg13[%get3A_1400] {strides = array<i32>} : memref<4104xf32, #tpu.memory_space<vmem>>, vector<16xf32>,
        %get3A_1402 = vector.shape_cast %get3A_1401 : vector<16xf32> to vector<16xf32>
        %add3A_1403 = arith.addi %sub3A_1245, %add3A_1350 : i32
        %get3A_1404 = arith.index_cast %add3A_1403 : i32 to index
        %get3A_1405 = tpu.vector_load %arg13[%get3A_1404] {strides = array<i32>} : memref<4104xf32, #tpu.memory_space<vmem>>, vector<16xf32>,
        %get3A_1406 = vector.shape_cast %get3A_1405 : vector<16xf32> to vector<16xf32>
        %add3A_1407 = arith.addi %sub3A_1245, %add3A_1352 : i32
        %get3A_1408 = arith.index_cast %add3A_1407 : i32 to index
        %get3A_1409 = tpu.vector_load %arg13[%get3A_1408] {strides = array<i32>} : memref<4104xf32, #tpu.memory_space<vmem>>, vector<16xf32>,
        %get3A_1410 = vector.shape_cast %get3A_1409 : vector<16xf32> to vector<16xf32>
        %add3A_1411 = arith.addi %sub3A_1245, %add3A_1354 : i32
        %get3A_1412 = arith.index_cast %add3A_1411 : i32 to index
        %get3A_1413 = tpu.vector_load %arg13[%get3A_1412] {strides = array<i32>} : memref<4104xf32, #tpu.memory_space<vmem>>, vector<16xf32>,
        %get3A_1414 = vector.shape_cast %get3A_1413 : vector<16xf32> to vector<16xf32>
        %add3A_1415 = arith.addi %sub3A_1245, %add3A_1356 : i32
        %get3A_1416 = arith.index_cast %add3A_1415 : i32 to index
        %get3A_1417 = tpu.vector_load %arg13[%get3A_1416] {strides = array<i32>} : memref<4104xf32, #tpu.memory_space<vmem>>, vector<16xf32>,
        %get3A_1418 = vector.shape_cast %get3A_1417 : vector<16xf32> to vector<16xf32>
        %add3A_1419 = arith.addi %sub3A_1245, %add3A_1358 : i32
        %get3A_1420 = arith.index_cast %add3A_1419 : i32 to index
        %get3A_1421 = tpu.vector_load %arg13[%get3A_1420] {strides = array<i32>} : memref<4104xf32, #tpu.memory_space<vmem>>, vector<16xf32>,
        %get3A_1422 = vector.shape_cast %get3A_1421 : vector<16xf32> to vector<16xf32>
        %swap3A_1423 = arith.index_cast %add3A_1328 : i32 to index
        %swap3A_1424 = tpu.vector_load %arg21[%swap3A_1423] {strides = array<i32>} : memref<4096xf32, #tpu.memory_space<vmem>>, vector<16xf32>,
        %swap3A_1425 = vector.shape_cast %swap3A_1424 : vector<16xf32> to vector<16xf32>
        %swap3A_1426 = vector.shape_cast %get3A_1362 : vector<16xf32> to vector<16xf32>
        tpu.vector_store %arg21[%swap3A_1423], %swap3A_1426 {strides = array<i32>} : memref<4096xf32, #tpu.memory_space<vmem>>, vector<16xf32>,
        %swap3A_1427 = arith.index_cast %add3A_1330 : i32 to index
        %swap3A_1428 = tpu.vector_load %arg21[%swap3A_1427] {strides = array<i32>} : memref<4096xf32, #tpu.memory_space<vmem>>, vector<16xf32>,
        %swap3A_1429 = vector.shape_cast %swap3A_1428 : vector<16xf32> to vector<16xf32>
        %swap3A_1430 = vector.shape_cast %get3A_1366 : vector<16xf32> to vector<16xf32>
        tpu.vector_store %arg21[%swap3A_1427], %swap3A_1430 {strides = array<i32>} : memref<4096xf32, #tpu.memory_space<vmem>>, vector<16xf32>,
        %swap3A_1431 = arith.index_cast %add3A_1332 : i32 to index
        %swap3A_1432 = tpu.vector_load %arg21[%swap3A_1431] {strides = array<i32>} : memref<4096xf32, #tpu.memory_space<vmem>>, vector<16xf32>,
        %swap3A_1433 = vector.shape_cast %swap3A_1432 : vector<16xf32> to vector<16xf32>
        %swap3A_1434 = vector.shape_cast %get3A_1370 : vector<16xf32> to vector<16xf32>
        tpu.vector_store %arg21[%swap3A_1431], %swap3A_1434 {strides = array<i32>} : memref<4096xf32, #tpu.memory_space<vmem>>, vector<16xf32>,
        %swap3A_1435 = arith.index_cast %add3A_1334 : i32 to index
        %swap3A_1436 = tpu.vector_load %arg21[%swap3A_1435] {strides = array<i32>} : memref<4096xf32, #tpu.memory_space<vmem>>, vector<16xf32>,
        %swap3A_1437 = vector.shape_cast %swap3A_1436 : vector<16xf32> to vector<16xf32>
        %swap3A_1438 = vector.shape_cast %get3A_1374 : vector<16xf32> to vector<16xf32>
        tpu.vector_store %arg21[%swap3A_1435], %swap3A_1438 {strides = array<i32>} : memref<4096xf32, #tpu.memory_space<vmem>>, vector<16xf32>,
        %swap3A_1439 = arith.index_cast %add3A_1336 : i32 to index
        %swap3A_1440 = tpu.vector_load %arg21[%swap3A_1439] {strides = array<i32>} : memref<4096xf32, #tpu.memory_space<vmem>>, vector<16xf32>,
        %swap3A_1441 = vector.shape_cast %swap3A_1440 : vector<16xf32> to vector<16xf32>
        %swap3A_1442 = vector.shape_cast %get3A_1378 : vector<16xf32> to vector<16xf32>
        tpu.vector_store %arg21[%swap3A_1439], %swap3A_1442 {strides = array<i32>} : memref<4096xf32, #tpu.memory_space<vmem>>, vector<16xf32>,
        %swap3A_1443 = arith.index_cast %add3A_1338 : i32 to index
        %swap3A_1444 = tpu.vector_load %arg21[%swap3A_1443] {strides = array<i32>} : memref<4096xf32, #tpu.memory_space<vmem>>, vector<16xf32>,
        %swap3A_1445 = vector.shape_cast %swap3A_1444 : vector<16xf32> to vector<16xf32>
        %swap3A_1446 = vector.shape_cast %get3A_1382 : vector<16xf32> to vector<16xf32>
        tpu.vector_store %arg21[%swap3A_1443], %swap3A_1446 {strides = array<i32>} : memref<4096xf32, #tpu.memory_space<vmem>>, vector<16xf32>,
        %swap3A_1447 = arith.index_cast %add3A_1340 : i32 to index
        %swap3A_1448 = tpu.vector_load %arg21[%swap3A_1447] {strides = array<i32>} : memref<4096xf32, #tpu.memory_space<vmem>>, vector<16xf32>,
        %swap3A_1449 = vector.shape_cast %swap3A_1448 : vector<16xf32> to vector<16xf32>
        %swap3A_1450 = vector.shape_cast %get3A_1386 : vector<16xf32> to vector<16xf32>
        tpu.vector_store %arg21[%swap3A_1447], %swap3A_1450 {strides = array<i32>} : memref<4096xf32, #tpu.memory_space<vmem>>, vector<16xf32>,
        %swap3A_1451 = arith.index_cast %add3A_1342 : i32 to index
        %swap3A_1452 = tpu.vector_load %arg21[%swap3A_1451] {strides = array<i32>} : memref<4096xf32, #tpu.memory_space<vmem>>, vector<16xf32>,
        %swap3A_1453 = vector.shape_cast %swap3A_1452 : vector<16xf32> to vector<16xf32>
        %swap3A_1454 = vector.shape_cast %get3A_1390 : vector<16xf32> to vector<16xf32>
        tpu.vector_store %arg21[%swap3A_1451], %swap3A_1454 {strides = array<i32>} : memref<4096xf32, #tpu.memory_space<vmem>>, vector<16xf32>,
        %swap3A_1455 = arith.index_cast %add3A_1344 : i32 to index
        %swap3A_1456 = tpu.vector_load %arg21[%swap3A_1455] {strides = array<i32>} : memref<4096xf32, #tpu.memory_space<vmem>>, vector<16xf32>,
        %swap3A_1457 = vector.shape_cast %swap3A_1456 : vector<16xf32> to vector<16xf32>
        %swap3A_1458 = vector.shape_cast %get3A_1394 : vector<16xf32> to vector<16xf32>
        tpu.vector_store %arg21[%swap3A_1455], %swap3A_1458 {strides = array<i32>} : memref<4096xf32, #tpu.memory_space<vmem>>, vector<16xf32>,
        %swap3A_1459 = arith.index_cast %add3A_1346 : i32 to index
        %swap3A_1460 = tpu.vector_load %arg21[%swap3A_1459] {strides = array<i32>} : memref<4096xf32, #tpu.memory_space<vmem>>, vector<16xf32>,
        %swap3A_1461 = vector.shape_cast %swap3A_1460 : vector<16xf32> to vector<16xf32>
        %swap3A_1462 = vector.shape_cast %get3A_1398 : vector<16xf32> to vector<16xf32>
        tpu.vector_store %arg21[%swap3A_1459], %swap3A_1462 {strides = array<i32>} : memref<4096xf32, #tpu.memory_space<vmem>>, vector<16xf32>,
        %swap3A_1463 = arith.index_cast %add3A_1348 : i32 to index
        %swap3A_1464 = tpu.vector_load %arg21[%swap3A_1463] {strides = array<i32>} : memref<4096xf32, #tpu.memory_space<vmem>>, vector<16xf32>,
        %swap3A_1465 = vector.shape_cast %swap3A_1464 : vector<16xf32> to vector<16xf32>
        %swap3A_1466 = vector.shape_cast %get3A_1402 : vector<16xf32> to vector<16xf32>
        tpu.vector_store %arg21[%swap3A_1463], %swap3A_1466 {strides = array<i32>} : memref<4096xf32, #tpu.memory_space<vmem>>, vector<16xf32>,
        %swap3A_1467 = arith.index_cast %add3A_1350 : i32 to index
        %swap3A_1468 = tpu.vector_load %arg21[%swap3A_1467] {strides = array<i32>} : memref<4096xf32, #tpu.memory_space<vmem>>, vector<16xf32>,
        %swap3A_1469 = vector.shape_cast %swap3A_1468 : vector<16xf32> to vector<16xf32>
        %swap3A_1470 = vector.shape_cast %get3A_1406 : vector<16xf32> to vector<16xf32>
        tpu.vector_store %arg21[%swap3A_1467], %swap3A_1470 {strides = array<i32>} : memref<4096xf32, #tpu.memory_space<vmem>>, vector<16xf32>,
        %swap3A_1471 = arith.index_cast %add3A_1352 : i32 to index
        %swap3A_1472 = tpu.vector_load %arg21[%swap3A_1471] {strides = array<i32>} : memref<4096xf32, #tpu.memory_space<vmem>>, vector<16xf32>,
        %swap3A_1473 = vector.shape_cast %swap3A_1472 : vector<16xf32> to vector<16xf32>
        %swap3A_1474 = vector.shape_cast %get3A_1410 : vector<16xf32> to vector<16xf32>
        tpu.vector_store %arg21[%swap3A_1471], %swap3A_1474 {strides = array<i32>} : memref<4096xf32, #tpu.memory_space<vmem>>, vector<16xf32>,
        %swap3A_1475 = arith.index_cast %add3A_1354 : i32 to index
        %swap3A_1476 = tpu.vector_load %arg21[%swap3A_1475] {strides = array<i32>} : memref<4096xf32, #tpu.memory_space<vmem>>, vector<16xf32>,
        %swap3A_1477 = vector.shape_cast %swap3A_1476 : vector<16xf32> to vector<16xf32>
        %swap3A_1478 = vector.shape_cast %get3A_1414 : vector<16xf32> to vector<16xf32>
        tpu.vector_store %arg21[%swap3A_1475], %swap3A_1478 {strides = array<i32>} : memref<4096xf32, #tpu.memory_space<vmem>>, vector<16xf32>,
        %swap3A_1479 = arith.index_cast %add3A_1356 : i32 to index
        %swap3A_1480 = tpu.vector_load %arg21[%swap3A_1479] {strides = array<i32>} : memref<4096xf32, #tpu.memory_space<vmem>>, vector<16xf32>,
        %swap3A_1481 = vector.shape_cast %swap3A_1480 : vector<16xf32> to vector<16xf32>
        %swap3A_1482 = vector.shape_cast %get3A_1418 : vector<16xf32> to vector<16xf32>
        tpu.vector_store %arg21[%swap3A_1479], %swap3A_1482 {strides = array<i32>} : memref<4096xf32, #tpu.memory_space<vmem>>, vector<16xf32>,
        %swap3A_1483 = arith.index_cast %add3A_1358 : i32 to index
        %swap3A_1484 = tpu.vector_load %arg21[%swap3A_1483] {strides = array<i32>} : memref<4096xf32, #tpu.memory_space<vmem>>, vector<16xf32>,
        %swap3A_1485 = vector.shape_cast %swap3A_1484 : vector<16xf32> to vector<16xf32>
        %swap3A_1486 = vector.shape_cast %get3A_1422 : vector<16xf32> to vector<16xf32>
        tpu.vector_store %arg21[%swap3A_1483], %swap3A_1486 {strides = array<i32>} : memref<4096xf32, #tpu.memory_space<vmem>>, vector<16xf32>,
      }
      %scan3A_1251 = arith.constant 16 : i32
      %mul3A_1252 = arith.constant 4 : i32
      %mul3A_1253 = arith.muli %add3A_1079, %mul3A_1252 : i32
      %add3A_1254 = arith.addi %mul3A_2, %mul3A_1253 : i32
      %add3A_1255 = arith.constant 2 : i32
      %add3A_1256 = arith.addi %add3A_1254, %add3A_1255 : i32
      %dma_start3A_1257 = arith.constant 0 : i32
      %dma_start3A_1258 = tpu.memref_slice %arg4[%add3A_1256, %dma_start3A_1257] : memref<1024x4096xf32, #tpu.memory_space<hbm>> -> memref<1x4096xf32, #tpu.memory_space<hbm>>
      %dma_start3A_1259 = tpu.memref_squeeze %dma_start3A_1258 : memref<1x4096xf32, #tpu.memory_space<hbm>> -> memref<4096xf32, #tpu.memory_space<hbm>>
      %dma_start3A_1260 = arith.constant 0 : i32
      %dma_start3A_1261 = tpu.memref_slice %arg4[%add3A_1256, %dma_start3A_1260] : memref<1024x4096xf32, #tpu.memory_space<hbm>> -> memref<1x4096xf32, #tpu.memory_space<hbm>>
      %dma_start3A_1262 = tpu.memref_squeeze %dma_start3A_1261 : memref<1x4096xf32, #tpu.memory_space<hbm>> -> memref<4096xf32, #tpu.memory_space<hbm>>
      tpu.enqueue_dma source(%arg21 : memref<4096xf32, #tpu.memory_space<vmem>>) target(%dma_start3A_1262 : memref<4096xf32, #tpu.memory_space<hbm>>) target_semaphore(%arg26 : memref<!tpu.dma_semaphore, #tpu.memory_space<semaphore_mem>>)
      %mul3A_1263 = arith.constant 4 : i32
      %mul3A_1264 = arith.muli %add3A_1079, %mul3A_1263 : i32
      %add3A_1265 = arith.constant 3 : i32
      %add3A_1266 = arith.addi %mul3A_1264, %add3A_1265 : i32
      %get3A_1267 = arith.index_cast %add3A_1266 : i32 to index
      %get3A_1268 = tpu.vector_load %arg6[%get3A_1267] {strides = array<i32>} : memref<48xi32, #tpu.memory_space<vmem>>, vector<16xi32>,
      %get3A_1269 = vector.shape_cast %get3A_1268 : vector<16xi32> to vector<16xi32>
      %slice3A_1270 = vector.extract_strided_slice %get3A_1269 {offsets = [0], sizes = [1], strides = [1]} : vector<16xi32> to vector<1xi32>
      %squeeze3A_1271 = vector.extract %slice3A_1270[0] : i32 from vector<1xi32>
      %jit3A_1272 = arith.constant 8 : i32
      %div3A_1273 = arith.divsi %squeeze3A_1271, %jit3A_1272 : i32
      %sign3A_1274 = arith.constant 0 : i32
      %sign3A_1275 = arith.cmpi sgt, %squeeze3A_1271, %sign3A_1274 : i32
      %sign3A_1276 = arith.extui %sign3A_1275 : i1 to i32
      %sign3A_1277 = arith.constant 0 : i32
      %sign3A_1278 = arith.cmpi slt, %squeeze3A_1271, %sign3A_1277 : i32
      %sign3A_1279 = arith.extui %sign3A_1278 : i1 to i32
      %sign3A_1280 = arith.subi %sign3A_1276, %sign3A_1279 : i32
      %sign3A_1281 = arith.constant 0 : i32
      %sign3A_1282 = arith.cmpi sgt, %jit3A_1272, %sign3A_1281 : i32
      %sign3A_1283 = arith.extui %sign3A_1282 : i1 to i32
      %sign3A_1284 = arith.constant 0 : i32
      %sign3A_1285 = arith.cmpi slt, %jit3A_1272, %sign3A_1284 : i32
      %sign3A_1286 = arith.extui %sign3A_1285 : i1 to i32
      %sign3A_1287 = arith.subi %sign3A_1283, %sign3A_1286 : i32
      %ne3A_1288 = arith.cmpi ne, %sign3A_1280, %sign3A_1287 : i32
      %rem3A_1289 = arith.remsi %squeeze3A_1271, %jit3A_1272 : i32
      %ne3A_1290 = arith.constant 0 : i32
      %ne3A_1291 = arith.cmpi ne, %rem3A_1289, %ne3A_1290 : i32
      %and3A_1292 = arith.andi %ne3A_1288, %ne3A_1291 : i1
      %sub3A_1293 = arith.constant 1 : i32
      %sub3A_1294 = arith.subi %div3A_1273, %sub3A_1293 : i32
      %select_n3A_1295 = arith.select %and3A_1292, %sub3A_1294, %div3A_1273 : i32
      %mul3A_1296 = arith.constant 8 : i32
      %mul3A_1297 = arith.muli %select_n3A_1295, %mul3A_1296 : i32
      %multiple_of3A_1298 = tpu.assume_multiple %mul3A_1297, 8 : i32
      %sub3A_1299 = arith.subi %squeeze3A_1271, %multiple_of3A_1298 : i32
      %scan3A_1300 = arith.constant 0 : i32
      %scan3A_1301 = arith.constant 0 : i32
      %scan3A_1302 = arith.constant 16 : i32
      %scan3A_1303 = arith.addi %scan3A_1301, %scan3A_1302 : i32
      %scan3A_1304 = arith.constant 1 : i32
      scf.for %scan3A_1324 = %scan3A_1301 to %scan3A_1303 step %scan3A_1304  : i32 {
        %mul3A_1325 = arith.constant 256 : i32
        %mul3A_1326 = arith.muli %scan3A_1324, %mul3A_1325 : i32
        %add3A_1327 = arith.constant 0 : i32
        %add3A_1328 = arith.addi %mul3A_1326, %add3A_1327 : i32
        %add3A_1329 = arith.constant 16 : i32
        %add3A_1330 = arith.addi %mul3A_1326, %add3A_1329 : i32
        %add3A_1331 = arith.constant 32 : i32
        %add3A_1332 = arith.addi %mul3A_1326, %add3A_1331 : i32
        %add3A_1333 = arith.constant 48 : i32
        %add3A_1334 = arith.addi %mul3A_1326, %add3A_1333 : i32
        %add3A_1335 = arith.constant 64 : i32
        %add3A_1336 = arith.addi %mul3A_1326, %add3A_1335 : i32
        %add3A_1337 = arith.constant 80 : i32
        %add3A_1338 = arith.addi %mul3A_1326, %add3A_1337 : i32
        %add3A_1339 = arith.constant 96 : i32
        %add3A_1340 = arith.addi %mul3A_1326, %add3A_1339 : i32
        %add3A_1341 = arith.constant 112 : i32
        %add3A_1342 = arith.addi %mul3A_1326, %add3A_1341 : i32
        %add3A_1343 = arith.constant 128 : i32
        %add3A_1344 = arith.addi %mul3A_1326, %add3A_1343 : i32
        %add3A_1345 = arith.constant 144 : i32
        %add3A_1346 = arith.addi %mul3A_1326, %add3A_1345 : i32
        %add3A_1347 = arith.constant 160 : i32
        %add3A_1348 = arith.addi %mul3A_1326, %add3A_1347 : i32
        %add3A_1349 = arith.constant 176 : i32
        %add3A_1350 = arith.addi %mul3A_1326, %add3A_1349 : i32
        %add3A_1351 = arith.constant 192 : i32
        %add3A_1352 = arith.addi %mul3A_1326, %add3A_1351 : i32
        %add3A_1353 = arith.constant 208 : i32
        %add3A_1354 = arith.addi %mul3A_1326, %add3A_1353 : i32
        %add3A_1355 = arith.constant 224 : i32
        %add3A_1356 = arith.addi %mul3A_1326, %add3A_1355 : i32
        %add3A_1357 = arith.constant 240 : i32
        %add3A_1358 = arith.addi %mul3A_1326, %add3A_1357 : i32
        %add3A_1359 = arith.addi %sub3A_1299, %add3A_1328 : i32
        %get3A_1360 = arith.index_cast %add3A_1359 : i32 to index
        %get3A_1361 = tpu.vector_load %arg14[%get3A_1360] {strides = array<i32>} : memref<4104xf32, #tpu.memory_space<vmem>>, vector<16xf32>,
        %get3A_1362 = vector.shape_cast %get3A_1361 : vector<16xf32> to vector<16xf32>
        %add3A_1363 = arith.addi %sub3A_1299, %add3A_1330 : i32
        %get3A_1364 = arith.index_cast %add3A_1363 : i32 to index
        %get3A_1365 = tpu.vector_load %arg14[%get3A_1364] {strides = array<i32>} : memref<4104xf32, #tpu.memory_space<vmem>>, vector<16xf32>,
        %get3A_1366 = vector.shape_cast %get3A_1365 : vector<16xf32> to vector<16xf32>
        %add3A_1367 = arith.addi %sub3A_1299, %add3A_1332 : i32
        %get3A_1368 = arith.index_cast %add3A_1367 : i32 to index
        %get3A_1369 = tpu.vector_load %arg14[%get3A_1368] {strides = array<i32>} : memref<4104xf32, #tpu.memory_space<vmem>>, vector<16xf32>,
        %get3A_1370 = vector.shape_cast %get3A_1369 : vector<16xf32> to vector<16xf32>
        %add3A_1371 = arith.addi %sub3A_1299, %add3A_1334 : i32
        %get3A_1372 = arith.index_cast %add3A_1371 : i32 to index
        %get3A_1373 = tpu.vector_load %arg14[%get3A_1372] {strides = array<i32>} : memref<4104xf32, #tpu.memory_space<vmem>>, vector<16xf32>,
        %get3A_1374 = vector.shape_cast %get3A_1373 : vector<16xf32> to vector<16xf32>
        %add3A_1375 = arith.addi %sub3A_1299, %add3A_1336 : i32
        %get3A_1376 = arith.index_cast %add3A_1375 : i32 to index
        %get3A_1377 = tpu.vector_load %arg14[%get3A_1376] {strides = array<i32>} : memref<4104xf32, #tpu.memory_space<vmem>>, vector<16xf32>,
        %get3A_1378 = vector.shape_cast %get3A_1377 : vector<16xf32> to vector<16xf32>
        %add3A_1379 = arith.addi %sub3A_1299, %add3A_1338 : i32
        %get3A_1380 = arith.index_cast %add3A_1379 : i32 to index
        %get3A_1381 = tpu.vector_load %arg14[%get3A_1380] {strides = array<i32>} : memref<4104xf32, #tpu.memory_space<vmem>>, vector<16xf32>,
        %get3A_1382 = vector.shape_cast %get3A_1381 : vector<16xf32> to vector<16xf32>
        %add3A_1383 = arith.addi %sub3A_1299, %add3A_1340 : i32
        %get3A_1384 = arith.index_cast %add3A_1383 : i32 to index
        %get3A_1385 = tpu.vector_load %arg14[%get3A_1384] {strides = array<i32>} : memref<4104xf32, #tpu.memory_space<vmem>>, vector<16xf32>,
        %get3A_1386 = vector.shape_cast %get3A_1385 : vector<16xf32> to vector<16xf32>
        %add3A_1387 = arith.addi %sub3A_1299, %add3A_1342 : i32
        %get3A_1388 = arith.index_cast %add3A_1387 : i32 to index
        %get3A_1389 = tpu.vector_load %arg14[%get3A_1388] {strides = array<i32>} : memref<4104xf32, #tpu.memory_space<vmem>>, vector<16xf32>,
        %get3A_1390 = vector.shape_cast %get3A_1389 : vector<16xf32> to vector<16xf32>
        %add3A_1391 = arith.addi %sub3A_1299, %add3A_1344 : i32
        %get3A_1392 = arith.index_cast %add3A_1391 : i32 to index
        %get3A_1393 = tpu.vector_load %arg14[%get3A_1392] {strides = array<i32>} : memref<4104xf32, #tpu.memory_space<vmem>>, vector<16xf32>,
        %get3A_1394 = vector.shape_cast %get3A_1393 : vector<16xf32> to vector<16xf32>
        %add3A_1395 = arith.addi %sub3A_1299, %add3A_1346 : i32
        %get3A_1396 = arith.index_cast %add3A_1395 : i32 to index
        %get3A_1397 = tpu.vector_load %arg14[%get3A_1396] {strides = array<i32>} : memref<4104xf32, #tpu.memory_space<vmem>>, vector<16xf32>,
        %get3A_1398 = vector.shape_cast %get3A_1397 : vector<16xf32> to vector<16xf32>
        %add3A_1399 = arith.addi %sub3A_1299, %add3A_1348 : i32
        %get3A_1400 = arith.index_cast %add3A_1399 : i32 to index
        %get3A_1401 = tpu.vector_load %arg14[%get3A_1400] {strides = array<i32>} : memref<4104xf32, #tpu.memory_space<vmem>>, vector<16xf32>,
        %get3A_1402 = vector.shape_cast %get3A_1401 : vector<16xf32> to vector<16xf32>
        %add3A_1403 = arith.addi %sub3A_1299, %add3A_1350 : i32
        %get3A_1404 = arith.index_cast %add3A_1403 : i32 to index
        %get3A_1405 = tpu.vector_load %arg14[%get3A_1404] {strides = array<i32>} : memref<4104xf32, #tpu.memory_space<vmem>>, vector<16xf32>,
        %get3A_1406 = vector.shape_cast %get3A_1405 : vector<16xf32> to vector<16xf32>
        %add3A_1407 = arith.addi %sub3A_1299, %add3A_1352 : i32
        %get3A_1408 = arith.index_cast %add3A_1407 : i32 to index
        %get3A_1409 = tpu.vector_load %arg14[%get3A_1408] {strides = array<i32>} : memref<4104xf32, #tpu.memory_space<vmem>>, vector<16xf32>,
        %get3A_1410 = vector.shape_cast %get3A_1409 : vector<16xf32> to vector<16xf32>
        %add3A_1411 = arith.addi %sub3A_1299, %add3A_1354 : i32
        %get3A_1412 = arith.index_cast %add3A_1411 : i32 to index
        %get3A_1413 = tpu.vector_load %arg14[%get3A_1412] {strides = array<i32>} : memref<4104xf32, #tpu.memory_space<vmem>>, vector<16xf32>,
        %get3A_1414 = vector.shape_cast %get3A_1413 : vector<16xf32> to vector<16xf32>
        %add3A_1415 = arith.addi %sub3A_1299, %add3A_1356 : i32
        %get3A_1416 = arith.index_cast %add3A_1415 : i32 to index
        %get3A_1417 = tpu.vector_load %arg14[%get3A_1416] {strides = array<i32>} : memref<4104xf32, #tpu.memory_space<vmem>>, vector<16xf32>,
        %get3A_1418 = vector.shape_cast %get3A_1417 : vector<16xf32> to vector<16xf32>
        %add3A_1419 = arith.addi %sub3A_1299, %add3A_1358 : i32
        %get3A_1420 = arith.index_cast %add3A_1419 : i32 to index
        %get3A_1421 = tpu.vector_load %arg14[%get3A_1420] {strides = array<i32>} : memref<4104xf32, #tpu.memory_space<vmem>>, vector<16xf32>,
        %get3A_1422 = vector.shape_cast %get3A_1421 : vector<16xf32> to vector<16xf32>
        %swap3A_1423 = arith.index_cast %add3A_1328 : i32 to index
        %swap3A_1424 = tpu.vector_load %arg22[%swap3A_1423] {strides = array<i32>} : memref<4096xf32, #tpu.memory_space<vmem>>, vector<16xf32>,
        %swap3A_1425 = vector.shape_cast %swap3A_1424 : vector<16xf32> to vector<16xf32>
        %swap3A_1426 = vector.shape_cast %get3A_1362 : vector<16xf32> to vector<16xf32>
        tpu.vector_store %arg22[%swap3A_1423], %swap3A_1426 {strides = array<i32>} : memref<4096xf32, #tpu.memory_space<vmem>>, vector<16xf32>,
        %swap3A_1427 = arith.index_cast %add3A_1330 : i32 to index
        %swap3A_1428 = tpu.vector_load %arg22[%swap3A_1427] {strides = array<i32>} : memref<4096xf32, #tpu.memory_space<vmem>>, vector<16xf32>,
        %swap3A_1429 = vector.shape_cast %swap3A_1428 : vector<16xf32> to vector<16xf32>
        %swap3A_1430 = vector.shape_cast %get3A_1366 : vector<16xf32> to vector<16xf32>
        tpu.vector_store %arg22[%swap3A_1427], %swap3A_1430 {strides = array<i32>} : memref<4096xf32, #tpu.memory_space<vmem>>, vector<16xf32>,
        %swap3A_1431 = arith.index_cast %add3A_1332 : i32 to index
        %swap3A_1432 = tpu.vector_load %arg22[%swap3A_1431] {strides = array<i32>} : memref<4096xf32, #tpu.memory_space<vmem>>, vector<16xf32>,
        %swap3A_1433 = vector.shape_cast %swap3A_1432 : vector<16xf32> to vector<16xf32>
        %swap3A_1434 = vector.shape_cast %get3A_1370 : vector<16xf32> to vector<16xf32>
        tpu.vector_store %arg22[%swap3A_1431], %swap3A_1434 {strides = array<i32>} : memref<4096xf32, #tpu.memory_space<vmem>>, vector<16xf32>,
        %swap3A_1435 = arith.index_cast %add3A_1334 : i32 to index
        %swap3A_1436 = tpu.vector_load %arg22[%swap3A_1435] {strides = array<i32>} : memref<4096xf32, #tpu.memory_space<vmem>>, vector<16xf32>,
        %swap3A_1437 = vector.shape_cast %swap3A_1436 : vector<16xf32> to vector<16xf32>
        %swap3A_1438 = vector.shape_cast %get3A_1374 : vector<16xf32> to vector<16xf32>
        tpu.vector_store %arg22[%swap3A_1435], %swap3A_1438 {strides = array<i32>} : memref<4096xf32, #tpu.memory_space<vmem>>, vector<16xf32>,
        %swap3A_1439 = arith.index_cast %add3A_1336 : i32 to index
        %swap3A_1440 = tpu.vector_load %arg22[%swap3A_1439] {strides = array<i32>} : memref<4096xf32, #tpu.memory_space<vmem>>, vector<16xf32>,
        %swap3A_1441 = vector.shape_cast %swap3A_1440 : vector<16xf32> to vector<16xf32>
        %swap3A_1442 = vector.shape_cast %get3A_1378 : vector<16xf32> to vector<16xf32>
        tpu.vector_store %arg22[%swap3A_1439], %swap3A_1442 {strides = array<i32>} : memref<4096xf32, #tpu.memory_space<vmem>>, vector<16xf32>,
        %swap3A_1443 = arith.index_cast %add3A_1338 : i32 to index
        %swap3A_1444 = tpu.vector_load %arg22[%swap3A_1443] {strides = array<i32>} : memref<4096xf32, #tpu.memory_space<vmem>>, vector<16xf32>,
        %swap3A_1445 = vector.shape_cast %swap3A_1444 : vector<16xf32> to vector<16xf32>
        %swap3A_1446 = vector.shape_cast %get3A_1382 : vector<16xf32> to vector<16xf32>
        tpu.vector_store %arg22[%swap3A_1443], %swap3A_1446 {strides = array<i32>} : memref<4096xf32, #tpu.memory_space<vmem>>, vector<16xf32>,
        %swap3A_1447 = arith.index_cast %add3A_1340 : i32 to index
        %swap3A_1448 = tpu.vector_load %arg22[%swap3A_1447] {strides = array<i32>} : memref<4096xf32, #tpu.memory_space<vmem>>, vector<16xf32>,
        %swap3A_1449 = vector.shape_cast %swap3A_1448 : vector<16xf32> to vector<16xf32>
        %swap3A_1450 = vector.shape_cast %get3A_1386 : vector<16xf32> to vector<16xf32>
        tpu.vector_store %arg22[%swap3A_1447], %swap3A_1450 {strides = array<i32>} : memref<4096xf32, #tpu.memory_space<vmem>>, vector<16xf32>,
        %swap3A_1451 = arith.index_cast %add3A_1342 : i32 to index
        %swap3A_1452 = tpu.vector_load %arg22[%swap3A_1451] {strides = array<i32>} : memref<4096xf32, #tpu.memory_space<vmem>>, vector<16xf32>,
        %swap3A_1453 = vector.shape_cast %swap3A_1452 : vector<16xf32> to vector<16xf32>
        %swap3A_1454 = vector.shape_cast %get3A_1390 : vector<16xf32> to vector<16xf32>
        tpu.vector_store %arg22[%swap3A_1451], %swap3A_1454 {strides = array<i32>} : memref<4096xf32, #tpu.memory_space<vmem>>, vector<16xf32>,
        %swap3A_1455 = arith.index_cast %add3A_1344 : i32 to index
        %swap3A_1456 = tpu.vector_load %arg22[%swap3A_1455] {strides = array<i32>} : memref<4096xf32, #tpu.memory_space<vmem>>, vector<16xf32>,
        %swap3A_1457 = vector.shape_cast %swap3A_1456 : vector<16xf32> to vector<16xf32>
        %swap3A_1458 = vector.shape_cast %get3A_1394 : vector<16xf32> to vector<16xf32>
        tpu.vector_store %arg22[%swap3A_1455], %swap3A_1458 {strides = array<i32>} : memref<4096xf32, #tpu.memory_space<vmem>>, vector<16xf32>,
        %swap3A_1459 = arith.index_cast %add3A_1346 : i32 to index
        %swap3A_1460 = tpu.vector_load %arg22[%swap3A_1459] {strides = array<i32>} : memref<4096xf32, #tpu.memory_space<vmem>>, vector<16xf32>,
        %swap3A_1461 = vector.shape_cast %swap3A_1460 : vector<16xf32> to vector<16xf32>
        %swap3A_1462 = vector.shape_cast %get3A_1398 : vector<16xf32> to vector<16xf32>
        tpu.vector_store %arg22[%swap3A_1459], %swap3A_1462 {strides = array<i32>} : memref<4096xf32, #tpu.memory_space<vmem>>, vector<16xf32>,
        %swap3A_1463 = arith.index_cast %add3A_1348 : i32 to index
        %swap3A_1464 = tpu.vector_load %arg22[%swap3A_1463] {strides = array<i32>} : memref<4096xf32, #tpu.memory_space<vmem>>, vector<16xf32>,
        %swap3A_1465 = vector.shape_cast %swap3A_1464 : vector<16xf32> to vector<16xf32>
        %swap3A_1466 = vector.shape_cast %get3A_1402 : vector<16xf32> to vector<16xf32>
        tpu.vector_store %arg22[%swap3A_1463], %swap3A_1466 {strides = array<i32>} : memref<4096xf32, #tpu.memory_space<vmem>>, vector<16xf32>,
        %swap3A_1467 = arith.index_cast %add3A_1350 : i32 to index
        %swap3A_1468 = tpu.vector_load %arg22[%swap3A_1467] {strides = array<i32>} : memref<4096xf32, #tpu.memory_space<vmem>>, vector<16xf32>,
        %swap3A_1469 = vector.shape_cast %swap3A_1468 : vector<16xf32> to vector<16xf32>
        %swap3A_1470 = vector.shape_cast %get3A_1406 : vector<16xf32> to vector<16xf32>
        tpu.vector_store %arg22[%swap3A_1467], %swap3A_1470 {strides = array<i32>} : memref<4096xf32, #tpu.memory_space<vmem>>, vector<16xf32>,
        %swap3A_1471 = arith.index_cast %add3A_1352 : i32 to index
        %swap3A_1472 = tpu.vector_load %arg22[%swap3A_1471] {strides = array<i32>} : memref<4096xf32, #tpu.memory_space<vmem>>, vector<16xf32>,
        %swap3A_1473 = vector.shape_cast %swap3A_1472 : vector<16xf32> to vector<16xf32>
        %swap3A_1474 = vector.shape_cast %get3A_1410 : vector<16xf32> to vector<16xf32>
        tpu.vector_store %arg22[%swap3A_1471], %swap3A_1474 {strides = array<i32>} : memref<4096xf32, #tpu.memory_space<vmem>>, vector<16xf32>,
        %swap3A_1475 = arith.index_cast %add3A_1354 : i32 to index
        %swap3A_1476 = tpu.vector_load %arg22[%swap3A_1475] {strides = array<i32>} : memref<4096xf32, #tpu.memory_space<vmem>>, vector<16xf32>,
        %swap3A_1477 = vector.shape_cast %swap3A_1476 : vector<16xf32> to vector<16xf32>
        %swap3A_1478 = vector.shape_cast %get3A_1414 : vector<16xf32> to vector<16xf32>
        tpu.vector_store %arg22[%swap3A_1475], %swap3A_1478 {strides = array<i32>} : memref<4096xf32, #tpu.memory_space<vmem>>, vector<16xf32>,
        %swap3A_1479 = arith.index_cast %add3A_1356 : i32 to index
        %swap3A_1480 = tpu.vector_load %arg22[%swap3A_1479] {strides = array<i32>} : memref<4096xf32, #tpu.memory_space<vmem>>, vector<16xf32>,
        %swap3A_1481 = vector.shape_cast %swap3A_1480 : vector<16xf32> to vector<16xf32>
        %swap3A_1482 = vector.shape_cast %get3A_1418 : vector<16xf32> to vector<16xf32>
        tpu.vector_store %arg22[%swap3A_1479], %swap3A_1482 {strides = array<i32>} : memref<4096xf32, #tpu.memory_space<vmem>>, vector<16xf32>,
        %swap3A_1483 = arith.index_cast %add3A_1358 : i32 to index
        %swap3A_1484 = tpu.vector_load %arg22[%swap3A_1483] {strides = array<i32>} : memref<4096xf32, #tpu.memory_space<vmem>>, vector<16xf32>,
        %swap3A_1485 = vector.shape_cast %swap3A_1484 : vector<16xf32> to vector<16xf32>
        %swap3A_1486 = vector.shape_cast %get3A_1422 : vector<16xf32> to vector<16xf32>
        tpu.vector_store %arg22[%swap3A_1483], %swap3A_1486 {strides = array<i32>} : memref<4096xf32, #tpu.memory_space<vmem>>, vector<16xf32>,
      }
      %scan3A_1305 = arith.constant 16 : i32
      %mul3A_1306 = arith.constant 4 : i32
      %mul3A_1307 = arith.muli %add3A_1079, %mul3A_1306 : i32
      %add3A_1308 = arith.addi %mul3A_2, %mul3A_1307 : i32
      %add3A_1309 = arith.constant 3 : i32
      %add3A_1310 = arith.addi %add3A_1308, %add3A_1309 : i32
      %dma_start3A_1311 = arith.constant 0 : i32
      %dma_start3A_1312 = tpu.memref_slice %arg4[%add3A_1310, %dma_start3A_1311] : memref<1024x4096xf32, #tpu.memory_space<hbm>> -> memref<1x4096xf32, #tpu.memory_space<hbm>>
      %dma_start3A_1313 = tpu.memref_squeeze %dma_start3A_1312 : memref<1x4096xf32, #tpu.memory_space<hbm>> -> memref<4096xf32, #tpu.memory_space<hbm>>
      %dma_start3A_1314 = arith.constant 0 : i32
      %dma_start3A_1315 = tpu.memref_slice %arg4[%add3A_1310, %dma_start3A_1314] : memref<1024x4096xf32, #tpu.memory_space<hbm>> -> memref<1x4096xf32, #tpu.memory_space<hbm>>
      %dma_start3A_1316 = tpu.memref_squeeze %dma_start3A_1315 : memref<1x4096xf32, #tpu.memory_space<hbm>> -> memref<4096xf32, #tpu.memory_space<hbm>>
      tpu.enqueue_dma source(%arg22 : memref<4096xf32, #tpu.memory_space<vmem>>) target(%dma_start3A_1316 : memref<4096xf32, #tpu.memory_space<hbm>>) target_semaphore(%arg26 : memref<!tpu.dma_semaphore, #tpu.memory_space<semaphore_mem>>)
      %add3A_1317 = arith.constant 2 : i32
      %add3A_1318 = arith.addi %add3A_1079, %add3A_1317 : i32
      %lt3A_1319 = arith.constant 8 : i32
      %lt3A_1320 = arith.cmpi slt, %add3A_1318, %lt3A_1319 : i32
      %convert_element_type3A_1321 = arith.extui %lt3A_1320 : i1 to i32
      %cond3A_1322 = arith.constant 0 : i32
      %cond3A_1323 = arith.cmpi ne, %convert_element_type3A_1321, %cond3A_1322 : i32
      scf.if %cond3A_1323 {
        %add3A_1324 = arith.constant 2 : i32
        %add3A_1325 = arith.addi %add3A_1079, %add3A_1324 : i32
        %mul3A_1326 = arith.constant 4 : i32
        %mul3A_1327 = arith.muli %add3A_1325, %mul3A_1326 : i32
        %add3A_1328 = arith.constant 0 : i32
        %add3A_1329 = arith.addi %mul3A_1327, %add3A_1328 : i32
        %get3A_1330 = arith.index_cast %add3A_1329 : i32 to index
        %get3A_1331 = tpu.vector_load %arg6[%get3A_1330] {strides = array<i32>} : memref<48xi32, #tpu.memory_space<vmem>>, vector<16xi32>,
        %get3A_1332 = vector.shape_cast %get3A_1331 : vector<16xi32> to vector<16xi32>
        %slice3A_1333 = vector.extract_strided_slice %get3A_1332 {offsets = [0], sizes = [1], strides = [1]} : vector<16xi32> to vector<1xi32>
        %squeeze3A_1334 = vector.extract %slice3A_1333[0] : i32 from vector<1xi32>
        %jit3A_1335 = arith.constant 8 : i32
        %div3A_1336 = arith.divsi %squeeze3A_1334, %jit3A_1335 : i32
        %sign3A_1337 = arith.constant 0 : i32
        %sign3A_1338 = arith.cmpi sgt, %squeeze3A_1334, %sign3A_1337 : i32
        %sign3A_1339 = arith.extui %sign3A_1338 : i1 to i32
        %sign3A_1340 = arith.constant 0 : i32
        %sign3A_1341 = arith.cmpi slt, %squeeze3A_1334, %sign3A_1340 : i32
        %sign3A_1342 = arith.extui %sign3A_1341 : i1 to i32
        %sign3A_1343 = arith.subi %sign3A_1339, %sign3A_1342 : i32
        %sign3A_1344 = arith.constant 0 : i32
        %sign3A_1345 = arith.cmpi sgt, %jit3A_1335, %sign3A_1344 : i32
        %sign3A_1346 = arith.extui %sign3A_1345 : i1 to i32
        %sign3A_1347 = arith.constant 0 : i32
        %sign3A_1348 = arith.cmpi slt, %jit3A_1335, %sign3A_1347 : i32
        %sign3A_1349 = arith.extui %sign3A_1348 : i1 to i32
        %sign3A_1350 = arith.subi %sign3A_1346, %sign3A_1349 : i32
        %ne3A_1351 = arith.cmpi ne, %sign3A_1343, %sign3A_1350 : i32
        %rem3A_1352 = arith.remsi %squeeze3A_1334, %jit3A_1335 : i32
        %ne3A_1353 = arith.constant 0 : i32
        %ne3A_1354 = arith.cmpi ne, %rem3A_1352, %ne3A_1353 : i32
        %and3A_1355 = arith.andi %ne3A_1351, %ne3A_1354 : i1
        %sub3A_1356 = arith.constant 1 : i32
        %sub3A_1357 = arith.subi %div3A_1336, %sub3A_1356 : i32
        %select_n3A_1358 = arith.select %and3A_1355, %sub3A_1357, %div3A_1336 : i32
        %mul3A_1359 = arith.constant 8 : i32
        %mul3A_1360 = arith.muli %select_n3A_1358, %mul3A_1359 : i32
        %multiple_of3A_1361 = tpu.assume_multiple %mul3A_1360, 8 : i32
        %sub3A_1362 = arith.subi %squeeze3A_1334, %multiple_of3A_1361 : i32
        %dma_start3A_1363 = tpu.memref_slice %arg2[%multiple_of3A_1361] : memref<2097152xf32, #tpu.memory_space<hbm>> -> memref<4104xf32, #tpu.memory_space<hbm>>
        %dma_start3A_1364 = tpu.memref_slice %arg2[%multiple_of3A_1361] : memref<2097152xf32, #tpu.memory_space<hbm>> -> memref<4104xf32, #tpu.memory_space<hbm>>
        tpu.enqueue_dma source(%dma_start3A_1364 : memref<4104xf32, #tpu.memory_space<hbm>>) target(%arg11 : memref<4104xf32, #tpu.memory_space<vmem>>) target_semaphore(%arg24 : memref<!tpu.dma_semaphore, #tpu.memory_space<semaphore_mem>>)
        %mul3A_1365 = arith.constant 4 : i32
        %mul3A_1366 = arith.muli %add3A_1325, %mul3A_1365 : i32
        %add3A_1367 = arith.constant 1 : i32
        %add3A_1368 = arith.addi %mul3A_1366, %add3A_1367 : i32
        %get3A_1369 = arith.index_cast %add3A_1368 : i32 to index
        %get3A_1370 = tpu.vector_load %arg6[%get3A_1369] {strides = array<i32>} : memref<48xi32, #tpu.memory_space<vmem>>, vector<16xi32>,
        %get3A_1371 = vector.shape_cast %get3A_1370 : vector<16xi32> to vector<16xi32>
        %slice3A_1372 = vector.extract_strided_slice %get3A_1371 {offsets = [0], sizes = [1], strides = [1]} : vector<16xi32> to vector<1xi32>
        %squeeze3A_1373 = vector.extract %slice3A_1372[0] : i32 from vector<1xi32>
        %jit3A_1374 = arith.constant 8 : i32
        %div3A_1375 = arith.divsi %squeeze3A_1373, %jit3A_1374 : i32
        %sign3A_1376 = arith.constant 0 : i32
        %sign3A_1377 = arith.cmpi sgt, %squeeze3A_1373, %sign3A_1376 : i32
        %sign3A_1378 = arith.extui %sign3A_1377 : i1 to i32
        %sign3A_1379 = arith.constant 0 : i32
        %sign3A_1380 = arith.cmpi slt, %squeeze3A_1373, %sign3A_1379 : i32
        %sign3A_1381 = arith.extui %sign3A_1380 : i1 to i32
        %sign3A_1382 = arith.subi %sign3A_1378, %sign3A_1381 : i32
        %sign3A_1383 = arith.constant 0 : i32
        %sign3A_1384 = arith.cmpi sgt, %jit3A_1374, %sign3A_1383 : i32
        %sign3A_1385 = arith.extui %sign3A_1384 : i1 to i32
        %sign3A_1386 = arith.constant 0 : i32
        %sign3A_1387 = arith.cmpi slt, %jit3A_1374, %sign3A_1386 : i32
        %sign3A_1388 = arith.extui %sign3A_1387 : i1 to i32
        %sign3A_1389 = arith.subi %sign3A_1385, %sign3A_1388 : i32
        %ne3A_1390 = arith.cmpi ne, %sign3A_1382, %sign3A_1389 : i32
        %rem3A_1391 = arith.remsi %squeeze3A_1373, %jit3A_1374 : i32
        %ne3A_1392 = arith.constant 0 : i32
        %ne3A_1393 = arith.cmpi ne, %rem3A_1391, %ne3A_1392 : i32
        %and3A_1394 = arith.andi %ne3A_1390, %ne3A_1393 : i1
        %sub3A_1395 = arith.constant 1 : i32
        %sub3A_1396 = arith.subi %div3A_1375, %sub3A_1395 : i32
        %select_n3A_1397 = arith.select %and3A_1394, %sub3A_1396, %div3A_1375 : i32
        %mul3A_1398 = arith.constant 8 : i32
        %mul3A_1399 = arith.muli %select_n3A_1397, %mul3A_1398 : i32
        %multiple_of3A_1400 = tpu.assume_multiple %mul3A_1399, 8 : i32
        %sub3A_1401 = arith.subi %squeeze3A_1373, %multiple_of3A_1400 : i32
        %dma_start3A_1402 = tpu.memref_slice %arg2[%multiple_of3A_1400] : memref<2097152xf32, #tpu.memory_space<hbm>> -> memref<4104xf32, #tpu.memory_space<hbm>>
        %dma_start3A_1403 = tpu.memref_slice %arg2[%multiple_of3A_1400] : memref<2097152xf32, #tpu.memory_space<hbm>> -> memref<4104xf32, #tpu.memory_space<hbm>>
        tpu.enqueue_dma source(%dma_start3A_1403 : memref<4104xf32, #tpu.memory_space<hbm>>) target(%arg12 : memref<4104xf32, #tpu.memory_space<vmem>>) target_semaphore(%arg24 : memref<!tpu.dma_semaphore, #tpu.memory_space<semaphore_mem>>)
        %mul3A_1404 = arith.constant 4 : i32
        %mul3A_1405 = arith.muli %add3A_1325, %mul3A_1404 : i32
        %add3A_1406 = arith.constant 2 : i32
        %add3A_1407 = arith.addi %mul3A_1405, %add3A_1406 : i32
        %get3A_1408 = arith.index_cast %add3A_1407 : i32 to index
        %get3A_1409 = tpu.vector_load %arg6[%get3A_1408] {strides = array<i32>} : memref<48xi32, #tpu.memory_space<vmem>>, vector<16xi32>,
        %get3A_1410 = vector.shape_cast %get3A_1409 : vector<16xi32> to vector<16xi32>
        %slice3A_1411 = vector.extract_strided_slice %get3A_1410 {offsets = [0], sizes = [1], strides = [1]} : vector<16xi32> to vector<1xi32>
        %squeeze3A_1412 = vector.extract %slice3A_1411[0] : i32 from vector<1xi32>
        %jit3A_1413 = arith.constant 8 : i32
        %div3A_1414 = arith.divsi %squeeze3A_1412, %jit3A_1413 : i32
        %sign3A_1415 = arith.constant 0 : i32
        %sign3A_1416 = arith.cmpi sgt, %squeeze3A_1412, %sign3A_1415 : i32
        %sign3A_1417 = arith.extui %sign3A_1416 : i1 to i32
        %sign3A_1418 = arith.constant 0 : i32
        %sign3A_1419 = arith.cmpi slt, %squeeze3A_1412, %sign3A_1418 : i32
        %sign3A_1420 = arith.extui %sign3A_1419 : i1 to i32
        %sign3A_1421 = arith.subi %sign3A_1417, %sign3A_1420 : i32
        %sign3A_1422 = arith.constant 0 : i32
        %sign3A_1423 = arith.cmpi sgt, %jit3A_1413, %sign3A_1422 : i32
        %sign3A_1424 = arith.extui %sign3A_1423 : i1 to i32
        %sign3A_1425 = arith.constant 0 : i32
        %sign3A_1426 = arith.cmpi slt, %jit3A_1413, %sign3A_1425 : i32
        %sign3A_1427 = arith.extui %sign3A_1426 : i1 to i32
        %sign3A_1428 = arith.subi %sign3A_1424, %sign3A_1427 : i32
        %ne3A_1429 = arith.cmpi ne, %sign3A_1421, %sign3A_1428 : i32
        %rem3A_1430 = arith.remsi %squeeze3A_1412, %jit3A_1413 : i32
        %ne3A_1431 = arith.constant 0 : i32
        %ne3A_1432 = arith.cmpi ne, %rem3A_1430, %ne3A_1431 : i32
        %and3A_1433 = arith.andi %ne3A_1429, %ne3A_1432 : i1
        %sub3A_1434 = arith.constant 1 : i32
        %sub3A_1435 = arith.subi %div3A_1414, %sub3A_1434 : i32
        %select_n3A_1436 = arith.select %and3A_1433, %sub3A_1435, %div3A_1414 : i32
        %mul3A_1437 = arith.constant 8 : i32
        %mul3A_1438 = arith.muli %select_n3A_1436, %mul3A_1437 : i32
        %multiple_of3A_1439 = tpu.assume_multiple %mul3A_1438, 8 : i32
        %sub3A_1440 = arith.subi %squeeze3A_1412, %multiple_of3A_1439 : i32
        %dma_start3A_1441 = tpu.memref_slice %arg2[%multiple_of3A_1439] : memref<2097152xf32, #tpu.memory_space<hbm>> -> memref<4104xf32, #tpu.memory_space<hbm>>
        %dma_start3A_1442 = tpu.memref_slice %arg2[%multiple_of3A_1439] : memref<2097152xf32, #tpu.memory_space<hbm>> -> memref<4104xf32, #tpu.memory_space<hbm>>
        tpu.enqueue_dma source(%dma_start3A_1442 : memref<4104xf32, #tpu.memory_space<hbm>>) target(%arg13 : memref<4104xf32, #tpu.memory_space<vmem>>) target_semaphore(%arg24 : memref<!tpu.dma_semaphore, #tpu.memory_space<semaphore_mem>>)
        %mul3A_1443 = arith.constant 4 : i32
        %mul3A_1444 = arith.muli %add3A_1325, %mul3A_1443 : i32
        %add3A_1445 = arith.constant 3 : i32
        %add3A_1446 = arith.addi %mul3A_1444, %add3A_1445 : i32
        %get3A_1447 = arith.index_cast %add3A_1446 : i32 to index
        %get3A_1448 = tpu.vector_load %arg6[%get3A_1447] {strides = array<i32>} : memref<48xi32, #tpu.memory_space<vmem>>, vector<16xi32>,
        %get3A_1449 = vector.shape_cast %get3A_1448 : vector<16xi32> to vector<16xi32>
        %slice3A_1450 = vector.extract_strided_slice %get3A_1449 {offsets = [0], sizes = [1], strides = [1]} : vector<16xi32> to vector<1xi32>
        %squeeze3A_1451 = vector.extract %slice3A_1450[0] : i32 from vector<1xi32>
        %jit3A_1452 = arith.constant 8 : i32
        %div3A_1453 = arith.divsi %squeeze3A_1451, %jit3A_1452 : i32
        %sign3A_1454 = arith.constant 0 : i32
        %sign3A_1455 = arith.cmpi sgt, %squeeze3A_1451, %sign3A_1454 : i32
        %sign3A_1456 = arith.extui %sign3A_1455 : i1 to i32
        %sign3A_1457 = arith.constant 0 : i32
        %sign3A_1458 = arith.cmpi slt, %squeeze3A_1451, %sign3A_1457 : i32
        %sign3A_1459 = arith.extui %sign3A_1458 : i1 to i32
        %sign3A_1460 = arith.subi %sign3A_1456, %sign3A_1459 : i32
        %sign3A_1461 = arith.constant 0 : i32
        %sign3A_1462 = arith.cmpi sgt, %jit3A_1452, %sign3A_1461 : i32
        %sign3A_1463 = arith.extui %sign3A_1462 : i1 to i32
        %sign3A_1464 = arith.constant 0 : i32
        %sign3A_1465 = arith.cmpi slt, %jit3A_1452, %sign3A_1464 : i32
        %sign3A_1466 = arith.extui %sign3A_1465 : i1 to i32
        %sign3A_1467 = arith.subi %sign3A_1463, %sign3A_1466 : i32
        %ne3A_1468 = arith.cmpi ne, %sign3A_1460, %sign3A_1467 : i32
        %rem3A_1469 = arith.remsi %squeeze3A_1451, %jit3A_1452 : i32
        %ne3A_1470 = arith.constant 0 : i32
        %ne3A_1471 = arith.cmpi ne, %rem3A_1469, %ne3A_1470 : i32
        %and3A_1472 = arith.andi %ne3A_1468, %ne3A_1471 : i1
        %sub3A_1473 = arith.constant 1 : i32
        %sub3A_1474 = arith.subi %div3A_1453, %sub3A_1473 : i32
        %select_n3A_1475 = arith.select %and3A_1472, %sub3A_1474, %div3A_1453 : i32
        %mul3A_1476 = arith.constant 8 : i32
        %mul3A_1477 = arith.muli %select_n3A_1475, %mul3A_1476 : i32
        %multiple_of3A_1478 = tpu.assume_multiple %mul3A_1477, 8 : i32
        %sub3A_1479 = arith.subi %squeeze3A_1451, %multiple_of3A_1478 : i32
        %dma_start3A_1480 = tpu.memref_slice %arg2[%multiple_of3A_1478] : memref<2097152xf32, #tpu.memory_space<hbm>> -> memref<4104xf32, #tpu.memory_space<hbm>>
        %dma_start3A_1481 = tpu.memref_slice %arg2[%multiple_of3A_1478] : memref<2097152xf32, #tpu.memory_space<hbm>> -> memref<4104xf32, #tpu.memory_space<hbm>>
        tpu.enqueue_dma source(%dma_start3A_1481 : memref<4104xf32, #tpu.memory_space<hbm>>) target(%arg14 : memref<4104xf32, #tpu.memory_space<vmem>>) target_semaphore(%arg24 : memref<!tpu.dma_semaphore, #tpu.memory_space<semaphore_mem>>)
      } else {
      }
    }
    %scan3A_774 = arith.constant 4 : i32
    %dma_wait3A = arith.constant 0 : i32
    %dma_wait3A_775 = arith.constant 0 : i32
    %dma_wait3A_776 = tpu.memref_slice %arg4[%dma_wait3A, %dma_wait3A_775] : memref<1024x4096xf32, #tpu.memory_space<hbm>> -> memref<1x4096xf32, #tpu.memory_space<hbm>>
    %dma_wait3A_777 = tpu.memref_squeeze %dma_wait3A_776 : memref<1x4096xf32, #tpu.memory_space<hbm>> -> memref<4096xf32, #tpu.memory_space<hbm>>
    %dma_wait3A_778 = arith.constant 0 : i32
    %dma_wait3A_779 = tpu.memref_slice %arg4[%dma_wait3A, %dma_wait3A_778] : memref<1024x4096xf32, #tpu.memory_space<hbm>> -> memref<1x4096xf32, #tpu.memory_space<hbm>>
    %dma_wait3A_780 = tpu.memref_squeeze %dma_wait3A_779 : memref<1x4096xf32, #tpu.memory_space<hbm>> -> memref<4096xf32, #tpu.memory_space<hbm>>
    tpu.wait_dma2 semaphore(%arg25 : memref<!tpu.dma_semaphore, #tpu.memory_space<semaphore_mem>>) src(%arg15 : memref<4096xf32, #tpu.memory_space<vmem>>) dst(%dma_wait3A_780 : memref<4096xf32, #tpu.memory_space<hbm>>)
    %dma_wait3A_781 = arith.constant 0 : i32
    %dma_wait3A_782 = arith.constant 0 : i32
    %dma_wait3A_783 = tpu.memref_slice %arg4[%dma_wait3A_781, %dma_wait3A_782] : memref<1024x4096xf32, #tpu.memory_space<hbm>> -> memref<1x4096xf32, #tpu.memory_space<hbm>>
    %dma_wait3A_784 = tpu.memref_squeeze %dma_wait3A_783 : memref<1x4096xf32, #tpu.memory_space<hbm>> -> memref<4096xf32, #tpu.memory_space<hbm>>
    %dma_wait3A_785 = arith.constant 0 : i32
    %dma_wait3A_786 = tpu.memref_slice %arg4[%dma_wait3A_781, %dma_wait3A_785] : memref<1024x4096xf32, #tpu.memory_space<hbm>> -> memref<1x4096xf32, #tpu.memory_space<hbm>>
    %dma_wait3A_787 = tpu.memref_squeeze %dma_wait3A_786 : memref<1x4096xf32, #tpu.memory_space<hbm>> -> memref<4096xf32, #tpu.memory_space<hbm>>
    tpu.wait_dma2 semaphore(%arg25 : memref<!tpu.dma_semaphore, #tpu.memory_space<semaphore_mem>>) src(%arg16 : memref<4096xf32, #tpu.memory_space<vmem>>) dst(%dma_wait3A_787 : memref<4096xf32, #tpu.memory_space<hbm>>)
    %dma_wait3A_788 = arith.constant 0 : i32
    %dma_wait3A_789 = arith.constant 0 : i32
    %dma_wait3A_790 = tpu.memref_slice %arg4[%dma_wait3A_788, %dma_wait3A_789] : memref<1024x4096xf32, #tpu.memory_space<hbm>> -> memref<1x4096xf32, #tpu.memory_space<hbm>>
    %dma_wait3A_791 = tpu.memref_squeeze %dma_wait3A_790 : memref<1x4096xf32, #tpu.memory_space<hbm>> -> memref<4096xf32, #tpu.memory_space<hbm>>
    %dma_wait3A_792 = arith.constant 0 : i32
    %dma_wait3A_793 = tpu.memref_slice %arg4[%dma_wait3A_788, %dma_wait3A_792] : memref<1024x4096xf32, #tpu.memory_space<hbm>> -> memref<1x4096xf32, #tpu.memory_space<hbm>>
    %dma_wait3A_794 = tpu.memref_squeeze %dma_wait3A_793 : memref<1x4096xf32, #tpu.memory_space<hbm>> -> memref<4096xf32, #tpu.memory_space<hbm>>
    tpu.wait_dma2 semaphore(%arg25 : memref<!tpu.dma_semaphore, #tpu.memory_space<semaphore_mem>>) src(%arg17 : memref<4096xf32, #tpu.memory_space<vmem>>) dst(%dma_wait3A_794 : memref<4096xf32, #tpu.memory_space<hbm>>)
    %dma_wait3A_795 = arith.constant 0 : i32
    %dma_wait3A_796 = arith.constant 0 : i32
    %dma_wait3A_797 = tpu.memref_slice %arg4[%dma_wait3A_795, %dma_wait3A_796] : memref<1024x4096xf32, #tpu.memory_space<hbm>> -> memref<1x4096xf32, #tpu.memory_space<hbm>>
    %dma_wait3A_798 = tpu.memref_squeeze %dma_wait3A_797 : memref<1x4096xf32, #tpu.memory_space<hbm>> -> memref<4096xf32, #tpu.memory_space<hbm>>
    %dma_wait3A_799 = arith.constant 0 : i32
    %dma_wait3A_800 = tpu.memref_slice %arg4[%dma_wait3A_795, %dma_wait3A_799] : memref<1024x4096xf32, #tpu.memory_space<hbm>> -> memref<1x4096xf32, #tpu.memory_space<hbm>>
    %dma_wait3A_801 = tpu.memref_squeeze %dma_wait3A_800 : memref<1x4096xf32, #tpu.memory_space<hbm>> -> memref<4096xf32, #tpu.memory_space<hbm>>
    tpu.wait_dma2 semaphore(%arg25 : memref<!tpu.dma_semaphore, #tpu.memory_space<semaphore_mem>>) src(%arg18 : memref<4096xf32, #tpu.memory_space<vmem>>) dst(%dma_wait3A_801 : memref<4096xf32, #tpu.memory_space<hbm>>)
    %dma_wait3A_802 = arith.constant 0 : i32
    %dma_wait3A_803 = arith.constant 0 : i32
    %dma_wait3A_804 = tpu.memref_slice %arg4[%dma_wait3A_802, %dma_wait3A_803] : memref<1024x4096xf32, #tpu.memory_space<hbm>> -> memref<1x4096xf32, #tpu.memory_space<hbm>>
    %dma_wait3A_805 = tpu.memref_squeeze %dma_wait3A_804 : memref<1x4096xf32, #tpu.memory_space<hbm>> -> memref<4096xf32, #tpu.memory_space<hbm>>
    %dma_wait3A_806 = arith.constant 0 : i32
    %dma_wait3A_807 = tpu.memref_slice %arg4[%dma_wait3A_802, %dma_wait3A_806] : memref<1024x4096xf32, #tpu.memory_space<hbm>> -> memref<1x4096xf32, #tpu.memory_space<hbm>>
    %dma_wait3A_808 = tpu.memref_squeeze %dma_wait3A_807 : memref<1x4096xf32, #tpu.memory_space<hbm>> -> memref<4096xf32, #tpu.memory_space<hbm>>
    tpu.wait_dma2 semaphore(%arg26 : memref<!tpu.dma_semaphore, #tpu.memory_space<semaphore_mem>>) src(%arg19 : memref<4096xf32, #tpu.memory_space<vmem>>) dst(%dma_wait3A_808 : memref<4096xf32, #tpu.memory_space<hbm>>)
    %dma_wait3A_809 = arith.constant 0 : i32
    %dma_wait3A_810 = arith.constant 0 : i32
    %dma_wait3A_811 = tpu.memref_slice %arg4[%dma_wait3A_809, %dma_wait3A_810] : memref<1024x4096xf32, #tpu.memory_space<hbm>> -> memref<1x4096xf32, #tpu.memory_space<hbm>>
    %dma_wait3A_812 = tpu.memref_squeeze %dma_wait3A_811 : memref<1x4096xf32, #tpu.memory_space<hbm>> -> memref<4096xf32, #tpu.memory_space<hbm>>
    %dma_wait3A_813 = arith.constant 0 : i32
    %dma_wait3A_814 = tpu.memref_slice %arg4[%dma_wait3A_809, %dma_wait3A_813] : memref<1024x4096xf32, #tpu.memory_space<hbm>> -> memref<1x4096xf32, #tpu.memory_space<hbm>>
    %dma_wait3A_815 = tpu.memref_squeeze %dma_wait3A_814 : memref<1x4096xf32, #tpu.memory_space<hbm>> -> memref<4096xf32, #tpu.memory_space<hbm>>
    tpu.wait_dma2 semaphore(%arg26 : memref<!tpu.dma_semaphore, #tpu.memory_space<semaphore_mem>>) src(%arg20 : memref<4096xf32, #tpu.memory_space<vmem>>) dst(%dma_wait3A_815 : memref<4096xf32, #tpu.memory_space<hbm>>)
    %dma_wait3A_816 = arith.constant 0 : i32
    %dma_wait3A_817 = arith.constant 0 : i32
    %dma_wait3A_818 = tpu.memref_slice %arg4[%dma_wait3A_816, %dma_wait3A_817] : memref<1024x4096xf32, #tpu.memory_space<hbm>> -> memref<1x4096xf32, #tpu.memory_space<hbm>>
    %dma_wait3A_819 = tpu.memref_squeeze %dma_wait3A_818 : memref<1x4096xf32, #tpu.memory_space<hbm>> -> memref<4096xf32, #tpu.memory_space<hbm>>
    %dma_wait3A_820 = arith.constant 0 : i32
    %dma_wait3A_821 = tpu.memref_slice %arg4[%dma_wait3A_816, %dma_wait3A_820] : memref<1024x4096xf32, #tpu.memory_space<hbm>> -> memref<1x4096xf32, #tpu.memory_space<hbm>>
    %dma_wait3A_822 = tpu.memref_squeeze %dma_wait3A_821 : memref<1x4096xf32, #tpu.memory_space<hbm>> -> memref<4096xf32, #tpu.memory_space<hbm>>
    tpu.wait_dma2 semaphore(%arg26 : memref<!tpu.dma_semaphore, #tpu.memory_space<semaphore_mem>>) src(%arg21 : memref<4096xf32, #tpu.memory_space<vmem>>) dst(%dma_wait3A_822 : memref<4096xf32, #tpu.memory_space<hbm>>)
    %dma_wait3A_823 = arith.constant 0 : i32
    %dma_wait3A_824 = arith.constant 0 : i32
    %dma_wait3A_825 = tpu.memref_slice %arg4[%dma_wait3A_823, %dma_wait3A_824] : memref<1024x4096xf32, #tpu.memory_space<hbm>> -> memref<1x4096xf32, #tpu.memory_space<hbm>>
    %dma_wait3A_826 = tpu.memref_squeeze %dma_wait3A_825 : memref<1x4096xf32, #tpu.memory_space<hbm>> -> memref<4096xf32, #tpu.memory_space<hbm>>
    %dma_wait3A_827 = arith.constant 0 : i32
    %dma_wait3A_828 = tpu.memref_slice %arg4[%dma_wait3A_823, %dma_wait3A_827] : memref<1024x4096xf32, #tpu.memory_space<hbm>> -> memref<1x4096xf32, #tpu.memory_space<hbm>>
    %dma_wait3A_829 = tpu.memref_squeeze %dma_wait3A_828 : memref<1x4096xf32, #tpu.memory_space<hbm>> -> memref<4096xf32, #tpu.memory_space<hbm>>
    tpu.wait_dma2 semaphore(%arg26 : memref<!tpu.dma_semaphore, #tpu.memory_space<semaphore_mem>>) src(%arg22 : memref<4096xf32, #tpu.memory_space<vmem>>) dst(%dma_wait3A_829 : memref<4096xf32, #tpu.memory_space<hbm>>)
    return
  }
}

module attributes {stable_mosaic.version = 14 : i64} {
  func.func @_time_body(%arg0: i32, %arg1: memref<2xi32, #tpu.memory_space<smem>>, %arg2: memref<128x4096xf32, #tpu.memory_space<vmem>>) attributes {dimension_semantics = [#tpu.dimension_semantics<arbitrary>], iteration_bounds = array<i64: 8>, scalar_prefetch = 0 : i64, scratch_operands = 0 : i64, tpu.core_type = #tpu.core_type<tc>, window_params = [{transform_indices = @transform_0, window_bounds = array<i64: 2>}, {transform_indices = @transform_1, window_bounds = array<i64: 128, 4096>}]} {
    %get3A = arith.constant 0 : index
    %get3A_0 = memref.load %arg1[%get3A] : memref<2xi32, #tpu.memory_space<smem>>
    %get3A_1 = arith.constant 1 : index
    %get3A_2 = memref.load %arg1[%get3A_1] : memref<2xi32, #tpu.memory_space<smem>>
    %iota3A = tpu.iota {dimensions = array<i32: 0>} : vector<8x128xi32>
    %mul3A = arith.constant 128 : i32
    %mul3A_3 = vector.broadcast %mul3A : i32 to vector<8x128xi32>
    %mul3A_4 = arith.muli %iota3A, %mul3A_3 : vector<8x128xi32>
    %iota3A_5 = tpu.iota {dimensions = array<i32: 1>} : vector<8x128xi32>
    %add3A = arith.addi %mul3A_4, %iota3A_5 : vector<8x128xi32>
    %broadcast_in_dim3A = arith.constant 0 : i32
    %broadcast_in_dim3A_6 = vector.broadcast %broadcast_in_dim3A : i32 to vector<8x128xi32>
    %xor3A = arith.xori %get3A_0, %get3A_2 : i32
    %xor3A_7 = arith.constant 466688986 : i32
    %xor3A_8 = arith.xori %xor3A, %xor3A_7 : i32
    %add3A_9 = vector.broadcast %get3A_0 : i32 to vector<8x128xi32>
    %add3A_10 = arith.addi %broadcast_in_dim3A_6, %add3A_9 : vector<8x128xi32>
    %add3A_11 = vector.broadcast %get3A_2 : i32 to vector<8x128xi32>
    %add3A_12 = arith.addi %add3A, %add3A_11 : vector<8x128xi32>
    %add3A_13 = arith.addi %add3A_10, %add3A_12 : vector<8x128xi32>
    %shift_left3A = arith.constant 13 : i32
    %shift_left3A_14 = vector.broadcast %shift_left3A : i32 to vector<8x128xi32>
    %shift_left3A_15 = arith.shli %add3A_12, %shift_left3A_14 : vector<8x128xi32>
    %shift_right_logical3A = arith.constant 19 : i32
    %shift_right_logical3A_16 = vector.broadcast %shift_right_logical3A : i32 to vector<8x128xi32>
    %shift_right_logical3A_17 = arith.shrui %add3A_12, %shift_right_logical3A_16 : vector<8x128xi32>
    %or3A = arith.ori %shift_left3A_15, %shift_right_logical3A_17 : vector<8x128xi32>
    %xor3A_18 = arith.xori %or3A, %add3A_13 : vector<8x128xi32>
    %add3A_19 = arith.addi %add3A_13, %xor3A_18 : vector<8x128xi32>
    %shift_left3A_20 = arith.constant 15 : i32
    %shift_left3A_21 = vector.broadcast %shift_left3A_20 : i32 to vector<8x128xi32>
    %shift_left3A_22 = arith.shli %xor3A_18, %shift_left3A_21 : vector<8x128xi32>
    %shift_right_logical3A_23 = arith.constant 17 : i32
    %shift_right_logical3A_24 = vector.broadcast %shift_right_logical3A_23 : i32 to vector<8x128xi32>
    %shift_right_logical3A_25 = arith.shrui %xor3A_18, %shift_right_logical3A_24 : vector<8x128xi32>
    %or3A_26 = arith.ori %shift_left3A_22, %shift_right_logical3A_25 : vector<8x128xi32>
    %xor3A_27 = arith.xori %or3A_26, %add3A_19 : vector<8x128xi32>
    %add3A_28 = arith.addi %add3A_19, %xor3A_27 : vector<8x128xi32>
    %shift_left3A_29 = arith.constant 26 : i32
    %shift_left3A_30 = vector.broadcast %shift_left3A_29 : i32 to vector<8x128xi32>
    %shift_left3A_31 = arith.shli %xor3A_27, %shift_left3A_30 : vector<8x128xi32>
    %shift_right_logical3A_32 = arith.constant 6 : i32
    %shift_right_logical3A_33 = vector.broadcast %shift_right_logical3A_32 : i32 to vector<8x128xi32>
    %shift_right_logical3A_34 = arith.shrui %xor3A_27, %shift_right_logical3A_33 : vector<8x128xi32>
    %or3A_35 = arith.ori %shift_left3A_31, %shift_right_logical3A_34 : vector<8x128xi32>
    %xor3A_36 = arith.xori %or3A_35, %add3A_28 : vector<8x128xi32>
    %add3A_37 = arith.addi %add3A_28, %xor3A_36 : vector<8x128xi32>
    %shift_left3A_38 = arith.constant 6 : i32
    %shift_left3A_39 = vector.broadcast %shift_left3A_38 : i32 to vector<8x128xi32>
    %shift_left3A_40 = arith.shli %xor3A_36, %shift_left3A_39 : vector<8x128xi32>
    %shift_right_logical3A_41 = arith.constant 26 : i32
    %shift_right_logical3A_42 = vector.broadcast %shift_right_logical3A_41 : i32 to vector<8x128xi32>
    %shift_right_logical3A_43 = arith.shrui %xor3A_36, %shift_right_logical3A_42 : vector<8x128xi32>
    %or3A_44 = arith.ori %shift_left3A_40, %shift_right_logical3A_43 : vector<8x128xi32>
    %xor3A_45 = arith.xori %or3A_44, %add3A_37 : vector<8x128xi32>
    %add3A_46 = vector.broadcast %get3A_2 : i32 to vector<8x128xi32>
    %add3A_47 = arith.addi %add3A_37, %add3A_46 : vector<8x128xi32>
    %add3A_48 = vector.broadcast %xor3A_8 : i32 to vector<8x128xi32>
    %add3A_49 = arith.addi %xor3A_45, %add3A_48 : vector<8x128xi32>
    %add3A_50 = arith.constant 1 : i32
    %add3A_51 = vector.broadcast %add3A_50 : i32 to vector<8x128xi32>
    %add3A_52 = arith.addi %add3A_49, %add3A_51 : vector<8x128xi32>
    %add3A_53 = arith.addi %add3A_47, %add3A_52 : vector<8x128xi32>
    %shift_left3A_54 = arith.constant 17 : i32
    %shift_left3A_55 = vector.broadcast %shift_left3A_54 : i32 to vector<8x128xi32>
    %shift_left3A_56 = arith.shli %add3A_52, %shift_left3A_55 : vector<8x128xi32>
    %shift_right_logical3A_57 = arith.constant 15 : i32
    %shift_right_logical3A_58 = vector.broadcast %shift_right_logical3A_57 : i32 to vector<8x128xi32>
    %shift_right_logical3A_59 = arith.shrui %add3A_52, %shift_right_logical3A_58 : vector<8x128xi32>
    %or3A_60 = arith.ori %shift_left3A_56, %shift_right_logical3A_59 : vector<8x128xi32>
    %xor3A_61 = arith.xori %or3A_60, %add3A_53 : vector<8x128xi32>
    %add3A_62 = arith.addi %add3A_53, %xor3A_61 : vector<8x128xi32>
    %shift_left3A_63 = arith.constant 29 : i32
    %shift_left3A_64 = vector.broadcast %shift_left3A_63 : i32 to vector<8x128xi32>
    %shift_left3A_65 = arith.shli %xor3A_61, %shift_left3A_64 : vector<8x128xi32>
    %shift_right_logical3A_66 = arith.constant 3 : i32
    %shift_right_logical3A_67 = vector.broadcast %shift_right_logical3A_66 : i32 to vector<8x128xi32>
    %shift_right_logical3A_68 = arith.shrui %xor3A_61, %shift_right_logical3A_67 : vector<8x128xi32>
    %or3A_69 = arith.ori %shift_left3A_65, %shift_right_logical3A_68 : vector<8x128xi32>
    %xor3A_70 = arith.xori %or3A_69, %add3A_62 : vector<8x128xi32>
    %add3A_71 = arith.addi %add3A_62, %xor3A_70 : vector<8x128xi32>
    %shift_left3A_72 = arith.constant 16 : i32
    %shift_left3A_73 = vector.broadcast %shift_left3A_72 : i32 to vector<8x128xi32>
    %shift_left3A_74 = arith.shli %xor3A_70, %shift_left3A_73 : vector<8x128xi32>
    %shift_right_logical3A_75 = arith.constant 16 : i32
    %shift_right_logical3A_76 = vector.broadcast %shift_right_logical3A_75 : i32 to vector<8x128xi32>
    %shift_right_logical3A_77 = arith.shrui %xor3A_70, %shift_right_logical3A_76 : vector<8x128xi32>
    %or3A_78 = arith.ori %shift_left3A_74, %shift_right_logical3A_77 : vector<8x128xi32>
    %xor3A_79 = arith.xori %or3A_78, %add3A_71 : vector<8x128xi32>
    %add3A_80 = arith.addi %add3A_71, %xor3A_79 : vector<8x128xi32>
    %shift_left3A_81 = arith.constant 24 : i32
    %shift_left3A_82 = vector.broadcast %shift_left3A_81 : i32 to vector<8x128xi32>
    %shift_left3A_83 = arith.shli %xor3A_79, %shift_left3A_82 : vector<8x128xi32>
    %shift_right_logical3A_84 = arith.constant 8 : i32
    %shift_right_logical3A_85 = vector.broadcast %shift_right_logical3A_84 : i32 to vector<8x128xi32>
    %shift_right_logical3A_86 = arith.shrui %xor3A_79, %shift_right_logical3A_85 : vector<8x128xi32>
    %or3A_87 = arith.ori %shift_left3A_83, %shift_right_logical3A_86 : vector<8x128xi32>
    %xor3A_88 = arith.xori %or3A_87, %add3A_80 : vector<8x128xi32>
    %add3A_89 = vector.broadcast %xor3A_8 : i32 to vector<8x128xi32>
    %add3A_90 = arith.addi %add3A_80, %add3A_89 : vector<8x128xi32>
    %add3A_91 = vector.broadcast %get3A_0 : i32 to vector<8x128xi32>
    %add3A_92 = arith.addi %xor3A_88, %add3A_91 : vector<8x128xi32>
    %add3A_93 = arith.constant 2 : i32
    %add3A_94 = vector.broadcast %add3A_93 : i32 to vector<8x128xi32>
    %add3A_95 = arith.addi %add3A_92, %add3A_94 : vector<8x128xi32>
    %add3A_96 = arith.addi %add3A_90, %add3A_95 : vector<8x128xi32>
    %shift_left3A_97 = arith.constant 13 : i32
    %shift_left3A_98 = vector.broadcast %shift_left3A_97 : i32 to vector<8x128xi32>
    %shift_left3A_99 = arith.shli %add3A_95, %shift_left3A_98 : vector<8x128xi32>
    %shift_right_logical3A_100 = arith.constant 19 : i32
    %shift_right_logical3A_101 = vector.broadcast %shift_right_logical3A_100 : i32 to vector<8x128xi32>
    %shift_right_logical3A_102 = arith.shrui %add3A_95, %shift_right_logical3A_101 : vector<8x128xi32>
    %or3A_103 = arith.ori %shift_left3A_99, %shift_right_logical3A_102 : vector<8x128xi32>
    %xor3A_104 = arith.xori %or3A_103, %add3A_96 : vector<8x128xi32>
    %add3A_105 = arith.addi %add3A_96, %xor3A_104 : vector<8x128xi32>
    %shift_left3A_106 = arith.constant 15 : i32
    %shift_left3A_107 = vector.broadcast %shift_left3A_106 : i32 to vector<8x128xi32>
    %shift_left3A_108 = arith.shli %xor3A_104, %shift_left3A_107 : vector<8x128xi32>
    %shift_right_logical3A_109 = arith.constant 17 : i32
    %shift_right_logical3A_110 = vector.broadcast %shift_right_logical3A_109 : i32 to vector<8x128xi32>
    %shift_right_logical3A_111 = arith.shrui %xor3A_104, %shift_right_logical3A_110 : vector<8x128xi32>
    %or3A_112 = arith.ori %shift_left3A_108, %shift_right_logical3A_111 : vector<8x128xi32>
    %xor3A_113 = arith.xori %or3A_112, %add3A_105 : vector<8x128xi32>
    %add3A_114 = arith.addi %add3A_105, %xor3A_113 : vector<8x128xi32>
    %shift_left3A_115 = arith.constant 26 : i32
    %shift_left3A_116 = vector.broadcast %shift_left3A_115 : i32 to vector<8x128xi32>
    %shift_left3A_117 = arith.shli %xor3A_113, %shift_left3A_116 : vector<8x128xi32>
    %shift_right_logical3A_118 = arith.constant 6 : i32
    %shift_right_logical3A_119 = vector.broadcast %shift_right_logical3A_118 : i32 to vector<8x128xi32>
    %shift_right_logical3A_120 = arith.shrui %xor3A_113, %shift_right_logical3A_119 : vector<8x128xi32>
    %or3A_121 = arith.ori %shift_left3A_117, %shift_right_logical3A_120 : vector<8x128xi32>
    %xor3A_122 = arith.xori %or3A_121, %add3A_114 : vector<8x128xi32>
    %add3A_123 = arith.addi %add3A_114, %xor3A_122 : vector<8x128xi32>
    %shift_left3A_124 = arith.constant 6 : i32
    %shift_left3A_125 = vector.broadcast %shift_left3A_124 : i32 to vector<8x128xi32>
    %shift_left3A_126 = arith.shli %xor3A_122, %shift_left3A_125 : vector<8x128xi32>
    %shift_right_logical3A_127 = arith.constant 26 : i32
    %shift_right_logical3A_128 = vector.broadcast %shift_right_logical3A_127 : i32 to vector<8x128xi32>
    %shift_right_logical3A_129 = arith.shrui %xor3A_122, %shift_right_logical3A_128 : vector<8x128xi32>
    %or3A_130 = arith.ori %shift_left3A_126, %shift_right_logical3A_129 : vector<8x128xi32>
    %xor3A_131 = arith.xori %or3A_130, %add3A_123 : vector<8x128xi32>
    %add3A_132 = vector.broadcast %get3A_0 : i32 to vector<8x128xi32>
    %add3A_133 = arith.addi %add3A_123, %add3A_132 : vector<8x128xi32>
    %add3A_134 = vector.broadcast %get3A_2 : i32 to vector<8x128xi32>
    %add3A_135 = arith.addi %xor3A_131, %add3A_134 : vector<8x128xi32>
    %add3A_136 = arith.constant 3 : i32
    %add3A_137 = vector.broadcast %add3A_136 : i32 to vector<8x128xi32>
    %add3A_138 = arith.addi %add3A_135, %add3A_137 : vector<8x128xi32>
    %add3A_139 = arith.addi %add3A_133, %add3A_138 : vector<8x128xi32>
    %shift_left3A_140 = arith.constant 17 : i32
    %shift_left3A_141 = vector.broadcast %shift_left3A_140 : i32 to vector<8x128xi32>
    %shift_left3A_142 = arith.shli %add3A_138, %shift_left3A_141 : vector<8x128xi32>
    %shift_right_logical3A_143 = arith.constant 15 : i32
    %shift_right_logical3A_144 = vector.broadcast %shift_right_logical3A_143 : i32 to vector<8x128xi32>
    %shift_right_logical3A_145 = arith.shrui %add3A_138, %shift_right_logical3A_144 : vector<8x128xi32>
    %or3A_146 = arith.ori %shift_left3A_142, %shift_right_logical3A_145 : vector<8x128xi32>
    %xor3A_147 = arith.xori %or3A_146, %add3A_139 : vector<8x128xi32>
    %add3A_148 = arith.addi %add3A_139, %xor3A_147 : vector<8x128xi32>
    %shift_left3A_149 = arith.constant 29 : i32
    %shift_left3A_150 = vector.broadcast %shift_left3A_149 : i32 to vector<8x128xi32>
    %shift_left3A_151 = arith.shli %xor3A_147, %shift_left3A_150 : vector<8x128xi32>
    %shift_right_logical3A_152 = arith.constant 3 : i32
    %shift_right_logical3A_153 = vector.broadcast %shift_right_logical3A_152 : i32 to vector<8x128xi32>
    %shift_right_logical3A_154 = arith.shrui %xor3A_147, %shift_right_logical3A_153 : vector<8x128xi32>
    %or3A_155 = arith.ori %shift_left3A_151, %shift_right_logical3A_154 : vector<8x128xi32>
    %xor3A_156 = arith.xori %or3A_155, %add3A_148 : vector<8x128xi32>
    %add3A_157 = arith.addi %add3A_148, %xor3A_156 : vector<8x128xi32>
    %shift_left3A_158 = arith.constant 16 : i32
    %shift_left3A_159 = vector.broadcast %shift_left3A_158 : i32 to vector<8x128xi32>
    %shift_left3A_160 = arith.shli %xor3A_156, %shift_left3A_159 : vector<8x128xi32>
    %shift_right_logical3A_161 = arith.constant 16 : i32
    %shift_right_logical3A_162 = vector.broadcast %shift_right_logical3A_161 : i32 to vector<8x128xi32>
    %shift_right_logical3A_163 = arith.shrui %xor3A_156, %shift_right_logical3A_162 : vector<8x128xi32>
    %or3A_164 = arith.ori %shift_left3A_160, %shift_right_logical3A_163 : vector<8x128xi32>
    %xor3A_165 = arith.xori %or3A_164, %add3A_157 : vector<8x128xi32>
    %add3A_166 = arith.addi %add3A_157, %xor3A_165 : vector<8x128xi32>
    %shift_left3A_167 = arith.constant 24 : i32
    %shift_left3A_168 = vector.broadcast %shift_left3A_167 : i32 to vector<8x128xi32>
    %shift_left3A_169 = arith.shli %xor3A_165, %shift_left3A_168 : vector<8x128xi32>
    %shift_right_logical3A_170 = arith.constant 8 : i32
    %shift_right_logical3A_171 = vector.broadcast %shift_right_logical3A_170 : i32 to vector<8x128xi32>
    %shift_right_logical3A_172 = arith.shrui %xor3A_165, %shift_right_logical3A_171 : vector<8x128xi32>
    %or3A_173 = arith.ori %shift_left3A_169, %shift_right_logical3A_172 : vector<8x128xi32>
    %xor3A_174 = arith.xori %or3A_173, %add3A_166 : vector<8x128xi32>
    %add3A_175 = vector.broadcast %get3A_2 : i32 to vector<8x128xi32>
    %add3A_176 = arith.addi %add3A_166, %add3A_175 : vector<8x128xi32>
    %add3A_177 = vector.broadcast %xor3A_8 : i32 to vector<8x128xi32>
    %add3A_178 = arith.addi %xor3A_174, %add3A_177 : vector<8x128xi32>
    %add3A_179 = arith.constant 4 : i32
    %add3A_180 = vector.broadcast %add3A_179 : i32 to vector<8x128xi32>
    %add3A_181 = arith.addi %add3A_178, %add3A_180 : vector<8x128xi32>
    %add3A_182 = arith.addi %add3A_176, %add3A_181 : vector<8x128xi32>
    %shift_left3A_183 = arith.constant 13 : i32
    %shift_left3A_184 = vector.broadcast %shift_left3A_183 : i32 to vector<8x128xi32>
    %shift_left3A_185 = arith.shli %add3A_181, %shift_left3A_184 : vector<8x128xi32>
    %shift_right_logical3A_186 = arith.constant 19 : i32
    %shift_right_logical3A_187 = vector.broadcast %shift_right_logical3A_186 : i32 to vector<8x128xi32>
    %shift_right_logical3A_188 = arith.shrui %add3A_181, %shift_right_logical3A_187 : vector<8x128xi32>
    %or3A_189 = arith.ori %shift_left3A_185, %shift_right_logical3A_188 : vector<8x128xi32>
    %xor3A_190 = arith.xori %or3A_189, %add3A_182 : vector<8x128xi32>
    %add3A_191 = arith.addi %add3A_182, %xor3A_190 : vector<8x128xi32>
    %shift_left3A_192 = arith.constant 15 : i32
    %shift_left3A_193 = vector.broadcast %shift_left3A_192 : i32 to vector<8x128xi32>
    %shift_left3A_194 = arith.shli %xor3A_190, %shift_left3A_193 : vector<8x128xi32>
    %shift_right_logical3A_195 = arith.constant 17 : i32
    %shift_right_logical3A_196 = vector.broadcast %shift_right_logical3A_195 : i32 to vector<8x128xi32>
    %shift_right_logical3A_197 = arith.shrui %xor3A_190, %shift_right_logical3A_196 : vector<8x128xi32>
    %or3A_198 = arith.ori %shift_left3A_194, %shift_right_logical3A_197 : vector<8x128xi32>
    %xor3A_199 = arith.xori %or3A_198, %add3A_191 : vector<8x128xi32>
    %add3A_200 = arith.addi %add3A_191, %xor3A_199 : vector<8x128xi32>
    %shift_left3A_201 = arith.constant 26 : i32
    %shift_left3A_202 = vector.broadcast %shift_left3A_201 : i32 to vector<8x128xi32>
    %shift_left3A_203 = arith.shli %xor3A_199, %shift_left3A_202 : vector<8x128xi32>
    %shift_right_logical3A_204 = arith.constant 6 : i32
    %shift_right_logical3A_205 = vector.broadcast %shift_right_logical3A_204 : i32 to vector<8x128xi32>
    %shift_right_logical3A_206 = arith.shrui %xor3A_199, %shift_right_logical3A_205 : vector<8x128xi32>
    %or3A_207 = arith.ori %shift_left3A_203, %shift_right_logical3A_206 : vector<8x128xi32>
    %xor3A_208 = arith.xori %or3A_207, %add3A_200 : vector<8x128xi32>
    %add3A_209 = arith.addi %add3A_200, %xor3A_208 : vector<8x128xi32>
    %shift_left3A_210 = arith.constant 6 : i32
    %shift_left3A_211 = vector.broadcast %shift_left3A_210 : i32 to vector<8x128xi32>
    %shift_left3A_212 = arith.shli %xor3A_208, %shift_left3A_211 : vector<8x128xi32>
    %shift_right_logical3A_213 = arith.constant 26 : i32
    %shift_right_logical3A_214 = vector.broadcast %shift_right_logical3A_213 : i32 to vector<8x128xi32>
    %shift_right_logical3A_215 = arith.shrui %xor3A_208, %shift_right_logical3A_214 : vector<8x128xi32>
    %or3A_216 = arith.ori %shift_left3A_212, %shift_right_logical3A_215 : vector<8x128xi32>
    %xor3A_217 = arith.xori %or3A_216, %add3A_209 : vector<8x128xi32>
    %add3A_218 = vector.broadcast %xor3A_8 : i32 to vector<8x128xi32>
    %add3A_219 = arith.addi %add3A_209, %add3A_218 : vector<8x128xi32>
    %add3A_220 = vector.broadcast %get3A_0 : i32 to vector<8x128xi32>
    %add3A_221 = arith.addi %xor3A_217, %add3A_220 : vector<8x128xi32>
    %add3A_222 = arith.constant 5 : i32
    %add3A_223 = vector.broadcast %add3A_222 : i32 to vector<8x128xi32>
    %add3A_224 = arith.addi %add3A_221, %add3A_223 : vector<8x128xi32>
    %xor3A_225 = arith.xori %add3A_219, %add3A_224 : vector<8x128xi32>
    %shift_right_logical3A_226 = arith.constant 9 : i32
    %shift_right_logical3A_227 = vector.broadcast %shift_right_logical3A_226 : i32 to vector<8x128xi32>
    %shift_right_logical3A_228 = arith.shrui %xor3A_225, %shift_right_logical3A_227 : vector<8x128xi32>
    %or3A_229 = arith.constant 1065353216 : i32
    %or3A_230 = vector.broadcast %or3A_229 : i32 to vector<8x128xi32>
    %or3A_231 = arith.ori %shift_right_logical3A_228, %or3A_230 : vector<8x128xi32>
    %bitcast_convert_type3A = tpu.bitcast %or3A_231 : vector<8x128xi32> -> vector<8x128xf32>
    %sub3A = arith.constant 1.000000e+00 : f32
    %sub3A_232 = vector.broadcast %sub3A : f32 to vector<8x128xf32>
    %sub3A_233 = arith.subf %bitcast_convert_type3A, %sub3A_232 : vector<8x128xf32>
    %mul3A_234 = arith.constant 0x49FF8000 : f32
    %mul3A_235 = vector.broadcast %mul3A_234 : f32 to vector<8x128xf32>
    %mul3A_236 = arith.mulf %sub3A_233, %mul3A_235 : vector<8x128xf32>
    %max3A = arith.constant 0.000000e+00 : f32
    %max3A_237 = vector.broadcast %max3A : f32 to vector<8x128xf32>
    %max3A_238 = arith.maximumf %max3A_237, %mul3A_236 : vector<8x128xf32>
    %floor3A = math.floor %max3A_238 : vector<8x128xf32>
    %transpose3A = tpu.transpose %floor3A, [1, 0] : vector<8x128xf32> -> vector<128x8xf32>
    %iota3A_239 = tpu.iota {dimensions = array<i32: 1>} : vector<128x8xi32>
    %eq3A = vector.broadcast %arg0 : i32 to vector<128x8xi32>
    %eq3A_240 = arith.cmpi eq, %iota3A_239, %eq3A : vector<128x8xi32>
    %jit3A = arith.constant 0.000000e+00 : f32
    %broadcast_in_dim3A_241 = vector.broadcast %jit3A : f32 to vector<128x8xf32>
    %select_n3A = arith.select %eq3A_240, %transpose3A, %broadcast_in_dim3A_241 : vector<128x8xi1>, vector<128x8xf32>
    %reduce_sum3A = arith.constant dense<0.000000e+00> : vector<128xf32>
    %reduce_sum3A_242 = vector.multi_reduction <add>, %select_n3A, %reduce_sum3A [1] : vector<128x8xf32> to vector<128xf32>
    %broadcast_in_dim3A_243 = vector.shape_cast %reduce_sum3A_242 : vector<128xf32> to vector<128x1xf32>
    %iota3A_244 = tpu.iota {dimensions = array<i32: 1>} : vector<128x4096xi32>
    %convert_element_type3A = arith.sitofp %iota3A_244 : vector<128x4096xi32> to vector<128x4096xf32>
    %add3A_245 = vector.broadcast %broadcast_in_dim3A_243 : vector<128x1xf32> to vector<128x4096xf32>
    %add3A_246 = arith.addf %add3A_245, %convert_element_type3A : vector<128x4096xf32>
    %mul3A_247 = arith.constant 4.76837158E-7 : f32
    %mul3A_248 = vector.broadcast %mul3A_247 : f32 to vector<128x4096xf32>
    %mul3A_249 = arith.mulf %add3A_246, %mul3A_248 : vector<128x4096xf32>
    %swap3A = arith.constant 0 : index
    %swap3A_250 = arith.constant 0 : index
    %swap3A_251 = vector.load %arg2[%swap3A, %swap3A_250] : memref<128x4096xf32, #tpu.memory_space<vmem>>, vector<128x4096xf32>
    tpu.vector_store %arg2[%swap3A, %swap3A_250], %mul3A_249 {strides = array<i32>} : memref<128x4096xf32, #tpu.memory_space<vmem>>, vector<128x4096xf32>,
    return
  }
  func.func @transform_0(%arg0: i32) -> i32 {
    %c0_i32 = arith.constant 0 : i32
    %c0_i32_0 = arith.constant 0 : i32
    return %c0_i32 : i32
  }
  func.func @transform_1(%arg0: i32) -> (i32, i32) {
    %c0_i32 = arith.constant 0 : i32
    %c0_i32_0 = arith.constant 0 : i32
    return %arg0, %c0_i32 : i32, i32
  }
}

</mosaic_0001>

<sc_bundles>
// kernel: _sampler_call.4.cloned.1.call-start
scs
__scs_entry_jumppad:
0x0: {  	(pc) =	sbr.rel $0x88, $3  }
0x1: {  	(tag) =	ssettag $0x0;
	lr =	simm.s32 $0x1  }
0x2: {  	[smem:$0x3F9F] =	sst lr;
	_ =	strace $0xD0000000  }
0x3: {  	_ = 	snop  }
0x4: {  	_ = 	snop  }
0x5: {  	_ = 	snop  }
0x6: {  	_ = 	snop  }
0x7: {  	_ = 	snop  }
__scs_overlays_trampoline_lowered:
0x8: {  	[smem:$0x3FAE] =	sst s0  }
0x9: {  	[smem:$0x3FAF] =	sst s1  }
0xa: {  	[smem:$0x3FB0] =	sst s2  }
0xb: {  	[smem:$0x3FB1] =	sst s3  }
0xc: {  	[smem:$0x3FB2] =	sst s4  }
0xd: {  	[smem:$0x3FB3] =	sst s5  }
0xe: {  	[smem:$0x3FB4] =	sst s6  }
0xf: {  	[smem:$0x3FB5] =	sst s7  }
0x10: {  	[smem:$0x3FB6] =	sst s8  }
0x11: {  	[smem:$0x3FB7] =	sst s9;
	s0 =	simm.s32 @!p0 $0x0  }
0x12: {  	s1 =	sld [smem:$0x3F9D];
	s0 =	simm.s32 @p0 $0x1  }
0x13: {  	[smem:$0x3FB8] =	sst s0;
	s0 =	simm.s32 @!p1 $0x0  }
0x14: {  	s2 =	sld [smem:$0x3F9C];
	s0 =	simm.s32 @p1 $0x1  }
0x15: {  	[smem:$0x3FB9] =	sst s0;
	s0 =	simm.s32 @!p2 $0x0  }
0x16: {  	s3 =	sld [smem:$0x3FDB];
	s0 =	simm.s32 @p2 $0x1  }
0x17: {  	s4 =	simm.s32 $0x1BF5;
	[smem:$0x3FBB] =	sst s0  }
0x18: {  	s0 =	sld [smem:$0x3F9E];
	_ =	swait.ge [sflag:s4], $0x0  }
0x19: {  	s7 =	sld [smem:$0x3F9F]  }
0x1a: {  	s8 =	sadd.s32 $0xFFFFE003, lr  }
0x1b: {  	s9 =	sadd.s32 $0xFFFFFEF7, lr;
	s5 =	simm.s32 $0xFFFFFFFF;
	p2 =	slt.u32 s8, $0xFFFFF086  }
0x1c: {  	p1 =	slt.u32 s9, $0xF7A;
	s5 =	simm.s32 @!p2 $0x0  }
0x1d: {  	s5 =	simm.s32 @p1 $0x1;
	p0 =	seq.s32 s7, s2  }
0x1e: {  	s7 =	smul.u32 @!p0 $0xF7A, s2;
	p2 =	seq.s32 @!p0 s5, $0x0  }
0x1f: {  	s9 =	smul.u32 $0xF7A, s1;
	s8 =	simm.s32 @!p0 $0x1BF5;
	p2 =	por !p2, p0  }
0x20: {  	[sflag:s8] =	ssyncset.s32 @!p0 $0xFFFFF086;
	s6 =	sadd.s32 @!p0 s3, s7;
	s7 =	simm.s32 @!p0 $0x108  }
0x21: {  	s3 =	sadd.s32 s3, s9;
	s6 =	sadd.s32 @!p0 $0x88, s6;
	s7 =	simm.s32 @p2 $0x1082  }
0x22: {  	[simem:s7], [sflag:s8] =	dma.local @!p0 [hbm:s6], $0xF7A  }
0x23: {  	s9 =	sor.u32 $0xD0000000, s2;
	s6 =	simm.s32 $0x108;
	_ =	swait.ge @!p0 [sflag:s8], $0x0  }
0x24: {  	s3 =	sadd.s32 $0x88, s3;
	s6 =	simm.s32 @!p1 $0x1082;
	[sflag:s4] =	ssyncset.s32 $0xFFFFF086  }
0x25: {  	[simem:s6], [sflag:s4] =	dma.local [hbm:s3], $0xF7A  }
0x26: {  	[smem:$0x3F9F] =	sst s1;
	(tag) =	ssettag s2;
	_ =	strace s9  }
0x27: {  	s1 =	sld [smem:$0x3FAF]  }
0x28: {  	s2 =	sld [smem:$0x3FB0]  }
0x29: {  	s4 =	sld [smem:$0x3FB2]  }
0x2a: {  	p0 =	seq.s32 s5, $0x0;
	s5 =	sld [smem:$0x3FB3]  }
0x2b: {  	s6 =	sld [smem:$0x3FB4]  }
0x2c: {  	s7 =	sld [smem:$0x3FB5]  }
0x2d: {  	s3 =	simm.s32 $0x108;
	s8 =	sld [smem:$0x3FB6]  }
0x2e: {  	s3 =	simm.s32 @!p0 $0x1082;
	s9 =	sld [smem:$0x3FB7]  }
0x2f: {  	lr =	sadd.s32 s0, s3;
	s0 =	sld [smem:$0x3FAE]  }
0x30: {  	s3 =	sld [smem:$0x3FB1]  }
0x31: {  	[smem:$0x3FBA] =	sst s10  }
0x32: {  	s10 =	sld [smem:$0x3FB8];
	_ =	sdelay $0x3  }
0x33: {  	p0 =	seq.s32 s10, $0x1;
	s10 =	sld [smem:$0x3FBA];
	_ =	sdelay $0x3  }
0x34: {  	[smem:$0x3FBA] =	sst s10  }
0x35: {  	s10 =	sld [smem:$0x3FB9];
	_ =	sdelay $0x3  }
0x36: {  	p1 =	seq.s32 s10, $0x1;
	s10 =	sld [smem:$0x3FBA];
	_ =	sdelay $0x3  }
0x37: {  	[smem:$0x3FBA] =	sst s10  }
0x38: {  	s10 =	sld [smem:$0x3FBB]  }
0x39: {  	_ = 	snop;
	(pc) =	sbr.ind lr, $3  }
0x3a: {  	_ = 	snop  }
0x3b: {  	_ = 	snop  }
0x3c: {  	p2 =	seq.s32 s10, $0x1;
	s10 =	sld [smem:$0x3FBA]  }
0x3d: {  	_ =	shalt  }
0x3e: {  	_ =	shalt  }
0x3f: {  	_ =	shalt  }
0x40: {  	_ =	shalt  }
0x41: {  	_ =	shalt  }
0x42: {  	_ =	shalt  }
0x43: {  	_ =	shalt  }
0x44: {  	_ =	shalt  }
0x45: {  	_ =	shalt  }
0x46: {  	_ =	shalt  }
0x47: {  	_ =	shalt  }
0x48: {  	_ =	shalt  }
0x49: {  	_ =	shalt  }
0x4a: {  	_ =	shalt  }
0x4b: {  	_ =	shalt  }
0x4c: {  	_ =	shalt  }
0x4d: {  	_ =	shalt  }
0x4e: {  	_ =	shalt  }
0x4f: {  	_ =	shalt  }
0x50: {  	_ =	shalt  }
0x51: {  	_ =	shalt  }
0x52: {  	_ =	shalt  }
0x53: {  	_ =	shalt  }
0x54: {  	_ =	shalt  }
0x55: {  	_ =	shalt  }
0x56: {  	_ =	shalt  }
0x57: {  	_ =	shalt  }
0x58: {  	_ =	shalt  }
0x59: {  	_ =	shalt  }
0x5a: {  	_ =	shalt  }
0x5b: {  	_ =	shalt  }
0x5c: {  	_ =	shalt  }
0x5d: {  	_ =	shalt  }
0x5e: {  	_ =	shalt  }
0x5f: {  	_ =	shalt  }
0x60: {  	_ =	shalt  }
0x61: {  	_ =	shalt  }
0x62: {  	_ =	shalt  }
0x63: {  	_ =	shalt  }
0x64: {  	_ =	shalt  }
0x65: {  	_ =	shalt  }
0x66: {  	_ =	shalt  }
0x67: {  	_ =	shalt  }
0x68: {  	_ =	shalt  }
0x69: {  	_ =	shalt  }
0x6a: {  	_ =	shalt  }
0x6b: {  	_ =	shalt  }
0x6c: {  	_ =	shalt  }
0x6d: {  	_ =	shalt  }
0x6e: {  	_ =	shalt  }
0x6f: {  	_ =	shalt  }
0x70: {  	_ =	shalt  }
0x71: {  	_ =	shalt  }
0x72: {  	_ =	shalt  }
0x73: {  	_ =	shalt  }
0x74: {  	_ =	shalt  }
0x75: {  	_ =	shalt  }
0x76: {  	_ =	shalt  }
0x77: {  	_ =	shalt  }
0x78: {  	_ =	shalt  }
0x79: {  	_ =	shalt  }
0x7a: {  	_ =	shalt  }
0x7b: {  	_ =	shalt  }
0x7c: {  	_ =	shalt  }
0x7d: {  	_ =	shalt  }
0x7e: {  	_ =	shalt  }
0x7f: {  	_ =	shalt  }
0x80: {  	_ =	shalt  }
0x81: {  	_ =	shalt  }
0x82: {  	_ =	shalt  }
0x83: {  	_ =	shalt  }
0x84: {  	_ =	shalt  }
0x85: {  	_ =	shalt  }
0x86: {  	_ =	shalt  }
0x87: {  	_ =	shalt  }
.Lfunc_end0:
.L_simem_size_0:
called_computation_lowered:
.L_overlay_start_0:
0x88: {  	s2 =	sld [smem:$0x3FD9]  }
0x89: {  	s3 =	sld [smem:$0x3FFE];
	_ =	sdelay $0x1  }
0x8a: {  	s1 =	srdreg.scid  }
0x8b: {  	s0 =	sand.u32 $0x1, s1  }
0x8c: {  	s15 =	sshll.u32 s0, $0xA;
	s2 =	sadd.s32 s3, s2  }
0x8d: {  	s2 =	sadd.s32 s2, s15  }
0x8e: {  	[smem:$0x3FC6] =	sst s2  }
0x8f: {  	_ = 	snop  }
0x90: {  	s2 =	sld [smem:$0x3FD0];
	_ =	sdelay $0x1  }
0x91: {  	s16 =	sld [smem:$0x3FC9]  }
0x92: {  	s5 =	simm.s32 $0xA;
	s6 =	simm.s32 $0x10;
	s4 =	sld [smem:$0x3FC8]  }
0x93: {  	[smem:s6], [sflag:s5] =	dma.local [hbm:s2], $0x1  }
0x94: {  	_ =	swait.eq [sflag:s5], $0x1  }
0x95: {  	[sflag:s5] =	ssyncset.done $0x0  }
0x96: {  	[sflag:s5] =	ssyncadd.s32 $0xFFFFFFFF  }
0x97: {  	s17 =	sld [smem:$0x11];
	(tm) =	ssettm $0x1  }
0x98: {  	s18 =	sld [smem:$0x3FFB];
	_ =	sdelay $0x3  }
0x99: {  	_ =	strace s18  }
0x9a: {  	s5 =	sld [smem:$0x3FFC];
	_ =	sdelay $0x3  }
0x9b: {  	_ =	strace s5  }
0x9c: {  	s5 =	sld [smem:$0x3FFD];
	_ =	sdelay $0x3  }
0x9d: {  	_ =	strace s5  }
0x9e: {  	_ =	strace $0x8FFFFFFF  }
0x9f: {  	s19 =	sld [smem:$0x3FDB];
	_ =	sdelay $0x1  }
0xa0: {  	s20 =	simm.s32 $_scs_section_size  }
0xa1: {  	s7 =	simm.s32 $_size__tile_overlayer_lowered;
	s8 =	simm.s32 $_tile_overlayer_lowered  }
0xa2: {  	s23 =	simm.s32 $0x1BFF;
	s22 =	sshll.u32 s8, $0x1;
	s5 =	sadd.s32 s20, s19  }
0xa3: {  	s9 =	simm.s32 $0x0;
	s21 =	sshll.u32 s7, $0x1;
	s7 =	sadd.s32 s22, s5  }
0xa4: {  	[timem:s9], [sflag:s23] =	dma.local [hbm:s7], s21  }
0xa5: {  	_ =	swait.ge [sflag:s23], s21  }
0xa6: {  	s6 =	ssub.s32 $0x0, s21;
	[sflag:s23] =	ssyncset.done $0x0  }
0xa7: {  	[sflag:s23] =	ssyncadd.s32 s6;
	_ =	sdelay $0x1  }
0xa8: {  	s24 =	simm.s32 $0x1B8B  }
0xa9: {  	_ =	swait.ge [sflag:s24], $0x1  }
0xaa: {  	[sflag:s24] =	ssyncset.done $0x0  }
0xab: {  	s25 =	simm.s32 $0x1B8E;
	[sflag:s24] =	ssyncadd.s32 $0xFFFFFFFF  }
0xac: {  	s26 =	simm.s32 $execute0_lowered;
	[smem:$0x3FD2] =	sst s25  }
0xad: {  	s6 =	sshll.u32 s26, $0x1;
	_ =	strace $0x80000046;
	[dreg:$0x1] =	wrdreg $0xFFFFFFFF  }
0xae: {  	s28 =	simm.s32 $_size_execute0_lowered;
	s5 =	sadd.s32 s5, s6;
	[dreg:$0x0] =	wrdreg $0x0  }
0xaf: {  	s6 =	sshll.u32 s28, $0x1;
	[dreg:$0x2] =	wrdreg s5  }
0xb0: {  	[dreg:$0x3] =	wrdreg s6  }
0xb1: {  	[dreg:$0x4] =	wrdreg $0xC0  }
0xb2: {  	_ =	task [dreg:s9], $0x5FFFF  }
0xb3: {  	[dreg:$0x1] =	wrdreg $0xFFFFFFFF  }
0xb4: {  	[dreg:$0x0] =	wrdreg $0x60  }
0xb5: {  	[dreg:$0x2] =	wrdreg s16  }
0xb6: {  	[dreg:$0x3] =	wrdreg s4  }
0xb7: {  	[dreg:$0x4] =	wrdreg s17  }
0xb8: {  	[dreg:$0x5] =	wrdreg $0x9  }
0xb9: {  	_ =	task.clear_ibuf [dreg:s9], $0x6FFFF;
	_ =	strace $0x90000046  }
0xba: {  	s29 =	simm.s32 $0x9;
	_ =	strace $0x80000048  }
0xbb: {  	_ =	swait.ge [sflag:s29], $0x1  }
0xbc: {  	[sflag:s29] =	ssyncadd.s32 $0xFFFFFFFF  }
0xbd: {  	_ =	strace $0x90000048  }
0xbe: {  	_ =	sfence  }
0xbf: {  	s30 =	sld [smem:$0x0];
	_ =	sdelay $0x2  }
0xc0: {  	s31 =	sshll.u32 s1, $0xD;
	s1 =	sshrl.u32 s1, $0x2  }
0xc1: {  	s3 =	sand.u32 $0x4000, s31;
	s1 =	sadd.s32 s1, s30  }
0xc2: {  	s0 =	sor.u32 s3, s0;
	s1 =	sshll.u32 s1, $0x11  }
0xc3: {  	s0 =	sor.u32 s1, s0  }
0xc4: {  	s0 =	sadd.s32 $0x8F2B, s0  }
0xc5: {  	[sflag:s0] =	ssyncadd.remote.s32 $0x1  }
0xc6: {  	_ =	sfence.sel $0xFFFF  }
0xc7: {  	[dreg:$0x0] =	wrdreg $0xFFFFFFFF;
	(pc) =	sbr.abs _section_cstart, $3  }
0xc8: {  	[dreg:$0x1] =	wrdreg $0xFFFFFFFF  }
0xc9: {  	_ =	task.clear_ibuf [dreg:s9], $0x2FFFF;
	_ =	strace $0x9FFFFFFF  }
0xca: {  	(tm) =	ssettm $0x7FFFFFFF  }
0xcb: {  	_ =	shalt  }
tec
execute0_lowered:
.L_overlay_start_1:
0x0: {  	(tag) =	ssettag $0x1  }
0x1: {  	s1 =	rddreg [dreg:$0x0]  }
0x2: {  	s13 =	rddreg [dreg:$0x2];
	s0 =	srdreg.scid;
	s5 =	simm.s32 $0x0  }
0x3: {  	s4 =	stileid.u32;
	s16 =	simm.s32 $0x1;
	s25 =	simm.s32 $0x80  }
0x4: {  	s28 =	simm.s32 $0x8500;
	s29 =	simm.s32 $0x9500;
	s30 =	simm.s32 $0xA500  }
0x5: {  	s31 =	simm.s32 $0xB500;
	s17 =	simm.s32 $0xE500;
	s18 =	simm.s32 $0xF500  }
0x6: {  	s20 =	simm.s32 $0x4;
	s14 =	simm.s32 $0x0;
	s0 =	sand.u32 $0x1, s0  }
0x7: {  	[smem:$0x7FF] =	sst s5;
	s4 =	sshll.u32 s4, $0x5;
	s7 =	sadd.s32 $0x10, s13  }
0x8: {  	s8 =	sadd.s32 $0x20, s13;
	s9 =	sadd.s32 $0x30, s13;
	s10 =	sadd.s32 $0x40, s13  }
0x9: {  	s11 =	sadd.s32 $0x50, s13;
	s12 =	sadd.s32 $0x60, s13;
	s24 =	smov.u32 s13  }
.Ltmp0:
0xa: {  	s13 =	sadd.s32 $0x70, s13;
	s2 =	ssub.s32 $0x2, s0;
	(pc) =	sbr.rel .LBB2_1-.Ltmp0, $4  }
0xb: {  	s0 =	sshll.u32 s0, $0x9;
	_ =	strace $0x80000047;
	s3 =	sshrl.u32 s2, $0x1  }
0xc: {  	s6 =	sor.u32 s4, s0;
	s0 =	simm.s32 $0x2;
	s2 =	ssub.s32 s2, s3  }
0xd: {  	v1 =	vlaneseq.u32;
	s4 =	simm.s32 $0xC500;
	s23 =	sor.u32 $0x10, s6;
	s26 =	smax.u32 s2, $0x1  }
0xe: {  	s2 =	simm.s32 $0xD500;
	v0 =	vor.u32 s23, v1;
	v1 =	vor.u32 s6, v1;
	[dreg:$0x4] =	wrdreg s26;
	s26 =	simm.s32 $0x400  }
.LBB2_20:
0xf: {  	s3 =	simm.s32 $0x3  }
0x10: {  	_ =	swait.ge [sflag:s3], $0x1000  }
0x11: {  	[sflag:s3] =	ssyncset.done $0x0  }
0x12: {  	[sflag:s3] =	ssyncadd.s32 $0xFFFFF000  }
0x13: {  	_ =	swait.ge [sflag:s3], $0x1000  }
0x14: {  	[sflag:s3] =	ssyncset.done $0x0  }
0x15: {  	[sflag:s3] =	ssyncadd.s32 $0xFFFFF000  }
0x16: {  	_ =	swait.ge [sflag:s3], $0x1000  }
0x17: {  	[sflag:s3] =	ssyncset.done $0x0  }
0x18: {  	[sflag:s3] =	ssyncadd.s32 $0xFFFFF000  }
0x19: {  	_ =	swait.ge [sflag:s3], $0x1000  }
0x1a: {  	[sflag:s3] =	ssyncset.done $0x0  }
0x1b: {  	[sflag:s3] =	ssyncadd.s32 $0xFFFFF000  }
0x1c: {  	_ =	swait.ge [sflag:s20], $0x1000  }
0x1d: {  	[sflag:s20] =	ssyncset.done $0x0  }
0x1e: {  	[sflag:s20] =	ssyncadd.s32 $0xFFFFF000  }
0x1f: {  	_ =	swait.ge [sflag:s20], $0x1000  }
0x20: {  	[sflag:s20] =	ssyncset.done $0x0  }
0x21: {  	[sflag:s20] =	ssyncadd.s32 $0xFFFFF000  }
0x22: {  	_ =	swait.ge [sflag:s20], $0x1000  }
0x23: {  	[sflag:s20] =	ssyncset.done $0x0  }
0x24: {  	[sflag:s20] =	ssyncadd.s32 $0xFFFFF000  }
0x25: {  	_ =	swait.ge [sflag:s20], $0x1000  }
0x26: {  	s14 =	rddreg [dreg:$0x5]  }
0x27: {  	s23 =	rddreg [dreg:$0x4];
	s14 =	sadd.s32 $0x1, s14  }
0x28: {  	p0 =	sne.s32 s14, s23  }
.Ltmp1:
0x29: {  	_ = 	snop;
	(pc) =	sbr.rel @!p0 .LBB2_21-.Ltmp1, $3  }
0x2a: {  	_ =	sdelay $0x1  }
0x2b: {  	[sflag:s20] =	ssyncset.done $0x0  }
0x2c: {  	[sflag:s20] =	ssyncadd.s32 $0xFFFFF000  }
.LBB2_1:
0x2d: {  	[dreg:$0x5] =	wrdreg s14  }
0x2e: {  	s3 =	rddreg [dreg:$0x1];
	s15 =	simm.s32 $0x5  }
0x2f: {  	[tilespmem:s5], [sflag:$0x5] =	stream.linear.gather [hbm4b:s3+s5], $0x2, $0x38;
	[tilespmem:$0x10500] =	vst v63  }
0x30: {  	_ =	swait.ge [sflag:s15], $0x2  }
0x31: {  	[sflag:s15] =	ssyncset.done $0x0  }
0x32: {  	[sflag:s15] =	ssyncadd.s32 $0xFFFFFFFE  }
0x33: {  	v3 =	vld [tilespmem:$0x0]  }
0x34: {  	v2 =	vld [tilespmem:$0x1];
	_ =	sdelay $0x3  }
0x35: {  	(v2sf) =	vpush v3, $0x0  }
0x36: {  	(v2sf) =	vpush v2, $0x0;
	_ =	sdelay $0x4  }
0x37: {  	v2 =	vbroadcast v2, $0x0;
	_ =	sdelay $0x1  }
0x38: {  	v3 =	vbroadcast v3, $0x0;
	v4 =	vadd.s32 v1, v2  }
0x39: {  	v5 =	vshrl.u32 v4, $0x13;
	v6 =	vshll.u32 v4, $0xD  }
0x3a: {  	v4 =	vadd.s32 v3, v4;
	v5 =	vor.u32 v5, v6  }
0x3b: {  	v5 =	vxor.u32 v4, v5  }
0x3c: {  	v18 =	vshrl.u32 v5, $0x11;
	v7 =	vshll.u32 v5, $0xF  }
0x3d: {  	v4 =	vadd.s32 v4, v5;
	v19 =	vor.u32 v18, v7  }
0x3e: {  	v5 =	vxor.u32 v4, v19  }
0x3f: {  	v20 =	vshrl.u32 v5, $0x6;
	v21 =	vshll.u32 v5, $0x1A;
	s19 =	spop (v2sf)  }
0x40: {  	v4 =	vadd.s32 v4, v5;
	v22 =	vor.u32 v20, v21;
	s21 =	spop (v2sf)  }
0x41: {  	v5 =	vxor.u32 v4, v22;
	s3 =	sxor.u32 s21, s19  }
0x42: {  	v23 =	vshrl.u32 v5, $0x1A;
	v24 =	vshll.u32 v5, $0x6;
	s14 =	sxor.u32 $0x1BD11BDA, s3  }
0x43: {  	v4 =	vadd.s32 v4, v5;
	v25 =	vor.u32 v23, v24;
	v26 =	vmov s14  }
0x44: {  	v5 =	vxor.u32 v4, v25;
	v27 =	vadd.s32 $0x1, v26  }
0x45: {  	v5 =	vadd.s32 v5, v27  }
0x46: {  	v4 =	vadd.s32 v2, v4;
	v8 =	vshrl.u32 v5, $0xF;
	v9 =	vshll.u32 v5, $0x11  }
0x47: {  	v4 =	vadd.s32 v5, v4;
	v28 =	vor.u32 v8, v9  }
0x48: {  	v5 =	vxor.u32 v4, v28  }
0x49: {  	v29 =	vshrl.u32 v5, $0x3;
	v30 =	vshll.u32 v5, $0x1D  }
0x4a: {  	v4 =	vadd.s32 v4, v5;
	v31 =	vor.u32 v29, v30  }
0x4b: {  	v5 =	vxor.u32 v4, v31  }
0x4c: {  	v32 =	vshrl.u32 v5, $0x10;
	v33 =	vshll.u32 v5, $0x10  }
0x4d: {  	v4 =	vadd.s32 v4, v5;
	v34 =	vor.u32 v32, v33  }
0x4e: {  	v5 =	vxor.u32 v4, v34  }
0x4f: {  	v35 =	vshrl.u32 v5, $0x8;
	v36 =	vshll.u32 v5, $0x18  }
0x50: {  	v4 =	vadd.s32 v4, v5;
	v37 =	vor.u32 v35, v36  }
0x51: {  	v38 =	vadd.s32 $0x2, v3;
	v50 =	vadd.s32 v0, v2;
	v5 =	vxor.u32 v4, v37  }
0x52: {  	v51 =	vshrl.u32 v50, $0x13;
	v5 =	vadd.s32 v5, v38  }
0x53: {  	v4 =	vadd.s32 s14, v4;
	v39 =	vshrl.u32 v5, $0x13;
	v10 =	vshll.u32 v5, $0xD  }
0x54: {  	v11 =	vshll.u32 v50, $0xD;
	v4 =	vadd.s32 v5, v4;
	v40 =	vor.u32 v39, v10  }
0x55: {  	v9 =	vadd.s32 v3, v50;
	v10 =	vor.u32 v51, v11;
	v5 =	vxor.u32 v4, v40  }
0x56: {  	v10 =	vxor.u32 v9, v10;
	v41 =	vshrl.u32 v5, $0x11;
	v42 =	vshll.u32 v5, $0xF  }
0x57: {  	v9 =	vadd.s32 v9, v10;
	v52 =	vshrl.u32 v10, $0x11;
	v10 =	vshll.u32 v10, $0xF  }
0x58: {  	v4 =	vadd.s32 v4, v5;
	v43 =	vor.u32 v41, v42;
	v10 =	vor.u32 v52, v10  }
0x59: {  	v5 =	vxor.u32 v4, v43;
	v10 =	vxor.u32 v9, v10  }
0x5a: {  	v44 =	vshrl.u32 v5, $0x6;
	v45 =	vshll.u32 v5, $0x1A;
	v4 =	vadd.s32 v4, v5  }
0x5b: {  	v55 =	vshrl.u32 v10, $0x6;
	v56 =	vshll.u32 v10, $0x1A;
	v46 =	vor.u32 v44, v45  }
0x5c: {  	v9 =	vadd.s32 v9, v10;
	v57 =	vor.u32 v55, v56;
	v5 =	vxor.u32 v4, v46  }
0x5d: {  	v12 =	vadd.s32 $0x3, v2;
	v10 =	vxor.u32 v9, v57;
	v47 =	vshrl.u32 v5, $0x1A  }
0x5e: {  	v48 =	vshll.u32 v5, $0x6;
	v4 =	vadd.s32 v4, v5;
	v59 =	vshrl.u32 v10, $0x1A  }
0x5f: {  	v60 =	vshll.u32 v10, $0x6;
	v9 =	vadd.s32 v9, v10;
	v49 =	vor.u32 v47, v48  }
0x60: {  	v61 =	vor.u32 v59, v60;
	v5 =	vxor.u32 v4, v49;
	v4 =	vadd.s32 v3, v4  }
0x61: {  	v10 =	vxor.u32 v9, v61;
	v9 =	vadd.s32 v2, v9;
	v5 =	vadd.s32 v5, v12  }
0x62: {  	v7 =	vadd.s32 v10, v27;
	v13 =	vshrl.u32 v5, $0xF;
	v53 =	vshll.u32 v5, $0x11  }
0x63: {  	v4 =	vadd.s32 v5, v4;
	v10 =	vshrl.u32 v7, $0xF;
	v63 =	vshll.u32 v7, $0x11  }
0x64: {  	v7 =	vadd.s32 v7, v9;
	v54 =	vor.u32 v13, v53;
	v15 =	vor.u32 v10, v63  }
0x65: {  	v5 =	vxor.u32 v4, v54;
	v9 =	vxor.u32 v7, v15  }
0x66: {  	v4 =	vadd.s32 v4, v5;
	v58 =	vshrl.u32 v5, $0x3;
	v5 =	vshll.u32 v5, $0x1D  }
0x67: {  	v7 =	vadd.s32 v7, v9;
	v16 =	vshrl.u32 v9, $0x3;
	v9 =	vshll.u32 v9, $0x1D  }
0x68: {  	v5 =	vor.u32 v58, v5;
	v9 =	vor.u32 v16, v9  }
0x69: {  	v5 =	vxor.u32 v4, v5;
	v9 =	vxor.u32 v7, v9  }
0x6a: {  	v4 =	vadd.s32 v4, v5;
	v62 =	vshrl.u32 v5, $0x10;
	v5 =	vshll.u32 v5, $0x10  }
0x6b: {  	v20 =	vshrl.u32 v9, $0x10;
	v21 =	vshll.u32 v9, $0x10;
	v5 =	vor.u32 v62, v5  }
0x6c: {  	v7 =	vadd.s32 v7, v9;
	v22 =	vor.u32 v20, v21;
	v5 =	vxor.u32 v4, v5  }
0x6d: {  	v6 =	vadd.s32 $0x4, v26;
	v9 =	vxor.u32 v7, v22;
	v17 =	vshrl.u32 v5, $0x8  }
0x6e: {  	v18 =	vshll.u32 v5, $0x18;
	v4 =	vadd.s32 v4, v5;
	v7 =	vadd.s32 v7, v9  }
0x6f: {  	v23 =	vshrl.u32 v9, $0x8;
	v9 =	vshll.u32 v9, $0x18;
	v19 =	vor.u32 v17, v18  }
0x70: {  	v9 =	vor.u32 v23, v9;
	v5 =	vxor.u32 v4, v19;
	v4 =	vadd.s32 v2, v4  }
0x71: {  	v9 =	vxor.u32 v7, v9;
	v7 =	vadd.s32 s14, v7;
	v5 =	vadd.s32 v5, v6  }
0x72: {  	v8 =	vadd.s32 v9, v38;
	v24 =	vshrl.u32 v5, $0x13;
	v25 =	vshll.u32 v5, $0xD  }
0x73: {  	v4 =	vadd.s32 v5, v4;
	v9 =	vshrl.u32 v8, $0x13;
	v27 =	vshll.u32 v8, $0xD  }
0x74: {  	v7 =	vadd.s32 v8, v7;
	v26 =	vor.u32 v24, v25;
	v28 =	vor.u32 v9, v27  }
0x75: {  	v5 =	vxor.u32 v4, v26;
	v8 =	vxor.u32 v7, v28  }
0x76: {  	v4 =	vadd.s32 v4, v5;
	v29 =	vshrl.u32 v5, $0x11;
	v5 =	vshll.u32 v5, $0xF  }
0x77: {  	v30 =	vshrl.u32 v8, $0x11;
	v31 =	vshll.u32 v8, $0xF;
	v5 =	vor.u32 v29, v5  }
0x78: {  	v7 =	vadd.s32 v7, v8;
	v32 =	vor.u32 v30, v31;
	v5 =	vxor.u32 v4, v5  }
0x79: {  	v8 =	vxor.u32 v7, v32;
	v4 =	vadd.s32 v4, v5;
	v33 =	vshrl.u32 v5, $0x6  }
0x7a: {  	v5 =	vshll.u32 v5, $0x1A;
	v34 =	vshrl.u32 v8, $0x6;
	v35 =	vshll.u32 v8, $0x1A  }
0x7b: {  	v7 =	vadd.s32 v7, v8;
	v5 =	vor.u32 v33, v5;
	v36 =	vor.u32 v34, v35  }
0x7c: {  	v5 =	vxor.u32 v4, v5;
	v8 =	vxor.u32 v7, v36  }
0x7d: {  	v37 =	vshrl.u32 v5, $0x1A;
	v38 =	vshrl.u32 v8, $0x1A;
	v39 =	vshll.u32 v8, $0x6  }
0x7e: {  	v7 =	vadd.s32 v7, v8;
	v40 =	vshll.u32 v5, $0x6;
	v10 =	vor.u32 v38, v39  }
0x7f: {  	v4 =	vadd.s32 v4, v5;
	v41 =	vor.u32 v37, v40;
	v42 =	vxor.u32 v7, v10  }
0x80: {  	v5 =	vxor.u32 v4, v41;
	v8 =	vadd.s32 v42, v12  }
0x81: {  	v7 =	vadd.s32 v3, v7;
	v43 =	vshrl.u32 v8, $0xF;
	v44 =	vshll.u32 v8, $0x11  }
0x82: {  	v3 =	vadd.s32 $0x5, v3;
	v7 =	vadd.s32 v8, v7;
	v45 =	vor.u32 v43, v44  }
0x83: {  	v4 =	vadd.s32 s14, v4;
	v5 =	vadd.s32 v5, v3;
	v8 =	vxor.u32 v7, v45  }
0x84: {  	v4 =	vxor.u32 v4, v5;
	v46 =	vshrl.u32 v8, $0x3;
	v47 =	vshll.u32 v8, $0x1D  }
0x85: {  	v4 =	vshrl.u32 v4, $0x9;
	v7 =	vadd.s32 v7, v8;
	v5 =	vor.u32 v46, v47  }
0x86: {  	v4 =	vor.u32 $0x3F800000, v4;
	v5 =	vxor.u32 v7, v5  }
0x87: {  	v4 =	vadd.f32 $-1.000000000e+00, v4;
	v48 =	vshrl.u32 v5, $0x10;
	v49 =	vshll.u32 v5, $0x10  }
0x88: {  	v5 =	vadd.s32 v7, v5;
	v50 =	vor.u32 v48, v49  }
0x89: {  	v4 =	vmul.f32 $2.093056000e+06, v4;
	v7 =	vxor.u32 v5, v50  }
0x8a: {  	v51 =	vshrl.u32 v7, $0x8;
	v52 =	vshll.u32 v7, $0x18  }
0x8b: {  	v4 =	vmax.f32 v4, $0.0e+00;
	v5 =	vadd.s32 v5, v7;
	v53 =	vor.u32 v51, v52  }
0x8c: {  	v4 =	vtrunc.f32 v4;
	v7 =	vxor.u32 v5, v53  }
0x8d: {  	v4 =	vcvt.f32.s32 v4;
	v6 =	vadd.s32 v7, v6  }
0x8e: {  	v2 =	vadd.s32 v2, v5;
	v54 =	vshrl.u32 v6, $0x13;
	v7 =	vshll.u32 v6, $0xD  }
0x8f: {  	(v2sf) =	vpush v4, $0x0;
	v2 =	vadd.s32 v6, v2;
	v5 =	vor.u32 v54, v7  }
0x90: {  	v5 =	vxor.u32 v2, v5  }
0x91: {  	v55 =	vshrl.u32 v5, $0x11;
	v56 =	vshll.u32 v5, $0xF  }
0x92: {  	v2 =	vadd.s32 v2, v5;
	v57 =	vor.u32 v55, v56  }
0x93: {  	v5 =	vxor.u32 v2, v57  }
0x94: {  	v58 =	vshrl.u32 v5, $0x6;
	v59 =	vshll.u32 v5, $0x1A  }
0x95: {  	v2 =	vadd.s32 v2, v5;
	v60 =	vor.u32 v58, v59  }
0x96: {  	v5 =	vxor.u32 v2, v60  }
0x97: {  	v61 =	vshrl.u32 v5, $0x1A;
	v62 =	vshll.u32 v5, $0x6  }
0x98: {  	v2 =	vadd.s32 v2, v5;
	v63 =	vor.u32 v61, v62  }
0x99: {  	v5 =	vxor.u32 v2, v63  }
0x9a: {  	v2 =	vadd.s32 s14, v2;
	v3 =	vadd.s32 v5, v3  }
0x9b: {  	v2 =	vxor.u32 v2, v3  }
0x9c: {  	v2 =	vshrl.u32 v2, $0x9  }
0x9d: {  	v2 =	vor.u32 $0x3F800000, v2  }
0x9e: {  	s22 =	spop (v2sf);
	v2 =	vadd.f32 $-1.000000000e+00, v2  }
0x9f: {  	s23 =	sand.u32 $0x7, s22  }
0xa0: {  	s15 =	sshra.s32 s22, $0x1F;
	p1 =	slt.s32 s22, $0x1;
	p0 =	sne.s32 s23, $0x0;
	v2 =	vmul.f32 $2.093056000e+06, v2  }
0xa1: {  	s14 =	sshrl.u32 s15, $0x1D;
	p0 =	por !p1, !p0  }
0xa2: {  	s3 =	sadd.s32 s14, s22;
	s14 =	simm.s32 $0x1;
	p0 =	por !p0, !p0;
	v2 =	vmax.f32 v2, $0.0e+00  }
0xa3: {  	s3 =	sshrl.u32 s3, $0x3;
	s14 =	simm.s32 @!p0 $0x0;
	v2 =	vtrunc.f32 v2  }
0xa4: {  	s3 =	ssub.s32 s3, s14;
	v2 =	vcvt.f32.s32 v2  }
0xa5: {  	[tilespmem:$0x80] =	vst v4;
	s3 =	sand.u32 $0x1FFFFFFF, s3  }
0xa6: {  	s19 =	simm.s32 $0x100;
	s3 =	sadd.s32 s1, s3;
	[tilespmem:$0x90] =	vst v2  }
0xa7: {  	[tilespmem:s19], [sflag:$0x1] =	stream.linear.gather [hbm4b:s3+s5], $0x1008, $0x38;
	[tilespmem:$0x10500] =	vst v63  }
0xa8: {  	v2 =	vld [tilespmem:$0x81];
	_ =	sdelay $0x4  }
0xa9: {  	(v2sf) =	vpush v2, $0x0;
	_ =	sdelay $0xe  }
0xaa: {  	s21 =	spop (v2sf)  }
0xab: {  	s22 =	sand.u32 $0x7, s21  }
0xac: {  	s23 =	sshra.s32 s21, $0x1F;
	p6 =	slt.s32 s21, $0x1;
	p5 =	sne.s32 s22, $0x0  }
0xad: {  	s14 =	sshrl.u32 s23, $0x1D;
	p0 =	por !p6, !p5  }
0xae: {  	s3 =	sadd.s32 s14, s21;
	s14 =	simm.s32 $0x1;
	p0 =	por !p0, !p0  }
0xaf: {  	s3 =	sshrl.u32 s3, $0x3;
	s14 =	simm.s32 @!p0 $0x0  }
0xb0: {  	s3 =	ssub.s32 s3, s14  }
0xb1: {  	s3 =	sand.u32 $0x1FFFFFFF, s3  }
0xb2: {  	s15 =	simm.s32 $0x1180;
	s3 =	sadd.s32 s1, s3  }
0xb3: {  	[tilespmem:s15], [sflag:$0x1] =	stream.linear.gather [hbm4b:s3+s5], $0x1008, $0x38;
	[tilespmem:$0x10500] =	vst v63  }
0xb4: {  	v2 =	vld [tilespmem:$0x82];
	_ =	sdelay $0x4  }
0xb5: {  	(v2sf) =	vpush v2, $0x0;
	_ =	sdelay $0xe  }
0xb6: {  	s19 =	spop (v2sf)  }
0xb7: {  	s21 =	sand.u32 $0x7, s19  }
0xb8: {  	s22 =	sshra.s32 s19, $0x1F;
	p2 =	slt.s32 s19, $0x1;
	p1 =	sne.s32 s21, $0x0  }
0xb9: {  	s14 =	sshrl.u32 s22, $0x1D;
	p0 =	por !p2, !p1  }
0xba: {  	s3 =	sadd.s32 s14, s19;
	s14 =	simm.s32 $0x1;
	p0 =	por !p0, !p0  }
0xbb: {  	s3 =	sshrl.u32 s3, $0x3;
	s14 =	simm.s32 @!p0 $0x0  }
0xbc: {  	s3 =	ssub.s32 s3, s14  }
0xbd: {  	s3 =	sand.u32 $0x1FFFFFFF, s3  }
0xbe: {  	s23 =	simm.s32 $0x2200;
	s3 =	sadd.s32 s1, s3  }
0xbf: {  	[tilespmem:s23], [sflag:$0x1] =	stream.linear.gather [hbm4b:s3+s5], $0x1008, $0x38;
	[tilespmem:$0x10500] =	vst v63  }
0xc0: {  	v2 =	vld [tilespmem:$0x83];
	_ =	sdelay $0x4  }
0xc1: {  	(v2sf) =	vpush v2, $0x0;
	_ =	sdelay $0xe  }
0xc2: {  	s15 =	spop (v2sf)  }
0xc3: {  	s19 =	sand.u32 $0x7, s15  }
0xc4: {  	s21 =	sshra.s32 s15, $0x1F;
	p4 =	slt.s32 s15, $0x1;
	p3 =	sne.s32 s19, $0x0  }
0xc5: {  	s14 =	sshrl.u32 s21, $0x1D;
	p0 =	por !p4, !p3  }
0xc6: {  	s3 =	sadd.s32 s14, s15;
	s14 =	simm.s32 $0x1;
	p0 =	por !p0, !p0  }
0xc7: {  	s3 =	sshrl.u32 s3, $0x3;
	s14 =	simm.s32 @!p0 $0x0  }
0xc8: {  	s3 =	ssub.s32 s3, s14  }
0xc9: {  	s3 =	sand.u32 $0x1FFFFFFF, s3  }
0xca: {  	s22 =	simm.s32 $0x3280;
	s3 =	sadd.s32 s1, s3  }
0xcb: {  	[tilespmem:s22], [sflag:$0x1] =	stream.linear.gather [hbm4b:s3+s5], $0x1008, $0x38;
	[tilespmem:$0x10500] =	vst v63  }
0xcc: {  	v2 =	vld [tilespmem:$0x84];
	_ =	sdelay $0x4  }
0xcd: {  	(v2sf) =	vpush v2, $0x0;
	_ =	sdelay $0xe  }
0xce: {  	s23 =	spop (v2sf)  }
0xcf: {  	s15 =	sand.u32 $0x7, s23  }
0xd0: {  	s19 =	sshra.s32 s23, $0x1F;
	p6 =	slt.s32 s23, $0x1;
	p5 =	sne.s32 s15, $0x0  }
0xd1: {  	s14 =	sshrl.u32 s19, $0x1D;
	p0 =	por !p6, !p5  }
0xd2: {  	s3 =	sadd.s32 s14, s23;
	s14 =	simm.s32 $0x1;
	p0 =	por !p0, !p0  }
0xd3: {  	s3 =	sshrl.u32 s3, $0x3;
	s14 =	simm.s32 @!p0 $0x0  }
0xd4: {  	s3 =	ssub.s32 s3, s14  }
0xd5: {  	s3 =	sand.u32 $0x1FFFFFFF, s3  }
0xd6: {  	s21 =	simm.s32 $0x4300;
	s3 =	sadd.s32 s1, s3  }
0xd7: {  	[tilespmem:s21], [sflag:$0x2] =	stream.linear.gather [hbm4b:s3+s5], $0x1008, $0x38;
	[tilespmem:$0x10500] =	vst v63  }
0xd8: {  	v2 =	vld [tilespmem:$0x85];
	_ =	sdelay $0x4  }
0xd9: {  	(v2sf) =	vpush v2, $0x0;
	_ =	sdelay $0xe  }
0xda: {  	s22 =	spop (v2sf)  }
0xdb: {  	s23 =	sand.u32 $0x7, s22  }
0xdc: {  	s15 =	sshra.s32 s22, $0x1F;
	p2 =	slt.s32 s22, $0x1;
	p1 =	sne.s32 s23, $0x0  }
0xdd: {  	s14 =	sshrl.u32 s15, $0x1D;
	p0 =	por !p2, !p1  }
0xde: {  	s3 =	sadd.s32 s14, s22;
	s14 =	simm.s32 $0x1;
	p0 =	por !p0, !p0  }
0xdf: {  	s3 =	sshrl.u32 s3, $0x3;
	s14 =	simm.s32 @!p0 $0x0  }
0xe0: {  	s3 =	ssub.s32 s3, s14  }
0xe1: {  	s3 =	sand.u32 $0x1FFFFFFF, s3  }
0xe2: {  	s19 =	simm.s32 $0x5380;
	s3 =	sadd.s32 s1, s3  }
0xe3: {  	[tilespmem:s19], [sflag:$0x2] =	stream.linear.gather [hbm4b:s3+s5], $0x1008, $0x38;
	[tilespmem:$0x10500] =	vst v63  }
0xe4: {  	v2 =	vld [tilespmem:$0x86];
	_ =	sdelay $0x4  }
0xe5: {  	(v2sf) =	vpush v2, $0x0;
	_ =	sdelay $0xe  }
0xe6: {  	s21 =	spop (v2sf)  }
0xe7: {  	s22 =	sand.u32 $0x7, s21  }
0xe8: {  	s23 =	sshra.s32 s21, $0x1F;
	p4 =	slt.s32 s21, $0x1;
	p3 =	sne.s32 s22, $0x0  }
0xe9: {  	s14 =	sshrl.u32 s23, $0x1D;
	p0 =	por !p4, !p3  }
0xea: {  	s3 =	sadd.s32 s14, s21;
	s14 =	simm.s32 $0x1;
	p0 =	por !p0, !p0  }
0xeb: {  	s3 =	sshrl.u32 s3, $0x3;
	s14 =	simm.s32 @!p0 $0x0  }
0xec: {  	s3 =	ssub.s32 s3, s14  }
0xed: {  	s3 =	sand.u32 $0x1FFFFFFF, s3  }
0xee: {  	s15 =	simm.s32 $0x6400;
	s3 =	sadd.s32 s1, s3  }
0xef: {  	[tilespmem:s15], [sflag:$0x2] =	stream.linear.gather [hbm4b:s3+s5], $0x1008, $0x38;
	[tilespmem:$0x10500] =	vst v63  }
0xf0: {  	v2 =	vld [tilespmem:$0x87];
	_ =	sdelay $0x4  }
0xf1: {  	(v2sf) =	vpush v2, $0x0;
	_ =	sdelay $0xe  }
0xf2: {  	s19 =	spop (v2sf)  }
0xf3: {  	s21 =	sand.u32 $0x7, s19  }
0xf4: {  	s22 =	sshra.s32 s19, $0x1F;
	p6 =	slt.s32 s19, $0x1;
	p5 =	sne.s32 s21, $0x0  }
0xf5: {  	s14 =	sshrl.u32 s22, $0x1D;
	p0 =	por !p6, !p5  }
0xf6: {  	s3 =	sadd.s32 s14, s19;
	s14 =	simm.s32 $0x1;
	p0 =	por !p0, !p0  }
0xf7: {  	s3 =	sshrl.u32 s3, $0x3;
	s14 =	simm.s32 @!p0 $0x0  }
0xf8: {  	s3 =	ssub.s32 s3, s14  }
0xf9: {  	s3 =	sand.u32 $0x1FFFFFFF, s3  }
0xfa: {  	s23 =	simm.s32 $0x7480;
	s15 =	simm.s32 $0x0;
	s3 =	sadd.s32 s1, s3  }
0xfb: {  	[tilespmem:s23], [sflag:$0x2] =	stream.linear.gather [hbm4b:s3+s5], $0x1008, $0x38;
	[tilespmem:$0x10500] =	vst v63  }
.LBB2_2:
0xfc: {  	p0 =	seq.s32 s15, $0x0  }
0xfd: {  	s3 =	simm.s32 @!p0 $0x3  }
0xfe: {  	_ =	swait.ge @!p0 [sflag:s3], $0x1000  }
0xff: {  	[sflag:s3] =	ssyncset.done @!p0 $0x0  }
0x100: {  	[sflag:s3] =	ssyncadd.s32 @!p0 $0xFFFFF000  }
0x101: {  	_ =	swait.ge @!p0 [sflag:s3], $0x1000  }
0x102: {  	[sflag:s3] =	ssyncset.done @!p0 $0x0  }
0x103: {  	[sflag:s3] =	ssyncadd.s32 @!p0 $0xFFFFF000  }
0x104: {  	_ =	swait.ge @!p0 [sflag:s3], $0x1000  }
0x105: {  	[sflag:s3] =	ssyncset.done @!p0 $0x0  }
0x106: {  	[sflag:s3] =	ssyncadd.s32 @!p0 $0xFFFFF000  }
0x107: {  	_ =	swait.ge @!p0 [sflag:s3], $0x1000  }
0x108: {  	[sflag:s3] =	ssyncset.done @!p0 $0x0  }
0x109: {  	[sflag:s3] =	ssyncadd.s32 @!p0 $0xFFFFF000  }
0x10a: {  	_ =	swait.ge [sflag:s16], $0x1008  }
0x10b: {  	[sflag:s16] =	ssyncset.done $0x0  }
0x10c: {  	[sflag:s16] =	ssyncadd.s32 $0xFFFFEFF8  }
0x10d: {  	_ =	swait.ge [sflag:s16], $0x1008  }
0x10e: {  	[sflag:s16] =	ssyncset.done $0x0  }
0x10f: {  	[sflag:s16] =	ssyncadd.s32 $0xFFFFEFF8  }
0x110: {  	_ =	swait.ge [sflag:s16], $0x1008  }
0x111: {  	[sflag:s16] =	ssyncset.done $0x0  }
0x112: {  	[sflag:s16] =	ssyncadd.s32 $0xFFFFEFF8  }
0x113: {  	_ =	swait.ge [sflag:s16], $0x1008  }
0x114: {  	[sflag:s16] =	ssyncset.done $0x0  }
0x115: {  	s19 =	sshll.u32 s15, $0x3;
	[sflag:s16] =	ssyncadd.s32 $0xFFFFEFF8  }
0x116: {  	v2 =	vld [tilespmem:s19+$0x80];
	_ =	sdelay $0x4  }
0x117: {  	(v2sf) =	vpush v2, $0x0;
	_ =	sdelay $0xe  }
0x118: {  	s22 =	spop (v2sf)  }
0x119: {  	s14 =	sand.u32 $0x7, s22  }
0x11a: {  	s21 =	sshra.s32 s22, $0x1F;
	p6 =	slt.s32 s22, $0x1;
	p1 =	sne.s32 s14, $0x0  }
0x11b: {  	s23 =	sshrl.u32 s21, $0x1D;
	p0 =	por !p6, !p1  }
0x11c: {  	s21 =	simm.s32 $0x1;
	s14 =	sadd.s32 s23, s22;
	p0 =	por !p0, !p0  }
0x11d: {  	s14 =	sshrl.u32 s14, $0x3;
	s21 =	simm.s32 @!p0 $0x0  }
0x11e: {  	s14 =	ssub.s32 s21, s14  }
0x11f: {  	s3 =	sshll.u32 s22, $0x2;
	s14 =	sshll.u32 s14, $0x5  }
0x120: {  	s3 =	sadd.s32 s3, s14  }
0x121: {  	s3 =	sshra.s32 s3, $0x2  }
0x122: {  	s3 =	sadd.s32 $0x1F0, s3  }
0x123: {  	v2 =	vmov s3;
	_ =	sdelay $0x3  }
0x124: {  	s3 =	simm.s32 $0x0  }
0x125: {  	v3 =	vld.idx.msk [tilespmem:v2+s3+$0xFFFFFF10 ss:$0x1], $0xffff  }
0x126: {  	v4 =	vld.idx.msk [tilespmem:v2+s3+$0xFFFFFF20 ss:$0x1], $0xffff  }
0x127: {  	v5 =	vld.idx.msk [tilespmem:v2+s3+$0xFFFFFF30 ss:$0x1], $0xffff  }
0x128: {  	v6 =	vld.idx.msk [tilespmem:v2+s3+$0xFFFFFF40 ss:$0x1], $0xffff  }
0x129: {  	v7 =	vld.idx.msk [tilespmem:v2+s3+$0xFFFFFF50 ss:$0x1], $0xffff  }
0x12a: {  	v8 =	vld.idx.msk [tilespmem:v2+s3+$0xFFFFFF60 ss:$0x1], $0xffff  }
0x12b: {  	v9 =	vld.idx.msk [tilespmem:v2+s3+$0xFFFFFF70 ss:$0x1], $0xffff  }
0x12c: {  	v10 =	vld.idx.msk [tilespmem:v2+s3+$0xFFFFFF80 ss:$0x1], $0xffff  }
0x12d: {  	s14 =	simm.s32 $0x400;
	v11 =	vld.idx.msk [tilespmem:v2+s3+$0xFFFFFF90 ss:$0x1], $0xffff  }
.LBB2_3:
0x12e: {  	p0 =	sne.s32 s14, $0x3C00;
	v12 =	vld.idx.msk [tilespmem:v2+s3+$0x0 ss:$0x1], $0xffff  }
0x12f: {  	v13 =	vld.idx.msk [tilespmem:v2+s3+$0xFFFFFFA0 ss:$0x1], $0xffff  }
0x130: {  	v14 =	vld.idx.msk [tilespmem:v2+s3+$0xFFFFFFB0 ss:$0x1], $0xffff  }
0x131: {  	v15 =	vld.idx.msk [tilespmem:v2+s3+$0xFFFFFFC0 ss:$0x1], $0xffff  }
0x132: {  	v16 =	vld.idx.msk [tilespmem:v2+s3+$0xFFFFFFD0 ss:$0x1], $0xffff  }
0x133: {  	v17 =	vld.idx.msk [tilespmem:v2+s3+$0xFFFFFFE0 ss:$0x1], $0xffff  }
0x134: {  	v18 =	vld.idx.msk [tilespmem:v2+s3+$0xFFFFFFF0 ss:$0x1], $0xffff;
	[tilespmem:s3+$0x85F0] =	vst v12  }
0x135: {  	[tilespmem:s3+$0x8500] =	vst v3  }
0x136: {  	[tilespmem:s3+$0x8510] =	vst v4  }
0x137: {  	[tilespmem:s3+$0x8520] =	vst v5  }
0x138: {  	[tilespmem:s3+$0x8530] =	vst v6  }
0x139: {  	[tilespmem:s3+$0x8540] =	vst v7  }
0x13a: {  	[tilespmem:s3+$0x8550] =	vst v8  }
0x13b: {  	[tilespmem:s3+$0x8560] =	vst v9  }
0x13c: {  	[tilespmem:s3+$0x8570] =	vst v10  }
0x13d: {  	[tilespmem:s3+$0x8580] =	vst v11  }
0x13e: {  	[tilespmem:s3+$0x8590] =	vst v13  }
0x13f: {  	[tilespmem:s3+$0x85A0] =	vst v14  }
0x140: {  	[tilespmem:s3+$0x85B0] =	vst v15  }
0x141: {  	[tilespmem:s3+$0x85C0] =	vst v16  }
0x142: {  	[tilespmem:s3+$0x85D0] =	vst v17  }
0x143: {  	[tilespmem:s3+$0x85E0] =	vst v18;
	s3 =	sshra.s32 s14, $0x2  }
0x144: {  	v3 =	vld.idx.msk [tilespmem:v2+s3+$0xFFFFFF10 ss:$0x1], $0xffff  }
0x145: {  	v4 =	vld.idx.msk [tilespmem:v2+s3+$0xFFFFFF20 ss:$0x1], $0xffff  }
0x146: {  	v5 =	vld.idx.msk [tilespmem:v2+s3+$0xFFFFFF30 ss:$0x1], $0xffff  }
0x147: {  	v6 =	vld.idx.msk [tilespmem:v2+s3+$0xFFFFFF40 ss:$0x1], $0xffff  }
.Ltmp2:
0x148: {  	v7 =	vld.idx.msk [tilespmem:v2+s3+$0xFFFFFF50 ss:$0x1], $0xffff;
	(pc) =	sbr.rel @p0 .LBB2_3-.Ltmp2, $4  }
0x149: {  	v8 =	vld.idx.msk [tilespmem:v2+s3+$0xFFFFFF60 ss:$0x1], $0xffff  }
0x14a: {  	v9 =	vld.idx.msk [tilespmem:v2+s3+$0xFFFFFF70 ss:$0x1], $0xffff  }
0x14b: {  	v10 =	vld.idx.msk [tilespmem:v2+s3+$0xFFFFFF80 ss:$0x1], $0xffff  }
0x14c: {  	s14 =	sadd.s32 $0x400, s14;
	v11 =	vld.idx.msk [tilespmem:v2+s3+$0xFFFFFF90 ss:$0x1], $0xffff  }
0x14d: {  	_ =	sdelay $0x3  }
0x14e: {  	v12 =	vld.idx.msk [tilespmem:v2+s3+$0x0 ss:$0x1], $0xffff  }
0x14f: {  	v13 =	vld.idx.msk [tilespmem:v2+s3+$0xFFFFFFA0 ss:$0x1], $0xffff  }
0x150: {  	v14 =	vld.idx.msk [tilespmem:v2+s3+$0xFFFFFFB0 ss:$0x1], $0xffff  }
0x151: {  	v15 =	vld.idx.msk [tilespmem:v2+s3+$0xFFFFFFC0 ss:$0x1], $0xffff  }
0x152: {  	v16 =	vld.idx.msk [tilespmem:v2+s3+$0xFFFFFFD0 ss:$0x1], $0xffff  }
0x153: {  	v17 =	vld.idx.msk [tilespmem:v2+s3+$0xFFFFFFE0 ss:$0x1], $0xffff  }
0x154: {  	v2 =	vld.idx.msk [tilespmem:v2+s3+$0xFFFFFFF0 ss:$0x1], $0xffff;
	[tilespmem:s3+$0x8500] =	vst v3  }
0x155: {  	[tilespmem:s3+$0x8510] =	vst v4  }
0x156: {  	[tilespmem:s3+$0x8520] =	vst v5  }
0x157: {  	[tilespmem:s3+$0x8530] =	vst v6  }
0x158: {  	[tilespmem:s3+$0x8540] =	vst v7  }
0x159: {  	[tilespmem:s3+$0x8550] =	vst v8  }
0x15a: {  	[tilespmem:s3+$0x8560] =	vst v9  }
0x15b: {  	[tilespmem:s3+$0x8570] =	vst v10  }
0x15c: {  	[tilespmem:s3+$0x8580] =	vst v11  }
0x15d: {  	[tilespmem:s3+$0x85F0] =	vst v12  }
0x15e: {  	[tilespmem:s3+$0x8590] =	vst v13  }
0x15f: {  	[tilespmem:s3+$0x85A0] =	vst v14  }
0x160: {  	[tilespmem:s3+$0x85B0] =	vst v15  }
0x161: {  	s14 =	sor.u32 s6, s19;
	[tilespmem:s3+$0x85C0] =	vst v16  }
0x162: {  	s14 =	sshll.u32 s14, $0x9;
	[tilespmem:s3+$0x85D0] =	vst v17  }
0x163: {  	s22 =	sadd.s32 s24, s14;
	[tilespmem:s3+$0x85E0] =	vst v2  }
0x164: {  	[hbm4b:s22+s25] =	stream.strided.scatter [tilespmem:s28], [sflag:$0x3], $0x1000, s26, s25, $0x38;
	[tilespmem:$0x10500] =	vst v63  }
0x165: {  	v2 =	vld [tilespmem:s19+$0x81];
	_ =	sdelay $0x4  }
0x166: {  	(v2sf) =	vpush v2, $0x0;
	_ =	sdelay $0xe  }
0x167: {  	s3 =	spop (v2sf)  }
0x168: {  	s21 =	sand.u32 $0x7, s3  }
0x169: {  	s22 =	sshra.s32 s3, $0x1F;
	p0 =	slt.s32 s3, $0x1;
	p1 =	sne.s32 s21, $0x0  }
0x16a: {  	s23 =	sshrl.u32 s22, $0x1D;
	p0 =	por !p0, !p1  }
0x16b: {  	s22 =	simm.s32 $0x1;
	s21 =	sadd.s32 s23, s3;
	p0 =	por !p0, !p0  }
0x16c: {  	s21 =	sshrl.u32 s21, $0x3;
	s22 =	simm.s32 @!p0 $0x0  }
0x16d: {  	s21 =	ssub.s32 s22, s21  }
0x16e: {  	s3 =	sshll.u32 s3, $0x2;
	s21 =	sshll.u32 s21, $0x5  }
0x16f: {  	s3 =	sadd.s32 s3, s21  }
0x170: {  	s3 =	sshra.s32 s3, $0x2  }
0x171: {  	s3 =	sadd.s32 $0x1270, s3  }
0x172: {  	v2 =	vmov s3;
	_ =	sdelay $0x3  }
0x173: {  	s3 =	simm.s32 $0x0  }
0x174: {  	v3 =	vld.idx.msk [tilespmem:v2+s3+$0xFFFFFF10 ss:$0x1], $0xffff  }
0x175: {  	v4 =	vld.idx.msk [tilespmem:v2+s3+$0xFFFFFF20 ss:$0x1], $0xffff  }
0x176: {  	v5 =	vld.idx.msk [tilespmem:v2+s3+$0xFFFFFF30 ss:$0x1], $0xffff  }
0x177: {  	v6 =	vld.idx.msk [tilespmem:v2+s3+$0xFFFFFF40 ss:$0x1], $0xffff  }
0x178: {  	v7 =	vld.idx.msk [tilespmem:v2+s3+$0xFFFFFF50 ss:$0x1], $0xffff  }
0x179: {  	v8 =	vld.idx.msk [tilespmem:v2+s3+$0xFFFFFF60 ss:$0x1], $0xffff  }
0x17a: {  	v9 =	vld.idx.msk [tilespmem:v2+s3+$0xFFFFFF70 ss:$0x1], $0xffff  }
0x17b: {  	v10 =	vld.idx.msk [tilespmem:v2+s3+$0xFFFFFF80 ss:$0x1], $0xffff  }
0x17c: {  	s21 =	simm.s32 $0x400;
	v11 =	vld.idx.msk [tilespmem:v2+s3+$0xFFFFFF90 ss:$0x1], $0xffff  }
.LBB2_5:
0x17d: {  	p0 =	sne.s32 s21, $0x3C00;
	v12 =	vld.idx.msk [tilespmem:v2+s3+$0x0 ss:$0x1], $0xffff  }
0x17e: {  	v13 =	vld.idx.msk [tilespmem:v2+s3+$0xFFFFFFA0 ss:$0x1], $0xffff  }
0x17f: {  	v14 =	vld.idx.msk [tilespmem:v2+s3+$0xFFFFFFB0 ss:$0x1], $0xffff  }
0x180: {  	v15 =	vld.idx.msk [tilespmem:v2+s3+$0xFFFFFFC0 ss:$0x1], $0xffff  }
0x181: {  	v16 =	vld.idx.msk [tilespmem:v2+s3+$0xFFFFFFD0 ss:$0x1], $0xffff  }
0x182: {  	v17 =	vld.idx.msk [tilespmem:v2+s3+$0xFFFFFFE0 ss:$0x1], $0xffff  }
0x183: {  	v18 =	vld.idx.msk [tilespmem:v2+s3+$0xFFFFFFF0 ss:$0x1], $0xffff;
	[tilespmem:s3+$0x95F0] =	vst v12  }
0x184: {  	[tilespmem:s3+$0x9500] =	vst v3  }
0x185: {  	[tilespmem:s3+$0x9510] =	vst v4  }
0x186: {  	[tilespmem:s3+$0x9520] =	vst v5  }
0x187: {  	[tilespmem:s3+$0x9530] =	vst v6  }
0x188: {  	[tilespmem:s3+$0x9540] =	vst v7  }
0x189: {  	[tilespmem:s3+$0x9550] =	vst v8  }
0x18a: {  	[tilespmem:s3+$0x9560] =	vst v9  }
0x18b: {  	[tilespmem:s3+$0x9570] =	vst v10  }
0x18c: {  	[tilespmem:s3+$0x9580] =	vst v11  }
0x18d: {  	[tilespmem:s3+$0x9590] =	vst v13  }
0x18e: {  	[tilespmem:s3+$0x95A0] =	vst v14  }
0x18f: {  	[tilespmem:s3+$0x95B0] =	vst v15  }
0x190: {  	[tilespmem:s3+$0x95C0] =	vst v16  }
0x191: {  	[tilespmem:s3+$0x95D0] =	vst v17  }
0x192: {  	[tilespmem:s3+$0x95E0] =	vst v18;
	s3 =	sshra.s32 s21, $0x2  }
0x193: {  	v3 =	vld.idx.msk [tilespmem:v2+s3+$0xFFFFFF10 ss:$0x1], $0xffff  }
0x194: {  	v4 =	vld.idx.msk [tilespmem:v2+s3+$0xFFFFFF20 ss:$0x1], $0xffff  }
0x195: {  	v5 =	vld.idx.msk [tilespmem:v2+s3+$0xFFFFFF30 ss:$0x1], $0xffff  }
0x196: {  	v6 =	vld.idx.msk [tilespmem:v2+s3+$0xFFFFFF40 ss:$0x1], $0xffff  }
.Ltmp3:
0x197: {  	v7 =	vld.idx.msk [tilespmem:v2+s3+$0xFFFFFF50 ss:$0x1], $0xffff;
	(pc) =	sbr.rel @p0 .LBB2_5-.Ltmp3, $4  }
0x198: {  	v8 =	vld.idx.msk [tilespmem:v2+s3+$0xFFFFFF60 ss:$0x1], $0xffff  }
0x199: {  	v9 =	vld.idx.msk [tilespmem:v2+s3+$0xFFFFFF70 ss:$0x1], $0xffff  }
0x19a: {  	v10 =	vld.idx.msk [tilespmem:v2+s3+$0xFFFFFF80 ss:$0x1], $0xffff  }
0x19b: {  	s21 =	sadd.s32 $0x400, s21;
	v11 =	vld.idx.msk [tilespmem:v2+s3+$0xFFFFFF90 ss:$0x1], $0xffff  }
0x19c: {  	_ =	sdelay $0x3  }
0x19d: {  	v12 =	vld.idx.msk [tilespmem:v2+s3+$0x0 ss:$0x1], $0xffff  }
0x19e: {  	v13 =	vld.idx.msk [tilespmem:v2+s3+$0xFFFFFFA0 ss:$0x1], $0xffff  }
0x19f: {  	v14 =	vld.idx.msk [tilespmem:v2+s3+$0xFFFFFFB0 ss:$0x1], $0xffff  }
0x1a0: {  	v15 =	vld.idx.msk [tilespmem:v2+s3+$0xFFFFFFC0 ss:$0x1], $0xffff  }
0x1a1: {  	v16 =	vld.idx.msk [tilespmem:v2+s3+$0xFFFFFFD0 ss:$0x1], $0xffff  }
0x1a2: {  	v17 =	vld.idx.msk [tilespmem:v2+s3+$0xFFFFFFE0 ss:$0x1], $0xffff  }
0x1a3: {  	v2 =	vld.idx.msk [tilespmem:v2+s3+$0xFFFFFFF0 ss:$0x1], $0xffff;
	[tilespmem:s3+$0x9500] =	vst v3  }
0x1a4: {  	[tilespmem:s3+$0x9510] =	vst v4  }
0x1a5: {  	[tilespmem:s3+$0x9520] =	vst v5  }
0x1a6: {  	[tilespmem:s3+$0x9530] =	vst v6  }
0x1a7: {  	[tilespmem:s3+$0x9540] =	vst v7  }
0x1a8: {  	[tilespmem:s3+$0x9550] =	vst v8  }
0x1a9: {  	[tilespmem:s3+$0x9560] =	vst v9  }
0x1aa: {  	[tilespmem:s3+$0x9570] =	vst v10  }
0x1ab: {  	[tilespmem:s3+$0x9580] =	vst v11  }
0x1ac: {  	[tilespmem:s3+$0x95F0] =	vst v12  }
0x1ad: {  	[tilespmem:s3+$0x9590] =	vst v13  }
0x1ae: {  	[tilespmem:s3+$0x95A0] =	vst v14  }
0x1af: {  	[tilespmem:s3+$0x95B0] =	vst v15  }
0x1b0: {  	[tilespmem:s3+$0x95C0] =	vst v16  }
0x1b1: {  	[tilespmem:s3+$0x95D0] =	vst v17  }
0x1b2: {  	s22 =	sadd.s32 s14, s7;
	[tilespmem:s3+$0x95E0] =	vst v2  }
0x1b3: {  	[hbm4b:s22+s25] =	stream.strided.scatter [tilespmem:s29], [sflag:$0x3], $0x1000, s26, s25, $0x38;
	[tilespmem:$0x10500] =	vst v63  }
0x1b4: {  	v2 =	vld [tilespmem:s19+$0x82];
	_ =	sdelay $0x4  }
0x1b5: {  	(v2sf) =	vpush v2, $0x0;
	_ =	sdelay $0xe  }
0x1b6: {  	s3 =	spop (v2sf)  }
0x1b7: {  	s21 =	sand.u32 $0x7, s3  }
0x1b8: {  	s22 =	sshra.s32 s3, $0x1F;
	p0 =	slt.s32 s3, $0x1;
	p1 =	sne.s32 s21, $0x0  }
0x1b9: {  	s23 =	sshrl.u32 s22, $0x1D;
	p0 =	por !p0, !p1  }
0x1ba: {  	s22 =	simm.s32 $0x1;
	s21 =	sadd.s32 s23, s3;
	p0 =	por !p0, !p0  }
0x1bb: {  	s21 =	sshrl.u32 s21, $0x3;
	s22 =	simm.s32 @!p0 $0x0  }
0x1bc: {  	s21 =	ssub.s32 s22, s21  }
0x1bd: {  	s3 =	sshll.u32 s3, $0x2;
	s21 =	sshll.u32 s21, $0x5  }
0x1be: {  	s3 =	sadd.s32 s3, s21  }
0x1bf: {  	s3 =	sshra.s32 s3, $0x2  }
0x1c0: {  	s3 =	sadd.s32 $0x22F0, s3  }
0x1c1: {  	v2 =	vmov s3;
	_ =	sdelay $0x3  }
0x1c2: {  	s3 =	simm.s32 $0x0  }
0x1c3: {  	v3 =	vld.idx.msk [tilespmem:v2+s3+$0xFFFFFF10 ss:$0x1], $0xffff  }
0x1c4: {  	v4 =	vld.idx.msk [tilespmem:v2+s3+$0xFFFFFF20 ss:$0x1], $0xffff  }
0x1c5: {  	v5 =	vld.idx.msk [tilespmem:v2+s3+$0xFFFFFF30 ss:$0x1], $0xffff  }
0x1c6: {  	v6 =	vld.idx.msk [tilespmem:v2+s3+$0xFFFFFF40 ss:$0x1], $0xffff  }
0x1c7: {  	v7 =	vld.idx.msk [tilespmem:v2+s3+$0xFFFFFF50 ss:$0x1], $0xffff  }
0x1c8: {  	v8 =	vld.idx.msk [tilespmem:v2+s3+$0xFFFFFF60 ss:$0x1], $0xffff  }
0x1c9: {  	v9 =	vld.idx.msk [tilespmem:v2+s3+$0xFFFFFF70 ss:$0x1], $0xffff  }
0x1ca: {  	v10 =	vld.idx.msk [tilespmem:v2+s3+$0xFFFFFF80 ss:$0x1], $0xffff  }
0x1cb: {  	s21 =	simm.s32 $0x400;
	v11 =	vld.idx.msk [tilespmem:v2+s3+$0xFFFFFF90 ss:$0x1], $0xffff  }
.LBB2_7:
0x1cc: {  	p0 =	sne.s32 s21, $0x3C00;
	v12 =	vld.idx.msk [tilespmem:v2+s3+$0x0 ss:$0x1], $0xffff  }
0x1cd: {  	v13 =	vld.idx.msk [tilespmem:v2+s3+$0xFFFFFFA0 ss:$0x1], $0xffff  }
0x1ce: {  	v14 =	vld.idx.msk [tilespmem:v2+s3+$0xFFFFFFB0 ss:$0x1], $0xffff  }
0x1cf: {  	v15 =	vld.idx.msk [tilespmem:v2+s3+$0xFFFFFFC0 ss:$0x1], $0xffff  }
0x1d0: {  	v16 =	vld.idx.msk [tilespmem:v2+s3+$0xFFFFFFD0 ss:$0x1], $0xffff  }
0x1d1: {  	v17 =	vld.idx.msk [tilespmem:v2+s3+$0xFFFFFFE0 ss:$0x1], $0xffff  }
0x1d2: {  	v18 =	vld.idx.msk [tilespmem:v2+s3+$0xFFFFFFF0 ss:$0x1], $0xffff;
	[tilespmem:s3+$0xA5F0] =	vst v12  }
0x1d3: {  	[tilespmem:s3+$0xA500] =	vst v3  }
0x1d4: {  	[tilespmem:s3+$0xA510] =	vst v4  }
0x1d5: {  	[tilespmem:s3+$0xA520] =	vst v5  }
0x1d6: {  	[tilespmem:s3+$0xA530] =	vst v6  }
0x1d7: {  	[tilespmem:s3+$0xA540] =	vst v7  }
0x1d8: {  	[tilespmem:s3+$0xA550] =	vst v8  }
0x1d9: {  	[tilespmem:s3+$0xA560] =	vst v9  }
0x1da: {  	[tilespmem:s3+$0xA570] =	vst v10  }
0x1db: {  	[tilespmem:s3+$0xA580] =	vst v11  }
0x1dc: {  	[tilespmem:s3+$0xA590] =	vst v13  }
0x1dd: {  	[tilespmem:s3+$0xA5A0] =	vst v14  }
0x1de: {  	[tilespmem:s3+$0xA5B0] =	vst v15  }
0x1df: {  	[tilespmem:s3+$0xA5C0] =	vst v16  }
0x1e0: {  	[tilespmem:s3+$0xA5D0] =	vst v17  }
0x1e1: {  	[tilespmem:s3+$0xA5E0] =	vst v18;
	s3 =	sshra.s32 s21, $0x2  }
0x1e2: {  	v3 =	vld.idx.msk [tilespmem:v2+s3+$0xFFFFFF10 ss:$0x1], $0xffff  }
0x1e3: {  	v4 =	vld.idx.msk [tilespmem:v2+s3+$0xFFFFFF20 ss:$0x1], $0xffff  }
0x1e4: {  	v5 =	vld.idx.msk [tilespmem:v2+s3+$0xFFFFFF30 ss:$0x1], $0xffff  }
0x1e5: {  	v6 =	vld.idx.msk [tilespmem:v2+s3+$0xFFFFFF40 ss:$0x1], $0xffff  }
.Ltmp4:
0x1e6: {  	v7 =	vld.idx.msk [tilespmem:v2+s3+$0xFFFFFF50 ss:$0x1], $0xffff;
	(pc) =	sbr.rel @p0 .LBB2_7-.Ltmp4, $4  }
0x1e7: {  	v8 =	vld.idx.msk [tilespmem:v2+s3+$0xFFFFFF60 ss:$0x1], $0xffff  }
0x1e8: {  	v9 =	vld.idx.msk [tilespmem:v2+s3+$0xFFFFFF70 ss:$0x1], $0xffff  }
0x1e9: {  	v10 =	vld.idx.msk [tilespmem:v2+s3+$0xFFFFFF80 ss:$0x1], $0xffff  }
0x1ea: {  	s21 =	sadd.s32 $0x400, s21;
	v11 =	vld.idx.msk [tilespmem:v2+s3+$0xFFFFFF90 ss:$0x1], $0xffff  }
0x1eb: {  	_ =	sdelay $0x3  }
0x1ec: {  	v12 =	vld.idx.msk [tilespmem:v2+s3+$0x0 ss:$0x1], $0xffff  }
0x1ed: {  	v13 =	vld.idx.msk [tilespmem:v2+s3+$0xFFFFFFA0 ss:$0x1], $0xffff  }
0x1ee: {  	v14 =	vld.idx.msk [tilespmem:v2+s3+$0xFFFFFFB0 ss:$0x1], $0xffff  }
0x1ef: {  	v15 =	vld.idx.msk [tilespmem:v2+s3+$0xFFFFFFC0 ss:$0x1], $0xffff  }
0x1f0: {  	v16 =	vld.idx.msk [tilespmem:v2+s3+$0xFFFFFFD0 ss:$0x1], $0xffff  }
0x1f1: {  	v17 =	vld.idx.msk [tilespmem:v2+s3+$0xFFFFFFE0 ss:$0x1], $0xffff  }
0x1f2: {  	v2 =	vld.idx.msk [tilespmem:v2+s3+$0xFFFFFFF0 ss:$0x1], $0xffff;
	[tilespmem:s3+$0xA500] =	vst v3  }
0x1f3: {  	[tilespmem:s3+$0xA510] =	vst v4  }
0x1f4: {  	[tilespmem:s3+$0xA520] =	vst v5  }
0x1f5: {  	[tilespmem:s3+$0xA530] =	vst v6  }
0x1f6: {  	[tilespmem:s3+$0xA540] =	vst v7  }
0x1f7: {  	[tilespmem:s3+$0xA550] =	vst v8  }
0x1f8: {  	[tilespmem:s3+$0xA560] =	vst v9  }
0x1f9: {  	[tilespmem:s3+$0xA570] =	vst v10  }
0x1fa: {  	[tilespmem:s3+$0xA580] =	vst v11  }
0x1fb: {  	[tilespmem:s3+$0xA5F0] =	vst v12  }
0x1fc: {  	[tilespmem:s3+$0xA590] =	vst v13  }
0x1fd: {  	[tilespmem:s3+$0xA5A0] =	vst v14  }
0x1fe: {  	[tilespmem:s3+$0xA5B0] =	vst v15  }
0x1ff: {  	[tilespmem:s3+$0xA5C0] =	vst v16  }
0x200: {  	[tilespmem:s3+$0xA5D0] =	vst v17  }
0x201: {  	s22 =	sadd.s32 s14, s8;
	[tilespmem:s3+$0xA5E0] =	vst v2  }
0x202: {  	[hbm4b:s22+s25] =	stream.strided.scatter [tilespmem:s30], [sflag:$0x3], $0x1000, s26, s25, $0x38;
	[tilespmem:$0x10500] =	vst v63  }
0x203: {  	v2 =	vld [tilespmem:s19+$0x83];
	_ =	sdelay $0x4  }
0x204: {  	(v2sf) =	vpush v2, $0x0;
	_ =	sdelay $0xe  }
0x205: {  	s3 =	spop (v2sf)  }
0x206: {  	s21 =	sand.u32 $0x7, s3  }
0x207: {  	s22 =	sshra.s32 s3, $0x1F;
	p0 =	slt.s32 s3, $0x1;
	p1 =	sne.s32 s21, $0x0  }
0x208: {  	s23 =	sshrl.u32 s22, $0x1D;
	p0 =	por !p0, !p1  }
0x209: {  	s22 =	simm.s32 $0x1;
	s21 =	sadd.s32 s23, s3;
	p0 =	por !p0, !p0  }
0x20a: {  	s21 =	sshrl.u32 s21, $0x3;
	s22 =	simm.s32 @!p0 $0x0  }
0x20b: {  	s21 =	ssub.s32 s22, s21  }
0x20c: {  	s3 =	sshll.u32 s3, $0x2;
	s21 =	sshll.u32 s21, $0x5  }
0x20d: {  	s3 =	sadd.s32 s3, s21  }
0x20e: {  	s3 =	sshra.s32 s3, $0x2  }
0x20f: {  	s3 =	sadd.s32 $0x3370, s3  }
0x210: {  	v2 =	vmov s3;
	_ =	sdelay $0x3  }
0x211: {  	s3 =	simm.s32 $0x0  }
0x212: {  	v3 =	vld.idx.msk [tilespmem:v2+s3+$0xFFFFFF10 ss:$0x1], $0xffff  }
0x213: {  	v4 =	vld.idx.msk [tilespmem:v2+s3+$0xFFFFFF20 ss:$0x1], $0xffff  }
0x214: {  	v5 =	vld.idx.msk [tilespmem:v2+s3+$0xFFFFFF30 ss:$0x1], $0xffff  }
0x215: {  	v6 =	vld.idx.msk [tilespmem:v2+s3+$0xFFFFFF40 ss:$0x1], $0xffff  }
0x216: {  	v7 =	vld.idx.msk [tilespmem:v2+s3+$0xFFFFFF50 ss:$0x1], $0xffff  }
0x217: {  	v8 =	vld.idx.msk [tilespmem:v2+s3+$0xFFFFFF60 ss:$0x1], $0xffff  }
0x218: {  	v9 =	vld.idx.msk [tilespmem:v2+s3+$0xFFFFFF70 ss:$0x1], $0xffff  }
0x219: {  	v10 =	vld.idx.msk [tilespmem:v2+s3+$0xFFFFFF80 ss:$0x1], $0xffff  }
0x21a: {  	s21 =	simm.s32 $0x400;
	v11 =	vld.idx.msk [tilespmem:v2+s3+$0xFFFFFF90 ss:$0x1], $0xffff  }
.LBB2_9:
0x21b: {  	p0 =	sne.s32 s21, $0x3C00;
	v12 =	vld.idx.msk [tilespmem:v2+s3+$0x0 ss:$0x1], $0xffff  }
0x21c: {  	v13 =	vld.idx.msk [tilespmem:v2+s3+$0xFFFFFFA0 ss:$0x1], $0xffff  }
0x21d: {  	v14 =	vld.idx.msk [tilespmem:v2+s3+$0xFFFFFFB0 ss:$0x1], $0xffff  }
0x21e: {  	v15 =	vld.idx.msk [tilespmem:v2+s3+$0xFFFFFFC0 ss:$0x1], $0xffff  }
0x21f: {  	v16 =	vld.idx.msk [tilespmem:v2+s3+$0xFFFFFFD0 ss:$0x1], $0xffff  }
0x220: {  	v17 =	vld.idx.msk [tilespmem:v2+s3+$0xFFFFFFE0 ss:$0x1], $0xffff  }
0x221: {  	v18 =	vld.idx.msk [tilespmem:v2+s3+$0xFFFFFFF0 ss:$0x1], $0xffff;
	[tilespmem:s3+$0xB5F0] =	vst v12  }
0x222: {  	[tilespmem:s3+$0xB500] =	vst v3  }
0x223: {  	[tilespmem:s3+$0xB510] =	vst v4  }
0x224: {  	[tilespmem:s3+$0xB520] =	vst v5  }
0x225: {  	[tilespmem:s3+$0xB530] =	vst v6  }
0x226: {  	[tilespmem:s3+$0xB540] =	vst v7  }
0x227: {  	[tilespmem:s3+$0xB550] =	vst v8  }
0x228: {  	[tilespmem:s3+$0xB560] =	vst v9  }
0x229: {  	[tilespmem:s3+$0xB570] =	vst v10  }
0x22a: {  	[tilespmem:s3+$0xB580] =	vst v11  }
0x22b: {  	[tilespmem:s3+$0xB590] =	vst v13  }
0x22c: {  	[tilespmem:s3+$0xB5A0] =	vst v14  }
0x22d: {  	[tilespmem:s3+$0xB5B0] =	vst v15  }
0x22e: {  	[tilespmem:s3+$0xB5C0] =	vst v16  }
0x22f: {  	[tilespmem:s3+$0xB5D0] =	vst v17  }
0x230: {  	[tilespmem:s3+$0xB5E0] =	vst v18;
	s3 =	sshra.s32 s21, $0x2  }
0x231: {  	v3 =	vld.idx.msk [tilespmem:v2+s3+$0xFFFFFF10 ss:$0x1], $0xffff  }
0x232: {  	v4 =	vld.idx.msk [tilespmem:v2+s3+$0xFFFFFF20 ss:$0x1], $0xffff  }
0x233: {  	v5 =	vld.idx.msk [tilespmem:v2+s3+$0xFFFFFF30 ss:$0x1], $0xffff  }
0x234: {  	v6 =	vld.idx.msk [tilespmem:v2+s3+$0xFFFFFF40 ss:$0x1], $0xffff  }
.Ltmp5:
0x235: {  	v7 =	vld.idx.msk [tilespmem:v2+s3+$0xFFFFFF50 ss:$0x1], $0xffff;
	(pc) =	sbr.rel @p0 .LBB2_9-.Ltmp5, $4  }
0x236: {  	v8 =	vld.idx.msk [tilespmem:v2+s3+$0xFFFFFF60 ss:$0x1], $0xffff  }
0x237: {  	v9 =	vld.idx.msk [tilespmem:v2+s3+$0xFFFFFF70 ss:$0x1], $0xffff  }
0x238: {  	v10 =	vld.idx.msk [tilespmem:v2+s3+$0xFFFFFF80 ss:$0x1], $0xffff  }
0x239: {  	s21 =	sadd.s32 $0x400, s21;
	v11 =	vld.idx.msk [tilespmem:v2+s3+$0xFFFFFF90 ss:$0x1], $0xffff  }
0x23a: {  	_ =	sdelay $0x3  }
0x23b: {  	v12 =	vld.idx.msk [tilespmem:v2+s3+$0x0 ss:$0x1], $0xffff  }
0x23c: {  	v13 =	vld.idx.msk [tilespmem:v2+s3+$0xFFFFFFA0 ss:$0x1], $0xffff  }
0x23d: {  	v14 =	vld.idx.msk [tilespmem:v2+s3+$0xFFFFFFB0 ss:$0x1], $0xffff  }
0x23e: {  	v15 =	vld.idx.msk [tilespmem:v2+s3+$0xFFFFFFC0 ss:$0x1], $0xffff  }
0x23f: {  	v16 =	vld.idx.msk [tilespmem:v2+s3+$0xFFFFFFD0 ss:$0x1], $0xffff  }
0x240: {  	v17 =	vld.idx.msk [tilespmem:v2+s3+$0xFFFFFFE0 ss:$0x1], $0xffff  }
0x241: {  	v2 =	vld.idx.msk [tilespmem:v2+s3+$0xFFFFFFF0 ss:$0x1], $0xffff;
	[tilespmem:s3+$0xB500] =	vst v3  }
0x242: {  	[tilespmem:s3+$0xB510] =	vst v4  }
0x243: {  	[tilespmem:s3+$0xB520] =	vst v5  }
0x244: {  	[tilespmem:s3+$0xB530] =	vst v6  }
0x245: {  	[tilespmem:s3+$0xB540] =	vst v7  }
0x246: {  	[tilespmem:s3+$0xB550] =	vst v8  }
0x247: {  	[tilespmem:s3+$0xB560] =	vst v9  }
0x248: {  	[tilespmem:s3+$0xB570] =	vst v10  }
0x249: {  	[tilespmem:s3+$0xB580] =	vst v11  }
0x24a: {  	[tilespmem:s3+$0xB5F0] =	vst v12  }
0x24b: {  	[tilespmem:s3+$0xB590] =	vst v13  }
0x24c: {  	[tilespmem:s3+$0xB5A0] =	vst v14  }
0x24d: {  	[tilespmem:s3+$0xB5B0] =	vst v15  }
0x24e: {  	[tilespmem:s3+$0xB5C0] =	vst v16  }
0x24f: {  	[tilespmem:s3+$0xB5D0] =	vst v17  }
0x250: {  	s21 =	sadd.s32 s14, s9;
	p0 =	seq.s32 s15, $0x3;
	[tilespmem:s3+$0xB5E0] =	vst v2  }
0x251: {  	[hbm4b:s21+s25] =	stream.strided.scatter [tilespmem:s31], [sflag:$0x3], $0x1000, s26, s25, $0x38;
	[tilespmem:$0x10500] =	vst v63  }
0x252: {  	v2 =	vld @!p0 [tilespmem:s19+$0x88];
	_ =	sdelay $0x4  }
0x253: {  	(v2sf) =	vpush @!p0 v2, $0x0;
	_ =	sdelay $0xe  }
0x254: {  	s3 =	spop @!p0 (v2sf)  }
0x255: {  	s21 =	sand.u32 @!p0 $0x7, s3  }
0x256: {  	p1 =	slt.s32 @!p0 s3, $0x1;
	p2 =	sne.s32 @!p0 s21, $0x0  }
0x257: {  	s21 =	sshra.s32 @!p0 s3, $0x1F;
	p1 =	por @!p0 !p1, !p2  }
0x258: {  	s21 =	sshrl.u32 @!p0 s21, $0x1D;
	p1 =	por @!p0 !p1, !p1  }
0x259: {  	s3 =	sadd.s32 @!p0 s21, s3;
	s21 =	simm.s32 @!p0 $0x1;
	p1 =	por !p1, p0  }
0x25a: {  	s3 =	sshrl.u32 @!p0 s3, $0x3;
	s21 =	simm.s32 @p1 $0x0  }
0x25b: {  	s3 =	ssub.s32 @!p0 s3, s21  }
0x25c: {  	s3 =	sand.u32 @!p0 $0x1FFFFFFF, s3  }
0x25d: {  	s22 =	simm.s32 @!p0 $0x100;
	s21 =	sadd.s32 @!p0 s1, s3;
	s3 =	simm.s32 @!p0 $0x0  }
0x25e: {  	[tilespmem:s22], [sflag:$0x1] =	stream.linear.gather @!p0 [hbm4b:s21+s3], $0x1008, $0x38;
	[tilespmem:$0x10500] =	vst v63  }
0x25f: {  	v2 =	vld @!p0 [tilespmem:s19+$0x89];
	_ =	sdelay $0x4  }
0x260: {  	(v2sf) =	vpush @!p0 v2, $0x0;
	_ =	sdelay $0xe  }
0x261: {  	s21 =	spop @!p0 (v2sf)  }
0x262: {  	s22 =	sand.u32 @!p0 $0x7, s21  }
0x263: {  	p1 =	slt.s32 @!p0 s21, $0x1;
	p2 =	sne.s32 @!p0 s22, $0x0  }
0x264: {  	s22 =	sshra.s32 @!p0 s21, $0x1F;
	p1 =	por @!p0 !p1, !p2  }
0x265: {  	s22 =	sshrl.u32 @!p0 s22, $0x1D;
	p1 =	por @!p0 !p1, !p1  }
0x266: {  	s21 =	sadd.s32 @!p0 s22, s21;
	s22 =	simm.s32 @!p0 $0x1;
	p1 =	por !p1, p0  }
0x267: {  	s21 =	sshrl.u32 @!p0 s21, $0x3;
	s22 =	simm.s32 @p1 $0x0  }
0x268: {  	s21 =	ssub.s32 @!p0 s21, s22  }
0x269: {  	s21 =	sand.u32 @!p0 $0x1FFFFFFF, s21  }
0x26a: {  	s22 =	simm.s32 @!p0 $0x1180;
	s21 =	sadd.s32 @!p0 s1, s21  }
0x26b: {  	[tilespmem:s22], [sflag:$0x1] =	stream.linear.gather @!p0 [hbm4b:s21+s3], $0x1008, $0x38;
	[tilespmem:$0x10500] =	vst v63  }
0x26c: {  	v2 =	vld @!p0 [tilespmem:s19+$0x8A];
	_ =	sdelay $0x4  }
0x26d: {  	(v2sf) =	vpush @!p0 v2, $0x0;
	_ =	sdelay $0xe  }
0x26e: {  	s21 =	spop @!p0 (v2sf)  }
0x26f: {  	s22 =	sand.u32 @!p0 $0x7, s21  }
0x270: {  	p1 =	slt.s32 @!p0 s21, $0x1;
	p2 =	sne.s32 @!p0 s22, $0x0  }
0x271: {  	s22 =	sshra.s32 @!p0 s21, $0x1F;
	p1 =	por @!p0 !p1, !p2  }
0x272: {  	s22 =	sshrl.u32 @!p0 s22, $0x1D;
	p1 =	por @!p0 !p1, !p1  }
0x273: {  	s21 =	sadd.s32 @!p0 s22, s21;
	s22 =	simm.s32 @!p0 $0x1;
	p1 =	por !p1, p0  }
0x274: {  	s21 =	sshrl.u32 @!p0 s21, $0x3;
	s22 =	simm.s32 @p1 $0x0  }
0x275: {  	s21 =	ssub.s32 @!p0 s21, s22  }
0x276: {  	s21 =	sand.u32 @!p0 $0x1FFFFFFF, s21  }
0x277: {  	s22 =	simm.s32 @!p0 $0x2200;
	s21 =	sadd.s32 @!p0 s1, s21  }
0x278: {  	[tilespmem:s22], [sflag:$0x1] =	stream.linear.gather @!p0 [hbm4b:s21+s3], $0x1008, $0x38;
	[tilespmem:$0x10500] =	vst v63  }
0x279: {  	v2 =	vld @!p0 [tilespmem:s19+$0x8B];
	_ =	sdelay $0x4  }
0x27a: {  	(v2sf) =	vpush @!p0 v2, $0x0;
	_ =	sdelay $0xe  }
0x27b: {  	s21 =	spop @!p0 (v2sf)  }
0x27c: {  	s22 =	sand.u32 @!p0 $0x7, s21  }
0x27d: {  	p1 =	slt.s32 @!p0 s21, $0x1;
	p2 =	sne.s32 @!p0 s22, $0x0  }
0x27e: {  	s22 =	sshra.s32 @!p0 s21, $0x1F;
	p1 =	por @!p0 !p1, !p2  }
0x27f: {  	s22 =	sshrl.u32 @!p0 s22, $0x1D;
	p1 =	por @!p0 !p1, !p1  }
0x280: {  	s23 =	simm.s32 @!p0 $0x1;
	s21 =	sadd.s32 @!p0 s22, s21;
	p1 =	por !p1, p0  }
0x281: {  	s21 =	sshrl.u32 @!p0 s21, $0x3;
	s23 =	simm.s32 @p1 $0x0  }
0x282: {  	s21 =	ssub.s32 @!p0 s21, s23  }
0x283: {  	p1 =	seq.s32 @!p0 s15, $0x0;
	s21 =	sand.u32 @!p0 $0x1FFFFFFF, s21  }
0x284: {  	s22 =	simm.s32 @!p0 $0x3280;
	p1 =	por p0, !p1;
	s21 =	sadd.s32 @!p0 s1, s21  }
0x285: {  	[tilespmem:s22], [sflag:$0x1] =	stream.linear.gather @!p0 [hbm4b:s21+s3], $0x1008, $0x38;
	[tilespmem:$0x10500] =	vst v63  }
0x286: {  	_ =	swait.ge @p1 [sflag:s20], $0x1000  }
0x287: {  	[sflag:s20] =	ssyncset.done @p1 $0x0  }
0x288: {  	[sflag:s20] =	ssyncadd.s32 @p1 $0xFFFFF000  }
0x289: {  	_ =	swait.ge @p1 [sflag:s20], $0x1000  }
0x28a: {  	[sflag:s20] =	ssyncset.done @p1 $0x0  }
0x28b: {  	[sflag:s20] =	ssyncadd.s32 @p1 $0xFFFFF000  }
0x28c: {  	_ =	swait.ge @p1 [sflag:s20], $0x1000  }
0x28d: {  	[sflag:s20] =	ssyncset.done @p1 $0x0  }
0x28e: {  	[sflag:s20] =	ssyncadd.s32 @p1 $0xFFFFF000  }
0x28f: {  	_ =	swait.ge @p1 [sflag:s20], $0x1000  }
0x290: {  	[sflag:s20] =	ssyncset.done @p1 $0x0  }
0x291: {  	[sflag:s20] =	ssyncadd.s32 @p1 $0xFFFFF000  }
0x292: {  	_ =	swait.ge [sflag:s0], $0x1008  }
0x293: {  	[sflag:s0] =	ssyncset.done $0x0  }
0x294: {  	[sflag:s0] =	ssyncadd.s32 $0xFFFFEFF8  }
0x295: {  	_ =	swait.ge [sflag:s0], $0x1008  }
0x296: {  	[sflag:s0] =	ssyncset.done $0x0  }
0x297: {  	[sflag:s0] =	ssyncadd.s32 $0xFFFFEFF8  }
0x298: {  	_ =	swait.ge [sflag:s0], $0x1008  }
0x299: {  	[sflag:s0] =	ssyncset.done $0x0  }
0x29a: {  	[sflag:s0] =	ssyncadd.s32 $0xFFFFEFF8  }
0x29b: {  	_ =	swait.ge [sflag:s0], $0x1008  }
0x29c: {  	[sflag:s0] =	ssyncset.done $0x0  }
0x29d: {  	[sflag:s0] =	ssyncadd.s32 $0xFFFFEFF8  }
0x29e: {  	v2 =	vld [tilespmem:s19+$0x84];
	_ =	sdelay $0x4  }
0x29f: {  	(v2sf) =	vpush v2, $0x0;
	_ =	sdelay $0xe  }
0x2a0: {  	s3 =	spop (v2sf)  }
0x2a1: {  	s22 =	sand.u32 $0x7, s3  }
0x2a2: {  	s23 =	sshra.s32 s3, $0x1F;
	p5 =	slt.s32 s3, $0x1;
	p6 =	sne.s32 s22, $0x0  }
0x2a3: {  	s23 =	sshrl.u32 s23, $0x1D;
	p1 =	por !p5, !p6  }
0x2a4: {  	s22 =	simm.s32 $0x1;
	s21 =	sadd.s32 s23, s3;
	p1 =	por !p1, !p1  }
0x2a5: {  	s21 =	sshrl.u32 s21, $0x3;
	s22 =	simm.s32 @!p1 $0x0  }
0x2a6: {  	s21 =	ssub.s32 s22, s21  }
0x2a7: {  	s3 =	sshll.u32 s3, $0x2;
	s21 =	sshll.u32 s21, $0x5  }
0x2a8: {  	s3 =	sadd.s32 s3, s21  }
0x2a9: {  	s3 =	sshra.s32 s3, $0x2  }
0x2aa: {  	s3 =	sadd.s32 $0x43F0, s3  }
0x2ab: {  	v2 =	vmov s3;
	_ =	sdelay $0x3  }
0x2ac: {  	s3 =	simm.s32 $0x0  }
0x2ad: {  	v3 =	vld.idx.msk [tilespmem:v2+s3+$0xFFFFFF10 ss:$0x1], $0xffff  }
0x2ae: {  	v4 =	vld.idx.msk [tilespmem:v2+s3+$0xFFFFFF20 ss:$0x1], $0xffff  }
0x2af: {  	v5 =	vld.idx.msk [tilespmem:v2+s3+$0xFFFFFF30 ss:$0x1], $0xffff  }
0x2b0: {  	v6 =	vld.idx.msk [tilespmem:v2+s3+$0xFFFFFF40 ss:$0x1], $0xffff  }
0x2b1: {  	v7 =	vld.idx.msk [tilespmem:v2+s3+$0xFFFFFF50 ss:$0x1], $0xffff  }
0x2b2: {  	v8 =	vld.idx.msk [tilespmem:v2+s3+$0xFFFFFF60 ss:$0x1], $0xffff  }
0x2b3: {  	v9 =	vld.idx.msk [tilespmem:v2+s3+$0xFFFFFF70 ss:$0x1], $0xffff  }
0x2b4: {  	v10 =	vld.idx.msk [tilespmem:v2+s3+$0xFFFFFF80 ss:$0x1], $0xffff  }
0x2b5: {  	s21 =	simm.s32 $0x400;
	v11 =	vld.idx.msk [tilespmem:v2+s3+$0xFFFFFF90 ss:$0x1], $0xffff  }
.LBB2_11:
0x2b6: {  	p1 =	sne.s32 s21, $0x3C00;
	v12 =	vld.idx.msk [tilespmem:v2+s3+$0x0 ss:$0x1], $0xffff  }
0x2b7: {  	v13 =	vld.idx.msk [tilespmem:v2+s3+$0xFFFFFFA0 ss:$0x1], $0xffff  }
0x2b8: {  	v14 =	vld.idx.msk [tilespmem:v2+s3+$0xFFFFFFB0 ss:$0x1], $0xffff  }
0x2b9: {  	v15 =	vld.idx.msk [tilespmem:v2+s3+$0xFFFFFFC0 ss:$0x1], $0xffff  }
0x2ba: {  	v16 =	vld.idx.msk [tilespmem:v2+s3+$0xFFFFFFD0 ss:$0x1], $0xffff  }
0x2bb: {  	v17 =	vld.idx.msk [tilespmem:v2+s3+$0xFFFFFFE0 ss:$0x1], $0xffff  }
0x2bc: {  	v18 =	vld.idx.msk [tilespmem:v2+s3+$0xFFFFFFF0 ss:$0x1], $0xffff;
	[tilespmem:s3+$0xC5F0] =	vst v12  }
0x2bd: {  	[tilespmem:s3+$0xC500] =	vst v3  }
0x2be: {  	[tilespmem:s3+$0xC510] =	vst v4  }
0x2bf: {  	[tilespmem:s3+$0xC520] =	vst v5  }
0x2c0: {  	[tilespmem:s3+$0xC530] =	vst v6  }
0x2c1: {  	[tilespmem:s3+$0xC540] =	vst v7  }
0x2c2: {  	[tilespmem:s3+$0xC550] =	vst v8  }
0x2c3: {  	[tilespmem:s3+$0xC560] =	vst v9  }
0x2c4: {  	[tilespmem:s3+$0xC570] =	vst v10  }
0x2c5: {  	[tilespmem:s3+$0xC580] =	vst v11  }
0x2c6: {  	[tilespmem:s3+$0xC590] =	vst v13  }
0x2c7: {  	[tilespmem:s3+$0xC5A0] =	vst v14  }
0x2c8: {  	[tilespmem:s3+$0xC5B0] =	vst v15  }
0x2c9: {  	[tilespmem:s3+$0xC5C0] =	vst v16  }
0x2ca: {  	[tilespmem:s3+$0xC5D0] =	vst v17  }
0x2cb: {  	[tilespmem:s3+$0xC5E0] =	vst v18;
	s3 =	sshra.s32 s21, $0x2  }
0x2cc: {  	v3 =	vld.idx.msk [tilespmem:v2+s3+$0xFFFFFF10 ss:$0x1], $0xffff  }
0x2cd: {  	v4 =	vld.idx.msk [tilespmem:v2+s3+$0xFFFFFF20 ss:$0x1], $0xffff  }
0x2ce: {  	v5 =	vld.idx.msk [tilespmem:v2+s3+$0xFFFFFF30 ss:$0x1], $0xffff  }
0x2cf: {  	v6 =	vld.idx.msk [tilespmem:v2+s3+$0xFFFFFF40 ss:$0x1], $0xffff  }
.Ltmp6:
0x2d0: {  	v7 =	vld.idx.msk [tilespmem:v2+s3+$0xFFFFFF50 ss:$0x1], $0xffff;
	(pc) =	sbr.rel @p1 .LBB2_11-.Ltmp6, $4  }
0x2d1: {  	v8 =	vld.idx.msk [tilespmem:v2+s3+$0xFFFFFF60 ss:$0x1], $0xffff  }
0x2d2: {  	v9 =	vld.idx.msk [tilespmem:v2+s3+$0xFFFFFF70 ss:$0x1], $0xffff  }
0x2d3: {  	v10 =	vld.idx.msk [tilespmem:v2+s3+$0xFFFFFF80 ss:$0x1], $0xffff  }
0x2d4: {  	s21 =	sadd.s32 $0x400, s21;
	v11 =	vld.idx.msk [tilespmem:v2+s3+$0xFFFFFF90 ss:$0x1], $0xffff  }
0x2d5: {  	_ =	sdelay $0x3  }
0x2d6: {  	v12 =	vld.idx.msk [tilespmem:v2+s3+$0x0 ss:$0x1], $0xffff  }
0x2d7: {  	v13 =	vld.idx.msk [tilespmem:v2+s3+$0xFFFFFFA0 ss:$0x1], $0xffff  }
0x2d8: {  	v14 =	vld.idx.msk [tilespmem:v2+s3+$0xFFFFFFB0 ss:$0x1], $0xffff  }
0x2d9: {  	v15 =	vld.idx.msk [tilespmem:v2+s3+$0xFFFFFFC0 ss:$0x1], $0xffff  }
0x2da: {  	v16 =	vld.idx.msk [tilespmem:v2+s3+$0xFFFFFFD0 ss:$0x1], $0xffff  }
0x2db: {  	v17 =	vld.idx.msk [tilespmem:v2+s3+$0xFFFFFFE0 ss:$0x1], $0xffff  }
0x2dc: {  	v2 =	vld.idx.msk [tilespmem:v2+s3+$0xFFFFFFF0 ss:$0x1], $0xffff;
	[tilespmem:s3+$0xC500] =	vst v3  }
0x2dd: {  	[tilespmem:s3+$0xC510] =	vst v4  }
0x2de: {  	[tilespmem:s3+$0xC520] =	vst v5  }
0x2df: {  	[tilespmem:s3+$0xC530] =	vst v6  }
0x2e0: {  	[tilespmem:s3+$0xC540] =	vst v7  }
0x2e1: {  	[tilespmem:s3+$0xC550] =	vst v8  }
0x2e2: {  	[tilespmem:s3+$0xC560] =	vst v9  }
0x2e3: {  	[tilespmem:s3+$0xC570] =	vst v10  }
0x2e4: {  	[tilespmem:s3+$0xC580] =	vst v11  }
0x2e5: {  	[tilespmem:s3+$0xC5F0] =	vst v12  }
0x2e6: {  	[tilespmem:s3+$0xC590] =	vst v13  }
0x2e7: {  	[tilespmem:s3+$0xC5A0] =	vst v14  }
0x2e8: {  	[tilespmem:s3+$0xC5B0] =	vst v15  }
0x2e9: {  	[tilespmem:s3+$0xC5C0] =	vst v16  }
0x2ea: {  	[tilespmem:s3+$0xC5D0] =	vst v17  }
0x2eb: {  	s22 =	sadd.s32 s14, s10;
	[tilespmem:s3+$0xC5E0] =	vst v2  }
0x2ec: {  	[hbm4b:s22+s25] =	stream.strided.scatter [tilespmem:s4], [sflag:$0x4], $0x1000, s26, s25, $0x38;
	[tilespmem:$0x10500] =	vst v63  }
0x2ed: {  	v2 =	vld [tilespmem:s19+$0x85];
	_ =	sdelay $0x4  }
0x2ee: {  	(v2sf) =	vpush v2, $0x0;
	_ =	sdelay $0xe  }
0x2ef: {  	s3 =	spop (v2sf)  }
0x2f0: {  	s21 =	sand.u32 $0x7, s3  }
0x2f1: {  	s22 =	sshra.s32 s3, $0x1F;
	p1 =	slt.s32 s3, $0x1;
	p2 =	sne.s32 s21, $0x0  }
0x2f2: {  	s23 =	sshrl.u32 s22, $0x1D;
	p1 =	por !p1, !p2  }
0x2f3: {  	s22 =	simm.s32 $0x1;
	s21 =	sadd.s32 s23, s3;
	p1 =	por !p1, !p1  }
0x2f4: {  	s21 =	sshrl.u32 s21, $0x3;
	s22 =	simm.s32 @!p1 $0x0  }
0x2f5: {  	s21 =	ssub.s32 s22, s21  }
0x2f6: {  	s3 =	sshll.u32 s3, $0x2;
	s21 =	sshll.u32 s21, $0x5  }
0x2f7: {  	s3 =	sadd.s32 s3, s21  }
0x2f8: {  	s3 =	sshra.s32 s3, $0x2  }
0x2f9: {  	s3 =	sadd.s32 $0x5470, s3  }
0x2fa: {  	v2 =	vmov s3;
	_ =	sdelay $0x3  }
0x2fb: {  	s3 =	simm.s32 $0x0  }
0x2fc: {  	v3 =	vld.idx.msk [tilespmem:v2+s3+$0xFFFFFF10 ss:$0x1], $0xffff  }
0x2fd: {  	v4 =	vld.idx.msk [tilespmem:v2+s3+$0xFFFFFF20 ss:$0x1], $0xffff  }
0x2fe: {  	v5 =	vld.idx.msk [tilespmem:v2+s3+$0xFFFFFF30 ss:$0x1], $0xffff  }
0x2ff: {  	v6 =	vld.idx.msk [tilespmem:v2+s3+$0xFFFFFF40 ss:$0x1], $0xffff  }
0x300: {  	v7 =	vld.idx.msk [tilespmem:v2+s3+$0xFFFFFF50 ss:$0x1], $0xffff  }
0x301: {  	v8 =	vld.idx.msk [tilespmem:v2+s3+$0xFFFFFF60 ss:$0x1], $0xffff  }
0x302: {  	v9 =	vld.idx.msk [tilespmem:v2+s3+$0xFFFFFF70 ss:$0x1], $0xffff  }
0x303: {  	v10 =	vld.idx.msk [tilespmem:v2+s3+$0xFFFFFF80 ss:$0x1], $0xffff  }
0x304: {  	s21 =	simm.s32 $0x400;
	v11 =	vld.idx.msk [tilespmem:v2+s3+$0xFFFFFF90 ss:$0x1], $0xffff  }
.LBB2_13:
0x305: {  	p1 =	sne.s32 s21, $0x3C00;
	v12 =	vld.idx.msk [tilespmem:v2+s3+$0x0 ss:$0x1], $0xffff  }
0x306: {  	v13 =	vld.idx.msk [tilespmem:v2+s3+$0xFFFFFFA0 ss:$0x1], $0xffff  }
0x307: {  	v14 =	vld.idx.msk [tilespmem:v2+s3+$0xFFFFFFB0 ss:$0x1], $0xffff  }
0x308: {  	v15 =	vld.idx.msk [tilespmem:v2+s3+$0xFFFFFFC0 ss:$0x1], $0xffff  }
0x309: {  	v16 =	vld.idx.msk [tilespmem:v2+s3+$0xFFFFFFD0 ss:$0x1], $0xffff  }
0x30a: {  	v17 =	vld.idx.msk [tilespmem:v2+s3+$0xFFFFFFE0 ss:$0x1], $0xffff  }
0x30b: {  	v18 =	vld.idx.msk [tilespmem:v2+s3+$0xFFFFFFF0 ss:$0x1], $0xffff;
	[tilespmem:s3+$0xD5F0] =	vst v12  }
0x30c: {  	[tilespmem:s3+$0xD500] =	vst v3  }
0x30d: {  	[tilespmem:s3+$0xD510] =	vst v4  }
0x30e: {  	[tilespmem:s3+$0xD520] =	vst v5  }
0x30f: {  	[tilespmem:s3+$0xD530] =	vst v6  }
0x310: {  	[tilespmem:s3+$0xD540] =	vst v7  }
0x311: {  	[tilespmem:s3+$0xD550] =	vst v8  }
0x312: {  	[tilespmem:s3+$0xD560] =	vst v9  }
0x313: {  	[tilespmem:s3+$0xD570] =	vst v10  }
0x314: {  	[tilespmem:s3+$0xD580] =	vst v11  }
0x315: {  	[tilespmem:s3+$0xD590] =	vst v13  }
0x316: {  	[tilespmem:s3+$0xD5A0] =	vst v14  }
0x317: {  	[tilespmem:s3+$0xD5B0] =	vst v15  }
0x318: {  	[tilespmem:s3+$0xD5C0] =	vst v16  }
0x319: {  	[tilespmem:s3+$0xD5D0] =	vst v17  }
0x31a: {  	[tilespmem:s3+$0xD5E0] =	vst v18;
	s3 =	sshra.s32 s21, $0x2  }
0x31b: {  	v3 =	vld.idx.msk [tilespmem:v2+s3+$0xFFFFFF10 ss:$0x1], $0xffff  }
0x31c: {  	v4 =	vld.idx.msk [tilespmem:v2+s3+$0xFFFFFF20 ss:$0x1], $0xffff  }
0x31d: {  	v5 =	vld.idx.msk [tilespmem:v2+s3+$0xFFFFFF30 ss:$0x1], $0xffff  }
0x31e: {  	v6 =	vld.idx.msk [tilespmem:v2+s3+$0xFFFFFF40 ss:$0x1], $0xffff  }
.Ltmp7:
0x31f: {  	v7 =	vld.idx.msk [tilespmem:v2+s3+$0xFFFFFF50 ss:$0x1], $0xffff;
	(pc) =	sbr.rel @p1 .LBB2_13-.Ltmp7, $4  }
0x320: {  	v8 =	vld.idx.msk [tilespmem:v2+s3+$0xFFFFFF60 ss:$0x1], $0xffff  }
0x321: {  	v9 =	vld.idx.msk [tilespmem:v2+s3+$0xFFFFFF70 ss:$0x1], $0xffff  }
0x322: {  	v10 =	vld.idx.msk [tilespmem:v2+s3+$0xFFFFFF80 ss:$0x1], $0xffff  }
0x323: {  	s21 =	sadd.s32 $0x400, s21;
	v11 =	vld.idx.msk [tilespmem:v2+s3+$0xFFFFFF90 ss:$0x1], $0xffff  }
0x324: {  	_ =	sdelay $0x3  }
0x325: {  	v12 =	vld.idx.msk [tilespmem:v2+s3+$0x0 ss:$0x1], $0xffff  }
0x326: {  	v13 =	vld.idx.msk [tilespmem:v2+s3+$0xFFFFFFA0 ss:$0x1], $0xffff  }
0x327: {  	v14 =	vld.idx.msk [tilespmem:v2+s3+$0xFFFFFFB0 ss:$0x1], $0xffff  }
0x328: {  	v15 =	vld.idx.msk [tilespmem:v2+s3+$0xFFFFFFC0 ss:$0x1], $0xffff  }
0x329: {  	v16 =	vld.idx.msk [tilespmem:v2+s3+$0xFFFFFFD0 ss:$0x1], $0xffff  }
0x32a: {  	v17 =	vld.idx.msk [tilespmem:v2+s3+$0xFFFFFFE0 ss:$0x1], $0xffff  }
0x32b: {  	v2 =	vld.idx.msk [tilespmem:v2+s3+$0xFFFFFFF0 ss:$0x1], $0xffff;
	[tilespmem:s3+$0xD500] =	vst v3  }
0x32c: {  	[tilespmem:s3+$0xD510] =	vst v4  }
0x32d: {  	[tilespmem:s3+$0xD520] =	vst v5  }
0x32e: {  	[tilespmem:s3+$0xD530] =	vst v6  }
0x32f: {  	[tilespmem:s3+$0xD540] =	vst v7  }
0x330: {  	[tilespmem:s3+$0xD550] =	vst v8  }
0x331: {  	[tilespmem:s3+$0xD560] =	vst v9  }
0x332: {  	[tilespmem:s3+$0xD570] =	vst v10  }
0x333: {  	[tilespmem:s3+$0xD580] =	vst v11  }
0x334: {  	[tilespmem:s3+$0xD5F0] =	vst v12  }
0x335: {  	[tilespmem:s3+$0xD590] =	vst v13  }
0x336: {  	[tilespmem:s3+$0xD5A0] =	vst v14  }
0x337: {  	[tilespmem:s3+$0xD5B0] =	vst v15  }
0x338: {  	[tilespmem:s3+$0xD5C0] =	vst v16  }
0x339: {  	[tilespmem:s3+$0xD5D0] =	vst v17  }
0x33a: {  	s22 =	sadd.s32 s14, s11;
	[tilespmem:s3+$0xD5E0] =	vst v2  }
0x33b: {  	[hbm4b:s22+s25] =	stream.strided.scatter [tilespmem:s2], [sflag:$0x4], $0x1000, s26, s25, $0x38;
	[tilespmem:$0x10500] =	vst v63  }
0x33c: {  	v2 =	vld [tilespmem:s19+$0x86];
	_ =	sdelay $0x4  }
0x33d: {  	(v2sf) =	vpush v2, $0x0;
	_ =	sdelay $0xe  }
0x33e: {  	s3 =	spop (v2sf)  }
0x33f: {  	s21 =	sand.u32 $0x7, s3  }
0x340: {  	s22 =	sshra.s32 s3, $0x1F;
	p1 =	slt.s32 s3, $0x1;
	p2 =	sne.s32 s21, $0x0  }
0x341: {  	s23 =	sshrl.u32 s22, $0x1D;
	p1 =	por !p1, !p2  }
0x342: {  	s22 =	simm.s32 $0x1;
	s21 =	sadd.s32 s23, s3;
	p1 =	por !p1, !p1  }
0x343: {  	s21 =	sshrl.u32 s21, $0x3;
	s22 =	simm.s32 @!p1 $0x0  }
0x344: {  	s21 =	ssub.s32 s22, s21  }
0x345: {  	s3 =	sshll.u32 s3, $0x2;
	s21 =	sshll.u32 s21, $0x5  }
0x346: {  	s3 =	sadd.s32 s3, s21  }
0x347: {  	s3 =	sshra.s32 s3, $0x2  }
0x348: {  	s3 =	sadd.s32 $0x64F0, s3  }
0x349: {  	v2 =	vmov s3;
	_ =	sdelay $0x3  }
0x34a: {  	s3 =	simm.s32 $0x0  }
0x34b: {  	v3 =	vld.idx.msk [tilespmem:v2+s3+$0xFFFFFF10 ss:$0x1], $0xffff  }
0x34c: {  	v4 =	vld.idx.msk [tilespmem:v2+s3+$0xFFFFFF20 ss:$0x1], $0xffff  }
0x34d: {  	v5 =	vld.idx.msk [tilespmem:v2+s3+$0xFFFFFF30 ss:$0x1], $0xffff  }
0x34e: {  	v6 =	vld.idx.msk [tilespmem:v2+s3+$0xFFFFFF40 ss:$0x1], $0xffff  }
0x34f: {  	v7 =	vld.idx.msk [tilespmem:v2+s3+$0xFFFFFF50 ss:$0x1], $0xffff  }
0x350: {  	v8 =	vld.idx.msk [tilespmem:v2+s3+$0xFFFFFF60 ss:$0x1], $0xffff  }
0x351: {  	v9 =	vld.idx.msk [tilespmem:v2+s3+$0xFFFFFF70 ss:$0x1], $0xffff  }
0x352: {  	v10 =	vld.idx.msk [tilespmem:v2+s3+$0xFFFFFF80 ss:$0x1], $0xffff  }
0x353: {  	s21 =	simm.s32 $0x400;
	v11 =	vld.idx.msk [tilespmem:v2+s3+$0xFFFFFF90 ss:$0x1], $0xffff  }
.LBB2_15:
0x354: {  	p1 =	sne.s32 s21, $0x3C00;
	v12 =	vld.idx.msk [tilespmem:v2+s3+$0x0 ss:$0x1], $0xffff  }
0x355: {  	v13 =	vld.idx.msk [tilespmem:v2+s3+$0xFFFFFFA0 ss:$0x1], $0xffff  }
0x356: {  	v14 =	vld.idx.msk [tilespmem:v2+s3+$0xFFFFFFB0 ss:$0x1], $0xffff  }
0x357: {  	v15 =	vld.idx.msk [tilespmem:v2+s3+$0xFFFFFFC0 ss:$0x1], $0xffff  }
0x358: {  	v16 =	vld.idx.msk [tilespmem:v2+s3+$0xFFFFFFD0 ss:$0x1], $0xffff  }
0x359: {  	v17 =	vld.idx.msk [tilespmem:v2+s3+$0xFFFFFFE0 ss:$0x1], $0xffff  }
0x35a: {  	v18 =	vld.idx.msk [tilespmem:v2+s3+$0xFFFFFFF0 ss:$0x1], $0xffff;
	[tilespmem:s3+$0xE5F0] =	vst v12  }
0x35b: {  	[tilespmem:s3+$0xE500] =	vst v3  }
0x35c: {  	[tilespmem:s3+$0xE510] =	vst v4  }
0x35d: {  	[tilespmem:s3+$0xE520] =	vst v5  }
0x35e: {  	[tilespmem:s3+$0xE530] =	vst v6  }
0x35f: {  	[tilespmem:s3+$0xE540] =	vst v7  }
0x360: {  	[tilespmem:s3+$0xE550] =	vst v8  }
0x361: {  	[tilespmem:s3+$0xE560] =	vst v9  }
0x362: {  	[tilespmem:s3+$0xE570] =	vst v10  }
0x363: {  	[tilespmem:s3+$0xE580] =	vst v11  }
0x364: {  	[tilespmem:s3+$0xE590] =	vst v13  }
0x365: {  	[tilespmem:s3+$0xE5A0] =	vst v14  }
0x366: {  	[tilespmem:s3+$0xE5B0] =	vst v15  }
0x367: {  	[tilespmem:s3+$0xE5C0] =	vst v16  }
0x368: {  	[tilespmem:s3+$0xE5D0] =	vst v17  }
0x369: {  	[tilespmem:s3+$0xE5E0] =	vst v18;
	s3 =	sshra.s32 s21, $0x2  }
0x36a: {  	v3 =	vld.idx.msk [tilespmem:v2+s3+$0xFFFFFF10 ss:$0x1], $0xffff  }
0x36b: {  	v4 =	vld.idx.msk [tilespmem:v2+s3+$0xFFFFFF20 ss:$0x1], $0xffff  }
0x36c: {  	v5 =	vld.idx.msk [tilespmem:v2+s3+$0xFFFFFF30 ss:$0x1], $0xffff  }
0x36d: {  	v6 =	vld.idx.msk [tilespmem:v2+s3+$0xFFFFFF40 ss:$0x1], $0xffff  }
.Ltmp8:
0x36e: {  	v7 =	vld.idx.msk [tilespmem:v2+s3+$0xFFFFFF50 ss:$0x1], $0xffff;
	(pc) =	sbr.rel @p1 .LBB2_15-.Ltmp8, $4  }
0x36f: {  	v8 =	vld.idx.msk [tilespmem:v2+s3+$0xFFFFFF60 ss:$0x1], $0xffff  }
0x370: {  	v9 =	vld.idx.msk [tilespmem:v2+s3+$0xFFFFFF70 ss:$0x1], $0xffff  }
0x371: {  	v10 =	vld.idx.msk [tilespmem:v2+s3+$0xFFFFFF80 ss:$0x1], $0xffff  }
0x372: {  	s21 =	sadd.s32 $0x400, s21;
	v11 =	vld.idx.msk [tilespmem:v2+s3+$0xFFFFFF90 ss:$0x1], $0xffff  }
0x373: {  	_ =	sdelay $0x3  }
0x374: {  	v12 =	vld.idx.msk [tilespmem:v2+s3+$0x0 ss:$0x1], $0xffff  }
0x375: {  	v13 =	vld.idx.msk [tilespmem:v2+s3+$0xFFFFFFA0 ss:$0x1], $0xffff  }
0x376: {  	v14 =	vld.idx.msk [tilespmem:v2+s3+$0xFFFFFFB0 ss:$0x1], $0xffff  }
0x377: {  	v15 =	vld.idx.msk [tilespmem:v2+s3+$0xFFFFFFC0 ss:$0x1], $0xffff  }
0x378: {  	v16 =	vld.idx.msk [tilespmem:v2+s3+$0xFFFFFFD0 ss:$0x1], $0xffff  }
0x379: {  	v17 =	vld.idx.msk [tilespmem:v2+s3+$0xFFFFFFE0 ss:$0x1], $0xffff  }
0x37a: {  	v2 =	vld.idx.msk [tilespmem:v2+s3+$0xFFFFFFF0 ss:$0x1], $0xffff;
	[tilespmem:s3+$0xE500] =	vst v3  }
0x37b: {  	[tilespmem:s3+$0xE510] =	vst v4  }
0x37c: {  	[tilespmem:s3+$0xE520] =	vst v5  }
0x37d: {  	[tilespmem:s3+$0xE530] =	vst v6  }
0x37e: {  	[tilespmem:s3+$0xE540] =	vst v7  }
0x37f: {  	[tilespmem:s3+$0xE550] =	vst v8  }
0x380: {  	[tilespmem:s3+$0xE560] =	vst v9  }
0x381: {  	[tilespmem:s3+$0xE570] =	vst v10  }
0x382: {  	[tilespmem:s3+$0xE580] =	vst v11  }
0x383: {  	[tilespmem:s3+$0xE5F0] =	vst v12  }
0x384: {  	[tilespmem:s3+$0xE590] =	vst v13  }
0x385: {  	[tilespmem:s3+$0xE5A0] =	vst v14  }
0x386: {  	[tilespmem:s3+$0xE5B0] =	vst v15  }
0x387: {  	[tilespmem:s3+$0xE5C0] =	vst v16  }
0x388: {  	[tilespmem:s3+$0xE5D0] =	vst v17  }
0x389: {  	s22 =	sadd.s32 s14, s12;
	[tilespmem:s3+$0xE5E0] =	vst v2  }
0x38a: {  	[hbm4b:s22+s25] =	stream.strided.scatter [tilespmem:s17], [sflag:$0x4], $0x1000, s26, s25, $0x38;
	[tilespmem:$0x10500] =	vst v63  }
0x38b: {  	v2 =	vld [tilespmem:s19+$0x87];
	_ =	sdelay $0x4  }
0x38c: {  	(v2sf) =	vpush v2, $0x0;
	_ =	sdelay $0xe  }
0x38d: {  	s3 =	spop (v2sf)  }
0x38e: {  	s21 =	sand.u32 $0x7, s3  }
0x38f: {  	s22 =	sshra.s32 s3, $0x1F;
	p1 =	slt.s32 s3, $0x1;
	p2 =	sne.s32 s21, $0x0  }
0x390: {  	s23 =	sshrl.u32 s22, $0x1D;
	p1 =	por !p1, !p2  }
0x391: {  	s22 =	simm.s32 $0x1;
	s21 =	sadd.s32 s23, s3;
	p1 =	por !p1, !p1  }
0x392: {  	s21 =	sshrl.u32 s21, $0x3;
	s22 =	simm.s32 @!p1 $0x0  }
0x393: {  	s21 =	ssub.s32 s22, s21  }
0x394: {  	s3 =	sshll.u32 s3, $0x2;
	s21 =	sshll.u32 s21, $0x5  }
0x395: {  	s3 =	sadd.s32 s3, s21  }
0x396: {  	s3 =	sshra.s32 s3, $0x2  }
0x397: {  	s3 =	sadd.s32 $0x7570, s3  }
0x398: {  	v2 =	vmov s3;
	_ =	sdelay $0x3  }
0x399: {  	s3 =	simm.s32 $0x0  }
0x39a: {  	v3 =	vld.idx.msk [tilespmem:v2+s3+$0xFFFFFF10 ss:$0x1], $0xffff  }
0x39b: {  	v4 =	vld.idx.msk [tilespmem:v2+s3+$0xFFFFFF20 ss:$0x1], $0xffff  }
0x39c: {  	v5 =	vld.idx.msk [tilespmem:v2+s3+$0xFFFFFF30 ss:$0x1], $0xffff  }
0x39d: {  	v6 =	vld.idx.msk [tilespmem:v2+s3+$0xFFFFFF40 ss:$0x1], $0xffff  }
0x39e: {  	v7 =	vld.idx.msk [tilespmem:v2+s3+$0xFFFFFF50 ss:$0x1], $0xffff  }
0x39f: {  	v8 =	vld.idx.msk [tilespmem:v2+s3+$0xFFFFFF60 ss:$0x1], $0xffff  }
0x3a0: {  	v9 =	vld.idx.msk [tilespmem:v2+s3+$0xFFFFFF70 ss:$0x1], $0xffff  }
0x3a1: {  	v10 =	vld.idx.msk [tilespmem:v2+s3+$0xFFFFFF80 ss:$0x1], $0xffff  }
0x3a2: {  	s21 =	simm.s32 $0x400;
	v11 =	vld.idx.msk [tilespmem:v2+s3+$0xFFFFFF90 ss:$0x1], $0xffff  }
.LBB2_17:
0x3a3: {  	p1 =	sne.s32 s21, $0x3C00;
	v12 =	vld.idx.msk [tilespmem:v2+s3+$0x0 ss:$0x1], $0xffff  }
0x3a4: {  	v13 =	vld.idx.msk [tilespmem:v2+s3+$0xFFFFFFA0 ss:$0x1], $0xffff  }
0x3a5: {  	v14 =	vld.idx.msk [tilespmem:v2+s3+$0xFFFFFFB0 ss:$0x1], $0xffff  }
0x3a6: {  	v15 =	vld.idx.msk [tilespmem:v2+s3+$0xFFFFFFC0 ss:$0x1], $0xffff  }
0x3a7: {  	v16 =	vld.idx.msk [tilespmem:v2+s3+$0xFFFFFFD0 ss:$0x1], $0xffff  }
0x3a8: {  	v17 =	vld.idx.msk [tilespmem:v2+s3+$0xFFFFFFE0 ss:$0x1], $0xffff  }
0x3a9: {  	v18 =	vld.idx.msk [tilespmem:v2+s3+$0xFFFFFFF0 ss:$0x1], $0xffff;
	[tilespmem:s3+$0xF5F0] =	vst v12  }
0x3aa: {  	[tilespmem:s3+$0xF500] =	vst v3  }
0x3ab: {  	[tilespmem:s3+$0xF510] =	vst v4  }
0x3ac: {  	[tilespmem:s3+$0xF520] =	vst v5  }
0x3ad: {  	[tilespmem:s3+$0xF530] =	vst v6  }
0x3ae: {  	[tilespmem:s3+$0xF540] =	vst v7  }
0x3af: {  	[tilespmem:s3+$0xF550] =	vst v8  }
0x3b0: {  	[tilespmem:s3+$0xF560] =	vst v9  }
0x3b1: {  	[tilespmem:s3+$0xF570] =	vst v10  }
0x3b2: {  	[tilespmem:s3+$0xF580] =	vst v11  }
0x3b3: {  	[tilespmem:s3+$0xF590] =	vst v13  }
0x3b4: {  	[tilespmem:s3+$0xF5A0] =	vst v14  }
0x3b5: {  	[tilespmem:s3+$0xF5B0] =	vst v15  }
0x3b6: {  	[tilespmem:s3+$0xF5C0] =	vst v16  }
0x3b7: {  	[tilespmem:s3+$0xF5D0] =	vst v17  }
0x3b8: {  	[tilespmem:s3+$0xF5E0] =	vst v18;
	s3 =	sshra.s32 s21, $0x2  }
0x3b9: {  	v3 =	vld.idx.msk [tilespmem:v2+s3+$0xFFFFFF10 ss:$0x1], $0xffff  }
0x3ba: {  	v4 =	vld.idx.msk [tilespmem:v2+s3+$0xFFFFFF20 ss:$0x1], $0xffff  }
0x3bb: {  	v5 =	vld.idx.msk [tilespmem:v2+s3+$0xFFFFFF30 ss:$0x1], $0xffff  }
0x3bc: {  	v6 =	vld.idx.msk [tilespmem:v2+s3+$0xFFFFFF40 ss:$0x1], $0xffff  }
.Ltmp9:
0x3bd: {  	v7 =	vld.idx.msk [tilespmem:v2+s3+$0xFFFFFF50 ss:$0x1], $0xffff;
	(pc) =	sbr.rel @p1 .LBB2_17-.Ltmp9, $4  }
0x3be: {  	v8 =	vld.idx.msk [tilespmem:v2+s3+$0xFFFFFF60 ss:$0x1], $0xffff  }
0x3bf: {  	v9 =	vld.idx.msk [tilespmem:v2+s3+$0xFFFFFF70 ss:$0x1], $0xffff  }
0x3c0: {  	v10 =	vld.idx.msk [tilespmem:v2+s3+$0xFFFFFF80 ss:$0x1], $0xffff  }
0x3c1: {  	s21 =	sadd.s32 $0x400, s21;
	v11 =	vld.idx.msk [tilespmem:v2+s3+$0xFFFFFF90 ss:$0x1], $0xffff  }
0x3c2: {  	_ =	sdelay $0x3  }
0x3c3: {  	v12 =	vld.idx.msk [tilespmem:v2+s3+$0x0 ss:$0x1], $0xffff  }
0x3c4: {  	v13 =	vld.idx.msk [tilespmem:v2+s3+$0xFFFFFFA0 ss:$0x1], $0xffff  }
0x3c5: {  	v14 =	vld.idx.msk [tilespmem:v2+s3+$0xFFFFFFB0 ss:$0x1], $0xffff  }
0x3c6: {  	v15 =	vld.idx.msk [tilespmem:v2+s3+$0xFFFFFFC0 ss:$0x1], $0xffff  }
0x3c7: {  	v16 =	vld.idx.msk [tilespmem:v2+s3+$0xFFFFFFD0 ss:$0x1], $0xffff  }
0x3c8: {  	v17 =	vld.idx.msk [tilespmem:v2+s3+$0xFFFFFFE0 ss:$0x1], $0xffff  }
0x3c9: {  	v2 =	vld.idx.msk [tilespmem:v2+s3+$0xFFFFFFF0 ss:$0x1], $0xffff;
	[tilespmem:s3+$0xF500] =	vst v3  }
0x3ca: {  	[tilespmem:s3+$0xF510] =	vst v4  }
0x3cb: {  	[tilespmem:s3+$0xF520] =	vst v5  }
0x3cc: {  	[tilespmem:s3+$0xF530] =	vst v6  }
0x3cd: {  	[tilespmem:s3+$0xF540] =	vst v7  }
0x3ce: {  	[tilespmem:s3+$0xF550] =	vst v8  }
0x3cf: {  	[tilespmem:s3+$0xF560] =	vst v9  }
0x3d0: {  	[tilespmem:s3+$0xF570] =	vst v10  }
0x3d1: {  	[tilespmem:s3+$0xF580] =	vst v11  }
0x3d2: {  	[tilespmem:s3+$0xF5F0] =	vst v12  }
0x3d3: {  	[tilespmem:s3+$0xF590] =	vst v13  }
0x3d4: {  	[tilespmem:s3+$0xF5A0] =	vst v14  }
.Ltmp10:
0x3d5: {  	[tilespmem:s3+$0xF5B0] =	vst v15;
	(pc) =	sbr.rel @p0 .LBB2_20-.Ltmp10, $4  }
0x3d6: {  	[tilespmem:s3+$0xF5C0] =	vst v16  }
0x3d7: {  	[tilespmem:s3+$0xF5D0] =	vst v17  }
0x3d8: {  	s23 =	sadd.s32 s14, s13;
	[tilespmem:s3+$0xF5E0] =	vst v2  }
0x3d9: {  	[hbm4b:s23+s25] =	stream.strided.scatter [tilespmem:s18], [sflag:$0x4], $0x1000, s26, s25, $0x38;
	[tilespmem:$0x10500] =	vst v63  }
0x3da: {  	v2 =	vld [tilespmem:s19+$0x8C];
	_ =	sdelay $0x4  }
0x3db: {  	(v2sf) =	vpush v2, $0x0;
	_ =	sdelay $0xe  }
0x3dc: {  	s3 =	spop (v2sf)  }
0x3dd: {  	s14 =	sand.u32 $0x7, s3  }
0x3de: {  	s22 =	sshra.s32 s3, $0x1F;
	p1 =	slt.s32 s3, $0x1;
	p0 =	sne.s32 s14, $0x0  }
0x3df: {  	s14 =	sshrl.u32 s22, $0x1D;
	p0 =	por !p1, !p0  }
0x3e0: {  	s3 =	sadd.s32 s14, s3;
	s14 =	simm.s32 $0x1;
	p0 =	por !p0, !p0  }
0x3e1: {  	s3 =	sshrl.u32 s3, $0x3;
	s14 =	simm.s32 @!p0 $0x0  }
0x3e2: {  	s3 =	ssub.s32 s3, s14  }
0x3e3: {  	s3 =	sand.u32 $0x1FFFFFFF, s3  }
0x3e4: {  	s23 =	simm.s32 $0x4300;
	s3 =	sadd.s32 s1, s3  }
0x3e5: {  	[tilespmem:s23], [sflag:$0x2] =	stream.linear.gather [hbm4b:s3+s5], $0x1008, $0x38;
	[tilespmem:$0x10500] =	vst v63  }
0x3e6: {  	v2 =	vld [tilespmem:s19+$0x8D];
	_ =	sdelay $0x4  }
0x3e7: {  	(v2sf) =	vpush v2, $0x0;
	_ =	sdelay $0xe  }
0x3e8: {  	s21 =	spop (v2sf)  }
0x3e9: {  	s22 =	sand.u32 $0x7, s21  }
0x3ea: {  	s23 =	sshra.s32 s21, $0x1F;
	p2 =	slt.s32 s21, $0x1;
	p1 =	sne.s32 s22, $0x0  }
0x3eb: {  	s14 =	sshrl.u32 s23, $0x1D;
	p0 =	por !p2, !p1  }
0x3ec: {  	s3 =	sadd.s32 s14, s21;
	s14 =	simm.s32 $0x1;
	p0 =	por !p0, !p0  }
0x3ed: {  	s3 =	sshrl.u32 s3, $0x3;
	s14 =	simm.s32 @!p0 $0x0  }
0x3ee: {  	s3 =	ssub.s32 s3, s14  }
0x3ef: {  	s3 =	sand.u32 $0x1FFFFFFF, s3  }
0x3f0: {  	s21 =	simm.s32 $0x5380;
	s3 =	sadd.s32 s1, s3  }
0x3f1: {  	[tilespmem:s21], [sflag:$0x2] =	stream.linear.gather [hbm4b:s3+s5], $0x1008, $0x38;
	[tilespmem:$0x10500] =	vst v63  }
0x3f2: {  	v2 =	vld [tilespmem:s19+$0x8E];
	_ =	sdelay $0x4  }
0x3f3: {  	(v2sf) =	vpush v2, $0x0;
	_ =	sdelay $0xe  }
0x3f4: {  	s22 =	spop (v2sf)  }
0x3f5: {  	s23 =	sand.u32 $0x7, s22  }
0x3f6: {  	s21 =	sshra.s32 s22, $0x1F;
	p4 =	slt.s32 s22, $0x1;
	p3 =	sne.s32 s23, $0x0  }
0x3f7: {  	s14 =	sshrl.u32 s21, $0x1D;
	p0 =	por !p4, !p3  }
0x3f8: {  	s3 =	sadd.s32 s14, s22;
	s14 =	simm.s32 $0x1;
	p0 =	por !p0, !p0  }
0x3f9: {  	s3 =	sshrl.u32 s3, $0x3;
	s14 =	simm.s32 @!p0 $0x0  }
0x3fa: {  	s3 =	ssub.s32 s3, s14  }
0x3fb: {  	s3 =	sand.u32 $0x1FFFFFFF, s3  }
0x3fc: {  	s22 =	simm.s32 $0x6400;
	s3 =	sadd.s32 s1, s3  }
0x3fd: {  	[tilespmem:s22], [sflag:$0x2] =	stream.linear.gather [hbm4b:s3+s5], $0x1008, $0x38;
	[tilespmem:$0x10500] =	vst v63  }
0x3fe: {  	v2 =	vld [tilespmem:s19+$0x8F];
	_ =	sdelay $0x4  }
0x3ff: {  	(v2sf) =	vpush v2, $0x0;
	_ =	sdelay $0xe  }
0x400: {  	s23 =	spop (v2sf)  }
0x401: {  	s19 =	sand.u32 $0x7, s23  }
0x402: {  	s21 =	sshra.s32 s23, $0x1F;
	p5 =	slt.s32 s23, $0x1;
	p6 =	sne.s32 s19, $0x0  }
0x403: {  	s22 =	sshrl.u32 s21, $0x1D;
	p0 =	por !p5, !p6  }
0x404: {  	s14 =	simm.s32 $0x1;
	s3 =	sadd.s32 s22, s23;
	p0 =	por !p0, !p0  }
.Ltmp11:
0x405: {  	s3 =	sshrl.u32 s3, $0x3;
	s14 =	simm.s32 @!p0 $0x0;
	(pc) =	sbr.rel .LBB2_2-.Ltmp11, $4  }
0x406: {  	s3 =	ssub.s32 s3, s14  }
0x407: {  	s3 =	sand.u32 $0x1FFFFFFF, s3  }
0x408: {  	s15 =	sadd.s32 $0x1, s15;
	s23 =	simm.s32 $0x7480;
	s3 =	sadd.s32 s1, s3  }
0x409: {  	[tilespmem:s23], [sflag:$0x2] =	stream.linear.gather [hbm4b:s3+s5], $0x1008, $0x38;
	[tilespmem:$0x10500] =	vst v63  }
.LBB2_21:
0x40a: {  	_ =	sfence.sel $0x180000  }
0x40b: {  	[bflag:$0x0] =	sbarrier.arrive $0xFFFF  }
0x40c: {  	_ =	strace $0x90000047  }
0x40d: {  	s0 =	stileid.u32;
	[bflag:$0x2] =	sbarrier.arrive $0xFFFF  }
0x40e: {  	p0 =	sne.s32 s0, $0x0;
	s0 =	rddreg [dreg:$0x3]  }
0x40f: {  	s0 =	sadd.s32 @!p0 $0x100000, s0  }
0x410: {  	[sflag:s0] =	ssyncadd.tile.s32 @!p0 $0x1;
	_ =	shalt  }
.Lfunc_end2:
_tile_overlayer_lowered:
.L_overlay_start_2:
0x411: {  	(tag) =	ssettag $0x2  }
0x412: {  	s0 =	rddreg [dreg:$0x0];
	s2 =	stileid.u32  }
0x413: {  	s1 =	rddreg [dreg:$0x1];
	p0 =	sne.s32 s2, $0x0  }
0x414: {  	s3 =	rddreg [dreg:$0x2];
	[bflag:$0x3] =	sbarrier.arrive $0xFFFF;
	s2 =	simm.s32 @!p0 $0x1C05  }
0x415: {  	[timem:s3], [sflag:s2] =	dma.local @!p0 [hbm:s0], s1  }
0x416: {  	s0 =	simm.s32 @!p0 $0x5  }
0x417: {  	_ =	swait.ge @!p0 [sflag:s0], s1  }
0x418: {  	s1 =	ssub.s32 @!p0 $0x0, s1;
	[sflag:s0] =	ssyncset.done @!p0 $0x0  }
0x419: {  	[sflag:s0] =	ssyncadd.s32 @!p0 s1  }
0x41a: {  	[bflag:$0x3] =	sbarrier.arrive $0xFFFF  }
0x41b: {  	_ =	shalt  }

</sc_bundles>
